<compile_context>
chip_gen: v7x
topology: tpu7x:2x2x1
jax: 0.10.2.dev20260603
libtpu: 0.0.44.dev20260713+nightly
codegen_flags: <defaults>
</compile_context>

<pallas_src>
import functools

import jax
import jax.numpy as jnp
from jax import lax
from jax.experimental import pallas as pl
from jax.experimental.pallas import tpu as pltpu
from jax.experimental.pallas import tpu_sc as plsc

N = 10000
E = 320000
F = 128
G = 64

NC = 2
NS = 16
NTILES = NC * NS
CHUNK = 128
SUB = 64
ROWS = 80
EPT = ROWS * CHUNK
E_PAD = NTILES * EPT
PAD = E_PAD - E
RPS = N // NS
CPR = 632
CPL = N - (NS - 1) * CPR

BR = 5000
NB = N // BR


def _sc_segment_sum(y, src2, dst2):
    mesh = plsc.VectorSubcoreMesh(core_axis_name="c", subcore_axis_name="s")
    half = ROWS // 2

    @functools.partial(
        pl.kernel,
        out_type=jax.ShapeDtypeStruct((2 * N, F), jnp.float32),
        mesh=mesh,
        scratch_types=[
            pltpu.VMEM((half, CHUNK), jnp.int32),
            pltpu.VMEM((half, CHUNK), jnp.int32),
            [pltpu.VMEM((CHUNK, F), jnp.float32) for _ in range(2)],
            pltpu.VMEM_SHARED((N, F), jnp.float32),
            [pltpu.SemaphoreType.DMA for _ in range(4)],
        ],
    )
    def k(y_hbm, src_hbm, dst_hbm, out_hbm, srcv, dstv, bufs, acc, sems):
        c = lax.axis_index("c")
        s = lax.axis_index("s")
        w = c * NS + s

        zero = jnp.zeros((16,), jnp.float32)

        @pl.loop(0, 125)
        def _(i):
            for jj in range(0, F, 16):
                bufs[0][i, pl.ds(jj, 16)] = zero

        @pl.loop(0, RPS, step=125)
        def _(r):
            pltpu.sync_copy(bufs[0].at[pl.ds(0, 125)],
                            acc.at[pl.ds(s * RPS + r, 125)])

        plsc.subcore_barrier()

        def gather_start(i, j):
            pltpu.async_copy(y_hbm.at[srcv.at[i, pl.ds(0, SUB)]],
                             bufs[j].at[pl.ds(0, SUB)], sems[2 * j])
            pltpu.async_copy(y_hbm.at[srcv.at[i, pl.ds(SUB, SUB)]],
                             bufs[j].at[pl.ds(SUB, SUB)], sems[2 * j + 1])

        def gather_wait(i, j):
            pltpu.make_async_copy(y_hbm.at[srcv.at[i, pl.ds(0, SUB)]],
                                  bufs[j].at[pl.ds(0, SUB)], sems[2 * j]).wait()
            pltpu.make_async_copy(y_hbm.at[srcv.at[i, pl.ds(SUB, SUB)]],
                                  bufs[j].at[pl.ds(SUB, SUB)],
                                  sems[2 * j + 1]).wait()

        for hh in range(2):
            base = w * ROWS + hh * half
            pltpu.sync_copy(src_hbm.at[pl.ds(base, half)], srcv)
            pltpu.sync_copy(dst_hbm.at[pl.ds(base, half)], dstv)

            gather_start(0, 0)
            gather_start(1, 1)

            @pl.loop(0, half, step=2)
            def _(i):
                for j in range(2):
                    gather_wait(i + j, j)
                    pltpu.sync_copy(bufs[j], acc.at[dstv.at[i + j]], add=True)

                    @pl.when(i + j + 2 < half)
                    def _():
                        gather_start(i + j + 2, j)

        plsc.subcore_barrier()

        @pl.when(s < NS - 1)
        def _():
            pltpu.sync_copy(acc.at[pl.ds(s * CPR, CPR)],
                            out_hbm.at[pl.ds(c * N + s * CPR, CPR)])

        @pl.when(s == NS - 1)
        def _():
            pltpu.sync_copy(acc.at[pl.ds((NS - 1) * CPR, CPL)],
                            out_hbm.at[pl.ds(c * N + (NS - 1) * CPR, CPL)])

    return k(y, src2, dst2)


def _tc_relu(x):
    def body(x_ref, o_ref):
        o_ref[...] = jnp.maximum(x_ref[...], 0.0)

    return pl.pallas_call(
        body,
        out_shape=jax.ShapeDtypeStruct((N, F), jnp.float32),
        grid=(NB,),
        in_specs=[pl.BlockSpec((BR, F), lambda b: (b, 0))],
        out_specs=pl.BlockSpec((BR, F), lambda b: (b, 0)),
    )(x)


def _conv_body(has_extra, *refs):
    if has_extra:
        (h_ref, a0_ref, a1_ref, eps_ref, w1_ref, b1_ref, g1_ref, be1_ref,
         w2_ref, b2_ref, g2_ref, be2_ref, gx_ref, bx_ref,
         out_ref, u_s, v_s, h2_s, st) = refs
    else:
        (h_ref, a0_ref, a1_ref, eps_ref, w1_ref, b1_ref, g1_ref, be1_ref,
         w2_ref, b2_ref, g2_ref, be2_ref,
         out_ref, u_s, v_s, st) = refs

    p = pl.program_id(0)
    b = pl.program_id(1)
    rows = pl.ds(b * BR, BR)
    inv_n = 1.0 / N

    def bn_relu(x, srow, g, be):
        mu = st[srow:srow + 1, :] * inv_n
        var = st[srow + 1:srow + 2, :] * inv_n - mu * mu
        return jnp.maximum(g * (x - mu) / jnp.sqrt(var + 1e-5) + be, 0.0)

    @pl.when((p == 0) & (b == 0))
    def _():
        st[...] = jnp.zeros_like(st)

    @pl.when(p == 0)
    def _():
        h = h_ref[...]
        agg = a0_ref[...] + a1_ref[...]
        ri = b * BR + lax.broadcasted_iota(jnp.int32, (BR, 1), 0)
        agg = agg - jnp.where(ri < PAD, jnp.maximum(h, 0.0), 0.0)
        t = (1.0 + eps_ref[0, 0]) * h + agg
        u = jnp.dot(t, w1_ref[...], preferred_element_type=jnp.float32)
        u = u + b1_ref[...]
        u_s[rows, :] = u
        st[0:1, :] += jnp.sum(u, axis=0, keepdims=True)
        st[1:2, :] += jnp.sum(u * u, axis=0, keepdims=True)

    @pl.when(p == 1)
    def _():
        ur = bn_relu(u_s[rows, :], 0, g1_ref[...], be1_ref[...])
        v = jnp.dot(ur, w2_ref[...], preferred_element_type=jnp.float32)
        v = v + b2_ref[...]
        v_s[rows, :] = v
        st[2:3, :] += jnp.sum(v, axis=0, keepdims=True)
        st[3:4, :] += jnp.sum(v * v, axis=0, keepdims=True)

    if has_extra:
        @pl.when(p == 2)
        def _():
            h2 = bn_relu(v_s[rows, :], 2, g2_ref[...], be2_ref[...])
            h2_s[rows, :] = h2
            st[4:5, :] += jnp.sum(h2, axis=0, keepdims=True)
            st[5:6, :] += jnp.sum(h2 * h2, axis=0, keepdims=True)

        @pl.when(p == 3)
        def _():
            out_ref[...] = bn_relu(h2_s[rows, :], 4, gx_ref[...], bx_ref[...])
    else:
        @pl.when(p == 2)
        def _():
            out_ref[...] = bn_relu(v_s[rows, :], 2, g2_ref[...], be2_ref[...])


def _tc_conv(h, agg, cp, extra_bn):
    has_extra = extra_bn is not None
    phases = 4 if has_extra else 3
    row = lambda a: a.reshape(1, F)

    args = [h, agg, agg,
            cp['eps'].reshape(1, 1),
            cp['W1'], row(cp['b1']), row(cp['g1']), row(cp['be1']),
            cp['W2'], row(cp['b2']), row(cp['g2']), row(cp['be2'])]
    const = lambda shape: pl.BlockSpec(shape, lambda p, b: (0, 0))
    p0 = lambda off: lambda p, b: (jnp.where(p == 0, b, 0) + off, 0)
    in_specs = [
        pl.BlockSpec((BR, F), p0(0)),
        pl.BlockSpec((BR, F), p0(0)),
        pl.BlockSpec((BR, F), p0(NB)),
        const((1, 1)),
        const((F, F)), const((1, F)), const((1, F)), const((1, F)),
        const((F, F)), const((1, F)), const((1, F)), const((1, F)),
    ]
    scratch = [pltpu.VMEM((N, F), jnp.float32),
               pltpu.VMEM((N, F), jnp.float32)]
    if has_extra:
        args += [row(extra_bn['g']), row(extra_bn['b'])]
        in_specs += [const((1, F)), const((1, F))]
        scratch.append(pltpu.VMEM((N, F), jnp.float32))
    scratch.append(pltpu.VMEM((8, F), jnp.float32))

    return pl.pallas_call(
        functools.partial(_conv_body, has_extra),
        out_shape=jax.ShapeDtypeStruct((N, F), jnp.float32),
        grid=(phases, NB),
        in_specs=in_specs,
        out_specs=pl.BlockSpec(
            (BR, F), lambda p, b: (jnp.where(p == phases - 1, b, 0), 0)),
        scratch_shapes=scratch,
    )(*args)


def _fused_body(h_ref, a0_ref, a1_ref, eps_ref, w1_ref, b1_ref, g1_ref,
                be1_ref, w2_ref, b2_ref, g2_ref, be2_ref, gx_ref, bx_ref,
                h1_ref, wa_ref, wb_ref, wc_ref, lb_ref, bidx_ref,
                hl_ref, pooled_ref, u_s, v_s, h2_s, st, ps, pc):
    p = pl.program_id(0)
    b = pl.program_id(1)
    rows = pl.ds(b * BR, BR)
    inv_n = 1.0 / N

    def bn_relu(x, srow, g, be):
        mu = st[srow:srow + 1, :] * inv_n
        var = st[srow + 1:srow + 2, :] * inv_n - mu * mu
        return jnp.maximum(g * (x - mu) / jnp.sqrt(var + 1e-5) + be, 0.0)

    @pl.when((p == 0) & (b == 0))
    def _():
        st[...] = jnp.zeros_like(st)
        ps[...] = jnp.zeros_like(ps)
        pc[...] = jnp.zeros_like(pc)

    @pl.when(p == 0)
    def _():
        h = h_ref[...]
        agg = a0_ref[...] + a1_ref[...]
        ri = b * BR + lax.broadcasted_iota(jnp.int32, (BR, 1), 0)
        agg = agg - jnp.where(ri < PAD, jnp.maximum(h, 0.0), 0.0)
        t = (1.0 + eps_ref[0, 0]) * h + agg
        u = jnp.dot(t, w1_ref[...], preferred_element_type=jnp.float32)
        u = u + b1_ref[...]
        u_s[rows, :] = u
        st[0:1, :] += jnp.sum(u, axis=0, keepdims=True)
        st[1:2, :] += jnp.sum(u * u, axis=0, keepdims=True)

    @pl.when(p == 1)
    def _():
        ur = bn_relu(u_s[rows, :], 0, g1_ref[...], be1_ref[...])
        v = jnp.dot(ur, w2_ref[...], preferred_element_type=jnp.float32)
        v = v + b2_ref[...]
        v_s[rows, :] = v
        st[2:3, :] += jnp.sum(v, axis=0, keepdims=True)
        st[3:4, :] += jnp.sum(v * v, axis=0, keepdims=True)

    @pl.when(p == 2)
    def _():
        h2x = bn_relu(v_s[rows, :], 2, g2_ref[...], be2_ref[...])
        h2_s[rows, :] = h2x
        st[4:5, :] += jnp.sum(h2x, axis=0, keepdims=True)
        st[5:6, :] += jnp.sum(h2x * h2x, axis=0, keepdims=True)

    @pl.when(p == 3)
    def _():
        u_s[rows, :] = bn_relu(h2_s[rows, :], 4, gx_ref[...], bx_ref[...])

    @pl.when(p == 4)
    def _():
        acc = jnp.dot(h1_ref[...], wa_ref[...],
                      preferred_element_type=jnp.float32)
        acc += jnp.dot(h_ref[...], wb_ref[...],
                       preferred_element_type=jnp.float32)
        acc += jnp.dot(u_s[rows, :], wc_ref[...],
                       preferred_element_type=jnp.float32)
        hl = jnp.maximum(acc + lb_ref[...], 0.0)
        hl_ref[...] = hl
        gids = lax.broadcasted_iota(jnp.int32, (G, 1), 0)
        m = (gids == bidx_ref[0]).astype(jnp.float32)
        ps[...] += jnp.dot(m, hl, preferred_element_type=jnp.float32)
        pc[...] += jnp.sum(m, axis=1, keepdims=True)

        @pl.when(b == NB - 1)
        def _():
            pooled_ref[...] = ps[...] / jnp.maximum(pc[...], 1.0)


def _tc_conv_fused(h, agg, cp, extra_bn, h1, w, bias, batch_idx):
    row = lambda a: a.reshape(1, F)
    batch3 = batch_idx.reshape(NB, 1, BR)
    const = lambda shape: pl.BlockSpec(shape, lambda p, b: (0, 0))
    p0 = lambda off: lambda p, b: (jnp.where(p == 0, b, 0) + off, 0)
    PHASES = 5

    return pl.pallas_call(
        _fused_body,
        out_shape=(jax.ShapeDtypeStruct((N, F), jnp.float32),
                   jax.ShapeDtypeStruct((G, F), jnp.float32)),
        grid=(PHASES, NB),
        in_specs=[
            pl.BlockSpec(
                (BR, F),
                lambda p, b: (jnp.where((p == 0) | (p == 4), b, 0), 0)),
            pl.BlockSpec((BR, F), p0(0)),
            pl.BlockSpec((BR, F), p0(NB)),
            const((1, 1)),
            const((F, F)), const((1, F)), const((1, F)), const((1, F)),
            const((F, F)), const((1, F)), const((1, F)), const((1, F)),
            const((1, F)), const((1, F)),
            pl.BlockSpec(
                (BR, F), lambda p, b: (jnp.where(p == 4, b, 0), 0)),
            const((F, F)), const((F, F)), const((F, F)), const((1, F)),
            pl.BlockSpec(
                (1, 1, BR), lambda p, b: (jnp.where(p == 4, b, 0), 0, 0)),
        ],
        out_specs=(
            pl.BlockSpec((BR, F),
                         lambda p, b: (jnp.where(p == 4, b, 0), 0)),
            pl.BlockSpec((G, F), lambda p, b: (0, 0)),
        ),
        scratch_shapes=[
            pltpu.VMEM((N, F), jnp.float32),
            pltpu.VMEM((N, F), jnp.float32),
            pltpu.VMEM((N, F), jnp.float32),
            pltpu.VMEM((8, F), jnp.float32),
            pltpu.VMEM((G, F), jnp.float32),
            pltpu.VMEM((G, 1), jnp.float32),
        ],
    )(h, agg, agg, cp['eps'].reshape(1, 1),
      cp['W1'], row(cp['b1']), row(cp['g1']), row(cp['be1']),
      cp['W2'], row(cp['b2']), row(cp['g2']), row(cp['be2']),
      row(extra_bn['g']), row(extra_bn['b']),
      h1, w[0:F], w[F:2 * F], w[2 * F:3 * F], bias.reshape(1, F), batch3)


def kernel(batch, x, edge_index, batch_idx, params):
    pad = jnp.arange(PAD, dtype=jnp.int32)
    src2 = jnp.concatenate([edge_index[0], pad]).reshape(NTILES * ROWS, CHUNK)
    dst2 = jnp.concatenate([edge_index[1], pad]).reshape(NTILES * ROWS, CHUNK)
    convs = params['convs']
    bns = params['bns']

    y0 = _tc_relu(x)
    agg = _sc_segment_sum(y0, src2, dst2)
    h1 = _tc_conv(x, agg, convs[0], None)
    agg = _sc_segment_sum(h1, src2, dst2)
    h2 = _tc_conv(h1, agg, convs[1], bns[0])
    agg = _sc_segment_sum(h2, src2, dst2)
    hl, pooled = _tc_conv_fused(h2, agg, convs[2], bns[1], h1,
                                params['lin1_W'], params['lin1_b'], batch_idx)
    return (hl, pooled)

# --- scband reference (transcript-rebuilt; emitter-appended) ---
"""Pipeline reference for scband-gin2-49469433316050 (READ-ONLY COPY).

The authoritative reference and input builder live on the scoring server;
editing this copy changes nothing except your own understanding.
"""

import jax, jax.numpy as jnp
import numpy as np

N = 10000
E = 320000
F = 128
H = 128
L = 3
G = 64

def _bn(x, g, b):
    mu = jnp.mean(x, axis=0)
    var = jnp.var(x, axis=0)
    return g * (x - mu) / jnp.sqrt(var + 1e-5) + b

def _gin_conv(x, src, dst, p):
    # message = relu(x_j), aggr = add, out = mlp((1+eps)*x + aggr)
    msg = jax.nn.relu(x[src])
    agg = jax.ops.segment_sum(msg, dst, num_segments=x.shape[0])
    h = (1.0 + p['eps']) * x + agg
    h = jax.nn.relu(_bn(h @ p['W1'] + p['b1'], p['g1'], p['be1']))
    h = jax.nn.relu(_bn(h @ p['W2'] + p['b2'], p['g2'], p['be2']))
    return h

def _mk_conv(key, d_in, d_h):
    ks = jax.random.split(key, 4)
    s1 = 1.0 / np.sqrt(d_in)
    s2 = 1.0 / np.sqrt(d_h)
    return {
        'W1': jax.random.uniform(ks[0], (d_in, d_h), jnp.float32, -s1, s1),
        'b1': jnp.zeros((d_h,), jnp.float32),
        'g1': jnp.ones((d_h,), jnp.float32),
        'be1': jnp.zeros((d_h,), jnp.float32),
        'W2': jax.random.uniform(ks[1], (d_h, d_h), jnp.float32, -s2, s2),
        'b2': jnp.zeros((d_h,), jnp.float32),
        'g2': jnp.ones((d_h,), jnp.float32),
        'be2': jnp.zeros((d_h,), jnp.float32),
        'eps': jnp.zeros((), jnp.float32),
    }

def setup_inputs(seed: int = 0):
    key = jax.random.key(seed)
    ks = jax.random.split(key, 16)
    x = jax.random.normal(ks[0], (N, F), jnp.float32)
    edge_index = jax.random.randint(ks[1], (2, E), 0, N, dtype=jnp.int32)
    batch_idx = jnp.sort(jax.random.randint(ks[2], (N,), 0, G, dtype=jnp.int32))
    batch = batch_idx  # unused dummy (torch path reassigns batch = batch_idx when x is given)
    convs = [_mk_conv(ks[3], F, H), _mk_conv(ks[4], H, H), _mk_conv(ks[5], H, H)]
    bns = [{'g': jnp.ones((H,), jnp.float32), 'b': jnp.zeros((H,), jnp.float32)} for _ in range(L - 1)]
    sl = 1.0 / np.sqrt(L * H)
    params = {
        'convs': convs,
        'bns': bns,
        'lin1_W': jax.random.uniform(ks[6], (L * H, H), jnp.float32, -sl, sl),
        'lin1_b': jnp.zeros((H,), jnp.float32),
    }
    return {'batch': batch, 'x': x, 'edge_index': edge_index, 'batch_idx': batch_idx, 'params': params}

def reference(batch, x, edge_index, batch_idx, params):
    src = edge_index[0]
    dst = edge_index[1]
    h = _gin_conv(x, src, dst, params['convs'][0])
    xs = [h]
    for i in range(1, L):
        h = _gin_conv(h, src, dst, params['convs'][i])
        bn = params['bns'][i - 1]
        h = jax.nn.relu(_bn(h, bn['g'], bn['b']))
        xs.append(h)
    hcat = jnp.concatenate(xs, axis=1)
    hl = jax.nn.relu(hcat @ params['lin1_W'] + params['lin1_b'])
    sums = jax.ops.segment_sum(hl, batch_idx, num_segments=G)
    cnt = jax.ops.segment_sum(jnp.ones((hl.shape[0], 1), jnp.float32), batch_idx, num_segments=G)
    pooled = sums / jnp.maximum(cnt, 1.0)
    return (hl, pooled)

if __name__ == "__main__":
    import jax
    _d = setup_inputs()
    print(jax.jit(kernel)(*tuple(_d.values())))

</pallas_src>

<mosaic_0001>
#map = affine_map<(d0, d1) -> (0, 0)>
module attributes {stable_mosaic.version = 14 : i64} {
  func.func @k(%arg0: i32, %arg1: i32, %arg2: memref<10000x128xf32, #tpu.memory_space<hbm>>, %arg3: memref<2560x128xi32, #tpu.memory_space<hbm>>, %arg4: memref<2560x128xi32, #tpu.memory_space<hbm>>, %arg5: memref<20000x128xf32, #tpu.memory_space<hbm>>, %arg6: memref<40x128xi32, #tpu.memory_space<vmem>>, %arg7: memref<40x128xi32, #tpu.memory_space<vmem>>, %arg8: memref<128x128xf32, #tpu.memory_space<vmem>>, %arg9: memref<128x128xf32, #tpu.memory_space<vmem>>, %arg10: memref<10000x128xf32, #tpu.memory_space<vmem_shared>>, %arg11: memref<!tpu.dma_semaphore, #tpu.memory_space<semaphore_mem>>, %arg12: memref<!tpu.dma_semaphore, #tpu.memory_space<semaphore_mem>>, %arg13: memref<!tpu.dma_semaphore, #tpu.memory_space<semaphore_mem>>, %arg14: memref<!tpu.dma_semaphore, #tpu.memory_space<semaphore_mem>>) attributes {dimension_semantics = [#tpu.dimension_semantics<core_parallel>, #tpu.dimension_semantics<subcore_parallel>], iteration_bounds = array<i64: 2, 16>, scalar_prefetch = 0 : i64, scratch_operands = 9 : i64, tpu.core_type = #tpu.core_type<sc_vector_subcore>, window_params = [{transform_indices = #map}, {transform_indices = #map}, {transform_indices = #map}, {transform_indices = #map}]} {
    %mul3A = arith.constant 16 : i32
    %mul3A_0 = arith.muli %arg0, %mul3A : i32
    %add3A = arith.addi %mul3A_0, %arg1 : i32
    %broadcast_in_dim3A = arith.constant 0.000000e+00 : f32
    %broadcast_in_dim3A_1 = vector.broadcast %broadcast_in_dim3A : f32 to vector<16xf32>
    %scan3A = arith.constant 0 : i32
    %scan3A_2 = arith.constant 125 : i32
    %scan3A_3 = arith.addi %scan3A, %scan3A_2 : i32
    %scan3A_4 = arith.constant 1 : i32
    scf.for %scan3A_115 = %scan3A to %scan3A_3 step %scan3A_4  : i32 {
      %mul3A_116 = arith.constant 1 : i32
      %mul3A_117 = arith.muli %scan3A_115, %mul3A_116 : i32
      %add3A_118 = arith.constant 0 : i32
      %add3A_119 = arith.addi %add3A_118, %mul3A_117 : i32
      %swap3A = arith.index_cast %add3A_119 : i32 to index
      %swap3A_120 = arith.constant 0 : index
      %swap3A_121 = tpu.vector_load %arg8[%swap3A, %swap3A_120] {strides = array<i32>} : memref<128x128xf32, #tpu.memory_space<vmem>>, vector<1x16xf32>,
      %swap3A_122 = vector.shape_cast %swap3A_121 : vector<1x16xf32> to vector<16xf32>
      %swap3A_123 = vector.shape_cast %broadcast_in_dim3A_1 : vector<16xf32> to vector<1x16xf32>
      tpu.vector_store %arg8[%swap3A, %swap3A_120], %swap3A_123 {strides = array<i32>} : memref<128x128xf32, #tpu.memory_space<vmem>>, vector<1x16xf32>,
      %swap3A_124 = arith.index_cast %add3A_119 : i32 to index
      %swap3A_125 = arith.constant 16 : index
      %swap3A_126 = tpu.vector_load %arg8[%swap3A_124, %swap3A_125] {strides = array<i32>} : memref<128x128xf32, #tpu.memory_space<vmem>>, vector<1x16xf32>,
      %swap3A_127 = vector.shape_cast %swap3A_126 : vector<1x16xf32> to vector<16xf32>
      %swap3A_128 = vector.shape_cast %broadcast_in_dim3A_1 : vector<16xf32> to vector<1x16xf32>
      tpu.vector_store %arg8[%swap3A_124, %swap3A_125], %swap3A_128 {strides = array<i32>} : memref<128x128xf32, #tpu.memory_space<vmem>>, vector<1x16xf32>,
      %swap3A_129 = arith.index_cast %add3A_119 : i32 to index
      %swap3A_130 = arith.constant 32 : index
      %swap3A_131 = tpu.vector_load %arg8[%swap3A_129, %swap3A_130] {strides = array<i32>} : memref<128x128xf32, #tpu.memory_space<vmem>>, vector<1x16xf32>,
      %swap3A_132 = vector.shape_cast %swap3A_131 : vector<1x16xf32> to vector<16xf32>
      %swap3A_133 = vector.shape_cast %broadcast_in_dim3A_1 : vector<16xf32> to vector<1x16xf32>
      tpu.vector_store %arg8[%swap3A_129, %swap3A_130], %swap3A_133 {strides = array<i32>} : memref<128x128xf32, #tpu.memory_space<vmem>>, vector<1x16xf32>,
      %swap3A_134 = arith.index_cast %add3A_119 : i32 to index
      %swap3A_135 = arith.constant 48 : index
      %swap3A_136 = tpu.vector_load %arg8[%swap3A_134, %swap3A_135] {strides = array<i32>} : memref<128x128xf32, #tpu.memory_space<vmem>>, vector<1x16xf32>,
      %swap3A_137 = vector.shape_cast %swap3A_136 : vector<1x16xf32> to vector<16xf32>
      %swap3A_138 = vector.shape_cast %broadcast_in_dim3A_1 : vector<16xf32> to vector<1x16xf32>
      tpu.vector_store %arg8[%swap3A_134, %swap3A_135], %swap3A_138 {strides = array<i32>} : memref<128x128xf32, #tpu.memory_space<vmem>>, vector<1x16xf32>,
      %swap3A_139 = arith.index_cast %add3A_119 : i32 to index
      %swap3A_140 = arith.constant 64 : index
      %swap3A_141 = tpu.vector_load %arg8[%swap3A_139, %swap3A_140] {strides = array<i32>} : memref<128x128xf32, #tpu.memory_space<vmem>>, vector<1x16xf32>,
      %swap3A_142 = vector.shape_cast %swap3A_141 : vector<1x16xf32> to vector<16xf32>
      %swap3A_143 = vector.shape_cast %broadcast_in_dim3A_1 : vector<16xf32> to vector<1x16xf32>
      tpu.vector_store %arg8[%swap3A_139, %swap3A_140], %swap3A_143 {strides = array<i32>} : memref<128x128xf32, #tpu.memory_space<vmem>>, vector<1x16xf32>,
      %swap3A_144 = arith.index_cast %add3A_119 : i32 to index
      %swap3A_145 = arith.constant 80 : index
      %swap3A_146 = tpu.vector_load %arg8[%swap3A_144, %swap3A_145] {strides = array<i32>} : memref<128x128xf32, #tpu.memory_space<vmem>>, vector<1x16xf32>,
      %swap3A_147 = vector.shape_cast %swap3A_146 : vector<1x16xf32> to vector<16xf32>
      %swap3A_148 = vector.shape_cast %broadcast_in_dim3A_1 : vector<16xf32> to vector<1x16xf32>
      tpu.vector_store %arg8[%swap3A_144, %swap3A_145], %swap3A_148 {strides = array<i32>} : memref<128x128xf32, #tpu.memory_space<vmem>>, vector<1x16xf32>,
      %swap3A_149 = arith.index_cast %add3A_119 : i32 to index
      %swap3A_150 = arith.constant 96 : index
      %swap3A_151 = tpu.vector_load %arg8[%swap3A_149, %swap3A_150] {strides = array<i32>} : memref<128x128xf32, #tpu.memory_space<vmem>>, vector<1x16xf32>,
      %swap3A_152 = vector.shape_cast %swap3A_151 : vector<1x16xf32> to vector<16xf32>
      %swap3A_153 = vector.shape_cast %broadcast_in_dim3A_1 : vector<16xf32> to vector<1x16xf32>
      tpu.vector_store %arg8[%swap3A_149, %swap3A_150], %swap3A_153 {strides = array<i32>} : memref<128x128xf32, #tpu.memory_space<vmem>>, vector<1x16xf32>,
      %swap3A_154 = arith.index_cast %add3A_119 : i32 to index
      %swap3A_155 = arith.constant 112 : index
      %swap3A_156 = tpu.vector_load %arg8[%swap3A_154, %swap3A_155] {strides = array<i32>} : memref<128x128xf32, #tpu.memory_space<vmem>>, vector<1x16xf32>,
      %swap3A_157 = vector.shape_cast %swap3A_156 : vector<1x16xf32> to vector<16xf32>
      %swap3A_158 = vector.shape_cast %broadcast_in_dim3A_1 : vector<16xf32> to vector<1x16xf32>
      tpu.vector_store %arg8[%swap3A_154, %swap3A_155], %swap3A_158 {strides = array<i32>} : memref<128x128xf32, #tpu.memory_space<vmem>>, vector<1x16xf32>,
    }
    %scan3A_5 = arith.constant 125 : i32
    %scan3A_6 = arith.constant 0 : i32
    %scan3A_7 = arith.constant 5 : i32
    %scan3A_8 = arith.addi %scan3A_6, %scan3A_7 : i32
    %scan3A_9 = arith.constant 1 : i32
    scf.for %scan3A_115 = %scan3A_6 to %scan3A_8 step %scan3A_9  : i32 {
      %mul3A_116 = arith.constant 125 : i32
      %mul3A_117 = arith.muli %scan3A_115, %mul3A_116 : i32
      %add3A_118 = arith.constant 0 : i32
      %add3A_119 = arith.addi %add3A_118, %mul3A_117 : i32
      %mul3A_120 = arith.constant 625 : i32
      %mul3A_121 = arith.muli %arg1, %mul3A_120 : i32
      %add3A_122 = arith.addi %mul3A_121, %add3A_119 : i32
      "tpu.region"() ({
        %run_scoped3A = tpu.sem_alloc : memref<!tpu.dma_semaphore, #tpu.memory_space<semaphore_mem>>
        %dma_start3A_123 = arith.constant 0 : i32
        %dma_start3A_124 = arith.constant 0 : i32
        %dma_start3A_125 = tpu.memref_slice %arg8[%dma_start3A_123, %dma_start3A_124] : memref<128x128xf32, #tpu.memory_space<vmem>> -> memref<125x128xf32, #tpu.memory_space<vmem>>
        %dma_start3A_126 = arith.constant 0 : i32
        %dma_start3A_127 = tpu.memref_slice %arg10[%add3A_122, %dma_start3A_126] : memref<10000x128xf32, #tpu.memory_space<vmem_shared>> -> memref<125x128xf32, #tpu.memory_space<vmem_shared>>
        %dma_start3A_128 = arith.constant 0 : i32
        %dma_start3A_129 = tpu.memref_slice %arg10[%add3A_122, %dma_start3A_128] : memref<10000x128xf32, #tpu.memory_space<vmem_shared>> -> memref<125x128xf32, #tpu.memory_space<vmem_shared>>
        %dma_start3A_130 = arith.constant 0 : i32
        %dma_start3A_131 = arith.constant 0 : i32
        %dma_start3A_132 = tpu.memref_slice %arg8[%dma_start3A_130, %dma_start3A_131] : memref<128x128xf32, #tpu.memory_space<vmem>> -> memref<125x128xf32, #tpu.memory_space<vmem>>
        tpu.enqueue_dma source(%dma_start3A_132 : memref<125x128xf32, #tpu.memory_space<vmem>>) target(%dma_start3A_129 : memref<125x128xf32, #tpu.memory_space<vmem_shared>>) target_semaphore(%run_scoped3A : memref<!tpu.dma_semaphore, #tpu.memory_space<semaphore_mem>>)
        %dma_wait3A = arith.constant 0 : i32
        %dma_wait3A_133 = arith.constant 0 : i32
        %dma_wait3A_134 = tpu.memref_slice %arg8[%dma_wait3A, %dma_wait3A_133] : memref<128x128xf32, #tpu.memory_space<vmem>> -> memref<125x128xf32, #tpu.memory_space<vmem>>
        %dma_wait3A_135 = arith.constant 0 : i32
        %dma_wait3A_136 = tpu.memref_slice %arg10[%add3A_122, %dma_wait3A_135] : memref<10000x128xf32, #tpu.memory_space<vmem_shared>> -> memref<125x128xf32, #tpu.memory_space<vmem_shared>>
        %dma_wait3A_137 = arith.constant 0 : i32
        %dma_wait3A_138 = tpu.memref_slice %arg10[%add3A_122, %dma_wait3A_137] : memref<10000x128xf32, #tpu.memory_space<vmem_shared>> -> memref<125x128xf32, #tpu.memory_space<vmem_shared>>
        %dma_wait3A_139 = arith.constant 0 : i32
        %dma_wait3A_140 = arith.constant 0 : i32
        %dma_wait3A_141 = tpu.memref_slice %arg8[%dma_wait3A_139, %dma_wait3A_140] : memref<128x128xf32, #tpu.memory_space<vmem>> -> memref<125x128xf32, #tpu.memory_space<vmem>>
        tpu.wait_dma2 semaphore(%run_scoped3A : memref<!tpu.dma_semaphore, #tpu.memory_space<semaphore_mem>>) src(%dma_wait3A_141 : memref<125x128xf32, #tpu.memory_space<vmem>>) dst(%dma_wait3A_138 : memref<125x128xf32, #tpu.memory_space<vmem_shared>>)
        tpu.yield
      }) : () -> ()
    }
    %scan3A_10 = arith.constant 5 : i32
    %barrier3A = arith.constant 0 : index
    tpu.barrier barrier_id(%barrier3A)
    %mul3A_11 = arith.constant 80 : i32
    %mul3A_12 = arith.muli %add3A, %mul3A_11 : i32
    %add3A_13 = arith.constant 0 : i32
    %add3A_14 = arith.addi %mul3A_12, %add3A_13 : i32
    "tpu.region"() ({
      %run_scoped3A = tpu.sem_alloc : memref<!tpu.dma_semaphore, #tpu.memory_space<semaphore_mem>>
      %dma_start3A_115 = arith.constant 0 : i32
      %dma_start3A_116 = tpu.memref_slice %arg3[%add3A_14, %dma_start3A_115] : memref<2560x128xi32, #tpu.memory_space<hbm>> -> memref<40x128xi32, #tpu.memory_space<hbm>>
      %dma_start3A_117 = arith.constant 0 : i32
      %dma_start3A_118 = tpu.memref_slice %arg3[%add3A_14, %dma_start3A_117] : memref<2560x128xi32, #tpu.memory_space<hbm>> -> memref<40x128xi32, #tpu.memory_space<hbm>>
      tpu.enqueue_dma source(%dma_start3A_118 : memref<40x128xi32, #tpu.memory_space<hbm>>) target(%arg6 : memref<40x128xi32, #tpu.memory_space<vmem>>) target_semaphore(%run_scoped3A : memref<!tpu.dma_semaphore, #tpu.memory_space<semaphore_mem>>)
      %dma_wait3A = arith.constant 0 : i32
      %dma_wait3A_119 = tpu.memref_slice %arg3[%add3A_14, %dma_wait3A] : memref<2560x128xi32, #tpu.memory_space<hbm>> -> memref<40x128xi32, #tpu.memory_space<hbm>>
      %dma_wait3A_120 = arith.constant 0 : i32
      %dma_wait3A_121 = tpu.memref_slice %arg3[%add3A_14, %dma_wait3A_120] : memref<2560x128xi32, #tpu.memory_space<hbm>> -> memref<40x128xi32, #tpu.memory_space<hbm>>
      tpu.wait_dma2 semaphore(%run_scoped3A : memref<!tpu.dma_semaphore, #tpu.memory_space<semaphore_mem>>) src(%dma_wait3A_121 : memref<40x128xi32, #tpu.memory_space<hbm>>) dst(%arg6 : memref<40x128xi32, #tpu.memory_space<vmem>>)
      tpu.yield
    }) : () -> ()
    "tpu.region"() ({
      %run_scoped3A = tpu.sem_alloc : memref<!tpu.dma_semaphore, #tpu.memory_space<semaphore_mem>>
      %dma_start3A_115 = arith.constant 0 : i32
      %dma_start3A_116 = tpu.memref_slice %arg4[%add3A_14, %dma_start3A_115] : memref<2560x128xi32, #tpu.memory_space<hbm>> -> memref<40x128xi32, #tpu.memory_space<hbm>>
      %dma_start3A_117 = arith.constant 0 : i32
      %dma_start3A_118 = tpu.memref_slice %arg4[%add3A_14, %dma_start3A_117] : memref<2560x128xi32, #tpu.memory_space<hbm>> -> memref<40x128xi32, #tpu.memory_space<hbm>>
      tpu.enqueue_dma source(%dma_start3A_118 : memref<40x128xi32, #tpu.memory_space<hbm>>) target(%arg7 : memref<40x128xi32, #tpu.memory_space<vmem>>) target_semaphore(%run_scoped3A : memref<!tpu.dma_semaphore, #tpu.memory_space<semaphore_mem>>)
      %dma_wait3A = arith.constant 0 : i32
      %dma_wait3A_119 = tpu.memref_slice %arg4[%add3A_14, %dma_wait3A] : memref<2560x128xi32, #tpu.memory_space<hbm>> -> memref<40x128xi32, #tpu.memory_space<hbm>>
      %dma_wait3A_120 = arith.constant 0 : i32
      %dma_wait3A_121 = tpu.memref_slice %arg4[%add3A_14, %dma_wait3A_120] : memref<2560x128xi32, #tpu.memory_space<hbm>> -> memref<40x128xi32, #tpu.memory_space<hbm>>
      tpu.wait_dma2 semaphore(%run_scoped3A : memref<!tpu.dma_semaphore, #tpu.memory_space<semaphore_mem>>) src(%dma_wait3A_121 : memref<40x128xi32, #tpu.memory_space<hbm>>) dst(%arg7 : memref<40x128xi32, #tpu.memory_space<vmem>>)
      tpu.yield
    }) : () -> ()
    %dma_start3A = arith.constant 0 : i32
    %dma_start3A_15 = arith.constant 0 : i32
    %dma_start3A_16 = arith.constant 0 : i32
    %dma_start3A_17 = tpu.memref_slice %arg8[%dma_start3A_15, %dma_start3A_16] : memref<128x128xf32, #tpu.memory_space<vmem>> -> memref<64x128xf32, #tpu.memory_space<vmem>>
    %dma_start3A_18 = arith.constant 0 : i32
    %dma_start3A_19 = tpu.memref_slice %arg6[%dma_start3A, %dma_start3A_18] : memref<40x128xi32, #tpu.memory_space<vmem>> -> memref<1x64xi32, #tpu.memory_space<vmem>>
    %dma_start3A_20 = tpu.memref_squeeze %dma_start3A_19 : memref<1x64xi32, #tpu.memory_space<vmem>> -> memref<64xi32, #tpu.memory_space<vmem>>
    %dma_start3A_21 = arith.constant 0 : i32
    %dma_start3A_22 = arith.constant 0 : i32
    %dma_start3A_23 = tpu.memref_slice %arg2[%dma_start3A_21, %dma_start3A_22] : memref<10000x128xf32, #tpu.memory_space<hbm>> -> memref<10000x128xf32, #tpu.memory_space<hbm>>
    tpu.enqueue_indirect_dma source(%dma_start3A_23 : memref<10000x128xf32, #tpu.memory_space<hbm>>) target(%dma_start3A_17 : memref<64x128xf32, #tpu.memory_space<vmem>>) offsets(%dma_start3A_20 : memref<64xi32, #tpu.memory_space<vmem>>) semaphore(%arg11 : memref<!tpu.dma_semaphore, #tpu.memory_space<semaphore_mem>>)
    %dma_start3A_24 = arith.constant 0 : i32
    %dma_start3A_25 = arith.constant 64 : i32
    %dma_start3A_26 = arith.constant 0 : i32
    %dma_start3A_27 = tpu.memref_slice %arg8[%dma_start3A_25, %dma_start3A_26] : memref<128x128xf32, #tpu.memory_space<vmem>> -> memref<64x128xf32, #tpu.memory_space<vmem>>
    %dma_start3A_28 = arith.constant 64 : i32
    %dma_start3A_29 = tpu.memref_slice %arg6[%dma_start3A_24, %dma_start3A_28] : memref<40x128xi32, #tpu.memory_space<vmem>> -> memref<1x64xi32, #tpu.memory_space<vmem>>
    %dma_start3A_30 = tpu.memref_squeeze %dma_start3A_29 : memref<1x64xi32, #tpu.memory_space<vmem>> -> memref<64xi32, #tpu.memory_space<vmem>>
    %dma_start3A_31 = arith.constant 0 : i32
    %dma_start3A_32 = arith.constant 0 : i32
    %dma_start3A_33 = tpu.memref_slice %arg2[%dma_start3A_31, %dma_start3A_32] : memref<10000x128xf32, #tpu.memory_space<hbm>> -> memref<10000x128xf32, #tpu.memory_space<hbm>>
    tpu.enqueue_indirect_dma source(%dma_start3A_33 : memref<10000x128xf32, #tpu.memory_space<hbm>>) target(%dma_start3A_27 : memref<64x128xf32, #tpu.memory_space<vmem>>) offsets(%dma_start3A_30 : memref<64xi32, #tpu.memory_space<vmem>>) semaphore(%arg12 : memref<!tpu.dma_semaphore, #tpu.memory_space<semaphore_mem>>)
    %dma_start3A_34 = arith.constant 1 : i32
    %dma_start3A_35 = arith.constant 0 : i32
    %dma_start3A_36 = arith.constant 0 : i32
    %dma_start3A_37 = tpu.memref_slice %arg9[%dma_start3A_35, %dma_start3A_36] : memref<128x128xf32, #tpu.memory_space<vmem>> -> memref<64x128xf32, #tpu.memory_space<vmem>>
    %dma_start3A_38 = arith.constant 0 : i32
    %dma_start3A_39 = tpu.memref_slice %arg6[%dma_start3A_34, %dma_start3A_38] : memref<40x128xi32, #tpu.memory_space<vmem>> -> memref<1x64xi32, #tpu.memory_space<vmem>>
    %dma_start3A_40 = tpu.memref_squeeze %dma_start3A_39 : memref<1x64xi32, #tpu.memory_space<vmem>> -> memref<64xi32, #tpu.memory_space<vmem>>
    %dma_start3A_41 = arith.constant 0 : i32
    %dma_start3A_42 = arith.constant 0 : i32
    %dma_start3A_43 = tpu.memref_slice %arg2[%dma_start3A_41, %dma_start3A_42] : memref<10000x128xf32, #tpu.memory_space<hbm>> -> memref<10000x128xf32, #tpu.memory_space<hbm>>
    tpu.enqueue_indirect_dma source(%dma_start3A_43 : memref<10000x128xf32, #tpu.memory_space<hbm>>) target(%dma_start3A_37 : memref<64x128xf32, #tpu.memory_space<vmem>>) offsets(%dma_start3A_40 : memref<64xi32, #tpu.memory_space<vmem>>) semaphore(%arg13 : memref<!tpu.dma_semaphore, #tpu.memory_space<semaphore_mem>>)
    %dma_start3A_44 = arith.constant 1 : i32
    %dma_start3A_45 = arith.constant 64 : i32
    %dma_start3A_46 = arith.constant 0 : i32
    %dma_start3A_47 = tpu.memref_slice %arg9[%dma_start3A_45, %dma_start3A_46] : memref<128x128xf32, #tpu.memory_space<vmem>> -> memref<64x128xf32, #tpu.memory_space<vmem>>
    %dma_start3A_48 = arith.constant 64 : i32
    %dma_start3A_49 = tpu.memref_slice %arg6[%dma_start3A_44, %dma_start3A_48] : memref<40x128xi32, #tpu.memory_space<vmem>> -> memref<1x64xi32, #tpu.memory_space<vmem>>
    %dma_start3A_50 = tpu.memref_squeeze %dma_start3A_49 : memref<1x64xi32, #tpu.memory_space<vmem>> -> memref<64xi32, #tpu.memory_space<vmem>>
    %dma_start3A_51 = arith.constant 0 : i32
    %dma_start3A_52 = arith.constant 0 : i32
    %dma_start3A_53 = tpu.memref_slice %arg2[%dma_start3A_51, %dma_start3A_52] : memref<10000x128xf32, #tpu.memory_space<hbm>> -> memref<10000x128xf32, #tpu.memory_space<hbm>>
    tpu.enqueue_indirect_dma source(%dma_start3A_53 : memref<10000x128xf32, #tpu.memory_space<hbm>>) target(%dma_start3A_47 : memref<64x128xf32, #tpu.memory_space<vmem>>) offsets(%dma_start3A_50 : memref<64xi32, #tpu.memory_space<vmem>>) semaphore(%arg14 : memref<!tpu.dma_semaphore, #tpu.memory_space<semaphore_mem>>)
    %scan3A_54 = arith.constant 0 : i32
    %scan3A_55 = arith.constant 20 : i32
    %scan3A_56 = arith.addi %scan3A_54, %scan3A_55 : i32
    %scan3A_57 = arith.constant 1 : i32
    scf.for %scan3A_115 = %scan3A_54 to %scan3A_56 step %scan3A_57  : i32 {
      %mul3A_116 = arith.constant 2 : i32
      %mul3A_117 = arith.muli %scan3A_115, %mul3A_116 : i32
      %add3A_118 = arith.constant 0 : i32
      %add3A_119 = arith.addi %add3A_118, %mul3A_117 : i32
      %add3A_120 = arith.constant 0 : i32
      %add3A_121 = arith.addi %add3A_119, %add3A_120 : i32
      %dma_wait3A = arith.constant 0 : i32
      %dma_wait3A_122 = arith.constant 0 : i32
      %dma_wait3A_123 = tpu.memref_slice %arg8[%dma_wait3A, %dma_wait3A_122] : memref<128x128xf32, #tpu.memory_space<vmem>> -> memref<64x128xf32, #tpu.memory_space<vmem>>
      %dma_wait3A_124 = arith.constant 0 : i32
      %dma_wait3A_125 = tpu.memref_slice %arg6[%add3A_121, %dma_wait3A_124] : memref<40x128xi32, #tpu.memory_space<vmem>> -> memref<1x64xi32, #tpu.memory_space<vmem>>
      %dma_wait3A_126 = tpu.memref_squeeze %dma_wait3A_125 : memref<1x64xi32, #tpu.memory_space<vmem>> -> memref<64xi32, #tpu.memory_space<vmem>>
      %dma_wait3A_127 = arith.constant 0 : i32
      %dma_wait3A_128 = arith.constant 0 : i32
      %dma_wait3A_129 = tpu.memref_slice %arg2[%dma_wait3A_127, %dma_wait3A_128] : memref<10000x128xf32, #tpu.memory_space<hbm>> -> memref<10000x128xf32, #tpu.memory_space<hbm>>
      tpu.wait_indirect_dma semaphore(%arg11 : memref<!tpu.dma_semaphore, #tpu.memory_space<semaphore_mem>>) src(%dma_wait3A_129 : memref<10000x128xf32, #tpu.memory_space<hbm>>) dst(%dma_wait3A_123 : memref<64x128xf32, #tpu.memory_space<vmem>>)
      %dma_wait3A_130 = arith.constant 64 : i32
      %dma_wait3A_131 = arith.constant 0 : i32
      %dma_wait3A_132 = tpu.memref_slice %arg8[%dma_wait3A_130, %dma_wait3A_131] : memref<128x128xf32, #tpu.memory_space<vmem>> -> memref<64x128xf32, #tpu.memory_space<vmem>>
      %dma_wait3A_133 = arith.constant 64 : i32
      %dma_wait3A_134 = tpu.memref_slice %arg6[%add3A_121, %dma_wait3A_133] : memref<40x128xi32, #tpu.memory_space<vmem>> -> memref<1x64xi32, #tpu.memory_space<vmem>>
      %dma_wait3A_135 = tpu.memref_squeeze %dma_wait3A_134 : memref<1x64xi32, #tpu.memory_space<vmem>> -> memref<64xi32, #tpu.memory_space<vmem>>
      %dma_wait3A_136 = arith.constant 0 : i32
      %dma_wait3A_137 = arith.constant 0 : i32
      %dma_wait3A_138 = tpu.memref_slice %arg2[%dma_wait3A_136, %dma_wait3A_137] : memref<10000x128xf32, #tpu.memory_space<hbm>> -> memref<10000x128xf32, #tpu.memory_space<hbm>>
      tpu.wait_indirect_dma semaphore(%arg12 : memref<!tpu.dma_semaphore, #tpu.memory_space<semaphore_mem>>) src(%dma_wait3A_138 : memref<10000x128xf32, #tpu.memory_space<hbm>>) dst(%dma_wait3A_132 : memref<64x128xf32, #tpu.memory_space<vmem>>)
      %add3A_139 = arith.constant 0 : i32
      %add3A_140 = arith.addi %add3A_119, %add3A_139 : i32
      "tpu.region"() ({
        %run_scoped3A = tpu.sem_alloc : memref<!tpu.dma_semaphore, #tpu.memory_space<semaphore_mem>>
        %dma_start3A_181 = arith.constant 0 : i32
        %dma_start3A_182 = tpu.memref_slice %arg7[%add3A_140, %dma_start3A_181] : memref<40x128xi32, #tpu.memory_space<vmem>> -> memref<1x128xi32, #tpu.memory_space<vmem>>
        %dma_start3A_183 = tpu.memref_squeeze %dma_start3A_182 : memref<1x128xi32, #tpu.memory_space<vmem>> -> memref<128xi32, #tpu.memory_space<vmem>>
        %dma_start3A_184 = arith.constant 0 : i32
        %dma_start3A_185 = arith.constant 0 : i32
        %dma_start3A_186 = tpu.memref_slice %arg10[%dma_start3A_184, %dma_start3A_185] : memref<10000x128xf32, #tpu.memory_space<vmem_shared>> -> memref<10000x128xf32, #tpu.memory_space<vmem_shared>>
        tpu.enqueue_indirect_dma source(%arg8 : memref<128x128xf32, #tpu.memory_space<vmem>>) target(%dma_start3A_186 : memref<10000x128xf32, #tpu.memory_space<vmem_shared>>) offsets(%dma_start3A_183 : memref<128xi32, #tpu.memory_space<vmem>>) semaphore(%run_scoped3A : memref<!tpu.dma_semaphore, #tpu.memory_space<semaphore_mem>>) {add = true}
        %dma_wait3A_187 = arith.constant 0 : i32
        %dma_wait3A_188 = tpu.memref_slice %arg7[%add3A_140, %dma_wait3A_187] : memref<40x128xi32, #tpu.memory_space<vmem>> -> memref<1x128xi32, #tpu.memory_space<vmem>>
        %dma_wait3A_189 = tpu.memref_squeeze %dma_wait3A_188 : memref<1x128xi32, #tpu.memory_space<vmem>> -> memref<128xi32, #tpu.memory_space<vmem>>
        %dma_wait3A_190 = arith.constant 0 : i32
        %dma_wait3A_191 = arith.constant 0 : i32
        %dma_wait3A_192 = tpu.memref_slice %arg10[%dma_wait3A_190, %dma_wait3A_191] : memref<10000x128xf32, #tpu.memory_space<vmem_shared>> -> memref<10000x128xf32, #tpu.memory_space<vmem_shared>>
        tpu.wait_indirect_dma semaphore(%run_scoped3A : memref<!tpu.dma_semaphore, #tpu.memory_space<semaphore_mem>>) src(%arg8 : memref<128x128xf32, #tpu.memory_space<vmem>>) dst(%dma_wait3A_192 : memref<10000x128xf32, #tpu.memory_space<vmem_shared>>)
        tpu.yield
      }) : () -> ()
      %add3A_141 = arith.constant 0 : i32
      %add3A_142 = arith.addi %add3A_119, %add3A_141 : i32
      %add3A_143 = arith.constant 2 : i32
      %add3A_144 = arith.addi %add3A_142, %add3A_143 : i32
      %lt3A_145 = arith.constant 40 : i32
      %lt3A_146 = arith.cmpi slt, %add3A_144, %lt3A_145 : i32
      %convert_element_type3A_147 = arith.extui %lt3A_146 : i1 to i32
      %cond3A_148 = arith.constant 0 : i32
      %cond3A_149 = arith.cmpi ne, %convert_element_type3A_147, %cond3A_148 : i32
      scf.if %cond3A_149 {
        %add3A_181 = arith.constant 0 : i32
        %add3A_182 = arith.addi %add3A_119, %add3A_181 : i32
        %add3A_183 = arith.constant 2 : i32
        %add3A_184 = arith.addi %add3A_182, %add3A_183 : i32
        %dma_start3A_185 = arith.constant 0 : i32
        %dma_start3A_186 = arith.constant 0 : i32
        %dma_start3A_187 = tpu.memref_slice %arg8[%dma_start3A_185, %dma_start3A_186] : memref<128x128xf32, #tpu.memory_space<vmem>> -> memref<64x128xf32, #tpu.memory_space<vmem>>
        %dma_start3A_188 = arith.constant 0 : i32
        %dma_start3A_189 = tpu.memref_slice %arg6[%add3A_184, %dma_start3A_188] : memref<40x128xi32, #tpu.memory_space<vmem>> -> memref<1x64xi32, #tpu.memory_space<vmem>>
        %dma_start3A_190 = tpu.memref_squeeze %dma_start3A_189 : memref<1x64xi32, #tpu.memory_space<vmem>> -> memref<64xi32, #tpu.memory_space<vmem>>
        %dma_start3A_191 = arith.constant 0 : i32
        %dma_start3A_192 = arith.constant 0 : i32
        %dma_start3A_193 = tpu.memref_slice %arg2[%dma_start3A_191, %dma_start3A_192] : memref<10000x128xf32, #tpu.memory_space<hbm>> -> memref<10000x128xf32, #tpu.memory_space<hbm>>
        tpu.enqueue_indirect_dma source(%dma_start3A_193 : memref<10000x128xf32, #tpu.memory_space<hbm>>) target(%dma_start3A_187 : memref<64x128xf32, #tpu.memory_space<vmem>>) offsets(%dma_start3A_190 : memref<64xi32, #tpu.memory_space<vmem>>) semaphore(%arg11 : memref<!tpu.dma_semaphore, #tpu.memory_space<semaphore_mem>>)
        %dma_start3A_194 = arith.constant 64 : i32
        %dma_start3A_195 = arith.constant 0 : i32
        %dma_start3A_196 = tpu.memref_slice %arg8[%dma_start3A_194, %dma_start3A_195] : memref<128x128xf32, #tpu.memory_space<vmem>> -> memref<64x128xf32, #tpu.memory_space<vmem>>
        %dma_start3A_197 = arith.constant 64 : i32
        %dma_start3A_198 = tpu.memref_slice %arg6[%add3A_184, %dma_start3A_197] : memref<40x128xi32, #tpu.memory_space<vmem>> -> memref<1x64xi32, #tpu.memory_space<vmem>>
        %dma_start3A_199 = tpu.memref_squeeze %dma_start3A_198 : memref<1x64xi32, #tpu.memory_space<vmem>> -> memref<64xi32, #tpu.memory_space<vmem>>
        %dma_start3A_200 = arith.constant 0 : i32
        %dma_start3A_201 = arith.constant 0 : i32
        %dma_start3A_202 = tpu.memref_slice %arg2[%dma_start3A_200, %dma_start3A_201] : memref<10000x128xf32, #tpu.memory_space<hbm>> -> memref<10000x128xf32, #tpu.memory_space<hbm>>
        tpu.enqueue_indirect_dma source(%dma_start3A_202 : memref<10000x128xf32, #tpu.memory_space<hbm>>) target(%dma_start3A_196 : memref<64x128xf32, #tpu.memory_space<vmem>>) offsets(%dma_start3A_199 : memref<64xi32, #tpu.memory_space<vmem>>) semaphore(%arg12 : memref<!tpu.dma_semaphore, #tpu.memory_space<semaphore_mem>>)
      } else {
      }
      %add3A_150 = arith.constant 1 : i32
      %add3A_151 = arith.addi %add3A_119, %add3A_150 : i32
      %dma_wait3A_152 = arith.constant 0 : i32
      %dma_wait3A_153 = arith.constant 0 : i32
      %dma_wait3A_154 = tpu.memref_slice %arg9[%dma_wait3A_152, %dma_wait3A_153] : memref<128x128xf32, #tpu.memory_space<vmem>> -> memref<64x128xf32, #tpu.memory_space<vmem>>
      %dma_wait3A_155 = arith.constant 0 : i32
      %dma_wait3A_156 = tpu.memref_slice %arg6[%add3A_151, %dma_wait3A_155] : memref<40x128xi32, #tpu.memory_space<vmem>> -> memref<1x64xi32, #tpu.memory_space<vmem>>
      %dma_wait3A_157 = tpu.memref_squeeze %dma_wait3A_156 : memref<1x64xi32, #tpu.memory_space<vmem>> -> memref<64xi32, #tpu.memory_space<vmem>>
      %dma_wait3A_158 = arith.constant 0 : i32
      %dma_wait3A_159 = arith.constant 0 : i32
      %dma_wait3A_160 = tpu.memref_slice %arg2[%dma_wait3A_158, %dma_wait3A_159] : memref<10000x128xf32, #tpu.memory_space<hbm>> -> memref<10000x128xf32, #tpu.memory_space<hbm>>
      tpu.wait_indirect_dma semaphore(%arg13 : memref<!tpu.dma_semaphore, #tpu.memory_space<semaphore_mem>>) src(%dma_wait3A_160 : memref<10000x128xf32, #tpu.memory_space<hbm>>) dst(%dma_wait3A_154 : memref<64x128xf32, #tpu.memory_space<vmem>>)
      %dma_wait3A_161 = arith.constant 64 : i32
      %dma_wait3A_162 = arith.constant 0 : i32
      %dma_wait3A_163 = tpu.memref_slice %arg9[%dma_wait3A_161, %dma_wait3A_162] : memref<128x128xf32, #tpu.memory_space<vmem>> -> memref<64x128xf32, #tpu.memory_space<vmem>>
      %dma_wait3A_164 = arith.constant 64 : i32
      %dma_wait3A_165 = tpu.memref_slice %arg6[%add3A_151, %dma_wait3A_164] : memref<40x128xi32, #tpu.memory_space<vmem>> -> memref<1x64xi32, #tpu.memory_space<vmem>>
      %dma_wait3A_166 = tpu.memref_squeeze %dma_wait3A_165 : memref<1x64xi32, #tpu.memory_space<vmem>> -> memref<64xi32, #tpu.memory_space<vmem>>
      %dma_wait3A_167 = arith.constant 0 : i32
      %dma_wait3A_168 = arith.constant 0 : i32
      %dma_wait3A_169 = tpu.memref_slice %arg2[%dma_wait3A_167, %dma_wait3A_168] : memref<10000x128xf32, #tpu.memory_space<hbm>> -> memref<10000x128xf32, #tpu.memory_space<hbm>>
      tpu.wait_indirect_dma semaphore(%arg14 : memref<!tpu.dma_semaphore, #tpu.memory_space<semaphore_mem>>) src(%dma_wait3A_169 : memref<10000x128xf32, #tpu.memory_space<hbm>>) dst(%dma_wait3A_163 : memref<64x128xf32, #tpu.memory_space<vmem>>)
      %add3A_170 = arith.constant 1 : i32
      %add3A_171 = arith.addi %add3A_119, %add3A_170 : i32
      "tpu.region"() ({
        %run_scoped3A = tpu.sem_alloc : memref<!tpu.dma_semaphore, #tpu.memory_space<semaphore_mem>>
        %dma_start3A_181 = arith.constant 0 : i32
        %dma_start3A_182 = tpu.memref_slice %arg7[%add3A_171, %dma_start3A_181] : memref<40x128xi32, #tpu.memory_space<vmem>> -> memref<1x128xi32, #tpu.memory_space<vmem>>
        %dma_start3A_183 = tpu.memref_squeeze %dma_start3A_182 : memref<1x128xi32, #tpu.memory_space<vmem>> -> memref<128xi32, #tpu.memory_space<vmem>>
        %dma_start3A_184 = arith.constant 0 : i32
        %dma_start3A_185 = arith.constant 0 : i32
        %dma_start3A_186 = tpu.memref_slice %arg10[%dma_start3A_184, %dma_start3A_185] : memref<10000x128xf32, #tpu.memory_space<vmem_shared>> -> memref<10000x128xf32, #tpu.memory_space<vmem_shared>>
        tpu.enqueue_indirect_dma source(%arg9 : memref<128x128xf32, #tpu.memory_space<vmem>>) target(%dma_start3A_186 : memref<10000x128xf32, #tpu.memory_space<vmem_shared>>) offsets(%dma_start3A_183 : memref<128xi32, #tpu.memory_space<vmem>>) semaphore(%run_scoped3A : memref<!tpu.dma_semaphore, #tpu.memory_space<semaphore_mem>>) {add = true}
        %dma_wait3A_187 = arith.constant 0 : i32
        %dma_wait3A_188 = tpu.memref_slice %arg7[%add3A_171, %dma_wait3A_187] : memref<40x128xi32, #tpu.memory_space<vmem>> -> memref<1x128xi32, #tpu.memory_space<vmem>>
        %dma_wait3A_189 = tpu.memref_squeeze %dma_wait3A_188 : memref<1x128xi32, #tpu.memory_space<vmem>> -> memref<128xi32, #tpu.memory_space<vmem>>
        %dma_wait3A_190 = arith.constant 0 : i32
        %dma_wait3A_191 = arith.constant 0 : i32
        %dma_wait3A_192 = tpu.memref_slice %arg10[%dma_wait3A_190, %dma_wait3A_191] : memref<10000x128xf32, #tpu.memory_space<vmem_shared>> -> memref<10000x128xf32, #tpu.memory_space<vmem_shared>>
        tpu.wait_indirect_dma semaphore(%run_scoped3A : memref<!tpu.dma_semaphore, #tpu.memory_space<semaphore_mem>>) src(%arg9 : memref<128x128xf32, #tpu.memory_space<vmem>>) dst(%dma_wait3A_192 : memref<10000x128xf32, #tpu.memory_space<vmem_shared>>)
        tpu.yield
      }) : () -> ()
      %add3A_172 = arith.constant 1 : i32
      %add3A_173 = arith.addi %add3A_119, %add3A_172 : i32
      %add3A_174 = arith.constant 2 : i32
      %add3A_175 = arith.addi %add3A_173, %add3A_174 : i32
      %lt3A_176 = arith.constant 40 : i32
      %lt3A_177 = arith.cmpi slt, %add3A_175, %lt3A_176 : i32
      %convert_element_type3A_178 = arith.extui %lt3A_177 : i1 to i32
      %cond3A_179 = arith.constant 0 : i32
      %cond3A_180 = arith.cmpi ne, %convert_element_type3A_178, %cond3A_179 : i32
      scf.if %cond3A_180 {
        %add3A_181 = arith.constant 1 : i32
        %add3A_182 = arith.addi %add3A_119, %add3A_181 : i32
        %add3A_183 = arith.constant 2 : i32
        %add3A_184 = arith.addi %add3A_182, %add3A_183 : i32
        %dma_start3A_185 = arith.constant 0 : i32
        %dma_start3A_186 = arith.constant 0 : i32
        %dma_start3A_187 = tpu.memref_slice %arg9[%dma_start3A_185, %dma_start3A_186] : memref<128x128xf32, #tpu.memory_space<vmem>> -> memref<64x128xf32, #tpu.memory_space<vmem>>
        %dma_start3A_188 = arith.constant 0 : i32
        %dma_start3A_189 = tpu.memref_slice %arg6[%add3A_184, %dma_start3A_188] : memref<40x128xi32, #tpu.memory_space<vmem>> -> memref<1x64xi32, #tpu.memory_space<vmem>>
        %dma_start3A_190 = tpu.memref_squeeze %dma_start3A_189 : memref<1x64xi32, #tpu.memory_space<vmem>> -> memref<64xi32, #tpu.memory_space<vmem>>
        %dma_start3A_191 = arith.constant 0 : i32
        %dma_start3A_192 = arith.constant 0 : i32
        %dma_start3A_193 = tpu.memref_slice %arg2[%dma_start3A_191, %dma_start3A_192] : memref<10000x128xf32, #tpu.memory_space<hbm>> -> memref<10000x128xf32, #tpu.memory_space<hbm>>
        tpu.enqueue_indirect_dma source(%dma_start3A_193 : memref<10000x128xf32, #tpu.memory_space<hbm>>) target(%dma_start3A_187 : memref<64x128xf32, #tpu.memory_space<vmem>>) offsets(%dma_start3A_190 : memref<64xi32, #tpu.memory_space<vmem>>) semaphore(%arg13 : memref<!tpu.dma_semaphore, #tpu.memory_space<semaphore_mem>>)
        %dma_start3A_194 = arith.constant 64 : i32
        %dma_start3A_195 = arith.constant 0 : i32
        %dma_start3A_196 = tpu.memref_slice %arg9[%dma_start3A_194, %dma_start3A_195] : memref<128x128xf32, #tpu.memory_space<vmem>> -> memref<64x128xf32, #tpu.memory_space<vmem>>
        %dma_start3A_197 = arith.constant 64 : i32
        %dma_start3A_198 = tpu.memref_slice %arg6[%add3A_184, %dma_start3A_197] : memref<40x128xi32, #tpu.memory_space<vmem>> -> memref<1x64xi32, #tpu.memory_space<vmem>>
        %dma_start3A_199 = tpu.memref_squeeze %dma_start3A_198 : memref<1x64xi32, #tpu.memory_space<vmem>> -> memref<64xi32, #tpu.memory_space<vmem>>
        %dma_start3A_200 = arith.constant 0 : i32
        %dma_start3A_201 = arith.constant 0 : i32
        %dma_start3A_202 = tpu.memref_slice %arg2[%dma_start3A_200, %dma_start3A_201] : memref<10000x128xf32, #tpu.memory_space<hbm>> -> memref<10000x128xf32, #tpu.memory_space<hbm>>
        tpu.enqueue_indirect_dma source(%dma_start3A_202 : memref<10000x128xf32, #tpu.memory_space<hbm>>) target(%dma_start3A_196 : memref<64x128xf32, #tpu.memory_space<vmem>>) offsets(%dma_start3A_199 : memref<64xi32, #tpu.memory_space<vmem>>) semaphore(%arg14 : memref<!tpu.dma_semaphore, #tpu.memory_space<semaphore_mem>>)
      } else {
      }
    }
    %scan3A_58 = arith.constant 20 : i32
    %mul3A_59 = arith.constant 80 : i32
    %mul3A_60 = arith.muli %add3A, %mul3A_59 : i32
    %add3A_61 = arith.constant 40 : i32
    %add3A_62 = arith.addi %mul3A_60, %add3A_61 : i32
    "tpu.region"() ({
      %run_scoped3A = tpu.sem_alloc : memref<!tpu.dma_semaphore, #tpu.memory_space<semaphore_mem>>
      %dma_start3A_115 = arith.constant 0 : i32
      %dma_start3A_116 = tpu.memref_slice %arg3[%add3A_62, %dma_start3A_115] : memref<2560x128xi32, #tpu.memory_space<hbm>> -> memref<40x128xi32, #tpu.memory_space<hbm>>
      %dma_start3A_117 = arith.constant 0 : i32
      %dma_start3A_118 = tpu.memref_slice %arg3[%add3A_62, %dma_start3A_117] : memref<2560x128xi32, #tpu.memory_space<hbm>> -> memref<40x128xi32, #tpu.memory_space<hbm>>
      tpu.enqueue_dma source(%dma_start3A_118 : memref<40x128xi32, #tpu.memory_space<hbm>>) target(%arg6 : memref<40x128xi32, #tpu.memory_space<vmem>>) target_semaphore(%run_scoped3A : memref<!tpu.dma_semaphore, #tpu.memory_space<semaphore_mem>>)
      %dma_wait3A = arith.constant 0 : i32
      %dma_wait3A_119 = tpu.memref_slice %arg3[%add3A_62, %dma_wait3A] : memref<2560x128xi32, #tpu.memory_space<hbm>> -> memref<40x128xi32, #tpu.memory_space<hbm>>
      %dma_wait3A_120 = arith.constant 0 : i32
      %dma_wait3A_121 = tpu.memref_slice %arg3[%add3A_62, %dma_wait3A_120] : memref<2560x128xi32, #tpu.memory_space<hbm>> -> memref<40x128xi32, #tpu.memory_space<hbm>>
      tpu.wait_dma2 semaphore(%run_scoped3A : memref<!tpu.dma_semaphore, #tpu.memory_space<semaphore_mem>>) src(%dma_wait3A_121 : memref<40x128xi32, #tpu.memory_space<hbm>>) dst(%arg6 : memref<40x128xi32, #tpu.memory_space<vmem>>)
      tpu.yield
    }) : () -> ()
    "tpu.region"() ({
      %run_scoped3A = tpu.sem_alloc : memref<!tpu.dma_semaphore, #tpu.memory_space<semaphore_mem>>
      %dma_start3A_115 = arith.constant 0 : i32
      %dma_start3A_116 = tpu.memref_slice %arg4[%add3A_62, %dma_start3A_115] : memref<2560x128xi32, #tpu.memory_space<hbm>> -> memref<40x128xi32, #tpu.memory_space<hbm>>
      %dma_start3A_117 = arith.constant 0 : i32
      %dma_start3A_118 = tpu.memref_slice %arg4[%add3A_62, %dma_start3A_117] : memref<2560x128xi32, #tpu.memory_space<hbm>> -> memref<40x128xi32, #tpu.memory_space<hbm>>
      tpu.enqueue_dma source(%dma_start3A_118 : memref<40x128xi32, #tpu.memory_space<hbm>>) target(%arg7 : memref<40x128xi32, #tpu.memory_space<vmem>>) target_semaphore(%run_scoped3A : memref<!tpu.dma_semaphore, #tpu.memory_space<semaphore_mem>>)
      %dma_wait3A = arith.constant 0 : i32
      %dma_wait3A_119 = tpu.memref_slice %arg4[%add3A_62, %dma_wait3A] : memref<2560x128xi32, #tpu.memory_space<hbm>> -> memref<40x128xi32, #tpu.memory_space<hbm>>
      %dma_wait3A_120 = arith.constant 0 : i32
      %dma_wait3A_121 = tpu.memref_slice %arg4[%add3A_62, %dma_wait3A_120] : memref<2560x128xi32, #tpu.memory_space<hbm>> -> memref<40x128xi32, #tpu.memory_space<hbm>>
      tpu.wait_dma2 semaphore(%run_scoped3A : memref<!tpu.dma_semaphore, #tpu.memory_space<semaphore_mem>>) src(%dma_wait3A_121 : memref<40x128xi32, #tpu.memory_space<hbm>>) dst(%arg7 : memref<40x128xi32, #tpu.memory_space<vmem>>)
      tpu.yield
    }) : () -> ()
    %dma_start3A_63 = arith.constant 0 : i32
    %dma_start3A_64 = arith.constant 0 : i32
    %dma_start3A_65 = arith.constant 0 : i32
    %dma_start3A_66 = tpu.memref_slice %arg8[%dma_start3A_64, %dma_start3A_65] : memref<128x128xf32, #tpu.memory_space<vmem>> -> memref<64x128xf32, #tpu.memory_space<vmem>>
    %dma_start3A_67 = arith.constant 0 : i32
    %dma_start3A_68 = tpu.memref_slice %arg6[%dma_start3A_63, %dma_start3A_67] : memref<40x128xi32, #tpu.memory_space<vmem>> -> memref<1x64xi32, #tpu.memory_space<vmem>>
    %dma_start3A_69 = tpu.memref_squeeze %dma_start3A_68 : memref<1x64xi32, #tpu.memory_space<vmem>> -> memref<64xi32, #tpu.memory_space<vmem>>
    %dma_start3A_70 = arith.constant 0 : i32
    %dma_start3A_71 = arith.constant 0 : i32
    %dma_start3A_72 = tpu.memref_slice %arg2[%dma_start3A_70, %dma_start3A_71] : memref<10000x128xf32, #tpu.memory_space<hbm>> -> memref<10000x128xf32, #tpu.memory_space<hbm>>
    tpu.enqueue_indirect_dma source(%dma_start3A_72 : memref<10000x128xf32, #tpu.memory_space<hbm>>) target(%dma_start3A_66 : memref<64x128xf32, #tpu.memory_space<vmem>>) offsets(%dma_start3A_69 : memref<64xi32, #tpu.memory_space<vmem>>) semaphore(%arg11 : memref<!tpu.dma_semaphore, #tpu.memory_space<semaphore_mem>>)
    %dma_start3A_73 = arith.constant 0 : i32
    %dma_start3A_74 = arith.constant 64 : i32
    %dma_start3A_75 = arith.constant 0 : i32
    %dma_start3A_76 = tpu.memref_slice %arg8[%dma_start3A_74, %dma_start3A_75] : memref<128x128xf32, #tpu.memory_space<vmem>> -> memref<64x128xf32, #tpu.memory_space<vmem>>
    %dma_start3A_77 = arith.constant 64 : i32
    %dma_start3A_78 = tpu.memref_slice %arg6[%dma_start3A_73, %dma_start3A_77] : memref<40x128xi32, #tpu.memory_space<vmem>> -> memref<1x64xi32, #tpu.memory_space<vmem>>
    %dma_start3A_79 = tpu.memref_squeeze %dma_start3A_78 : memref<1x64xi32, #tpu.memory_space<vmem>> -> memref<64xi32, #tpu.memory_space<vmem>>
    %dma_start3A_80 = arith.constant 0 : i32
    %dma_start3A_81 = arith.constant 0 : i32
    %dma_start3A_82 = tpu.memref_slice %arg2[%dma_start3A_80, %dma_start3A_81] : memref<10000x128xf32, #tpu.memory_space<hbm>> -> memref<10000x128xf32, #tpu.memory_space<hbm>>
    tpu.enqueue_indirect_dma source(%dma_start3A_82 : memref<10000x128xf32, #tpu.memory_space<hbm>>) target(%dma_start3A_76 : memref<64x128xf32, #tpu.memory_space<vmem>>) offsets(%dma_start3A_79 : memref<64xi32, #tpu.memory_space<vmem>>) semaphore(%arg12 : memref<!tpu.dma_semaphore, #tpu.memory_space<semaphore_mem>>)
    %dma_start3A_83 = arith.constant 1 : i32
    %dma_start3A_84 = arith.constant 0 : i32
    %dma_start3A_85 = arith.constant 0 : i32
    %dma_start3A_86 = tpu.memref_slice %arg9[%dma_start3A_84, %dma_start3A_85] : memref<128x128xf32, #tpu.memory_space<vmem>> -> memref<64x128xf32, #tpu.memory_space<vmem>>
    %dma_start3A_87 = arith.constant 0 : i32
    %dma_start3A_88 = tpu.memref_slice %arg6[%dma_start3A_83, %dma_start3A_87] : memref<40x128xi32, #tpu.memory_space<vmem>> -> memref<1x64xi32, #tpu.memory_space<vmem>>
    %dma_start3A_89 = tpu.memref_squeeze %dma_start3A_88 : memref<1x64xi32, #tpu.memory_space<vmem>> -> memref<64xi32, #tpu.memory_space<vmem>>
    %dma_start3A_90 = arith.constant 0 : i32
    %dma_start3A_91 = arith.constant 0 : i32
    %dma_start3A_92 = tpu.memref_slice %arg2[%dma_start3A_90, %dma_start3A_91] : memref<10000x128xf32, #tpu.memory_space<hbm>> -> memref<10000x128xf32, #tpu.memory_space<hbm>>
    tpu.enqueue_indirect_dma source(%dma_start3A_92 : memref<10000x128xf32, #tpu.memory_space<hbm>>) target(%dma_start3A_86 : memref<64x128xf32, #tpu.memory_space<vmem>>) offsets(%dma_start3A_89 : memref<64xi32, #tpu.memory_space<vmem>>) semaphore(%arg13 : memref<!tpu.dma_semaphore, #tpu.memory_space<semaphore_mem>>)
    %dma_start3A_93 = arith.constant 1 : i32
    %dma_start3A_94 = arith.constant 64 : i32
    %dma_start3A_95 = arith.constant 0 : i32
    %dma_start3A_96 = tpu.memref_slice %arg9[%dma_start3A_94, %dma_start3A_95] : memref<128x128xf32, #tpu.memory_space<vmem>> -> memref<64x128xf32, #tpu.memory_space<vmem>>
    %dma_start3A_97 = arith.constant 64 : i32
    %dma_start3A_98 = tpu.memref_slice %arg6[%dma_start3A_93, %dma_start3A_97] : memref<40x128xi32, #tpu.memory_space<vmem>> -> memref<1x64xi32, #tpu.memory_space<vmem>>
    %dma_start3A_99 = tpu.memref_squeeze %dma_start3A_98 : memref<1x64xi32, #tpu.memory_space<vmem>> -> memref<64xi32, #tpu.memory_space<vmem>>
    %dma_start3A_100 = arith.constant 0 : i32
    %dma_start3A_101 = arith.constant 0 : i32
    %dma_start3A_102 = tpu.memref_slice %arg2[%dma_start3A_100, %dma_start3A_101] : memref<10000x128xf32, #tpu.memory_space<hbm>> -> memref<10000x128xf32, #tpu.memory_space<hbm>>
    tpu.enqueue_indirect_dma source(%dma_start3A_102 : memref<10000x128xf32, #tpu.memory_space<hbm>>) target(%dma_start3A_96 : memref<64x128xf32, #tpu.memory_space<vmem>>) offsets(%dma_start3A_99 : memref<64xi32, #tpu.memory_space<vmem>>) semaphore(%arg14 : memref<!tpu.dma_semaphore, #tpu.memory_space<semaphore_mem>>)
    %scan3A_103 = arith.constant 0 : i32
    %scan3A_104 = arith.constant 20 : i32
    %scan3A_105 = arith.addi %scan3A_103, %scan3A_104 : i32
    %scan3A_106 = arith.constant 1 : i32
    scf.for %scan3A_115 = %scan3A_103 to %scan3A_105 step %scan3A_106  : i32 {
      %mul3A_116 = arith.constant 2 : i32
      %mul3A_117 = arith.muli %scan3A_115, %mul3A_116 : i32
      %add3A_118 = arith.constant 0 : i32
      %add3A_119 = arith.addi %add3A_118, %mul3A_117 : i32
      %add3A_120 = arith.constant 0 : i32
      %add3A_121 = arith.addi %add3A_119, %add3A_120 : i32
      %dma_wait3A = arith.constant 0 : i32
      %dma_wait3A_122 = arith.constant 0 : i32
      %dma_wait3A_123 = tpu.memref_slice %arg8[%dma_wait3A, %dma_wait3A_122] : memref<128x128xf32, #tpu.memory_space<vmem>> -> memref<64x128xf32, #tpu.memory_space<vmem>>
      %dma_wait3A_124 = arith.constant 0 : i32
      %dma_wait3A_125 = tpu.memref_slice %arg6[%add3A_121, %dma_wait3A_124] : memref<40x128xi32, #tpu.memory_space<vmem>> -> memref<1x64xi32, #tpu.memory_space<vmem>>
      %dma_wait3A_126 = tpu.memref_squeeze %dma_wait3A_125 : memref<1x64xi32, #tpu.memory_space<vmem>> -> memref<64xi32, #tpu.memory_space<vmem>>
      %dma_wait3A_127 = arith.constant 0 : i32
      %dma_wait3A_128 = arith.constant 0 : i32
      %dma_wait3A_129 = tpu.memref_slice %arg2[%dma_wait3A_127, %dma_wait3A_128] : memref<10000x128xf32, #tpu.memory_space<hbm>> -> memref<10000x128xf32, #tpu.memory_space<hbm>>
      tpu.wait_indirect_dma semaphore(%arg11 : memref<!tpu.dma_semaphore, #tpu.memory_space<semaphore_mem>>) src(%dma_wait3A_129 : memref<10000x128xf32, #tpu.memory_space<hbm>>) dst(%dma_wait3A_123 : memref<64x128xf32, #tpu.memory_space<vmem>>)
      %dma_wait3A_130 = arith.constant 64 : i32
      %dma_wait3A_131 = arith.constant 0 : i32
      %dma_wait3A_132 = tpu.memref_slice %arg8[%dma_wait3A_130, %dma_wait3A_131] : memref<128x128xf32, #tpu.memory_space<vmem>> -> memref<64x128xf32, #tpu.memory_space<vmem>>
      %dma_wait3A_133 = arith.constant 64 : i32
      %dma_wait3A_134 = tpu.memref_slice %arg6[%add3A_121, %dma_wait3A_133] : memref<40x128xi32, #tpu.memory_space<vmem>> -> memref<1x64xi32, #tpu.memory_space<vmem>>
      %dma_wait3A_135 = tpu.memref_squeeze %dma_wait3A_134 : memref<1x64xi32, #tpu.memory_space<vmem>> -> memref<64xi32, #tpu.memory_space<vmem>>
      %dma_wait3A_136 = arith.constant 0 : i32
      %dma_wait3A_137 = arith.constant 0 : i32
      %dma_wait3A_138 = tpu.memref_slice %arg2[%dma_wait3A_136, %dma_wait3A_137] : memref<10000x128xf32, #tpu.memory_space<hbm>> -> memref<10000x128xf32, #tpu.memory_space<hbm>>
      tpu.wait_indirect_dma semaphore(%arg12 : memref<!tpu.dma_semaphore, #tpu.memory_space<semaphore_mem>>) src(%dma_wait3A_138 : memref<10000x128xf32, #tpu.memory_space<hbm>>) dst(%dma_wait3A_132 : memref<64x128xf32, #tpu.memory_space<vmem>>)
      %add3A_139 = arith.constant 0 : i32
      %add3A_140 = arith.addi %add3A_119, %add3A_139 : i32
      "tpu.region"() ({
        %run_scoped3A = tpu.sem_alloc : memref<!tpu.dma_semaphore, #tpu.memory_space<semaphore_mem>>
        %dma_start3A_181 = arith.constant 0 : i32
        %dma_start3A_182 = tpu.memref_slice %arg7[%add3A_140, %dma_start3A_181] : memref<40x128xi32, #tpu.memory_space<vmem>> -> memref<1x128xi32, #tpu.memory_space<vmem>>
        %dma_start3A_183 = tpu.memref_squeeze %dma_start3A_182 : memref<1x128xi32, #tpu.memory_space<vmem>> -> memref<128xi32, #tpu.memory_space<vmem>>
        %dma_start3A_184 = arith.constant 0 : i32
        %dma_start3A_185 = arith.constant 0 : i32
        %dma_start3A_186 = tpu.memref_slice %arg10[%dma_start3A_184, %dma_start3A_185] : memref<10000x128xf32, #tpu.memory_space<vmem_shared>> -> memref<10000x128xf32, #tpu.memory_space<vmem_shared>>
        tpu.enqueue_indirect_dma source(%arg8 : memref<128x128xf32, #tpu.memory_space<vmem>>) target(%dma_start3A_186 : memref<10000x128xf32, #tpu.memory_space<vmem_shared>>) offsets(%dma_start3A_183 : memref<128xi32, #tpu.memory_space<vmem>>) semaphore(%run_scoped3A : memref<!tpu.dma_semaphore, #tpu.memory_space<semaphore_mem>>) {add = true}
        %dma_wait3A_187 = arith.constant 0 : i32
        %dma_wait3A_188 = tpu.memref_slice %arg7[%add3A_140, %dma_wait3A_187] : memref<40x128xi32, #tpu.memory_space<vmem>> -> memref<1x128xi32, #tpu.memory_space<vmem>>
        %dma_wait3A_189 = tpu.memref_squeeze %dma_wait3A_188 : memref<1x128xi32, #tpu.memory_space<vmem>> -> memref<128xi32, #tpu.memory_space<vmem>>
        %dma_wait3A_190 = arith.constant 0 : i32
        %dma_wait3A_191 = arith.constant 0 : i32
        %dma_wait3A_192 = tpu.memref_slice %arg10[%dma_wait3A_190, %dma_wait3A_191] : memref<10000x128xf32, #tpu.memory_space<vmem_shared>> -> memref<10000x128xf32, #tpu.memory_space<vmem_shared>>
        tpu.wait_indirect_dma semaphore(%run_scoped3A : memref<!tpu.dma_semaphore, #tpu.memory_space<semaphore_mem>>) src(%arg8 : memref<128x128xf32, #tpu.memory_space<vmem>>) dst(%dma_wait3A_192 : memref<10000x128xf32, #tpu.memory_space<vmem_shared>>)
        tpu.yield
      }) : () -> ()
      %add3A_141 = arith.constant 0 : i32
      %add3A_142 = arith.addi %add3A_119, %add3A_141 : i32
      %add3A_143 = arith.constant 2 : i32
      %add3A_144 = arith.addi %add3A_142, %add3A_143 : i32
      %lt3A_145 = arith.constant 40 : i32
      %lt3A_146 = arith.cmpi slt, %add3A_144, %lt3A_145 : i32
      %convert_element_type3A_147 = arith.extui %lt3A_146 : i1 to i32
      %cond3A_148 = arith.constant 0 : i32
      %cond3A_149 = arith.cmpi ne, %convert_element_type3A_147, %cond3A_148 : i32
      scf.if %cond3A_149 {
        %add3A_181 = arith.constant 0 : i32
        %add3A_182 = arith.addi %add3A_119, %add3A_181 : i32
        %add3A_183 = arith.constant 2 : i32
        %add3A_184 = arith.addi %add3A_182, %add3A_183 : i32
        %dma_start3A_185 = arith.constant 0 : i32
        %dma_start3A_186 = arith.constant 0 : i32
        %dma_start3A_187 = tpu.memref_slice %arg8[%dma_start3A_185, %dma_start3A_186] : memref<128x128xf32, #tpu.memory_space<vmem>> -> memref<64x128xf32, #tpu.memory_space<vmem>>
        %dma_start3A_188 = arith.constant 0 : i32
        %dma_start3A_189 = tpu.memref_slice %arg6[%add3A_184, %dma_start3A_188] : memref<40x128xi32, #tpu.memory_space<vmem>> -> memref<1x64xi32, #tpu.memory_space<vmem>>
        %dma_start3A_190 = tpu.memref_squeeze %dma_start3A_189 : memref<1x64xi32, #tpu.memory_space<vmem>> -> memref<64xi32, #tpu.memory_space<vmem>>
        %dma_start3A_191 = arith.constant 0 : i32
        %dma_start3A_192 = arith.constant 0 : i32
        %dma_start3A_193 = tpu.memref_slice %arg2[%dma_start3A_191, %dma_start3A_192] : memref<10000x128xf32, #tpu.memory_space<hbm>> -> memref<10000x128xf32, #tpu.memory_space<hbm>>
        tpu.enqueue_indirect_dma source(%dma_start3A_193 : memref<10000x128xf32, #tpu.memory_space<hbm>>) target(%dma_start3A_187 : memref<64x128xf32, #tpu.memory_space<vmem>>) offsets(%dma_start3A_190 : memref<64xi32, #tpu.memory_space<vmem>>) semaphore(%arg11 : memref<!tpu.dma_semaphore, #tpu.memory_space<semaphore_mem>>)
        %dma_start3A_194 = arith.constant 64 : i32
        %dma_start3A_195 = arith.constant 0 : i32
        %dma_start3A_196 = tpu.memref_slice %arg8[%dma_start3A_194, %dma_start3A_195] : memref<128x128xf32, #tpu.memory_space<vmem>> -> memref<64x128xf32, #tpu.memory_space<vmem>>
        %dma_start3A_197 = arith.constant 64 : i32
        %dma_start3A_198 = tpu.memref_slice %arg6[%add3A_184, %dma_start3A_197] : memref<40x128xi32, #tpu.memory_space<vmem>> -> memref<1x64xi32, #tpu.memory_space<vmem>>
        %dma_start3A_199 = tpu.memref_squeeze %dma_start3A_198 : memref<1x64xi32, #tpu.memory_space<vmem>> -> memref<64xi32, #tpu.memory_space<vmem>>
        %dma_start3A_200 = arith.constant 0 : i32
        %dma_start3A_201 = arith.constant 0 : i32
        %dma_start3A_202 = tpu.memref_slice %arg2[%dma_start3A_200, %dma_start3A_201] : memref<10000x128xf32, #tpu.memory_space<hbm>> -> memref<10000x128xf32, #tpu.memory_space<hbm>>
        tpu.enqueue_indirect_dma source(%dma_start3A_202 : memref<10000x128xf32, #tpu.memory_space<hbm>>) target(%dma_start3A_196 : memref<64x128xf32, #tpu.memory_space<vmem>>) offsets(%dma_start3A_199 : memref<64xi32, #tpu.memory_space<vmem>>) semaphore(%arg12 : memref<!tpu.dma_semaphore, #tpu.memory_space<semaphore_mem>>)
      } else {
      }
      %add3A_150 = arith.constant 1 : i32
      %add3A_151 = arith.addi %add3A_119, %add3A_150 : i32
      %dma_wait3A_152 = arith.constant 0 : i32
      %dma_wait3A_153 = arith.constant 0 : i32
      %dma_wait3A_154 = tpu.memref_slice %arg9[%dma_wait3A_152, %dma_wait3A_153] : memref<128x128xf32, #tpu.memory_space<vmem>> -> memref<64x128xf32, #tpu.memory_space<vmem>>
      %dma_wait3A_155 = arith.constant 0 : i32
      %dma_wait3A_156 = tpu.memref_slice %arg6[%add3A_151, %dma_wait3A_155] : memref<40x128xi32, #tpu.memory_space<vmem>> -> memref<1x64xi32, #tpu.memory_space<vmem>>
      %dma_wait3A_157 = tpu.memref_squeeze %dma_wait3A_156 : memref<1x64xi32, #tpu.memory_space<vmem>> -> memref<64xi32, #tpu.memory_space<vmem>>
      %dma_wait3A_158 = arith.constant 0 : i32
      %dma_wait3A_159 = arith.constant 0 : i32
      %dma_wait3A_160 = tpu.memref_slice %arg2[%dma_wait3A_158, %dma_wait3A_159] : memref<10000x128xf32, #tpu.memory_space<hbm>> -> memref<10000x128xf32, #tpu.memory_space<hbm>>
      tpu.wait_indirect_dma semaphore(%arg13 : memref<!tpu.dma_semaphore, #tpu.memory_space<semaphore_mem>>) src(%dma_wait3A_160 : memref<10000x128xf32, #tpu.memory_space<hbm>>) dst(%dma_wait3A_154 : memref<64x128xf32, #tpu.memory_space<vmem>>)
      %dma_wait3A_161 = arith.constant 64 : i32
      %dma_wait3A_162 = arith.constant 0 : i32
      %dma_wait3A_163 = tpu.memref_slice %arg9[%dma_wait3A_161, %dma_wait3A_162] : memref<128x128xf32, #tpu.memory_space<vmem>> -> memref<64x128xf32, #tpu.memory_space<vmem>>
      %dma_wait3A_164 = arith.constant 64 : i32
      %dma_wait3A_165 = tpu.memref_slice %arg6[%add3A_151, %dma_wait3A_164] : memref<40x128xi32, #tpu.memory_space<vmem>> -> memref<1x64xi32, #tpu.memory_space<vmem>>
      %dma_wait3A_166 = tpu.memref_squeeze %dma_wait3A_165 : memref<1x64xi32, #tpu.memory_space<vmem>> -> memref<64xi32, #tpu.memory_space<vmem>>
      %dma_wait3A_167 = arith.constant 0 : i32
      %dma_wait3A_168 = arith.constant 0 : i32
      %dma_wait3A_169 = tpu.memref_slice %arg2[%dma_wait3A_167, %dma_wait3A_168] : memref<10000x128xf32, #tpu.memory_space<hbm>> -> memref<10000x128xf32, #tpu.memory_space<hbm>>
      tpu.wait_indirect_dma semaphore(%arg14 : memref<!tpu.dma_semaphore, #tpu.memory_space<semaphore_mem>>) src(%dma_wait3A_169 : memref<10000x128xf32, #tpu.memory_space<hbm>>) dst(%dma_wait3A_163 : memref<64x128xf32, #tpu.memory_space<vmem>>)
      %add3A_170 = arith.constant 1 : i32
      %add3A_171 = arith.addi %add3A_119, %add3A_170 : i32
      "tpu.region"() ({
        %run_scoped3A = tpu.sem_alloc : memref<!tpu.dma_semaphore, #tpu.memory_space<semaphore_mem>>
        %dma_start3A_181 = arith.constant 0 : i32
        %dma_start3A_182 = tpu.memref_slice %arg7[%add3A_171, %dma_start3A_181] : memref<40x128xi32, #tpu.memory_space<vmem>> -> memref<1x128xi32, #tpu.memory_space<vmem>>
        %dma_start3A_183 = tpu.memref_squeeze %dma_start3A_182 : memref<1x128xi32, #tpu.memory_space<vmem>> -> memref<128xi32, #tpu.memory_space<vmem>>
        %dma_start3A_184 = arith.constant 0 : i32
        %dma_start3A_185 = arith.constant 0 : i32
        %dma_start3A_186 = tpu.memref_slice %arg10[%dma_start3A_184, %dma_start3A_185] : memref<10000x128xf32, #tpu.memory_space<vmem_shared>> -> memref<10000x128xf32, #tpu.memory_space<vmem_shared>>
        tpu.enqueue_indirect_dma source(%arg9 : memref<128x128xf32, #tpu.memory_space<vmem>>) target(%dma_start3A_186 : memref<10000x128xf32, #tpu.memory_space<vmem_shared>>) offsets(%dma_start3A_183 : memref<128xi32, #tpu.memory_space<vmem>>) semaphore(%run_scoped3A : memref<!tpu.dma_semaphore, #tpu.memory_space<semaphore_mem>>) {add = true}
        %dma_wait3A_187 = arith.constant 0 : i32
        %dma_wait3A_188 = tpu.memref_slice %arg7[%add3A_171, %dma_wait3A_187] : memref<40x128xi32, #tpu.memory_space<vmem>> -> memref<1x128xi32, #tpu.memory_space<vmem>>
        %dma_wait3A_189 = tpu.memref_squeeze %dma_wait3A_188 : memref<1x128xi32, #tpu.memory_space<vmem>> -> memref<128xi32, #tpu.memory_space<vmem>>
        %dma_wait3A_190 = arith.constant 0 : i32
        %dma_wait3A_191 = arith.constant 0 : i32
        %dma_wait3A_192 = tpu.memref_slice %arg10[%dma_wait3A_190, %dma_wait3A_191] : memref<10000x128xf32, #tpu.memory_space<vmem_shared>> -> memref<10000x128xf32, #tpu.memory_space<vmem_shared>>
        tpu.wait_indirect_dma semaphore(%run_scoped3A : memref<!tpu.dma_semaphore, #tpu.memory_space<semaphore_mem>>) src(%arg9 : memref<128x128xf32, #tpu.memory_space<vmem>>) dst(%dma_wait3A_192 : memref<10000x128xf32, #tpu.memory_space<vmem_shared>>)
        tpu.yield
      }) : () -> ()
      %add3A_172 = arith.constant 1 : i32
      %add3A_173 = arith.addi %add3A_119, %add3A_172 : i32
      %add3A_174 = arith.constant 2 : i32
      %add3A_175 = arith.addi %add3A_173, %add3A_174 : i32
      %lt3A_176 = arith.constant 40 : i32
      %lt3A_177 = arith.cmpi slt, %add3A_175, %lt3A_176 : i32
      %convert_element_type3A_178 = arith.extui %lt3A_177 : i1 to i32
      %cond3A_179 = arith.constant 0 : i32
      %cond3A_180 = arith.cmpi ne, %convert_element_type3A_178, %cond3A_179 : i32
      scf.if %cond3A_180 {
        %add3A_181 = arith.constant 1 : i32
        %add3A_182 = arith.addi %add3A_119, %add3A_181 : i32
        %add3A_183 = arith.constant 2 : i32
        %add3A_184 = arith.addi %add3A_182, %add3A_183 : i32
        %dma_start3A_185 = arith.constant 0 : i32
        %dma_start3A_186 = arith.constant 0 : i32
        %dma_start3A_187 = tpu.memref_slice %arg9[%dma_start3A_185, %dma_start3A_186] : memref<128x128xf32, #tpu.memory_space<vmem>> -> memref<64x128xf32, #tpu.memory_space<vmem>>
        %dma_start3A_188 = arith.constant 0 : i32
        %dma_start3A_189 = tpu.memref_slice %arg6[%add3A_184, %dma_start3A_188] : memref<40x128xi32, #tpu.memory_space<vmem>> -> memref<1x64xi32, #tpu.memory_space<vmem>>
        %dma_start3A_190 = tpu.memref_squeeze %dma_start3A_189 : memref<1x64xi32, #tpu.memory_space<vmem>> -> memref<64xi32, #tpu.memory_space<vmem>>
        %dma_start3A_191 = arith.constant 0 : i32
        %dma_start3A_192 = arith.constant 0 : i32
        %dma_start3A_193 = tpu.memref_slice %arg2[%dma_start3A_191, %dma_start3A_192] : memref<10000x128xf32, #tpu.memory_space<hbm>> -> memref<10000x128xf32, #tpu.memory_space<hbm>>
        tpu.enqueue_indirect_dma source(%dma_start3A_193 : memref<10000x128xf32, #tpu.memory_space<hbm>>) target(%dma_start3A_187 : memref<64x128xf32, #tpu.memory_space<vmem>>) offsets(%dma_start3A_190 : memref<64xi32, #tpu.memory_space<vmem>>) semaphore(%arg13 : memref<!tpu.dma_semaphore, #tpu.memory_space<semaphore_mem>>)
        %dma_start3A_194 = arith.constant 64 : i32
        %dma_start3A_195 = arith.constant 0 : i32
        %dma_start3A_196 = tpu.memref_slice %arg9[%dma_start3A_194, %dma_start3A_195] : memref<128x128xf32, #tpu.memory_space<vmem>> -> memref<64x128xf32, #tpu.memory_space<vmem>>
        %dma_start3A_197 = arith.constant 64 : i32
        %dma_start3A_198 = tpu.memref_slice %arg6[%add3A_184, %dma_start3A_197] : memref<40x128xi32, #tpu.memory_space<vmem>> -> memref<1x64xi32, #tpu.memory_space<vmem>>
        %dma_start3A_199 = tpu.memref_squeeze %dma_start3A_198 : memref<1x64xi32, #tpu.memory_space<vmem>> -> memref<64xi32, #tpu.memory_space<vmem>>
        %dma_start3A_200 = arith.constant 0 : i32
        %dma_start3A_201 = arith.constant 0 : i32
        %dma_start3A_202 = tpu.memref_slice %arg2[%dma_start3A_200, %dma_start3A_201] : memref<10000x128xf32, #tpu.memory_space<hbm>> -> memref<10000x128xf32, #tpu.memory_space<hbm>>
        tpu.enqueue_indirect_dma source(%dma_start3A_202 : memref<10000x128xf32, #tpu.memory_space<hbm>>) target(%dma_start3A_196 : memref<64x128xf32, #tpu.memory_space<vmem>>) offsets(%dma_start3A_199 : memref<64xi32, #tpu.memory_space<vmem>>) semaphore(%arg14 : memref<!tpu.dma_semaphore, #tpu.memory_space<semaphore_mem>>)
      } else {
      }
    }
    %scan3A_107 = arith.constant 20 : i32
    %barrier3A_108 = arith.constant 0 : index
    tpu.barrier barrier_id(%barrier3A_108)
    %lt3A = arith.constant 15 : i32
    %lt3A_109 = arith.cmpi slt, %arg1, %lt3A : i32
    %convert_element_type3A = arith.extui %lt3A_109 : i1 to i32
    %cond3A = arith.constant 0 : i32
    %cond3A_110 = arith.cmpi ne, %convert_element_type3A, %cond3A : i32
    scf.if %cond3A_110 {
      %mul3A_115 = arith.constant 632 : i32
      %mul3A_116 = arith.muli %arg1, %mul3A_115 : i32
      %mul3A_117 = arith.constant 10000 : i32
      %mul3A_118 = arith.muli %arg0, %mul3A_117 : i32
      %mul3A_119 = arith.constant 632 : i32
      %mul3A_120 = arith.muli %arg1, %mul3A_119 : i32
      %add3A_121 = arith.addi %mul3A_118, %mul3A_120 : i32
      "tpu.region"() ({
        %run_scoped3A = tpu.sem_alloc : memref<!tpu.dma_semaphore, #tpu.memory_space<semaphore_mem>>
        %dma_start3A_122 = arith.constant 0 : i32
        %dma_start3A_123 = tpu.memref_slice %arg5[%add3A_121, %dma_start3A_122] : memref<20000x128xf32, #tpu.memory_space<hbm>> -> memref<632x128xf32, #tpu.memory_space<hbm>>
        %dma_start3A_124 = arith.constant 0 : i32
        %dma_start3A_125 = tpu.memref_slice %arg10[%mul3A_116, %dma_start3A_124] : memref<10000x128xf32, #tpu.memory_space<vmem_shared>> -> memref<632x128xf32, #tpu.memory_space<vmem_shared>>
        tpu.enqueue_dma source(%dma_start3A_125 : memref<632x128xf32, #tpu.memory_space<vmem_shared>>) target(%dma_start3A_123 : memref<632x128xf32, #tpu.memory_space<hbm>>) target_semaphore(%run_scoped3A : memref<!tpu.dma_semaphore, #tpu.memory_space<semaphore_mem>>)
        %dma_wait3A = arith.constant 0 : i32
        %dma_wait3A_126 = tpu.memref_slice %arg5[%add3A_121, %dma_wait3A] : memref<20000x128xf32, #tpu.memory_space<hbm>> -> memref<632x128xf32, #tpu.memory_space<hbm>>
        %dma_wait3A_127 = arith.constant 0 : i32
        %dma_wait3A_128 = tpu.memref_slice %arg10[%mul3A_116, %dma_wait3A_127] : memref<10000x128xf32, #tpu.memory_space<vmem_shared>> -> memref<632x128xf32, #tpu.memory_space<vmem_shared>>
        tpu.wait_dma2 semaphore(%run_scoped3A : memref<!tpu.dma_semaphore, #tpu.memory_space<semaphore_mem>>) src(%dma_wait3A_128 : memref<632x128xf32, #tpu.memory_space<vmem_shared>>) dst(%dma_wait3A_126 : memref<632x128xf32, #tpu.memory_space<hbm>>)
        tpu.yield
      }) : () -> ()
    } else {
    }
    %eq3A = arith.constant 15 : i32
    %eq3A_111 = arith.cmpi eq, %arg1, %eq3A : i32
    %convert_element_type3A_112 = arith.extui %eq3A_111 : i1 to i32
    %cond3A_113 = arith.constant 0 : i32
    %cond3A_114 = arith.cmpi ne, %convert_element_type3A_112, %cond3A_113 : i32
    scf.if %cond3A_114 {
      %mul3A_115 = arith.constant 10000 : i32
      %mul3A_116 = arith.muli %arg0, %mul3A_115 : i32
      %add3A_117 = arith.constant 9480 : i32
      %add3A_118 = arith.addi %mul3A_116, %add3A_117 : i32
      "tpu.region"() ({
        %run_scoped3A = tpu.sem_alloc : memref<!tpu.dma_semaphore, #tpu.memory_space<semaphore_mem>>
        %dma_start3A_119 = arith.constant 0 : i32
        %dma_start3A_120 = tpu.memref_slice %arg5[%add3A_118, %dma_start3A_119] : memref<20000x128xf32, #tpu.memory_space<hbm>> -> memref<520x128xf32, #tpu.memory_space<hbm>>
        %dma_start3A_121 = arith.constant 9480 : i32
        %dma_start3A_122 = arith.constant 0 : i32
        %dma_start3A_123 = tpu.memref_slice %arg10[%dma_start3A_121, %dma_start3A_122] : memref<10000x128xf32, #tpu.memory_space<vmem_shared>> -> memref<520x128xf32, #tpu.memory_space<vmem_shared>>
        tpu.enqueue_dma source(%dma_start3A_123 : memref<520x128xf32, #tpu.memory_space<vmem_shared>>) target(%dma_start3A_120 : memref<520x128xf32, #tpu.memory_space<hbm>>) target_semaphore(%run_scoped3A : memref<!tpu.dma_semaphore, #tpu.memory_space<semaphore_mem>>)
        %dma_wait3A = arith.constant 0 : i32
        %dma_wait3A_124 = tpu.memref_slice %arg5[%add3A_118, %dma_wait3A] : memref<20000x128xf32, #tpu.memory_space<hbm>> -> memref<520x128xf32, #tpu.memory_space<hbm>>
        %dma_wait3A_125 = arith.constant 9480 : i32
        %dma_wait3A_126 = arith.constant 0 : i32
        %dma_wait3A_127 = tpu.memref_slice %arg10[%dma_wait3A_125, %dma_wait3A_126] : memref<10000x128xf32, #tpu.memory_space<vmem_shared>> -> memref<520x128xf32, #tpu.memory_space<vmem_shared>>
        tpu.wait_dma2 semaphore(%run_scoped3A : memref<!tpu.dma_semaphore, #tpu.memory_space<semaphore_mem>>) src(%dma_wait3A_127 : memref<520x128xf32, #tpu.memory_space<vmem_shared>>) dst(%dma_wait3A_124 : memref<520x128xf32, #tpu.memory_space<hbm>>)
        tpu.yield
      }) : () -> ()
    } else {
    }
    return
  }
}

#map = affine_map<(d0, d1) -> (0, 0)>
module attributes {stable_mosaic.version = 14 : i64} {
  func.func @k(%arg0: i32, %arg1: i32, %arg2: memref<10000x128xf32, #tpu.memory_space<hbm>>, %arg3: memref<2560x128xi32, #tpu.memory_space<hbm>>, %arg4: memref<2560x128xi32, #tpu.memory_space<hbm>>, %arg5: memref<20000x128xf32, #tpu.memory_space<hbm>>, %arg6: memref<40x128xi32, #tpu.memory_space<vmem>>, %arg7: memref<40x128xi32, #tpu.memory_space<vmem>>, %arg8: memref<128x128xf32, #tpu.memory_space<vmem>>, %arg9: memref<128x128xf32, #tpu.memory_space<vmem>>, %arg10: memref<10000x128xf32, #tpu.memory_space<vmem_shared>>, %arg11: memref<!tpu.dma_semaphore, #tpu.memory_space<semaphore_mem>>, %arg12: memref<!tpu.dma_semaphore, #tpu.memory_space<semaphore_mem>>, %arg13: memref<!tpu.dma_semaphore, #tpu.memory_space<semaphore_mem>>, %arg14: memref<!tpu.dma_semaphore, #tpu.memory_space<semaphore_mem>>) attributes {dimension_semantics = [#tpu.dimension_semantics<core_parallel>, #tpu.dimension_semantics<subcore_parallel>], iteration_bounds = array<i64: 2, 16>, scalar_prefetch = 0 : i64, scratch_operands = 9 : i64, tpu.core_type = #tpu.core_type<sc_vector_subcore>, window_params = [{transform_indices = #map}, {transform_indices = #map}, {transform_indices = #map}, {transform_indices = #map}]} {
    %mul3A = arith.constant 16 : i32
    %mul3A_0 = arith.muli %arg0, %mul3A : i32
    %add3A = arith.addi %mul3A_0, %arg1 : i32
    %broadcast_in_dim3A = arith.constant 0.000000e+00 : f32
    %broadcast_in_dim3A_1 = vector.broadcast %broadcast_in_dim3A : f32 to vector<16xf32>
    %scan3A = arith.constant 0 : i32
    %scan3A_2 = arith.constant 125 : i32
    %scan3A_3 = arith.addi %scan3A, %scan3A_2 : i32
    %scan3A_4 = arith.constant 1 : i32
    scf.for %scan3A_115 = %scan3A to %scan3A_3 step %scan3A_4  : i32 {
      %mul3A_116 = arith.constant 1 : i32
      %mul3A_117 = arith.muli %scan3A_115, %mul3A_116 : i32
      %add3A_118 = arith.constant 0 : i32
      %add3A_119 = arith.addi %add3A_118, %mul3A_117 : i32
      %swap3A = arith.index_cast %add3A_119 : i32 to index
      %swap3A_120 = arith.constant 0 : index
      %swap3A_121 = tpu.vector_load %arg8[%swap3A, %swap3A_120] {strides = array<i32>} : memref<128x128xf32, #tpu.memory_space<vmem>>, vector<1x16xf32>,
      %swap3A_122 = vector.shape_cast %swap3A_121 : vector<1x16xf32> to vector<16xf32>
      %swap3A_123 = vector.shape_cast %broadcast_in_dim3A_1 : vector<16xf32> to vector<1x16xf32>
      tpu.vector_store %arg8[%swap3A, %swap3A_120], %swap3A_123 {strides = array<i32>} : memref<128x128xf32, #tpu.memory_space<vmem>>, vector<1x16xf32>,
      %swap3A_124 = arith.index_cast %add3A_119 : i32 to index
      %swap3A_125 = arith.constant 16 : index
      %swap3A_126 = tpu.vector_load %arg8[%swap3A_124, %swap3A_125] {strides = array<i32>} : memref<128x128xf32, #tpu.memory_space<vmem>>, vector<1x16xf32>,
      %swap3A_127 = vector.shape_cast %swap3A_126 : vector<1x16xf32> to vector<16xf32>
      %swap3A_128 = vector.shape_cast %broadcast_in_dim3A_1 : vector<16xf32> to vector<1x16xf32>
      tpu.vector_store %arg8[%swap3A_124, %swap3A_125], %swap3A_128 {strides = array<i32>} : memref<128x128xf32, #tpu.memory_space<vmem>>, vector<1x16xf32>,
      %swap3A_129 = arith.index_cast %add3A_119 : i32 to index
      %swap3A_130 = arith.constant 32 : index
      %swap3A_131 = tpu.vector_load %arg8[%swap3A_129, %swap3A_130] {strides = array<i32>} : memref<128x128xf32, #tpu.memory_space<vmem>>, vector<1x16xf32>,
      %swap3A_132 = vector.shape_cast %swap3A_131 : vector<1x16xf32> to vector<16xf32>
      %swap3A_133 = vector.shape_cast %broadcast_in_dim3A_1 : vector<16xf32> to vector<1x16xf32>
      tpu.vector_store %arg8[%swap3A_129, %swap3A_130], %swap3A_133 {strides = array<i32>} : memref<128x128xf32, #tpu.memory_space<vmem>>, vector<1x16xf32>,
      %swap3A_134 = arith.index_cast %add3A_119 : i32 to index
      %swap3A_135 = arith.constant 48 : index
      %swap3A_136 = tpu.vector_load %arg8[%swap3A_134, %swap3A_135] {strides = array<i32>} : memref<128x128xf32, #tpu.memory_space<vmem>>, vector<1x16xf32>,
      %swap3A_137 = vector.shape_cast %swap3A_136 : vector<1x16xf32> to vector<16xf32>
      %swap3A_138 = vector.shape_cast %broadcast_in_dim3A_1 : vector<16xf32> to vector<1x16xf32>
      tpu.vector_store %arg8[%swap3A_134, %swap3A_135], %swap3A_138 {strides = array<i32>} : memref<128x128xf32, #tpu.memory_space<vmem>>, vector<1x16xf32>,
      %swap3A_139 = arith.index_cast %add3A_119 : i32 to index
      %swap3A_140 = arith.constant 64 : index
      %swap3A_141 = tpu.vector_load %arg8[%swap3A_139, %swap3A_140] {strides = array<i32>} : memref<128x128xf32, #tpu.memory_space<vmem>>, vector<1x16xf32>,
      %swap3A_142 = vector.shape_cast %swap3A_141 : vector<1x16xf32> to vector<16xf32>
      %swap3A_143 = vector.shape_cast %broadcast_in_dim3A_1 : vector<16xf32> to vector<1x16xf32>
      tpu.vector_store %arg8[%swap3A_139, %swap3A_140], %swap3A_143 {strides = array<i32>} : memref<128x128xf32, #tpu.memory_space<vmem>>, vector<1x16xf32>,
      %swap3A_144 = arith.index_cast %add3A_119 : i32 to index
      %swap3A_145 = arith.constant 80 : index
      %swap3A_146 = tpu.vector_load %arg8[%swap3A_144, %swap3A_145] {strides = array<i32>} : memref<128x128xf32, #tpu.memory_space<vmem>>, vector<1x16xf32>,
      %swap3A_147 = vector.shape_cast %swap3A_146 : vector<1x16xf32> to vector<16xf32>
      %swap3A_148 = vector.shape_cast %broadcast_in_dim3A_1 : vector<16xf32> to vector<1x16xf32>
      tpu.vector_store %arg8[%swap3A_144, %swap3A_145], %swap3A_148 {strides = array<i32>} : memref<128x128xf32, #tpu.memory_space<vmem>>, vector<1x16xf32>,
      %swap3A_149 = arith.index_cast %add3A_119 : i32 to index
      %swap3A_150 = arith.constant 96 : index
      %swap3A_151 = tpu.vector_load %arg8[%swap3A_149, %swap3A_150] {strides = array<i32>} : memref<128x128xf32, #tpu.memory_space<vmem>>, vector<1x16xf32>,
      %swap3A_152 = vector.shape_cast %swap3A_151 : vector<1x16xf32> to vector<16xf32>
      %swap3A_153 = vector.shape_cast %broadcast_in_dim3A_1 : vector<16xf32> to vector<1x16xf32>
      tpu.vector_store %arg8[%swap3A_149, %swap3A_150], %swap3A_153 {strides = array<i32>} : memref<128x128xf32, #tpu.memory_space<vmem>>, vector<1x16xf32>,
      %swap3A_154 = arith.index_cast %add3A_119 : i32 to index
      %swap3A_155 = arith.constant 112 : index
      %swap3A_156 = tpu.vector_load %arg8[%swap3A_154, %swap3A_155] {strides = array<i32>} : memref<128x128xf32, #tpu.memory_space<vmem>>, vector<1x16xf32>,
      %swap3A_157 = vector.shape_cast %swap3A_156 : vector<1x16xf32> to vector<16xf32>
      %swap3A_158 = vector.shape_cast %broadcast_in_dim3A_1 : vector<16xf32> to vector<1x16xf32>
      tpu.vector_store %arg8[%swap3A_154, %swap3A_155], %swap3A_158 {strides = array<i32>} : memref<128x128xf32, #tpu.memory_space<vmem>>, vector<1x16xf32>,
    }
    %scan3A_5 = arith.constant 125 : i32
    %scan3A_6 = arith.constant 0 : i32
    %scan3A_7 = arith.constant 5 : i32
    %scan3A_8 = arith.addi %scan3A_6, %scan3A_7 : i32
    %scan3A_9 = arith.constant 1 : i32
    scf.for %scan3A_115 = %scan3A_6 to %scan3A_8 step %scan3A_9  : i32 {
      %mul3A_116 = arith.constant 125 : i32
      %mul3A_117 = arith.muli %scan3A_115, %mul3A_116 : i32
      %add3A_118 = arith.constant 0 : i32
      %add3A_119 = arith.addi %add3A_118, %mul3A_117 : i32
      %mul3A_120 = arith.constant 625 : i32
      %mul3A_121 = arith.muli %arg1, %mul3A_120 : i32
      %add3A_122 = arith.addi %mul3A_121, %add3A_119 : i32
      "tpu.region"() ({
        %run_scoped3A = tpu.sem_alloc : memref<!tpu.dma_semaphore, #tpu.memory_space<semaphore_mem>>
        %dma_start3A_123 = arith.constant 0 : i32
        %dma_start3A_124 = arith.constant 0 : i32
        %dma_start3A_125 = tpu.memref_slice %arg8[%dma_start3A_123, %dma_start3A_124] : memref<128x128xf32, #tpu.memory_space<vmem>> -> memref<125x128xf32, #tpu.memory_space<vmem>>
        %dma_start3A_126 = arith.constant 0 : i32
        %dma_start3A_127 = tpu.memref_slice %arg10[%add3A_122, %dma_start3A_126] : memref<10000x128xf32, #tpu.memory_space<vmem_shared>> -> memref<125x128xf32, #tpu.memory_space<vmem_shared>>
        %dma_start3A_128 = arith.constant 0 : i32
        %dma_start3A_129 = tpu.memref_slice %arg10[%add3A_122, %dma_start3A_128] : memref<10000x128xf32, #tpu.memory_space<vmem_shared>> -> memref<125x128xf32, #tpu.memory_space<vmem_shared>>
        %dma_start3A_130 = arith.constant 0 : i32
        %dma_start3A_131 = arith.constant 0 : i32
        %dma_start3A_132 = tpu.memref_slice %arg8[%dma_start3A_130, %dma_start3A_131] : memref<128x128xf32, #tpu.memory_space<vmem>> -> memref<125x128xf32, #tpu.memory_space<vmem>>
        tpu.enqueue_dma source(%dma_start3A_132 : memref<125x128xf32, #tpu.memory_space<vmem>>) target(%dma_start3A_129 : memref<125x128xf32, #tpu.memory_space<vmem_shared>>) target_semaphore(%run_scoped3A : memref<!tpu.dma_semaphore, #tpu.memory_space<semaphore_mem>>)
        %dma_wait3A = arith.constant 0 : i32
        %dma_wait3A_133 = arith.constant 0 : i32
        %dma_wait3A_134 = tpu.memref_slice %arg8[%dma_wait3A, %dma_wait3A_133] : memref<128x128xf32, #tpu.memory_space<vmem>> -> memref<125x128xf32, #tpu.memory_space<vmem>>
        %dma_wait3A_135 = arith.constant 0 : i32
        %dma_wait3A_136 = tpu.memref_slice %arg10[%add3A_122, %dma_wait3A_135] : memref<10000x128xf32, #tpu.memory_space<vmem_shared>> -> memref<125x128xf32, #tpu.memory_space<vmem_shared>>
        %dma_wait3A_137 = arith.constant 0 : i32
        %dma_wait3A_138 = tpu.memref_slice %arg10[%add3A_122, %dma_wait3A_137] : memref<10000x128xf32, #tpu.memory_space<vmem_shared>> -> memref<125x128xf32, #tpu.memory_space<vmem_shared>>
        %dma_wait3A_139 = arith.constant 0 : i32
        %dma_wait3A_140 = arith.constant 0 : i32
        %dma_wait3A_141 = tpu.memref_slice %arg8[%dma_wait3A_139, %dma_wait3A_140] : memref<128x128xf32, #tpu.memory_space<vmem>> -> memref<125x128xf32, #tpu.memory_space<vmem>>
        tpu.wait_dma2 semaphore(%run_scoped3A : memref<!tpu.dma_semaphore, #tpu.memory_space<semaphore_mem>>) src(%dma_wait3A_141 : memref<125x128xf32, #tpu.memory_space<vmem>>) dst(%dma_wait3A_138 : memref<125x128xf32, #tpu.memory_space<vmem_shared>>)
        tpu.yield
      }) : () -> ()
    }
    %scan3A_10 = arith.constant 5 : i32
    %barrier3A = arith.constant 0 : index
    tpu.barrier barrier_id(%barrier3A)
    %mul3A_11 = arith.constant 80 : i32
    %mul3A_12 = arith.muli %add3A, %mul3A_11 : i32
    %add3A_13 = arith.constant 0 : i32
    %add3A_14 = arith.addi %mul3A_12, %add3A_13 : i32
    "tpu.region"() ({
      %run_scoped3A = tpu.sem_alloc : memref<!tpu.dma_semaphore, #tpu.memory_space<semaphore_mem>>
      %dma_start3A_115 = arith.constant 0 : i32
      %dma_start3A_116 = tpu.memref_slice %arg3[%add3A_14, %dma_start3A_115] : memref<2560x128xi32, #tpu.memory_space<hbm>> -> memref<40x128xi32, #tpu.memory_space<hbm>>
      %dma_start3A_117 = arith.constant 0 : i32
      %dma_start3A_118 = tpu.memref_slice %arg3[%add3A_14, %dma_start3A_117] : memref<2560x128xi32, #tpu.memory_space<hbm>> -> memref<40x128xi32, #tpu.memory_space<hbm>>
      tpu.enqueue_dma source(%dma_start3A_118 : memref<40x128xi32, #tpu.memory_space<hbm>>) target(%arg6 : memref<40x128xi32, #tpu.memory_space<vmem>>) target_semaphore(%run_scoped3A : memref<!tpu.dma_semaphore, #tpu.memory_space<semaphore_mem>>)
      %dma_wait3A = arith.constant 0 : i32
      %dma_wait3A_119 = tpu.memref_slice %arg3[%add3A_14, %dma_wait3A] : memref<2560x128xi32, #tpu.memory_space<hbm>> -> memref<40x128xi32, #tpu.memory_space<hbm>>
      %dma_wait3A_120 = arith.constant 0 : i32
      %dma_wait3A_121 = tpu.memref_slice %arg3[%add3A_14, %dma_wait3A_120] : memref<2560x128xi32, #tpu.memory_space<hbm>> -> memref<40x128xi32, #tpu.memory_space<hbm>>
      tpu.wait_dma2 semaphore(%run_scoped3A : memref<!tpu.dma_semaphore, #tpu.memory_space<semaphore_mem>>) src(%dma_wait3A_121 : memref<40x128xi32, #tpu.memory_space<hbm>>) dst(%arg6 : memref<40x128xi32, #tpu.memory_space<vmem>>)
      tpu.yield
    }) : () -> ()
    "tpu.region"() ({
      %run_scoped3A = tpu.sem_alloc : memref<!tpu.dma_semaphore, #tpu.memory_space<semaphore_mem>>
      %dma_start3A_115 = arith.constant 0 : i32
      %dma_start3A_116 = tpu.memref_slice %arg4[%add3A_14, %dma_start3A_115] : memref<2560x128xi32, #tpu.memory_space<hbm>> -> memref<40x128xi32, #tpu.memory_space<hbm>>
      %dma_start3A_117 = arith.constant 0 : i32
      %dma_start3A_118 = tpu.memref_slice %arg4[%add3A_14, %dma_start3A_117] : memref<2560x128xi32, #tpu.memory_space<hbm>> -> memref<40x128xi32, #tpu.memory_space<hbm>>
      tpu.enqueue_dma source(%dma_start3A_118 : memref<40x128xi32, #tpu.memory_space<hbm>>) target(%arg7 : memref<40x128xi32, #tpu.memory_space<vmem>>) target_semaphore(%run_scoped3A : memref<!tpu.dma_semaphore, #tpu.memory_space<semaphore_mem>>)
      %dma_wait3A = arith.constant 0 : i32
      %dma_wait3A_119 = tpu.memref_slice %arg4[%add3A_14, %dma_wait3A] : memref<2560x128xi32, #tpu.memory_space<hbm>> -> memref<40x128xi32, #tpu.memory_space<hbm>>
      %dma_wait3A_120 = arith.constant 0 : i32
      %dma_wait3A_121 = tpu.memref_slice %arg4[%add3A_14, %dma_wait3A_120] : memref<2560x128xi32, #tpu.memory_space<hbm>> -> memref<40x128xi32, #tpu.memory_space<hbm>>
      tpu.wait_dma2 semaphore(%run_scoped3A : memref<!tpu.dma_semaphore, #tpu.memory_space<semaphore_mem>>) src(%dma_wait3A_121 : memref<40x128xi32, #tpu.memory_space<hbm>>) dst(%arg7 : memref<40x128xi32, #tpu.memory_space<vmem>>)
      tpu.yield
    }) : () -> ()
    %dma_start3A = arith.constant 0 : i32
    %dma_start3A_15 = arith.constant 0 : i32
    %dma_start3A_16 = arith.constant 0 : i32
    %dma_start3A_17 = tpu.memref_slice %arg8[%dma_start3A_15, %dma_start3A_16] : memref<128x128xf32, #tpu.memory_space<vmem>> -> memref<64x128xf32, #tpu.memory_space<vmem>>
    %dma_start3A_18 = arith.constant 0 : i32
    %dma_start3A_19 = tpu.memref_slice %arg6[%dma_start3A, %dma_start3A_18] : memref<40x128xi32, #tpu.memory_space<vmem>> -> memref<1x64xi32, #tpu.memory_space<vmem>>
    %dma_start3A_20 = tpu.memref_squeeze %dma_start3A_19 : memref<1x64xi32, #tpu.memory_space<vmem>> -> memref<64xi32, #tpu.memory_space<vmem>>
    %dma_start3A_21 = arith.constant 0 : i32
    %dma_start3A_22 = arith.constant 0 : i32
    %dma_start3A_23 = tpu.memref_slice %arg2[%dma_start3A_21, %dma_start3A_22] : memref<10000x128xf32, #tpu.memory_space<hbm>> -> memref<10000x128xf32, #tpu.memory_space<hbm>>
    tpu.enqueue_indirect_dma source(%dma_start3A_23 : memref<10000x128xf32, #tpu.memory_space<hbm>>) target(%dma_start3A_17 : memref<64x128xf32, #tpu.memory_space<vmem>>) offsets(%dma_start3A_20 : memref<64xi32, #tpu.memory_space<vmem>>) semaphore(%arg11 : memref<!tpu.dma_semaphore, #tpu.memory_space<semaphore_mem>>)
    %dma_start3A_24 = arith.constant 0 : i32
    %dma_start3A_25 = arith.constant 64 : i32
    %dma_start3A_26 = arith.constant 0 : i32
    %dma_start3A_27 = tpu.memref_slice %arg8[%dma_start3A_25, %dma_start3A_26] : memref<128x128xf32, #tpu.memory_space<vmem>> -> memref<64x128xf32, #tpu.memory_space<vmem>>
    %dma_start3A_28 = arith.constant 64 : i32
    %dma_start3A_29 = tpu.memref_slice %arg6[%dma_start3A_24, %dma_start3A_28] : memref<40x128xi32, #tpu.memory_space<vmem>> -> memref<1x64xi32, #tpu.memory_space<vmem>>
    %dma_start3A_30 = tpu.memref_squeeze %dma_start3A_29 : memref<1x64xi32, #tpu.memory_space<vmem>> -> memref<64xi32, #tpu.memory_space<vmem>>
    %dma_start3A_31 = arith.constant 0 : i32
    %dma_start3A_32 = arith.constant 0 : i32
    %dma_start3A_33 = tpu.memref_slice %arg2[%dma_start3A_31, %dma_start3A_32] : memref<10000x128xf32, #tpu.memory_space<hbm>> -> memref<10000x128xf32, #tpu.memory_space<hbm>>
    tpu.enqueue_indirect_dma source(%dma_start3A_33 : memref<10000x128xf32, #tpu.memory_space<hbm>>) target(%dma_start3A_27 : memref<64x128xf32, #tpu.memory_space<vmem>>) offsets(%dma_start3A_30 : memref<64xi32, #tpu.memory_space<vmem>>) semaphore(%arg12 : memref<!tpu.dma_semaphore, #tpu.memory_space<semaphore_mem>>)
    %dma_start3A_34 = arith.constant 1 : i32
    %dma_start3A_35 = arith.constant 0 : i32
    %dma_start3A_36 = arith.constant 0 : i32
    %dma_start3A_37 = tpu.memref_slice %arg9[%dma_start3A_35, %dma_start3A_36] : memref<128x128xf32, #tpu.memory_space<vmem>> -> memref<64x128xf32, #tpu.memory_space<vmem>>
    %dma_start3A_38 = arith.constant 0 : i32
    %dma_start3A_39 = tpu.memref_slice %arg6[%dma_start3A_34, %dma_start3A_38] : memref<40x128xi32, #tpu.memory_space<vmem>> -> memref<1x64xi32, #tpu.memory_space<vmem>>
    %dma_start3A_40 = tpu.memref_squeeze %dma_start3A_39 : memref<1x64xi32, #tpu.memory_space<vmem>> -> memref<64xi32, #tpu.memory_space<vmem>>
    %dma_start3A_41 = arith.constant 0 : i32
    %dma_start3A_42 = arith.constant 0 : i32
    %dma_start3A_43 = tpu.memref_slice %arg2[%dma_start3A_41, %dma_start3A_42] : memref<10000x128xf32, #tpu.memory_space<hbm>> -> memref<10000x128xf32, #tpu.memory_space<hbm>>
    tpu.enqueue_indirect_dma source(%dma_start3A_43 : memref<10000x128xf32, #tpu.memory_space<hbm>>) target(%dma_start3A_37 : memref<64x128xf32, #tpu.memory_space<vmem>>) offsets(%dma_start3A_40 : memref<64xi32, #tpu.memory_space<vmem>>) semaphore(%arg13 : memref<!tpu.dma_semaphore, #tpu.memory_space<semaphore_mem>>)
    %dma_start3A_44 = arith.constant 1 : i32
    %dma_start3A_45 = arith.constant 64 : i32
    %dma_start3A_46 = arith.constant 0 : i32
    %dma_start3A_47 = tpu.memref_slice %arg9[%dma_start3A_45, %dma_start3A_46] : memref<128x128xf32, #tpu.memory_space<vmem>> -> memref<64x128xf32, #tpu.memory_space<vmem>>
    %dma_start3A_48 = arith.constant 64 : i32
    %dma_start3A_49 = tpu.memref_slice %arg6[%dma_start3A_44, %dma_start3A_48] : memref<40x128xi32, #tpu.memory_space<vmem>> -> memref<1x64xi32, #tpu.memory_space<vmem>>
    %dma_start3A_50 = tpu.memref_squeeze %dma_start3A_49 : memref<1x64xi32, #tpu.memory_space<vmem>> -> memref<64xi32, #tpu.memory_space<vmem>>
    %dma_start3A_51 = arith.constant 0 : i32
    %dma_start3A_52 = arith.constant 0 : i32
    %dma_start3A_53 = tpu.memref_slice %arg2[%dma_start3A_51, %dma_start3A_52] : memref<10000x128xf32, #tpu.memory_space<hbm>> -> memref<10000x128xf32, #tpu.memory_space<hbm>>
    tpu.enqueue_indirect_dma source(%dma_start3A_53 : memref<10000x128xf32, #tpu.memory_space<hbm>>) target(%dma_start3A_47 : memref<64x128xf32, #tpu.memory_space<vmem>>) offsets(%dma_start3A_50 : memref<64xi32, #tpu.memory_space<vmem>>) semaphore(%arg14 : memref<!tpu.dma_semaphore, #tpu.memory_space<semaphore_mem>>)
    %scan3A_54 = arith.constant 0 : i32
    %scan3A_55 = arith.constant 20 : i32
    %scan3A_56 = arith.addi %scan3A_54, %scan3A_55 : i32
    %scan3A_57 = arith.constant 1 : i32
    scf.for %scan3A_115 = %scan3A_54 to %scan3A_56 step %scan3A_57  : i32 {
      %mul3A_116 = arith.constant 2 : i32
      %mul3A_117 = arith.muli %scan3A_115, %mul3A_116 : i32
      %add3A_118 = arith.constant 0 : i32
      %add3A_119 = arith.addi %add3A_118, %mul3A_117 : i32
      %add3A_120 = arith.constant 0 : i32
      %add3A_121 = arith.addi %add3A_119, %add3A_120 : i32
      %dma_wait3A = arith.constant 0 : i32
      %dma_wait3A_122 = arith.constant 0 : i32
      %dma_wait3A_123 = tpu.memref_slice %arg8[%dma_wait3A, %dma_wait3A_122] : memref<128x128xf32, #tpu.memory_space<vmem>> -> memref<64x128xf32, #tpu.memory_space<vmem>>
      %dma_wait3A_124 = arith.constant 0 : i32
      %dma_wait3A_125 = tpu.memref_slice %arg6[%add3A_121, %dma_wait3A_124] : memref<40x128xi32, #tpu.memory_space<vmem>> -> memref<1x64xi32, #tpu.memory_space<vmem>>
      %dma_wait3A_126 = tpu.memref_squeeze %dma_wait3A_125 : memref<1x64xi32, #tpu.memory_space<vmem>> -> memref<64xi32, #tpu.memory_space<vmem>>
      %dma_wait3A_127 = arith.constant 0 : i32
      %dma_wait3A_128 = arith.constant 0 : i32
      %dma_wait3A_129 = tpu.memref_slice %arg2[%dma_wait3A_127, %dma_wait3A_128] : memref<10000x128xf32, #tpu.memory_space<hbm>> -> memref<10000x128xf32, #tpu.memory_space<hbm>>
      tpu.wait_indirect_dma semaphore(%arg11 : memref<!tpu.dma_semaphore, #tpu.memory_space<semaphore_mem>>) src(%dma_wait3A_129 : memref<10000x128xf32, #tpu.memory_space<hbm>>) dst(%dma_wait3A_123 : memref<64x128xf32, #tpu.memory_space<vmem>>)
      %dma_wait3A_130 = arith.constant 64 : i32
      %dma_wait3A_131 = arith.constant 0 : i32
      %dma_wait3A_132 = tpu.memref_slice %arg8[%dma_wait3A_130, %dma_wait3A_131] : memref<128x128xf32, #tpu.memory_space<vmem>> -> memref<64x128xf32, #tpu.memory_space<vmem>>
      %dma_wait3A_133 = arith.constant 64 : i32
      %dma_wait3A_134 = tpu.memref_slice %arg6[%add3A_121, %dma_wait3A_133] : memref<40x128xi32, #tpu.memory_space<vmem>> -> memref<1x64xi32, #tpu.memory_space<vmem>>
      %dma_wait3A_135 = tpu.memref_squeeze %dma_wait3A_134 : memref<1x64xi32, #tpu.memory_space<vmem>> -> memref<64xi32, #tpu.memory_space<vmem>>
      %dma_wait3A_136 = arith.constant 0 : i32
      %dma_wait3A_137 = arith.constant 0 : i32
      %dma_wait3A_138 = tpu.memref_slice %arg2[%dma_wait3A_136, %dma_wait3A_137] : memref<10000x128xf32, #tpu.memory_space<hbm>> -> memref<10000x128xf32, #tpu.memory_space<hbm>>
      tpu.wait_indirect_dma semaphore(%arg12 : memref<!tpu.dma_semaphore, #tpu.memory_space<semaphore_mem>>) src(%dma_wait3A_138 : memref<10000x128xf32, #tpu.memory_space<hbm>>) dst(%dma_wait3A_132 : memref<64x128xf32, #tpu.memory_space<vmem>>)
      %add3A_139 = arith.constant 0 : i32
      %add3A_140 = arith.addi %add3A_119, %add3A_139 : i32
      "tpu.region"() ({
        %run_scoped3A = tpu.sem_alloc : memref<!tpu.dma_semaphore, #tpu.memory_space<semaphore_mem>>
        %dma_start3A_181 = arith.constant 0 : i32
        %dma_start3A_182 = tpu.memref_slice %arg7[%add3A_140, %dma_start3A_181] : memref<40x128xi32, #tpu.memory_space<vmem>> -> memref<1x128xi32, #tpu.memory_space<vmem>>
        %dma_start3A_183 = tpu.memref_squeeze %dma_start3A_182 : memref<1x128xi32, #tpu.memory_space<vmem>> -> memref<128xi32, #tpu.memory_space<vmem>>
        %dma_start3A_184 = arith.constant 0 : i32
        %dma_start3A_185 = arith.constant 0 : i32
        %dma_start3A_186 = tpu.memref_slice %arg10[%dma_start3A_184, %dma_start3A_185] : memref<10000x128xf32, #tpu.memory_space<vmem_shared>> -> memref<10000x128xf32, #tpu.memory_space<vmem_shared>>
        tpu.enqueue_indirect_dma source(%arg8 : memref<128x128xf32, #tpu.memory_space<vmem>>) target(%dma_start3A_186 : memref<10000x128xf32, #tpu.memory_space<vmem_shared>>) offsets(%dma_start3A_183 : memref<128xi32, #tpu.memory_space<vmem>>) semaphore(%run_scoped3A : memref<!tpu.dma_semaphore, #tpu.memory_space<semaphore_mem>>) {add = true}
        %dma_wait3A_187 = arith.constant 0 : i32
        %dma_wait3A_188 = tpu.memref_slice %arg7[%add3A_140, %dma_wait3A_187] : memref<40x128xi32, #tpu.memory_space<vmem>> -> memref<1x128xi32, #tpu.memory_space<vmem>>
        %dma_wait3A_189 = tpu.memref_squeeze %dma_wait3A_188 : memref<1x128xi32, #tpu.memory_space<vmem>> -> memref<128xi32, #tpu.memory_space<vmem>>
        %dma_wait3A_190 = arith.constant 0 : i32
        %dma_wait3A_191 = arith.constant 0 : i32
        %dma_wait3A_192 = tpu.memref_slice %arg10[%dma_wait3A_190, %dma_wait3A_191] : memref<10000x128xf32, #tpu.memory_space<vmem_shared>> -> memref<10000x128xf32, #tpu.memory_space<vmem_shared>>
        tpu.wait_indirect_dma semaphore(%run_scoped3A : memref<!tpu.dma_semaphore, #tpu.memory_space<semaphore_mem>>) src(%arg8 : memref<128x128xf32, #tpu.memory_space<vmem>>) dst(%dma_wait3A_192 : memref<10000x128xf32, #tpu.memory_space<vmem_shared>>)
        tpu.yield
      }) : () -> ()
      %add3A_141 = arith.constant 0 : i32
      %add3A_142 = arith.addi %add3A_119, %add3A_141 : i32
      %add3A_143 = arith.constant 2 : i32
      %add3A_144 = arith.addi %add3A_142, %add3A_143 : i32
      %lt3A_145 = arith.constant 40 : i32
      %lt3A_146 = arith.cmpi slt, %add3A_144, %lt3A_145 : i32
      %convert_element_type3A_147 = arith.extui %lt3A_146 : i1 to i32
      %cond3A_148 = arith.constant 0 : i32
      %cond3A_149 = arith.cmpi ne, %convert_element_type3A_147, %cond3A_148 : i32
      scf.if %cond3A_149 {
        %add3A_181 = arith.constant 0 : i32
        %add3A_182 = arith.addi %add3A_119, %add3A_181 : i32
        %add3A_183 = arith.constant 2 : i32
        %add3A_184 = arith.addi %add3A_182, %add3A_183 : i32
        %dma_start3A_185 = arith.constant 0 : i32
        %dma_start3A_186 = arith.constant 0 : i32
        %dma_start3A_187 = tpu.memref_slice %arg8[%dma_start3A_185, %dma_start3A_186] : memref<128x128xf32, #tpu.memory_space<vmem>> -> memref<64x128xf32, #tpu.memory_space<vmem>>
        %dma_start3A_188 = arith.constant 0 : i32
        %dma_start3A_189 = tpu.memref_slice %arg6[%add3A_184, %dma_start3A_188] : memref<40x128xi32, #tpu.memory_space<vmem>> -> memref<1x64xi32, #tpu.memory_space<vmem>>
        %dma_start3A_190 = tpu.memref_squeeze %dma_start3A_189 : memref<1x64xi32, #tpu.memory_space<vmem>> -> memref<64xi32, #tpu.memory_space<vmem>>
        %dma_start3A_191 = arith.constant 0 : i32
        %dma_start3A_192 = arith.constant 0 : i32
        %dma_start3A_193 = tpu.memref_slice %arg2[%dma_start3A_191, %dma_start3A_192] : memref<10000x128xf32, #tpu.memory_space<hbm>> -> memref<10000x128xf32, #tpu.memory_space<hbm>>
        tpu.enqueue_indirect_dma source(%dma_start3A_193 : memref<10000x128xf32, #tpu.memory_space<hbm>>) target(%dma_start3A_187 : memref<64x128xf32, #tpu.memory_space<vmem>>) offsets(%dma_start3A_190 : memref<64xi32, #tpu.memory_space<vmem>>) semaphore(%arg11 : memref<!tpu.dma_semaphore, #tpu.memory_space<semaphore_mem>>)
        %dma_start3A_194 = arith.constant 64 : i32
        %dma_start3A_195 = arith.constant 0 : i32
        %dma_start3A_196 = tpu.memref_slice %arg8[%dma_start3A_194, %dma_start3A_195] : memref<128x128xf32, #tpu.memory_space<vmem>> -> memref<64x128xf32, #tpu.memory_space<vmem>>
        %dma_start3A_197 = arith.constant 64 : i32
        %dma_start3A_198 = tpu.memref_slice %arg6[%add3A_184, %dma_start3A_197] : memref<40x128xi32, #tpu.memory_space<vmem>> -> memref<1x64xi32, #tpu.memory_space<vmem>>
        %dma_start3A_199 = tpu.memref_squeeze %dma_start3A_198 : memref<1x64xi32, #tpu.memory_space<vmem>> -> memref<64xi32, #tpu.memory_space<vmem>>
        %dma_start3A_200 = arith.constant 0 : i32
        %dma_start3A_201 = arith.constant 0 : i32
        %dma_start3A_202 = tpu.memref_slice %arg2[%dma_start3A_200, %dma_start3A_201] : memref<10000x128xf32, #tpu.memory_space<hbm>> -> memref<10000x128xf32, #tpu.memory_space<hbm>>
        tpu.enqueue_indirect_dma source(%dma_start3A_202 : memref<10000x128xf32, #tpu.memory_space<hbm>>) target(%dma_start3A_196 : memref<64x128xf32, #tpu.memory_space<vmem>>) offsets(%dma_start3A_199 : memref<64xi32, #tpu.memory_space<vmem>>) semaphore(%arg12 : memref<!tpu.dma_semaphore, #tpu.memory_space<semaphore_mem>>)
      } else {
      }
      %add3A_150 = arith.constant 1 : i32
      %add3A_151 = arith.addi %add3A_119, %add3A_150 : i32
      %dma_wait3A_152 = arith.constant 0 : i32
      %dma_wait3A_153 = arith.constant 0 : i32
      %dma_wait3A_154 = tpu.memref_slice %arg9[%dma_wait3A_152, %dma_wait3A_153] : memref<128x128xf32, #tpu.memory_space<vmem>> -> memref<64x128xf32, #tpu.memory_space<vmem>>
      %dma_wait3A_155 = arith.constant 0 : i32
      %dma_wait3A_156 = tpu.memref_slice %arg6[%add3A_151, %dma_wait3A_155] : memref<40x128xi32, #tpu.memory_space<vmem>> -> memref<1x64xi32, #tpu.memory_space<vmem>>
      %dma_wait3A_157 = tpu.memref_squeeze %dma_wait3A_156 : memref<1x64xi32, #tpu.memory_space<vmem>> -> memref<64xi32, #tpu.memory_space<vmem>>
      %dma_wait3A_158 = arith.constant 0 : i32
      %dma_wait3A_159 = arith.constant 0 : i32
      %dma_wait3A_160 = tpu.memref_slice %arg2[%dma_wait3A_158, %dma_wait3A_159] : memref<10000x128xf32, #tpu.memory_space<hbm>> -> memref<10000x128xf32, #tpu.memory_space<hbm>>
      tpu.wait_indirect_dma semaphore(%arg13 : memref<!tpu.dma_semaphore, #tpu.memory_space<semaphore_mem>>) src(%dma_wait3A_160 : memref<10000x128xf32, #tpu.memory_space<hbm>>) dst(%dma_wait3A_154 : memref<64x128xf32, #tpu.memory_space<vmem>>)
      %dma_wait3A_161 = arith.constant 64 : i32
      %dma_wait3A_162 = arith.constant 0 : i32
      %dma_wait3A_163 = tpu.memref_slice %arg9[%dma_wait3A_161, %dma_wait3A_162] : memref<128x128xf32, #tpu.memory_space<vmem>> -> memref<64x128xf32, #tpu.memory_space<vmem>>
      %dma_wait3A_164 = arith.constant 64 : i32
      %dma_wait3A_165 = tpu.memref_slice %arg6[%add3A_151, %dma_wait3A_164] : memref<40x128xi32, #tpu.memory_space<vmem>> -> memref<1x64xi32, #tpu.memory_space<vmem>>
      %dma_wait3A_166 = tpu.memref_squeeze %dma_wait3A_165 : memref<1x64xi32, #tpu.memory_space<vmem>> -> memref<64xi32, #tpu.memory_space<vmem>>
      %dma_wait3A_167 = arith.constant 0 : i32
      %dma_wait3A_168 = arith.constant 0 : i32
      %dma_wait3A_169 = tpu.memref_slice %arg2[%dma_wait3A_167, %dma_wait3A_168] : memref<10000x128xf32, #tpu.memory_space<hbm>> -> memref<10000x128xf32, #tpu.memory_space<hbm>>
      tpu.wait_indirect_dma semaphore(%arg14 : memref<!tpu.dma_semaphore, #tpu.memory_space<semaphore_mem>>) src(%dma_wait3A_169 : memref<10000x128xf32, #tpu.memory_space<hbm>>) dst(%dma_wait3A_163 : memref<64x128xf32, #tpu.memory_space<vmem>>)
      %add3A_170 = arith.constant 1 : i32
      %add3A_171 = arith.addi %add3A_119, %add3A_170 : i32
      "tpu.region"() ({
        %run_scoped3A = tpu.sem_alloc : memref<!tpu.dma_semaphore, #tpu.memory_space<semaphore_mem>>
        %dma_start3A_181 = arith.constant 0 : i32
        %dma_start3A_182 = tpu.memref_slice %arg7[%add3A_171, %dma_start3A_181] : memref<40x128xi32, #tpu.memory_space<vmem>> -> memref<1x128xi32, #tpu.memory_space<vmem>>
        %dma_start3A_183 = tpu.memref_squeeze %dma_start3A_182 : memref<1x128xi32, #tpu.memory_space<vmem>> -> memref<128xi32, #tpu.memory_space<vmem>>
        %dma_start3A_184 = arith.constant 0 : i32
        %dma_start3A_185 = arith.constant 0 : i32
        %dma_start3A_186 = tpu.memref_slice %arg10[%dma_start3A_184, %dma_start3A_185] : memref<10000x128xf32, #tpu.memory_space<vmem_shared>> -> memref<10000x128xf32, #tpu.memory_space<vmem_shared>>
        tpu.enqueue_indirect_dma source(%arg9 : memref<128x128xf32, #tpu.memory_space<vmem>>) target(%dma_start3A_186 : memref<10000x128xf32, #tpu.memory_space<vmem_shared>>) offsets(%dma_start3A_183 : memref<128xi32, #tpu.memory_space<vmem>>) semaphore(%run_scoped3A : memref<!tpu.dma_semaphore, #tpu.memory_space<semaphore_mem>>) {add = true}
        %dma_wait3A_187 = arith.constant 0 : i32
        %dma_wait3A_188 = tpu.memref_slice %arg7[%add3A_171, %dma_wait3A_187] : memref<40x128xi32, #tpu.memory_space<vmem>> -> memref<1x128xi32, #tpu.memory_space<vmem>>
        %dma_wait3A_189 = tpu.memref_squeeze %dma_wait3A_188 : memref<1x128xi32, #tpu.memory_space<vmem>> -> memref<128xi32, #tpu.memory_space<vmem>>
        %dma_wait3A_190 = arith.constant 0 : i32
        %dma_wait3A_191 = arith.constant 0 : i32
        %dma_wait3A_192 = tpu.memref_slice %arg10[%dma_wait3A_190, %dma_wait3A_191] : memref<10000x128xf32, #tpu.memory_space<vmem_shared>> -> memref<10000x128xf32, #tpu.memory_space<vmem_shared>>
        tpu.wait_indirect_dma semaphore(%run_scoped3A : memref<!tpu.dma_semaphore, #tpu.memory_space<semaphore_mem>>) src(%arg9 : memref<128x128xf32, #tpu.memory_space<vmem>>) dst(%dma_wait3A_192 : memref<10000x128xf32, #tpu.memory_space<vmem_shared>>)
        tpu.yield
      }) : () -> ()
      %add3A_172 = arith.constant 1 : i32
      %add3A_173 = arith.addi %add3A_119, %add3A_172 : i32
      %add3A_174 = arith.constant 2 : i32
      %add3A_175 = arith.addi %add3A_173, %add3A_174 : i32
      %lt3A_176 = arith.constant 40 : i32
      %lt3A_177 = arith.cmpi slt, %add3A_175, %lt3A_176 : i32
      %convert_element_type3A_178 = arith.extui %lt3A_177 : i1 to i32
      %cond3A_179 = arith.constant 0 : i32
      %cond3A_180 = arith.cmpi ne, %convert_element_type3A_178, %cond3A_179 : i32
      scf.if %cond3A_180 {
        %add3A_181 = arith.constant 1 : i32
        %add3A_182 = arith.addi %add3A_119, %add3A_181 : i32
        %add3A_183 = arith.constant 2 : i32
        %add3A_184 = arith.addi %add3A_182, %add3A_183 : i32
        %dma_start3A_185 = arith.constant 0 : i32
        %dma_start3A_186 = arith.constant 0 : i32
        %dma_start3A_187 = tpu.memref_slice %arg9[%dma_start3A_185, %dma_start3A_186] : memref<128x128xf32, #tpu.memory_space<vmem>> -> memref<64x128xf32, #tpu.memory_space<vmem>>
        %dma_start3A_188 = arith.constant 0 : i32
        %dma_start3A_189 = tpu.memref_slice %arg6[%add3A_184, %dma_start3A_188] : memref<40x128xi32, #tpu.memory_space<vmem>> -> memref<1x64xi32, #tpu.memory_space<vmem>>
        %dma_start3A_190 = tpu.memref_squeeze %dma_start3A_189 : memref<1x64xi32, #tpu.memory_space<vmem>> -> memref<64xi32, #tpu.memory_space<vmem>>
        %dma_start3A_191 = arith.constant 0 : i32
        %dma_start3A_192 = arith.constant 0 : i32
        %dma_start3A_193 = tpu.memref_slice %arg2[%dma_start3A_191, %dma_start3A_192] : memref<10000x128xf32, #tpu.memory_space<hbm>> -> memref<10000x128xf32, #tpu.memory_space<hbm>>
        tpu.enqueue_indirect_dma source(%dma_start3A_193 : memref<10000x128xf32, #tpu.memory_space<hbm>>) target(%dma_start3A_187 : memref<64x128xf32, #tpu.memory_space<vmem>>) offsets(%dma_start3A_190 : memref<64xi32, #tpu.memory_space<vmem>>) semaphore(%arg13 : memref<!tpu.dma_semaphore, #tpu.memory_space<semaphore_mem>>)
        %dma_start3A_194 = arith.constant 64 : i32
        %dma_start3A_195 = arith.constant 0 : i32
        %dma_start3A_196 = tpu.memref_slice %arg9[%dma_start3A_194, %dma_start3A_195] : memref<128x128xf32, #tpu.memory_space<vmem>> -> memref<64x128xf32, #tpu.memory_space<vmem>>
        %dma_start3A_197 = arith.constant 64 : i32
        %dma_start3A_198 = tpu.memref_slice %arg6[%add3A_184, %dma_start3A_197] : memref<40x128xi32, #tpu.memory_space<vmem>> -> memref<1x64xi32, #tpu.memory_space<vmem>>
        %dma_start3A_199 = tpu.memref_squeeze %dma_start3A_198 : memref<1x64xi32, #tpu.memory_space<vmem>> -> memref<64xi32, #tpu.memory_space<vmem>>
        %dma_start3A_200 = arith.constant 0 : i32
        %dma_start3A_201 = arith.constant 0 : i32
        %dma_start3A_202 = tpu.memref_slice %arg2[%dma_start3A_200, %dma_start3A_201] : memref<10000x128xf32, #tpu.memory_space<hbm>> -> memref<10000x128xf32, #tpu.memory_space<hbm>>
        tpu.enqueue_indirect_dma source(%dma_start3A_202 : memref<10000x128xf32, #tpu.memory_space<hbm>>) target(%dma_start3A_196 : memref<64x128xf32, #tpu.memory_space<vmem>>) offsets(%dma_start3A_199 : memref<64xi32, #tpu.memory_space<vmem>>) semaphore(%arg14 : memref<!tpu.dma_semaphore, #tpu.memory_space<semaphore_mem>>)
      } else {
      }
    }
    %scan3A_58 = arith.constant 20 : i32
    %mul3A_59 = arith.constant 80 : i32
    %mul3A_60 = arith.muli %add3A, %mul3A_59 : i32
    %add3A_61 = arith.constant 40 : i32
    %add3A_62 = arith.addi %mul3A_60, %add3A_61 : i32
    "tpu.region"() ({
      %run_scoped3A = tpu.sem_alloc : memref<!tpu.dma_semaphore, #tpu.memory_space<semaphore_mem>>
      %dma_start3A_115 = arith.constant 0 : i32
      %dma_start3A_116 = tpu.memref_slice %arg3[%add3A_62, %dma_start3A_115] : memref<2560x128xi32, #tpu.memory_space<hbm>> -> memref<40x128xi32, #tpu.memory_space<hbm>>
      %dma_start3A_117 = arith.constant 0 : i32
      %dma_start3A_118 = tpu.memref_slice %arg3[%add3A_62, %dma_start3A_117] : memref<2560x128xi32, #tpu.memory_space<hbm>> -> memref<40x128xi32, #tpu.memory_space<hbm>>
      tpu.enqueue_dma source(%dma_start3A_118 : memref<40x128xi32, #tpu.memory_space<hbm>>) target(%arg6 : memref<40x128xi32, #tpu.memory_space<vmem>>) target_semaphore(%run_scoped3A : memref<!tpu.dma_semaphore, #tpu.memory_space<semaphore_mem>>)
      %dma_wait3A = arith.constant 0 : i32
      %dma_wait3A_119 = tpu.memref_slice %arg3[%add3A_62, %dma_wait3A] : memref<2560x128xi32, #tpu.memory_space<hbm>> -> memref<40x128xi32, #tpu.memory_space<hbm>>
      %dma_wait3A_120 = arith.constant 0 : i32
      %dma_wait3A_121 = tpu.memref_slice %arg3[%add3A_62, %dma_wait3A_120] : memref<2560x128xi32, #tpu.memory_space<hbm>> -> memref<40x128xi32, #tpu.memory_space<hbm>>
      tpu.wait_dma2 semaphore(%run_scoped3A : memref<!tpu.dma_semaphore, #tpu.memory_space<semaphore_mem>>) src(%dma_wait3A_121 : memref<40x128xi32, #tpu.memory_space<hbm>>) dst(%arg6 : memref<40x128xi32, #tpu.memory_space<vmem>>)
      tpu.yield
    }) : () -> ()
    "tpu.region"() ({
      %run_scoped3A = tpu.sem_alloc : memref<!tpu.dma_semaphore, #tpu.memory_space<semaphore_mem>>
      %dma_start3A_115 = arith.constant 0 : i32
      %dma_start3A_116 = tpu.memref_slice %arg4[%add3A_62, %dma_start3A_115] : memref<2560x128xi32, #tpu.memory_space<hbm>> -> memref<40x128xi32, #tpu.memory_space<hbm>>
      %dma_start3A_117 = arith.constant 0 : i32
      %dma_start3A_118 = tpu.memref_slice %arg4[%add3A_62, %dma_start3A_117] : memref<2560x128xi32, #tpu.memory_space<hbm>> -> memref<40x128xi32, #tpu.memory_space<hbm>>
      tpu.enqueue_dma source(%dma_start3A_118 : memref<40x128xi32, #tpu.memory_space<hbm>>) target(%arg7 : memref<40x128xi32, #tpu.memory_space<vmem>>) target_semaphore(%run_scoped3A : memref<!tpu.dma_semaphore, #tpu.memory_space<semaphore_mem>>)
      %dma_wait3A = arith.constant 0 : i32
      %dma_wait3A_119 = tpu.memref_slice %arg4[%add3A_62, %dma_wait3A] : memref<2560x128xi32, #tpu.memory_space<hbm>> -> memref<40x128xi32, #tpu.memory_space<hbm>>
      %dma_wait3A_120 = arith.constant 0 : i32
      %dma_wait3A_121 = tpu.memref_slice %arg4[%add3A_62, %dma_wait3A_120] : memref<2560x128xi32, #tpu.memory_space<hbm>> -> memref<40x128xi32, #tpu.memory_space<hbm>>
      tpu.wait_dma2 semaphore(%run_scoped3A : memref<!tpu.dma_semaphore, #tpu.memory_space<semaphore_mem>>) src(%dma_wait3A_121 : memref<40x128xi32, #tpu.memory_space<hbm>>) dst(%arg7 : memref<40x128xi32, #tpu.memory_space<vmem>>)
      tpu.yield
    }) : () -> ()
    %dma_start3A_63 = arith.constant 0 : i32
    %dma_start3A_64 = arith.constant 0 : i32
    %dma_start3A_65 = arith.constant 0 : i32
    %dma_start3A_66 = tpu.memref_slice %arg8[%dma_start3A_64, %dma_start3A_65] : memref<128x128xf32, #tpu.memory_space<vmem>> -> memref<64x128xf32, #tpu.memory_space<vmem>>
    %dma_start3A_67 = arith.constant 0 : i32
    %dma_start3A_68 = tpu.memref_slice %arg6[%dma_start3A_63, %dma_start3A_67] : memref<40x128xi32, #tpu.memory_space<vmem>> -> memref<1x64xi32, #tpu.memory_space<vmem>>
    %dma_start3A_69 = tpu.memref_squeeze %dma_start3A_68 : memref<1x64xi32, #tpu.memory_space<vmem>> -> memref<64xi32, #tpu.memory_space<vmem>>
    %dma_start3A_70 = arith.constant 0 : i32
    %dma_start3A_71 = arith.constant 0 : i32
    %dma_start3A_72 = tpu.memref_slice %arg2[%dma_start3A_70, %dma_start3A_71] : memref<10000x128xf32, #tpu.memory_space<hbm>> -> memref<10000x128xf32, #tpu.memory_space<hbm>>
    tpu.enqueue_indirect_dma source(%dma_start3A_72 : memref<10000x128xf32, #tpu.memory_space<hbm>>) target(%dma_start3A_66 : memref<64x128xf32, #tpu.memory_space<vmem>>) offsets(%dma_start3A_69 : memref<64xi32, #tpu.memory_space<vmem>>) semaphore(%arg11 : memref<!tpu.dma_semaphore, #tpu.memory_space<semaphore_mem>>)
    %dma_start3A_73 = arith.constant 0 : i32
    %dma_start3A_74 = arith.constant 64 : i32
    %dma_start3A_75 = arith.constant 0 : i32
    %dma_start3A_76 = tpu.memref_slice %arg8[%dma_start3A_74, %dma_start3A_75] : memref<128x128xf32, #tpu.memory_space<vmem>> -> memref<64x128xf32, #tpu.memory_space<vmem>>
    %dma_start3A_77 = arith.constant 64 : i32
    %dma_start3A_78 = tpu.memref_slice %arg6[%dma_start3A_73, %dma_start3A_77] : memref<40x128xi32, #tpu.memory_space<vmem>> -> memref<1x64xi32, #tpu.memory_space<vmem>>
    %dma_start3A_79 = tpu.memref_squeeze %dma_start3A_78 : memref<1x64xi32, #tpu.memory_space<vmem>> -> memref<64xi32, #tpu.memory_space<vmem>>
    %dma_start3A_80 = arith.constant 0 : i32
    %dma_start3A_81 = arith.constant 0 : i32
    %dma_start3A_82 = tpu.memref_slice %arg2[%dma_start3A_80, %dma_start3A_81] : memref<10000x128xf32, #tpu.memory_space<hbm>> -> memref<10000x128xf32, #tpu.memory_space<hbm>>
    tpu.enqueue_indirect_dma source(%dma_start3A_82 : memref<10000x128xf32, #tpu.memory_space<hbm>>) target(%dma_start3A_76 : memref<64x128xf32, #tpu.memory_space<vmem>>) offsets(%dma_start3A_79 : memref<64xi32, #tpu.memory_space<vmem>>) semaphore(%arg12 : memref<!tpu.dma_semaphore, #tpu.memory_space<semaphore_mem>>)
    %dma_start3A_83 = arith.constant 1 : i32
    %dma_start3A_84 = arith.constant 0 : i32
    %dma_start3A_85 = arith.constant 0 : i32
    %dma_start3A_86 = tpu.memref_slice %arg9[%dma_start3A_84, %dma_start3A_85] : memref<128x128xf32, #tpu.memory_space<vmem>> -> memref<64x128xf32, #tpu.memory_space<vmem>>
    %dma_start3A_87 = arith.constant 0 : i32
    %dma_start3A_88 = tpu.memref_slice %arg6[%dma_start3A_83, %dma_start3A_87] : memref<40x128xi32, #tpu.memory_space<vmem>> -> memref<1x64xi32, #tpu.memory_space<vmem>>
    %dma_start3A_89 = tpu.memref_squeeze %dma_start3A_88 : memref<1x64xi32, #tpu.memory_space<vmem>> -> memref<64xi32, #tpu.memory_space<vmem>>
    %dma_start3A_90 = arith.constant 0 : i32
    %dma_start3A_91 = arith.constant 0 : i32
    %dma_start3A_92 = tpu.memref_slice %arg2[%dma_start3A_90, %dma_start3A_91] : memref<10000x128xf32, #tpu.memory_space<hbm>> -> memref<10000x128xf32, #tpu.memory_space<hbm>>
    tpu.enqueue_indirect_dma source(%dma_start3A_92 : memref<10000x128xf32, #tpu.memory_space<hbm>>) target(%dma_start3A_86 : memref<64x128xf32, #tpu.memory_space<vmem>>) offsets(%dma_start3A_89 : memref<64xi32, #tpu.memory_space<vmem>>) semaphore(%arg13 : memref<!tpu.dma_semaphore, #tpu.memory_space<semaphore_mem>>)
    %dma_start3A_93 = arith.constant 1 : i32
    %dma_start3A_94 = arith.constant 64 : i32
    %dma_start3A_95 = arith.constant 0 : i32
    %dma_start3A_96 = tpu.memref_slice %arg9[%dma_start3A_94, %dma_start3A_95] : memref<128x128xf32, #tpu.memory_space<vmem>> -> memref<64x128xf32, #tpu.memory_space<vmem>>
    %dma_start3A_97 = arith.constant 64 : i32
    %dma_start3A_98 = tpu.memref_slice %arg6[%dma_start3A_93, %dma_start3A_97] : memref<40x128xi32, #tpu.memory_space<vmem>> -> memref<1x64xi32, #tpu.memory_space<vmem>>
    %dma_start3A_99 = tpu.memref_squeeze %dma_start3A_98 : memref<1x64xi32, #tpu.memory_space<vmem>> -> memref<64xi32, #tpu.memory_space<vmem>>
    %dma_start3A_100 = arith.constant 0 : i32
    %dma_start3A_101 = arith.constant 0 : i32
    %dma_start3A_102 = tpu.memref_slice %arg2[%dma_start3A_100, %dma_start3A_101] : memref<10000x128xf32, #tpu.memory_space<hbm>> -> memref<10000x128xf32, #tpu.memory_space<hbm>>
    tpu.enqueue_indirect_dma source(%dma_start3A_102 : memref<10000x128xf32, #tpu.memory_space<hbm>>) target(%dma_start3A_96 : memref<64x128xf32, #tpu.memory_space<vmem>>) offsets(%dma_start3A_99 : memref<64xi32, #tpu.memory_space<vmem>>) semaphore(%arg14 : memref<!tpu.dma_semaphore, #tpu.memory_space<semaphore_mem>>)
    %scan3A_103 = arith.constant 0 : i32
    %scan3A_104 = arith.constant 20 : i32
    %scan3A_105 = arith.addi %scan3A_103, %scan3A_104 : i32
    %scan3A_106 = arith.constant 1 : i32
    scf.for %scan3A_115 = %scan3A_103 to %scan3A_105 step %scan3A_106  : i32 {
      %mul3A_116 = arith.constant 2 : i32
      %mul3A_117 = arith.muli %scan3A_115, %mul3A_116 : i32
      %add3A_118 = arith.constant 0 : i32
      %add3A_119 = arith.addi %add3A_118, %mul3A_117 : i32
      %add3A_120 = arith.constant 0 : i32
      %add3A_121 = arith.addi %add3A_119, %add3A_120 : i32
      %dma_wait3A = arith.constant 0 : i32
      %dma_wait3A_122 = arith.constant 0 : i32
      %dma_wait3A_123 = tpu.memref_slice %arg8[%dma_wait3A, %dma_wait3A_122] : memref<128x128xf32, #tpu.memory_space<vmem>> -> memref<64x128xf32, #tpu.memory_space<vmem>>
      %dma_wait3A_124 = arith.constant 0 : i32
      %dma_wait3A_125 = tpu.memref_slice %arg6[%add3A_121, %dma_wait3A_124] : memref<40x128xi32, #tpu.memory_space<vmem>> -> memref<1x64xi32, #tpu.memory_space<vmem>>
      %dma_wait3A_126 = tpu.memref_squeeze %dma_wait3A_125 : memref<1x64xi32, #tpu.memory_space<vmem>> -> memref<64xi32, #tpu.memory_space<vmem>>
      %dma_wait3A_127 = arith.constant 0 : i32
      %dma_wait3A_128 = arith.constant 0 : i32
      %dma_wait3A_129 = tpu.memref_slice %arg2[%dma_wait3A_127, %dma_wait3A_128] : memref<10000x128xf32, #tpu.memory_space<hbm>> -> memref<10000x128xf32, #tpu.memory_space<hbm>>
      tpu.wait_indirect_dma semaphore(%arg11 : memref<!tpu.dma_semaphore, #tpu.memory_space<semaphore_mem>>) src(%dma_wait3A_129 : memref<10000x128xf32, #tpu.memory_space<hbm>>) dst(%dma_wait3A_123 : memref<64x128xf32, #tpu.memory_space<vmem>>)
      %dma_wait3A_130 = arith.constant 64 : i32
      %dma_wait3A_131 = arith.constant 0 : i32
      %dma_wait3A_132 = tpu.memref_slice %arg8[%dma_wait3A_130, %dma_wait3A_131] : memref<128x128xf32, #tpu.memory_space<vmem>> -> memref<64x128xf32, #tpu.memory_space<vmem>>
      %dma_wait3A_133 = arith.constant 64 : i32
      %dma_wait3A_134 = tpu.memref_slice %arg6[%add3A_121, %dma_wait3A_133] : memref<40x128xi32, #tpu.memory_space<vmem>> -> memref<1x64xi32, #tpu.memory_space<vmem>>
      %dma_wait3A_135 = tpu.memref_squeeze %dma_wait3A_134 : memref<1x64xi32, #tpu.memory_space<vmem>> -> memref<64xi32, #tpu.memory_space<vmem>>
      %dma_wait3A_136 = arith.constant 0 : i32
      %dma_wait3A_137 = arith.constant 0 : i32
      %dma_wait3A_138 = tpu.memref_slice %arg2[%dma_wait3A_136, %dma_wait3A_137] : memref<10000x128xf32, #tpu.memory_space<hbm>> -> memref<10000x128xf32, #tpu.memory_space<hbm>>
      tpu.wait_indirect_dma semaphore(%arg12 : memref<!tpu.dma_semaphore, #tpu.memory_space<semaphore_mem>>) src(%dma_wait3A_138 : memref<10000x128xf32, #tpu.memory_space<hbm>>) dst(%dma_wait3A_132 : memref<64x128xf32, #tpu.memory_space<vmem>>)
      %add3A_139 = arith.constant 0 : i32
      %add3A_140 = arith.addi %add3A_119, %add3A_139 : i32
      "tpu.region"() ({
        %run_scoped3A = tpu.sem_alloc : memref<!tpu.dma_semaphore, #tpu.memory_space<semaphore_mem>>
        %dma_start3A_181 = arith.constant 0 : i32
        %dma_start3A_182 = tpu.memref_slice %arg7[%add3A_140, %dma_start3A_181] : memref<40x128xi32, #tpu.memory_space<vmem>> -> memref<1x128xi32, #tpu.memory_space<vmem>>
        %dma_start3A_183 = tpu.memref_squeeze %dma_start3A_182 : memref<1x128xi32, #tpu.memory_space<vmem>> -> memref<128xi32, #tpu.memory_space<vmem>>
        %dma_start3A_184 = arith.constant 0 : i32
        %dma_start3A_185 = arith.constant 0 : i32
        %dma_start3A_186 = tpu.memref_slice %arg10[%dma_start3A_184, %dma_start3A_185] : memref<10000x128xf32, #tpu.memory_space<vmem_shared>> -> memref<10000x128xf32, #tpu.memory_space<vmem_shared>>
        tpu.enqueue_indirect_dma source(%arg8 : memref<128x128xf32, #tpu.memory_space<vmem>>) target(%dma_start3A_186 : memref<10000x128xf32, #tpu.memory_space<vmem_shared>>) offsets(%dma_start3A_183 : memref<128xi32, #tpu.memory_space<vmem>>) semaphore(%run_scoped3A : memref<!tpu.dma_semaphore, #tpu.memory_space<semaphore_mem>>) {add = true}
        %dma_wait3A_187 = arith.constant 0 : i32
        %dma_wait3A_188 = tpu.memref_slice %arg7[%add3A_140, %dma_wait3A_187] : memref<40x128xi32, #tpu.memory_space<vmem>> -> memref<1x128xi32, #tpu.memory_space<vmem>>
        %dma_wait3A_189 = tpu.memref_squeeze %dma_wait3A_188 : memref<1x128xi32, #tpu.memory_space<vmem>> -> memref<128xi32, #tpu.memory_space<vmem>>
        %dma_wait3A_190 = arith.constant 0 : i32
        %dma_wait3A_191 = arith.constant 0 : i32
        %dma_wait3A_192 = tpu.memref_slice %arg10[%dma_wait3A_190, %dma_wait3A_191] : memref<10000x128xf32, #tpu.memory_space<vmem_shared>> -> memref<10000x128xf32, #tpu.memory_space<vmem_shared>>
        tpu.wait_indirect_dma semaphore(%run_scoped3A : memref<!tpu.dma_semaphore, #tpu.memory_space<semaphore_mem>>) src(%arg8 : memref<128x128xf32, #tpu.memory_space<vmem>>) dst(%dma_wait3A_192 : memref<10000x128xf32, #tpu.memory_space<vmem_shared>>)
        tpu.yield
      }) : () -> ()
      %add3A_141 = arith.constant 0 : i32
      %add3A_142 = arith.addi %add3A_119, %add3A_141 : i32
      %add3A_143 = arith.constant 2 : i32
      %add3A_144 = arith.addi %add3A_142, %add3A_143 : i32
      %lt3A_145 = arith.constant 40 : i32
      %lt3A_146 = arith.cmpi slt, %add3A_144, %lt3A_145 : i32
      %convert_element_type3A_147 = arith.extui %lt3A_146 : i1 to i32
      %cond3A_148 = arith.constant 0 : i32
      %cond3A_149 = arith.cmpi ne, %convert_element_type3A_147, %cond3A_148 : i32
      scf.if %cond3A_149 {
        %add3A_181 = arith.constant 0 : i32
        %add3A_182 = arith.addi %add3A_119, %add3A_181 : i32
        %add3A_183 = arith.constant 2 : i32
        %add3A_184 = arith.addi %add3A_182, %add3A_183 : i32
        %dma_start3A_185 = arith.constant 0 : i32
        %dma_start3A_186 = arith.constant 0 : i32
        %dma_start3A_187 = tpu.memref_slice %arg8[%dma_start3A_185, %dma_start3A_186] : memref<128x128xf32, #tpu.memory_space<vmem>> -> memref<64x128xf32, #tpu.memory_space<vmem>>
        %dma_start3A_188 = arith.constant 0 : i32
        %dma_start3A_189 = tpu.memref_slice %arg6[%add3A_184, %dma_start3A_188] : memref<40x128xi32, #tpu.memory_space<vmem>> -> memref<1x64xi32, #tpu.memory_space<vmem>>
        %dma_start3A_190 = tpu.memref_squeeze %dma_start3A_189 : memref<1x64xi32, #tpu.memory_space<vmem>> -> memref<64xi32, #tpu.memory_space<vmem>>
        %dma_start3A_191 = arith.constant 0 : i32
        %dma_start3A_192 = arith.constant 0 : i32
        %dma_start3A_193 = tpu.memref_slice %arg2[%dma_start3A_191, %dma_start3A_192] : memref<10000x128xf32, #tpu.memory_space<hbm>> -> memref<10000x128xf32, #tpu.memory_space<hbm>>
        tpu.enqueue_indirect_dma source(%dma_start3A_193 : memref<10000x128xf32, #tpu.memory_space<hbm>>) target(%dma_start3A_187 : memref<64x128xf32, #tpu.memory_space<vmem>>) offsets(%dma_start3A_190 : memref<64xi32, #tpu.memory_space<vmem>>) semaphore(%arg11 : memref<!tpu.dma_semaphore, #tpu.memory_space<semaphore_mem>>)
        %dma_start3A_194 = arith.constant 64 : i32
        %dma_start3A_195 = arith.constant 0 : i32
        %dma_start3A_196 = tpu.memref_slice %arg8[%dma_start3A_194, %dma_start3A_195] : memref<128x128xf32, #tpu.memory_space<vmem>> -> memref<64x128xf32, #tpu.memory_space<vmem>>
        %dma_start3A_197 = arith.constant 64 : i32
        %dma_start3A_198 = tpu.memref_slice %arg6[%add3A_184, %dma_start3A_197] : memref<40x128xi32, #tpu.memory_space<vmem>> -> memref<1x64xi32, #tpu.memory_space<vmem>>
        %dma_start3A_199 = tpu.memref_squeeze %dma_start3A_198 : memref<1x64xi32, #tpu.memory_space<vmem>> -> memref<64xi32, #tpu.memory_space<vmem>>
        %dma_start3A_200 = arith.constant 0 : i32
        %dma_start3A_201 = arith.constant 0 : i32
        %dma_start3A_202 = tpu.memref_slice %arg2[%dma_start3A_200, %dma_start3A_201] : memref<10000x128xf32, #tpu.memory_space<hbm>> -> memref<10000x128xf32, #tpu.memory_space<hbm>>
        tpu.enqueue_indirect_dma source(%dma_start3A_202 : memref<10000x128xf32, #tpu.memory_space<hbm>>) target(%dma_start3A_196 : memref<64x128xf32, #tpu.memory_space<vmem>>) offsets(%dma_start3A_199 : memref<64xi32, #tpu.memory_space<vmem>>) semaphore(%arg12 : memref<!tpu.dma_semaphore, #tpu.memory_space<semaphore_mem>>)
      } else {
      }
      %add3A_150 = arith.constant 1 : i32
      %add3A_151 = arith.addi %add3A_119, %add3A_150 : i32
      %dma_wait3A_152 = arith.constant 0 : i32
      %dma_wait3A_153 = arith.constant 0 : i32
      %dma_wait3A_154 = tpu.memref_slice %arg9[%dma_wait3A_152, %dma_wait3A_153] : memref<128x128xf32, #tpu.memory_space<vmem>> -> memref<64x128xf32, #tpu.memory_space<vmem>>
      %dma_wait3A_155 = arith.constant 0 : i32
      %dma_wait3A_156 = tpu.memref_slice %arg6[%add3A_151, %dma_wait3A_155] : memref<40x128xi32, #tpu.memory_space<vmem>> -> memref<1x64xi32, #tpu.memory_space<vmem>>
      %dma_wait3A_157 = tpu.memref_squeeze %dma_wait3A_156 : memref<1x64xi32, #tpu.memory_space<vmem>> -> memref<64xi32, #tpu.memory_space<vmem>>
      %dma_wait3A_158 = arith.constant 0 : i32
      %dma_wait3A_159 = arith.constant 0 : i32
      %dma_wait3A_160 = tpu.memref_slice %arg2[%dma_wait3A_158, %dma_wait3A_159] : memref<10000x128xf32, #tpu.memory_space<hbm>> -> memref<10000x128xf32, #tpu.memory_space<hbm>>
      tpu.wait_indirect_dma semaphore(%arg13 : memref<!tpu.dma_semaphore, #tpu.memory_space<semaphore_mem>>) src(%dma_wait3A_160 : memref<10000x128xf32, #tpu.memory_space<hbm>>) dst(%dma_wait3A_154 : memref<64x128xf32, #tpu.memory_space<vmem>>)
      %dma_wait3A_161 = arith.constant 64 : i32
      %dma_wait3A_162 = arith.constant 0 : i32
      %dma_wait3A_163 = tpu.memref_slice %arg9[%dma_wait3A_161, %dma_wait3A_162] : memref<128x128xf32, #tpu.memory_space<vmem>> -> memref<64x128xf32, #tpu.memory_space<vmem>>
      %dma_wait3A_164 = arith.constant 64 : i32
      %dma_wait3A_165 = tpu.memref_slice %arg6[%add3A_151, %dma_wait3A_164] : memref<40x128xi32, #tpu.memory_space<vmem>> -> memref<1x64xi32, #tpu.memory_space<vmem>>
      %dma_wait3A_166 = tpu.memref_squeeze %dma_wait3A_165 : memref<1x64xi32, #tpu.memory_space<vmem>> -> memref<64xi32, #tpu.memory_space<vmem>>
      %dma_wait3A_167 = arith.constant 0 : i32
      %dma_wait3A_168 = arith.constant 0 : i32
      %dma_wait3A_169 = tpu.memref_slice %arg2[%dma_wait3A_167, %dma_wait3A_168] : memref<10000x128xf32, #tpu.memory_space<hbm>> -> memref<10000x128xf32, #tpu.memory_space<hbm>>
      tpu.wait_indirect_dma semaphore(%arg14 : memref<!tpu.dma_semaphore, #tpu.memory_space<semaphore_mem>>) src(%dma_wait3A_169 : memref<10000x128xf32, #tpu.memory_space<hbm>>) dst(%dma_wait3A_163 : memref<64x128xf32, #tpu.memory_space<vmem>>)
      %add3A_170 = arith.constant 1 : i32
      %add3A_171 = arith.addi %add3A_119, %add3A_170 : i32
      "tpu.region"() ({
        %run_scoped3A = tpu.sem_alloc : memref<!tpu.dma_semaphore, #tpu.memory_space<semaphore_mem>>
        %dma_start3A_181 = arith.constant 0 : i32
        %dma_start3A_182 = tpu.memref_slice %arg7[%add3A_171, %dma_start3A_181] : memref<40x128xi32, #tpu.memory_space<vmem>> -> memref<1x128xi32, #tpu.memory_space<vmem>>
        %dma_start3A_183 = tpu.memref_squeeze %dma_start3A_182 : memref<1x128xi32, #tpu.memory_space<vmem>> -> memref<128xi32, #tpu.memory_space<vmem>>
        %dma_start3A_184 = arith.constant 0 : i32
        %dma_start3A_185 = arith.constant 0 : i32
        %dma_start3A_186 = tpu.memref_slice %arg10[%dma_start3A_184, %dma_start3A_185] : memref<10000x128xf32, #tpu.memory_space<vmem_shared>> -> memref<10000x128xf32, #tpu.memory_space<vmem_shared>>
        tpu.enqueue_indirect_dma source(%arg9 : memref<128x128xf32, #tpu.memory_space<vmem>>) target(%dma_start3A_186 : memref<10000x128xf32, #tpu.memory_space<vmem_shared>>) offsets(%dma_start3A_183 : memref<128xi32, #tpu.memory_space<vmem>>) semaphore(%run_scoped3A : memref<!tpu.dma_semaphore, #tpu.memory_space<semaphore_mem>>) {add = true}
        %dma_wait3A_187 = arith.constant 0 : i32
        %dma_wait3A_188 = tpu.memref_slice %arg7[%add3A_171, %dma_wait3A_187] : memref<40x128xi32, #tpu.memory_space<vmem>> -> memref<1x128xi32, #tpu.memory_space<vmem>>
        %dma_wait3A_189 = tpu.memref_squeeze %dma_wait3A_188 : memref<1x128xi32, #tpu.memory_space<vmem>> -> memref<128xi32, #tpu.memory_space<vmem>>
        %dma_wait3A_190 = arith.constant 0 : i32
        %dma_wait3A_191 = arith.constant 0 : i32
        %dma_wait3A_192 = tpu.memref_slice %arg10[%dma_wait3A_190, %dma_wait3A_191] : memref<10000x128xf32, #tpu.memory_space<vmem_shared>> -> memref<10000x128xf32, #tpu.memory_space<vmem_shared>>
        tpu.wait_indirect_dma semaphore(%run_scoped3A : memref<!tpu.dma_semaphore, #tpu.memory_space<semaphore_mem>>) src(%arg9 : memref<128x128xf32, #tpu.memory_space<vmem>>) dst(%dma_wait3A_192 : memref<10000x128xf32, #tpu.memory_space<vmem_shared>>)
        tpu.yield
      }) : () -> ()
      %add3A_172 = arith.constant 1 : i32
      %add3A_173 = arith.addi %add3A_119, %add3A_172 : i32
      %add3A_174 = arith.constant 2 : i32
      %add3A_175 = arith.addi %add3A_173, %add3A_174 : i32
      %lt3A_176 = arith.constant 40 : i32
      %lt3A_177 = arith.cmpi slt, %add3A_175, %lt3A_176 : i32
      %convert_element_type3A_178 = arith.extui %lt3A_177 : i1 to i32
      %cond3A_179 = arith.constant 0 : i32
      %cond3A_180 = arith.cmpi ne, %convert_element_type3A_178, %cond3A_179 : i32
      scf.if %cond3A_180 {
        %add3A_181 = arith.constant 1 : i32
        %add3A_182 = arith.addi %add3A_119, %add3A_181 : i32
        %add3A_183 = arith.constant 2 : i32
        %add3A_184 = arith.addi %add3A_182, %add3A_183 : i32
        %dma_start3A_185 = arith.constant 0 : i32
        %dma_start3A_186 = arith.constant 0 : i32
        %dma_start3A_187 = tpu.memref_slice %arg9[%dma_start3A_185, %dma_start3A_186] : memref<128x128xf32, #tpu.memory_space<vmem>> -> memref<64x128xf32, #tpu.memory_space<vmem>>
        %dma_start3A_188 = arith.constant 0 : i32
        %dma_start3A_189 = tpu.memref_slice %arg6[%add3A_184, %dma_start3A_188] : memref<40x128xi32, #tpu.memory_space<vmem>> -> memref<1x64xi32, #tpu.memory_space<vmem>>
        %dma_start3A_190 = tpu.memref_squeeze %dma_start3A_189 : memref<1x64xi32, #tpu.memory_space<vmem>> -> memref<64xi32, #tpu.memory_space<vmem>>
        %dma_start3A_191 = arith.constant 0 : i32
        %dma_start3A_192 = arith.constant 0 : i32
        %dma_start3A_193 = tpu.memref_slice %arg2[%dma_start3A_191, %dma_start3A_192] : memref<10000x128xf32, #tpu.memory_space<hbm>> -> memref<10000x128xf32, #tpu.memory_space<hbm>>
        tpu.enqueue_indirect_dma source(%dma_start3A_193 : memref<10000x128xf32, #tpu.memory_space<hbm>>) target(%dma_start3A_187 : memref<64x128xf32, #tpu.memory_space<vmem>>) offsets(%dma_start3A_190 : memref<64xi32, #tpu.memory_space<vmem>>) semaphore(%arg13 : memref<!tpu.dma_semaphore, #tpu.memory_space<semaphore_mem>>)
        %dma_start3A_194 = arith.constant 64 : i32
        %dma_start3A_195 = arith.constant 0 : i32
        %dma_start3A_196 = tpu.memref_slice %arg9[%dma_start3A_194, %dma_start3A_195] : memref<128x128xf32, #tpu.memory_space<vmem>> -> memref<64x128xf32, #tpu.memory_space<vmem>>
        %dma_start3A_197 = arith.constant 64 : i32
        %dma_start3A_198 = tpu.memref_slice %arg6[%add3A_184, %dma_start3A_197] : memref<40x128xi32, #tpu.memory_space<vmem>> -> memref<1x64xi32, #tpu.memory_space<vmem>>
        %dma_start3A_199 = tpu.memref_squeeze %dma_start3A_198 : memref<1x64xi32, #tpu.memory_space<vmem>> -> memref<64xi32, #tpu.memory_space<vmem>>
        %dma_start3A_200 = arith.constant 0 : i32
        %dma_start3A_201 = arith.constant 0 : i32
        %dma_start3A_202 = tpu.memref_slice %arg2[%dma_start3A_200, %dma_start3A_201] : memref<10000x128xf32, #tpu.memory_space<hbm>> -> memref<10000x128xf32, #tpu.memory_space<hbm>>
        tpu.enqueue_indirect_dma source(%dma_start3A_202 : memref<10000x128xf32, #tpu.memory_space<hbm>>) target(%dma_start3A_196 : memref<64x128xf32, #tpu.memory_space<vmem>>) offsets(%dma_start3A_199 : memref<64xi32, #tpu.memory_space<vmem>>) semaphore(%arg14 : memref<!tpu.dma_semaphore, #tpu.memory_space<semaphore_mem>>)
      } else {
      }
    }
    %scan3A_107 = arith.constant 20 : i32
    %barrier3A_108 = arith.constant 0 : index
    tpu.barrier barrier_id(%barrier3A_108)
    %lt3A = arith.constant 15 : i32
    %lt3A_109 = arith.cmpi slt, %arg1, %lt3A : i32
    %convert_element_type3A = arith.extui %lt3A_109 : i1 to i32
    %cond3A = arith.constant 0 : i32
    %cond3A_110 = arith.cmpi ne, %convert_element_type3A, %cond3A : i32
    scf.if %cond3A_110 {
      %mul3A_115 = arith.constant 632 : i32
      %mul3A_116 = arith.muli %arg1, %mul3A_115 : i32
      %mul3A_117 = arith.constant 10000 : i32
      %mul3A_118 = arith.muli %arg0, %mul3A_117 : i32
      %mul3A_119 = arith.constant 632 : i32
      %mul3A_120 = arith.muli %arg1, %mul3A_119 : i32
      %add3A_121 = arith.addi %mul3A_118, %mul3A_120 : i32
      "tpu.region"() ({
        %run_scoped3A = tpu.sem_alloc : memref<!tpu.dma_semaphore, #tpu.memory_space<semaphore_mem>>
        %dma_start3A_122 = arith.constant 0 : i32
        %dma_start3A_123 = tpu.memref_slice %arg5[%add3A_121, %dma_start3A_122] : memref<20000x128xf32, #tpu.memory_space<hbm>> -> memref<632x128xf32, #tpu.memory_space<hbm>>
        %dma_start3A_124 = arith.constant 0 : i32
        %dma_start3A_125 = tpu.memref_slice %arg10[%mul3A_116, %dma_start3A_124] : memref<10000x128xf32, #tpu.memory_space<vmem_shared>> -> memref<632x128xf32, #tpu.memory_space<vmem_shared>>
        tpu.enqueue_dma source(%dma_start3A_125 : memref<632x128xf32, #tpu.memory_space<vmem_shared>>) target(%dma_start3A_123 : memref<632x128xf32, #tpu.memory_space<hbm>>) target_semaphore(%run_scoped3A : memref<!tpu.dma_semaphore, #tpu.memory_space<semaphore_mem>>)
        %dma_wait3A = arith.constant 0 : i32
        %dma_wait3A_126 = tpu.memref_slice %arg5[%add3A_121, %dma_wait3A] : memref<20000x128xf32, #tpu.memory_space<hbm>> -> memref<632x128xf32, #tpu.memory_space<hbm>>
        %dma_wait3A_127 = arith.constant 0 : i32
        %dma_wait3A_128 = tpu.memref_slice %arg10[%mul3A_116, %dma_wait3A_127] : memref<10000x128xf32, #tpu.memory_space<vmem_shared>> -> memref<632x128xf32, #tpu.memory_space<vmem_shared>>
        tpu.wait_dma2 semaphore(%run_scoped3A : memref<!tpu.dma_semaphore, #tpu.memory_space<semaphore_mem>>) src(%dma_wait3A_128 : memref<632x128xf32, #tpu.memory_space<vmem_shared>>) dst(%dma_wait3A_126 : memref<632x128xf32, #tpu.memory_space<hbm>>)
        tpu.yield
      }) : () -> ()
    } else {
    }
    %eq3A = arith.constant 15 : i32
    %eq3A_111 = arith.cmpi eq, %arg1, %eq3A : i32
    %convert_element_type3A_112 = arith.extui %eq3A_111 : i1 to i32
    %cond3A_113 = arith.constant 0 : i32
    %cond3A_114 = arith.cmpi ne, %convert_element_type3A_112, %cond3A_113 : i32
    scf.if %cond3A_114 {
      %mul3A_115 = arith.constant 10000 : i32
      %mul3A_116 = arith.muli %arg0, %mul3A_115 : i32
      %add3A_117 = arith.constant 9480 : i32
      %add3A_118 = arith.addi %mul3A_116, %add3A_117 : i32
      "tpu.region"() ({
        %run_scoped3A = tpu.sem_alloc : memref<!tpu.dma_semaphore, #tpu.memory_space<semaphore_mem>>
        %dma_start3A_119 = arith.constant 0 : i32
        %dma_start3A_120 = tpu.memref_slice %arg5[%add3A_118, %dma_start3A_119] : memref<20000x128xf32, #tpu.memory_space<hbm>> -> memref<520x128xf32, #tpu.memory_space<hbm>>
        %dma_start3A_121 = arith.constant 9480 : i32
        %dma_start3A_122 = arith.constant 0 : i32
        %dma_start3A_123 = tpu.memref_slice %arg10[%dma_start3A_121, %dma_start3A_122] : memref<10000x128xf32, #tpu.memory_space<vmem_shared>> -> memref<520x128xf32, #tpu.memory_space<vmem_shared>>
        tpu.enqueue_dma source(%dma_start3A_123 : memref<520x128xf32, #tpu.memory_space<vmem_shared>>) target(%dma_start3A_120 : memref<520x128xf32, #tpu.memory_space<hbm>>) target_semaphore(%run_scoped3A : memref<!tpu.dma_semaphore, #tpu.memory_space<semaphore_mem>>)
        %dma_wait3A = arith.constant 0 : i32
        %dma_wait3A_124 = tpu.memref_slice %arg5[%add3A_118, %dma_wait3A] : memref<20000x128xf32, #tpu.memory_space<hbm>> -> memref<520x128xf32, #tpu.memory_space<hbm>>
        %dma_wait3A_125 = arith.constant 9480 : i32
        %dma_wait3A_126 = arith.constant 0 : i32
        %dma_wait3A_127 = tpu.memref_slice %arg10[%dma_wait3A_125, %dma_wait3A_126] : memref<10000x128xf32, #tpu.memory_space<vmem_shared>> -> memref<520x128xf32, #tpu.memory_space<vmem_shared>>
        tpu.wait_dma2 semaphore(%run_scoped3A : memref<!tpu.dma_semaphore, #tpu.memory_space<semaphore_mem>>) src(%dma_wait3A_127 : memref<520x128xf32, #tpu.memory_space<vmem_shared>>) dst(%dma_wait3A_124 : memref<520x128xf32, #tpu.memory_space<hbm>>)
        tpu.yield
      }) : () -> ()
    } else {
    }
    return
  }
}

#map = affine_map<(d0, d1) -> (0, 0)>
module attributes {stable_mosaic.version = 14 : i64} {
  func.func @k(%arg0: i32, %arg1: i32, %arg2: memref<10000x128xf32, #tpu.memory_space<hbm>>, %arg3: memref<2560x128xi32, #tpu.memory_space<hbm>>, %arg4: memref<2560x128xi32, #tpu.memory_space<hbm>>, %arg5: memref<20000x128xf32, #tpu.memory_space<hbm>>, %arg6: memref<40x128xi32, #tpu.memory_space<vmem>>, %arg7: memref<40x128xi32, #tpu.memory_space<vmem>>, %arg8: memref<128x128xf32, #tpu.memory_space<vmem>>, %arg9: memref<128x128xf32, #tpu.memory_space<vmem>>, %arg10: memref<10000x128xf32, #tpu.memory_space<vmem_shared>>, %arg11: memref<!tpu.dma_semaphore, #tpu.memory_space<semaphore_mem>>, %arg12: memref<!tpu.dma_semaphore, #tpu.memory_space<semaphore_mem>>, %arg13: memref<!tpu.dma_semaphore, #tpu.memory_space<semaphore_mem>>, %arg14: memref<!tpu.dma_semaphore, #tpu.memory_space<semaphore_mem>>) attributes {dimension_semantics = [#tpu.dimension_semantics<core_parallel>, #tpu.dimension_semantics<subcore_parallel>], iteration_bounds = array<i64: 2, 16>, scalar_prefetch = 0 : i64, scratch_operands = 9 : i64, tpu.core_type = #tpu.core_type<sc_vector_subcore>, window_params = [{transform_indices = #map}, {transform_indices = #map}, {transform_indices = #map}, {transform_indices = #map}]} {
    %mul3A = arith.constant 16 : i32
    %mul3A_0 = arith.muli %arg0, %mul3A : i32
    %add3A = arith.addi %mul3A_0, %arg1 : i32
    %broadcast_in_dim3A = arith.constant 0.000000e+00 : f32
    %broadcast_in_dim3A_1 = vector.broadcast %broadcast_in_dim3A : f32 to vector<16xf32>
    %scan3A = arith.constant 0 : i32
    %scan3A_2 = arith.constant 125 : i32
    %scan3A_3 = arith.addi %scan3A, %scan3A_2 : i32
    %scan3A_4 = arith.constant 1 : i32
    scf.for %scan3A_115 = %scan3A to %scan3A_3 step %scan3A_4  : i32 {
      %mul3A_116 = arith.constant 1 : i32
      %mul3A_117 = arith.muli %scan3A_115, %mul3A_116 : i32
      %add3A_118 = arith.constant 0 : i32
      %add3A_119 = arith.addi %add3A_118, %mul3A_117 : i32
      %swap3A = arith.index_cast %add3A_119 : i32 to index
      %swap3A_120 = arith.constant 0 : index
      %swap3A_121 = tpu.vector_load %arg8[%swap3A, %swap3A_120] {strides = array<i32>} : memref<128x128xf32, #tpu.memory_space<vmem>>, vector<1x16xf32>,
      %swap3A_122 = vector.shape_cast %swap3A_121 : vector<1x16xf32> to vector<16xf32>
      %swap3A_123 = vector.shape_cast %broadcast_in_dim3A_1 : vector<16xf32> to vector<1x16xf32>
      tpu.vector_store %arg8[%swap3A, %swap3A_120], %swap3A_123 {strides = array<i32>} : memref<128x128xf32, #tpu.memory_space<vmem>>, vector<1x16xf32>,
      %swap3A_124 = arith.index_cast %add3A_119 : i32 to index
      %swap3A_125 = arith.constant 16 : index
      %swap3A_126 = tpu.vector_load %arg8[%swap3A_124, %swap3A_125] {strides = array<i32>} : memref<128x128xf32, #tpu.memory_space<vmem>>, vector<1x16xf32>,
      %swap3A_127 = vector.shape_cast %swap3A_126 : vector<1x16xf32> to vector<16xf32>
      %swap3A_128 = vector.shape_cast %broadcast_in_dim3A_1 : vector<16xf32> to vector<1x16xf32>
      tpu.vector_store %arg8[%swap3A_124, %swap3A_125], %swap3A_128 {strides = array<i32>} : memref<128x128xf32, #tpu.memory_space<vmem>>, vector<1x16xf32>,
      %swap3A_129 = arith.index_cast %add3A_119 : i32 to index
      %swap3A_130 = arith.constant 32 : index
      %swap3A_131 = tpu.vector_load %arg8[%swap3A_129, %swap3A_130] {strides = array<i32>} : memref<128x128xf32, #tpu.memory_space<vmem>>, vector<1x16xf32>,
      %swap3A_132 = vector.shape_cast %swap3A_131 : vector<1x16xf32> to vector<16xf32>
      %swap3A_133 = vector.shape_cast %broadcast_in_dim3A_1 : vector<16xf32> to vector<1x16xf32>
      tpu.vector_store %arg8[%swap3A_129, %swap3A_130], %swap3A_133 {strides = array<i32>} : memref<128x128xf32, #tpu.memory_space<vmem>>, vector<1x16xf32>,
      %swap3A_134 = arith.index_cast %add3A_119 : i32 to index
      %swap3A_135 = arith.constant 48 : index
      %swap3A_136 = tpu.vector_load %arg8[%swap3A_134, %swap3A_135] {strides = array<i32>} : memref<128x128xf32, #tpu.memory_space<vmem>>, vector<1x16xf32>,
      %swap3A_137 = vector.shape_cast %swap3A_136 : vector<1x16xf32> to vector<16xf32>
      %swap3A_138 = vector.shape_cast %broadcast_in_dim3A_1 : vector<16xf32> to vector<1x16xf32>
      tpu.vector_store %arg8[%swap3A_134, %swap3A_135], %swap3A_138 {strides = array<i32>} : memref<128x128xf32, #tpu.memory_space<vmem>>, vector<1x16xf32>,
      %swap3A_139 = arith.index_cast %add3A_119 : i32 to index
      %swap3A_140 = arith.constant 64 : index
      %swap3A_141 = tpu.vector_load %arg8[%swap3A_139, %swap3A_140] {strides = array<i32>} : memref<128x128xf32, #tpu.memory_space<vmem>>, vector<1x16xf32>,
      %swap3A_142 = vector.shape_cast %swap3A_141 : vector<1x16xf32> to vector<16xf32>
      %swap3A_143 = vector.shape_cast %broadcast_in_dim3A_1 : vector<16xf32> to vector<1x16xf32>
      tpu.vector_store %arg8[%swap3A_139, %swap3A_140], %swap3A_143 {strides = array<i32>} : memref<128x128xf32, #tpu.memory_space<vmem>>, vector<1x16xf32>,
      %swap3A_144 = arith.index_cast %add3A_119 : i32 to index
      %swap3A_145 = arith.constant 80 : index
      %swap3A_146 = tpu.vector_load %arg8[%swap3A_144, %swap3A_145] {strides = array<i32>} : memref<128x128xf32, #tpu.memory_space<vmem>>, vector<1x16xf32>,
      %swap3A_147 = vector.shape_cast %swap3A_146 : vector<1x16xf32> to vector<16xf32>
      %swap3A_148 = vector.shape_cast %broadcast_in_dim3A_1 : vector<16xf32> to vector<1x16xf32>
      tpu.vector_store %arg8[%swap3A_144, %swap3A_145], %swap3A_148 {strides = array<i32>} : memref<128x128xf32, #tpu.memory_space<vmem>>, vector<1x16xf32>,
      %swap3A_149 = arith.index_cast %add3A_119 : i32 to index
      %swap3A_150 = arith.constant 96 : index
      %swap3A_151 = tpu.vector_load %arg8[%swap3A_149, %swap3A_150] {strides = array<i32>} : memref<128x128xf32, #tpu.memory_space<vmem>>, vector<1x16xf32>,
      %swap3A_152 = vector.shape_cast %swap3A_151 : vector<1x16xf32> to vector<16xf32>
      %swap3A_153 = vector.shape_cast %broadcast_in_dim3A_1 : vector<16xf32> to vector<1x16xf32>
      tpu.vector_store %arg8[%swap3A_149, %swap3A_150], %swap3A_153 {strides = array<i32>} : memref<128x128xf32, #tpu.memory_space<vmem>>, vector<1x16xf32>,
      %swap3A_154 = arith.index_cast %add3A_119 : i32 to index
      %swap3A_155 = arith.constant 112 : index
      %swap3A_156 = tpu.vector_load %arg8[%swap3A_154, %swap3A_155] {strides = array<i32>} : memref<128x128xf32, #tpu.memory_space<vmem>>, vector<1x16xf32>,
      %swap3A_157 = vector.shape_cast %swap3A_156 : vector<1x16xf32> to vector<16xf32>
      %swap3A_158 = vector.shape_cast %broadcast_in_dim3A_1 : vector<16xf32> to vector<1x16xf32>
      tpu.vector_store %arg8[%swap3A_154, %swap3A_155], %swap3A_158 {strides = array<i32>} : memref<128x128xf32, #tpu.memory_space<vmem>>, vector<1x16xf32>,
    }
    %scan3A_5 = arith.constant 125 : i32
    %scan3A_6 = arith.constant 0 : i32
    %scan3A_7 = arith.constant 5 : i32
    %scan3A_8 = arith.addi %scan3A_6, %scan3A_7 : i32
    %scan3A_9 = arith.constant 1 : i32
    scf.for %scan3A_115 = %scan3A_6 to %scan3A_8 step %scan3A_9  : i32 {
      %mul3A_116 = arith.constant 125 : i32
      %mul3A_117 = arith.muli %scan3A_115, %mul3A_116 : i32
      %add3A_118 = arith.constant 0 : i32
      %add3A_119 = arith.addi %add3A_118, %mul3A_117 : i32
      %mul3A_120 = arith.constant 625 : i32
      %mul3A_121 = arith.muli %arg1, %mul3A_120 : i32
      %add3A_122 = arith.addi %mul3A_121, %add3A_119 : i32
      "tpu.region"() ({
        %run_scoped3A = tpu.sem_alloc : memref<!tpu.dma_semaphore, #tpu.memory_space<semaphore_mem>>
        %dma_start3A_123 = arith.constant 0 : i32
        %dma_start3A_124 = arith.constant 0 : i32
        %dma_start3A_125 = tpu.memref_slice %arg8[%dma_start3A_123, %dma_start3A_124] : memref<128x128xf32, #tpu.memory_space<vmem>> -> memref<125x128xf32, #tpu.memory_space<vmem>>
        %dma_start3A_126 = arith.constant 0 : i32
        %dma_start3A_127 = tpu.memref_slice %arg10[%add3A_122, %dma_start3A_126] : memref<10000x128xf32, #tpu.memory_space<vmem_shared>> -> memref<125x128xf32, #tpu.memory_space<vmem_shared>>
        %dma_start3A_128 = arith.constant 0 : i32
        %dma_start3A_129 = tpu.memref_slice %arg10[%add3A_122, %dma_start3A_128] : memref<10000x128xf32, #tpu.memory_space<vmem_shared>> -> memref<125x128xf32, #tpu.memory_space<vmem_shared>>
        %dma_start3A_130 = arith.constant 0 : i32
        %dma_start3A_131 = arith.constant 0 : i32
        %dma_start3A_132 = tpu.memref_slice %arg8[%dma_start3A_130, %dma_start3A_131] : memref<128x128xf32, #tpu.memory_space<vmem>> -> memref<125x128xf32, #tpu.memory_space<vmem>>
        tpu.enqueue_dma source(%dma_start3A_132 : memref<125x128xf32, #tpu.memory_space<vmem>>) target(%dma_start3A_129 : memref<125x128xf32, #tpu.memory_space<vmem_shared>>) target_semaphore(%run_scoped3A : memref<!tpu.dma_semaphore, #tpu.memory_space<semaphore_mem>>)
        %dma_wait3A = arith.constant 0 : i32
        %dma_wait3A_133 = arith.constant 0 : i32
        %dma_wait3A_134 = tpu.memref_slice %arg8[%dma_wait3A, %dma_wait3A_133] : memref<128x128xf32, #tpu.memory_space<vmem>> -> memref<125x128xf32, #tpu.memory_space<vmem>>
        %dma_wait3A_135 = arith.constant 0 : i32
        %dma_wait3A_136 = tpu.memref_slice %arg10[%add3A_122, %dma_wait3A_135] : memref<10000x128xf32, #tpu.memory_space<vmem_shared>> -> memref<125x128xf32, #tpu.memory_space<vmem_shared>>
        %dma_wait3A_137 = arith.constant 0 : i32
        %dma_wait3A_138 = tpu.memref_slice %arg10[%add3A_122, %dma_wait3A_137] : memref<10000x128xf32, #tpu.memory_space<vmem_shared>> -> memref<125x128xf32, #tpu.memory_space<vmem_shared>>
        %dma_wait3A_139 = arith.constant 0 : i32
        %dma_wait3A_140 = arith.constant 0 : i32
        %dma_wait3A_141 = tpu.memref_slice %arg8[%dma_wait3A_139, %dma_wait3A_140] : memref<128x128xf32, #tpu.memory_space<vmem>> -> memref<125x128xf32, #tpu.memory_space<vmem>>
        tpu.wait_dma2 semaphore(%run_scoped3A : memref<!tpu.dma_semaphore, #tpu.memory_space<semaphore_mem>>) src(%dma_wait3A_141 : memref<125x128xf32, #tpu.memory_space<vmem>>) dst(%dma_wait3A_138 : memref<125x128xf32, #tpu.memory_space<vmem_shared>>)
        tpu.yield
      }) : () -> ()
    }
    %scan3A_10 = arith.constant 5 : i32
    %barrier3A = arith.constant 0 : index
    tpu.barrier barrier_id(%barrier3A)
    %mul3A_11 = arith.constant 80 : i32
    %mul3A_12 = arith.muli %add3A, %mul3A_11 : i32
    %add3A_13 = arith.constant 0 : i32
    %add3A_14 = arith.addi %mul3A_12, %add3A_13 : i32
    "tpu.region"() ({
      %run_scoped3A = tpu.sem_alloc : memref<!tpu.dma_semaphore, #tpu.memory_space<semaphore_mem>>
      %dma_start3A_115 = arith.constant 0 : i32
      %dma_start3A_116 = tpu.memref_slice %arg3[%add3A_14, %dma_start3A_115] : memref<2560x128xi32, #tpu.memory_space<hbm>> -> memref<40x128xi32, #tpu.memory_space<hbm>>
      %dma_start3A_117 = arith.constant 0 : i32
      %dma_start3A_118 = tpu.memref_slice %arg3[%add3A_14, %dma_start3A_117] : memref<2560x128xi32, #tpu.memory_space<hbm>> -> memref<40x128xi32, #tpu.memory_space<hbm>>
      tpu.enqueue_dma source(%dma_start3A_118 : memref<40x128xi32, #tpu.memory_space<hbm>>) target(%arg6 : memref<40x128xi32, #tpu.memory_space<vmem>>) target_semaphore(%run_scoped3A : memref<!tpu.dma_semaphore, #tpu.memory_space<semaphore_mem>>)
      %dma_wait3A = arith.constant 0 : i32
      %dma_wait3A_119 = tpu.memref_slice %arg3[%add3A_14, %dma_wait3A] : memref<2560x128xi32, #tpu.memory_space<hbm>> -> memref<40x128xi32, #tpu.memory_space<hbm>>
      %dma_wait3A_120 = arith.constant 0 : i32
      %dma_wait3A_121 = tpu.memref_slice %arg3[%add3A_14, %dma_wait3A_120] : memref<2560x128xi32, #tpu.memory_space<hbm>> -> memref<40x128xi32, #tpu.memory_space<hbm>>
      tpu.wait_dma2 semaphore(%run_scoped3A : memref<!tpu.dma_semaphore, #tpu.memory_space<semaphore_mem>>) src(%dma_wait3A_121 : memref<40x128xi32, #tpu.memory_space<hbm>>) dst(%arg6 : memref<40x128xi32, #tpu.memory_space<vmem>>)
      tpu.yield
    }) : () -> ()
    "tpu.region"() ({
      %run_scoped3A = tpu.sem_alloc : memref<!tpu.dma_semaphore, #tpu.memory_space<semaphore_mem>>
      %dma_start3A_115 = arith.constant 0 : i32
      %dma_start3A_116 = tpu.memref_slice %arg4[%add3A_14, %dma_start3A_115] : memref<2560x128xi32, #tpu.memory_space<hbm>> -> memref<40x128xi32, #tpu.memory_space<hbm>>
      %dma_start3A_117 = arith.constant 0 : i32
      %dma_start3A_118 = tpu.memref_slice %arg4[%add3A_14, %dma_start3A_117] : memref<2560x128xi32, #tpu.memory_space<hbm>> -> memref<40x128xi32, #tpu.memory_space<hbm>>
      tpu.enqueue_dma source(%dma_start3A_118 : memref<40x128xi32, #tpu.memory_space<hbm>>) target(%arg7 : memref<40x128xi32, #tpu.memory_space<vmem>>) target_semaphore(%run_scoped3A : memref<!tpu.dma_semaphore, #tpu.memory_space<semaphore_mem>>)
      %dma_wait3A = arith.constant 0 : i32
      %dma_wait3A_119 = tpu.memref_slice %arg4[%add3A_14, %dma_wait3A] : memref<2560x128xi32, #tpu.memory_space<hbm>> -> memref<40x128xi32, #tpu.memory_space<hbm>>
      %dma_wait3A_120 = arith.constant 0 : i32
      %dma_wait3A_121 = tpu.memref_slice %arg4[%add3A_14, %dma_wait3A_120] : memref<2560x128xi32, #tpu.memory_space<hbm>> -> memref<40x128xi32, #tpu.memory_space<hbm>>
      tpu.wait_dma2 semaphore(%run_scoped3A : memref<!tpu.dma_semaphore, #tpu.memory_space<semaphore_mem>>) src(%dma_wait3A_121 : memref<40x128xi32, #tpu.memory_space<hbm>>) dst(%arg7 : memref<40x128xi32, #tpu.memory_space<vmem>>)
      tpu.yield
    }) : () -> ()
    %dma_start3A = arith.constant 0 : i32
    %dma_start3A_15 = arith.constant 0 : i32
    %dma_start3A_16 = arith.constant 0 : i32
    %dma_start3A_17 = tpu.memref_slice %arg8[%dma_start3A_15, %dma_start3A_16] : memref<128x128xf32, #tpu.memory_space<vmem>> -> memref<64x128xf32, #tpu.memory_space<vmem>>
    %dma_start3A_18 = arith.constant 0 : i32
    %dma_start3A_19 = tpu.memref_slice %arg6[%dma_start3A, %dma_start3A_18] : memref<40x128xi32, #tpu.memory_space<vmem>> -> memref<1x64xi32, #tpu.memory_space<vmem>>
    %dma_start3A_20 = tpu.memref_squeeze %dma_start3A_19 : memref<1x64xi32, #tpu.memory_space<vmem>> -> memref<64xi32, #tpu.memory_space<vmem>>
    %dma_start3A_21 = arith.constant 0 : i32
    %dma_start3A_22 = arith.constant 0 : i32
    %dma_start3A_23 = tpu.memref_slice %arg2[%dma_start3A_21, %dma_start3A_22] : memref<10000x128xf32, #tpu.memory_space<hbm>> -> memref<10000x128xf32, #tpu.memory_space<hbm>>
    tpu.enqueue_indirect_dma source(%dma_start3A_23 : memref<10000x128xf32, #tpu.memory_space<hbm>>) target(%dma_start3A_17 : memref<64x128xf32, #tpu.memory_space<vmem>>) offsets(%dma_start3A_20 : memref<64xi32, #tpu.memory_space<vmem>>) semaphore(%arg11 : memref<!tpu.dma_semaphore, #tpu.memory_space<semaphore_mem>>)
    %dma_start3A_24 = arith.constant 0 : i32
    %dma_start3A_25 = arith.constant 64 : i32
    %dma_start3A_26 = arith.constant 0 : i32
    %dma_start3A_27 = tpu.memref_slice %arg8[%dma_start3A_25, %dma_start3A_26] : memref<128x128xf32, #tpu.memory_space<vmem>> -> memref<64x128xf32, #tpu.memory_space<vmem>>
    %dma_start3A_28 = arith.constant 64 : i32
    %dma_start3A_29 = tpu.memref_slice %arg6[%dma_start3A_24, %dma_start3A_28] : memref<40x128xi32, #tpu.memory_space<vmem>> -> memref<1x64xi32, #tpu.memory_space<vmem>>
    %dma_start3A_30 = tpu.memref_squeeze %dma_start3A_29 : memref<1x64xi32, #tpu.memory_space<vmem>> -> memref<64xi32, #tpu.memory_space<vmem>>
    %dma_start3A_31 = arith.constant 0 : i32
    %dma_start3A_32 = arith.constant 0 : i32
    %dma_start3A_33 = tpu.memref_slice %arg2[%dma_start3A_31, %dma_start3A_32] : memref<10000x128xf32, #tpu.memory_space<hbm>> -> memref<10000x128xf32, #tpu.memory_space<hbm>>
    tpu.enqueue_indirect_dma source(%dma_start3A_33 : memref<10000x128xf32, #tpu.memory_space<hbm>>) target(%dma_start3A_27 : memref<64x128xf32, #tpu.memory_space<vmem>>) offsets(%dma_start3A_30 : memref<64xi32, #tpu.memory_space<vmem>>) semaphore(%arg12 : memref<!tpu.dma_semaphore, #tpu.memory_space<semaphore_mem>>)
    %dma_start3A_34 = arith.constant 1 : i32
    %dma_start3A_35 = arith.constant 0 : i32
    %dma_start3A_36 = arith.constant 0 : i32
    %dma_start3A_37 = tpu.memref_slice %arg9[%dma_start3A_35, %dma_start3A_36] : memref<128x128xf32, #tpu.memory_space<vmem>> -> memref<64x128xf32, #tpu.memory_space<vmem>>
    %dma_start3A_38 = arith.constant 0 : i32
    %dma_start3A_39 = tpu.memref_slice %arg6[%dma_start3A_34, %dma_start3A_38] : memref<40x128xi32, #tpu.memory_space<vmem>> -> memref<1x64xi32, #tpu.memory_space<vmem>>
    %dma_start3A_40 = tpu.memref_squeeze %dma_start3A_39 : memref<1x64xi32, #tpu.memory_space<vmem>> -> memref<64xi32, #tpu.memory_space<vmem>>
    %dma_start3A_41 = arith.constant 0 : i32
    %dma_start3A_42 = arith.constant 0 : i32
    %dma_start3A_43 = tpu.memref_slice %arg2[%dma_start3A_41, %dma_start3A_42] : memref<10000x128xf32, #tpu.memory_space<hbm>> -> memref<10000x128xf32, #tpu.memory_space<hbm>>
    tpu.enqueue_indirect_dma source(%dma_start3A_43 : memref<10000x128xf32, #tpu.memory_space<hbm>>) target(%dma_start3A_37 : memref<64x128xf32, #tpu.memory_space<vmem>>) offsets(%dma_start3A_40 : memref<64xi32, #tpu.memory_space<vmem>>) semaphore(%arg13 : memref<!tpu.dma_semaphore, #tpu.memory_space<semaphore_mem>>)
    %dma_start3A_44 = arith.constant 1 : i32
    %dma_start3A_45 = arith.constant 64 : i32
    %dma_start3A_46 = arith.constant 0 : i32
    %dma_start3A_47 = tpu.memref_slice %arg9[%dma_start3A_45, %dma_start3A_46] : memref<128x128xf32, #tpu.memory_space<vmem>> -> memref<64x128xf32, #tpu.memory_space<vmem>>
    %dma_start3A_48 = arith.constant 64 : i32
    %dma_start3A_49 = tpu.memref_slice %arg6[%dma_start3A_44, %dma_start3A_48] : memref<40x128xi32, #tpu.memory_space<vmem>> -> memref<1x64xi32, #tpu.memory_space<vmem>>
    %dma_start3A_50 = tpu.memref_squeeze %dma_start3A_49 : memref<1x64xi32, #tpu.memory_space<vmem>> -> memref<64xi32, #tpu.memory_space<vmem>>
    %dma_start3A_51 = arith.constant 0 : i32
    %dma_start3A_52 = arith.constant 0 : i32
    %dma_start3A_53 = tpu.memref_slice %arg2[%dma_start3A_51, %dma_start3A_52] : memref<10000x128xf32, #tpu.memory_space<hbm>> -> memref<10000x128xf32, #tpu.memory_space<hbm>>
    tpu.enqueue_indirect_dma source(%dma_start3A_53 : memref<10000x128xf32, #tpu.memory_space<hbm>>) target(%dma_start3A_47 : memref<64x128xf32, #tpu.memory_space<vmem>>) offsets(%dma_start3A_50 : memref<64xi32, #tpu.memory_space<vmem>>) semaphore(%arg14 : memref<!tpu.dma_semaphore, #tpu.memory_space<semaphore_mem>>)
    %scan3A_54 = arith.constant 0 : i32
    %scan3A_55 = arith.constant 20 : i32
    %scan3A_56 = arith.addi %scan3A_54, %scan3A_55 : i32
    %scan3A_57 = arith.constant 1 : i32
    scf.for %scan3A_115 = %scan3A_54 to %scan3A_56 step %scan3A_57  : i32 {
      %mul3A_116 = arith.constant 2 : i32
      %mul3A_117 = arith.muli %scan3A_115, %mul3A_116 : i32
      %add3A_118 = arith.constant 0 : i32
      %add3A_119 = arith.addi %add3A_118, %mul3A_117 : i32
      %add3A_120 = arith.constant 0 : i32
      %add3A_121 = arith.addi %add3A_119, %add3A_120 : i32
      %dma_wait3A = arith.constant 0 : i32
      %dma_wait3A_122 = arith.constant 0 : i32
      %dma_wait3A_123 = tpu.memref_slice %arg8[%dma_wait3A, %dma_wait3A_122] : memref<128x128xf32, #tpu.memory_space<vmem>> -> memref<64x128xf32, #tpu.memory_space<vmem>>
      %dma_wait3A_124 = arith.constant 0 : i32
      %dma_wait3A_125 = tpu.memref_slice %arg6[%add3A_121, %dma_wait3A_124] : memref<40x128xi32, #tpu.memory_space<vmem>> -> memref<1x64xi32, #tpu.memory_space<vmem>>
      %dma_wait3A_126 = tpu.memref_squeeze %dma_wait3A_125 : memref<1x64xi32, #tpu.memory_space<vmem>> -> memref<64xi32, #tpu.memory_space<vmem>>
      %dma_wait3A_127 = arith.constant 0 : i32
      %dma_wait3A_128 = arith.constant 0 : i32
      %dma_wait3A_129 = tpu.memref_slice %arg2[%dma_wait3A_127, %dma_wait3A_128] : memref<10000x128xf32, #tpu.memory_space<hbm>> -> memref<10000x128xf32, #tpu.memory_space<hbm>>
      tpu.wait_indirect_dma semaphore(%arg11 : memref<!tpu.dma_semaphore, #tpu.memory_space<semaphore_mem>>) src(%dma_wait3A_129 : memref<10000x128xf32, #tpu.memory_space<hbm>>) dst(%dma_wait3A_123 : memref<64x128xf32, #tpu.memory_space<vmem>>)
      %dma_wait3A_130 = arith.constant 64 : i32
      %dma_wait3A_131 = arith.constant 0 : i32
      %dma_wait3A_132 = tpu.memref_slice %arg8[%dma_wait3A_130, %dma_wait3A_131] : memref<128x128xf32, #tpu.memory_space<vmem>> -> memref<64x128xf32, #tpu.memory_space<vmem>>
      %dma_wait3A_133 = arith.constant 64 : i32
      %dma_wait3A_134 = tpu.memref_slice %arg6[%add3A_121, %dma_wait3A_133] : memref<40x128xi32, #tpu.memory_space<vmem>> -> memref<1x64xi32, #tpu.memory_space<vmem>>
      %dma_wait3A_135 = tpu.memref_squeeze %dma_wait3A_134 : memref<1x64xi32, #tpu.memory_space<vmem>> -> memref<64xi32, #tpu.memory_space<vmem>>
      %dma_wait3A_136 = arith.constant 0 : i32
      %dma_wait3A_137 = arith.constant 0 : i32
      %dma_wait3A_138 = tpu.memref_slice %arg2[%dma_wait3A_136, %dma_wait3A_137] : memref<10000x128xf32, #tpu.memory_space<hbm>> -> memref<10000x128xf32, #tpu.memory_space<hbm>>
      tpu.wait_indirect_dma semaphore(%arg12 : memref<!tpu.dma_semaphore, #tpu.memory_space<semaphore_mem>>) src(%dma_wait3A_138 : memref<10000x128xf32, #tpu.memory_space<hbm>>) dst(%dma_wait3A_132 : memref<64x128xf32, #tpu.memory_space<vmem>>)
      %add3A_139 = arith.constant 0 : i32
      %add3A_140 = arith.addi %add3A_119, %add3A_139 : i32
      "tpu.region"() ({
        %run_scoped3A = tpu.sem_alloc : memref<!tpu.dma_semaphore, #tpu.memory_space<semaphore_mem>>
        %dma_start3A_181 = arith.constant 0 : i32
        %dma_start3A_182 = tpu.memref_slice %arg7[%add3A_140, %dma_start3A_181] : memref<40x128xi32, #tpu.memory_space<vmem>> -> memref<1x128xi32, #tpu.memory_space<vmem>>
        %dma_start3A_183 = tpu.memref_squeeze %dma_start3A_182 : memref<1x128xi32, #tpu.memory_space<vmem>> -> memref<128xi32, #tpu.memory_space<vmem>>
        %dma_start3A_184 = arith.constant 0 : i32
        %dma_start3A_185 = arith.constant 0 : i32
        %dma_start3A_186 = tpu.memref_slice %arg10[%dma_start3A_184, %dma_start3A_185] : memref<10000x128xf32, #tpu.memory_space<vmem_shared>> -> memref<10000x128xf32, #tpu.memory_space<vmem_shared>>
        tpu.enqueue_indirect_dma source(%arg8 : memref<128x128xf32, #tpu.memory_space<vmem>>) target(%dma_start3A_186 : memref<10000x128xf32, #tpu.memory_space<vmem_shared>>) offsets(%dma_start3A_183 : memref<128xi32, #tpu.memory_space<vmem>>) semaphore(%run_scoped3A : memref<!tpu.dma_semaphore, #tpu.memory_space<semaphore_mem>>) {add = true}
        %dma_wait3A_187 = arith.constant 0 : i32
        %dma_wait3A_188 = tpu.memref_slice %arg7[%add3A_140, %dma_wait3A_187] : memref<40x128xi32, #tpu.memory_space<vmem>> -> memref<1x128xi32, #tpu.memory_space<vmem>>
        %dma_wait3A_189 = tpu.memref_squeeze %dma_wait3A_188 : memref<1x128xi32, #tpu.memory_space<vmem>> -> memref<128xi32, #tpu.memory_space<vmem>>
        %dma_wait3A_190 = arith.constant 0 : i32
        %dma_wait3A_191 = arith.constant 0 : i32
        %dma_wait3A_192 = tpu.memref_slice %arg10[%dma_wait3A_190, %dma_wait3A_191] : memref<10000x128xf32, #tpu.memory_space<vmem_shared>> -> memref<10000x128xf32, #tpu.memory_space<vmem_shared>>
        tpu.wait_indirect_dma semaphore(%run_scoped3A : memref<!tpu.dma_semaphore, #tpu.memory_space<semaphore_mem>>) src(%arg8 : memref<128x128xf32, #tpu.memory_space<vmem>>) dst(%dma_wait3A_192 : memref<10000x128xf32, #tpu.memory_space<vmem_shared>>)
        tpu.yield
      }) : () -> ()
      %add3A_141 = arith.constant 0 : i32
      %add3A_142 = arith.addi %add3A_119, %add3A_141 : i32
      %add3A_143 = arith.constant 2 : i32
      %add3A_144 = arith.addi %add3A_142, %add3A_143 : i32
      %lt3A_145 = arith.constant 40 : i32
      %lt3A_146 = arith.cmpi slt, %add3A_144, %lt3A_145 : i32
      %convert_element_type3A_147 = arith.extui %lt3A_146 : i1 to i32
      %cond3A_148 = arith.constant 0 : i32
      %cond3A_149 = arith.cmpi ne, %convert_element_type3A_147, %cond3A_148 : i32
      scf.if %cond3A_149 {
        %add3A_181 = arith.constant 0 : i32
        %add3A_182 = arith.addi %add3A_119, %add3A_181 : i32
        %add3A_183 = arith.constant 2 : i32
        %add3A_184 = arith.addi %add3A_182, %add3A_183 : i32
        %dma_start3A_185 = arith.constant 0 : i32
        %dma_start3A_186 = arith.constant 0 : i32
        %dma_start3A_187 = tpu.memref_slice %arg8[%dma_start3A_185, %dma_start3A_186] : memref<128x128xf32, #tpu.memory_space<vmem>> -> memref<64x128xf32, #tpu.memory_space<vmem>>
        %dma_start3A_188 = arith.constant 0 : i32
        %dma_start3A_189 = tpu.memref_slice %arg6[%add3A_184, %dma_start3A_188] : memref<40x128xi32, #tpu.memory_space<vmem>> -> memref<1x64xi32, #tpu.memory_space<vmem>>
        %dma_start3A_190 = tpu.memref_squeeze %dma_start3A_189 : memref<1x64xi32, #tpu.memory_space<vmem>> -> memref<64xi32, #tpu.memory_space<vmem>>
        %dma_start3A_191 = arith.constant 0 : i32
        %dma_start3A_192 = arith.constant 0 : i32
        %dma_start3A_193 = tpu.memref_slice %arg2[%dma_start3A_191, %dma_start3A_192] : memref<10000x128xf32, #tpu.memory_space<hbm>> -> memref<10000x128xf32, #tpu.memory_space<hbm>>
        tpu.enqueue_indirect_dma source(%dma_start3A_193 : memref<10000x128xf32, #tpu.memory_space<hbm>>) target(%dma_start3A_187 : memref<64x128xf32, #tpu.memory_space<vmem>>) offsets(%dma_start3A_190 : memref<64xi32, #tpu.memory_space<vmem>>) semaphore(%arg11 : memref<!tpu.dma_semaphore, #tpu.memory_space<semaphore_mem>>)
        %dma_start3A_194 = arith.constant 64 : i32
        %dma_start3A_195 = arith.constant 0 : i32
        %dma_start3A_196 = tpu.memref_slice %arg8[%dma_start3A_194, %dma_start3A_195] : memref<128x128xf32, #tpu.memory_space<vmem>> -> memref<64x128xf32, #tpu.memory_space<vmem>>
        %dma_start3A_197 = arith.constant 64 : i32
        %dma_start3A_198 = tpu.memref_slice %arg6[%add3A_184, %dma_start3A_197] : memref<40x128xi32, #tpu.memory_space<vmem>> -> memref<1x64xi32, #tpu.memory_space<vmem>>
        %dma_start3A_199 = tpu.memref_squeeze %dma_start3A_198 : memref<1x64xi32, #tpu.memory_space<vmem>> -> memref<64xi32, #tpu.memory_space<vmem>>
        %dma_start3A_200 = arith.constant 0 : i32
        %dma_start3A_201 = arith.constant 0 : i32
        %dma_start3A_202 = tpu.memref_slice %arg2[%dma_start3A_200, %dma_start3A_201] : memref<10000x128xf32, #tpu.memory_space<hbm>> -> memref<10000x128xf32, #tpu.memory_space<hbm>>
        tpu.enqueue_indirect_dma source(%dma_start3A_202 : memref<10000x128xf32, #tpu.memory_space<hbm>>) target(%dma_start3A_196 : memref<64x128xf32, #tpu.memory_space<vmem>>) offsets(%dma_start3A_199 : memref<64xi32, #tpu.memory_space<vmem>>) semaphore(%arg12 : memref<!tpu.dma_semaphore, #tpu.memory_space<semaphore_mem>>)
      } else {
      }
      %add3A_150 = arith.constant 1 : i32
      %add3A_151 = arith.addi %add3A_119, %add3A_150 : i32
      %dma_wait3A_152 = arith.constant 0 : i32
      %dma_wait3A_153 = arith.constant 0 : i32
      %dma_wait3A_154 = tpu.memref_slice %arg9[%dma_wait3A_152, %dma_wait3A_153] : memref<128x128xf32, #tpu.memory_space<vmem>> -> memref<64x128xf32, #tpu.memory_space<vmem>>
      %dma_wait3A_155 = arith.constant 0 : i32
      %dma_wait3A_156 = tpu.memref_slice %arg6[%add3A_151, %dma_wait3A_155] : memref<40x128xi32, #tpu.memory_space<vmem>> -> memref<1x64xi32, #tpu.memory_space<vmem>>
      %dma_wait3A_157 = tpu.memref_squeeze %dma_wait3A_156 : memref<1x64xi32, #tpu.memory_space<vmem>> -> memref<64xi32, #tpu.memory_space<vmem>>
      %dma_wait3A_158 = arith.constant 0 : i32
      %dma_wait3A_159 = arith.constant 0 : i32
      %dma_wait3A_160 = tpu.memref_slice %arg2[%dma_wait3A_158, %dma_wait3A_159] : memref<10000x128xf32, #tpu.memory_space<hbm>> -> memref<10000x128xf32, #tpu.memory_space<hbm>>
      tpu.wait_indirect_dma semaphore(%arg13 : memref<!tpu.dma_semaphore, #tpu.memory_space<semaphore_mem>>) src(%dma_wait3A_160 : memref<10000x128xf32, #tpu.memory_space<hbm>>) dst(%dma_wait3A_154 : memref<64x128xf32, #tpu.memory_space<vmem>>)
      %dma_wait3A_161 = arith.constant 64 : i32
      %dma_wait3A_162 = arith.constant 0 : i32
      %dma_wait3A_163 = tpu.memref_slice %arg9[%dma_wait3A_161, %dma_wait3A_162] : memref<128x128xf32, #tpu.memory_space<vmem>> -> memref<64x128xf32, #tpu.memory_space<vmem>>
      %dma_wait3A_164 = arith.constant 64 : i32
      %dma_wait3A_165 = tpu.memref_slice %arg6[%add3A_151, %dma_wait3A_164] : memref<40x128xi32, #tpu.memory_space<vmem>> -> memref<1x64xi32, #tpu.memory_space<vmem>>
      %dma_wait3A_166 = tpu.memref_squeeze %dma_wait3A_165 : memref<1x64xi32, #tpu.memory_space<vmem>> -> memref<64xi32, #tpu.memory_space<vmem>>
      %dma_wait3A_167 = arith.constant 0 : i32
      %dma_wait3A_168 = arith.constant 0 : i32
      %dma_wait3A_169 = tpu.memref_slice %arg2[%dma_wait3A_167, %dma_wait3A_168] : memref<10000x128xf32, #tpu.memory_space<hbm>> -> memref<10000x128xf32, #tpu.memory_space<hbm>>
      tpu.wait_indirect_dma semaphore(%arg14 : memref<!tpu.dma_semaphore, #tpu.memory_space<semaphore_mem>>) src(%dma_wait3A_169 : memref<10000x128xf32, #tpu.memory_space<hbm>>) dst(%dma_wait3A_163 : memref<64x128xf32, #tpu.memory_space<vmem>>)
      %add3A_170 = arith.constant 1 : i32
      %add3A_171 = arith.addi %add3A_119, %add3A_170 : i32
      "tpu.region"() ({
        %run_scoped3A = tpu.sem_alloc : memref<!tpu.dma_semaphore, #tpu.memory_space<semaphore_mem>>
        %dma_start3A_181 = arith.constant 0 : i32
        %dma_start3A_182 = tpu.memref_slice %arg7[%add3A_171, %dma_start3A_181] : memref<40x128xi32, #tpu.memory_space<vmem>> -> memref<1x128xi32, #tpu.memory_space<vmem>>
        %dma_start3A_183 = tpu.memref_squeeze %dma_start3A_182 : memref<1x128xi32, #tpu.memory_space<vmem>> -> memref<128xi32, #tpu.memory_space<vmem>>
        %dma_start3A_184 = arith.constant 0 : i32
        %dma_start3A_185 = arith.constant 0 : i32
        %dma_start3A_186 = tpu.memref_slice %arg10[%dma_start3A_184, %dma_start3A_185] : memref<10000x128xf32, #tpu.memory_space<vmem_shared>> -> memref<10000x128xf32, #tpu.memory_space<vmem_shared>>
        tpu.enqueue_indirect_dma source(%arg9 : memref<128x128xf32, #tpu.memory_space<vmem>>) target(%dma_start3A_186 : memref<10000x128xf32, #tpu.memory_space<vmem_shared>>) offsets(%dma_start3A_183 : memref<128xi32, #tpu.memory_space<vmem>>) semaphore(%run_scoped3A : memref<!tpu.dma_semaphore, #tpu.memory_space<semaphore_mem>>) {add = true}
        %dma_wait3A_187 = arith.constant 0 : i32
        %dma_wait3A_188 = tpu.memref_slice %arg7[%add3A_171, %dma_wait3A_187] : memref<40x128xi32, #tpu.memory_space<vmem>> -> memref<1x128xi32, #tpu.memory_space<vmem>>
        %dma_wait3A_189 = tpu.memref_squeeze %dma_wait3A_188 : memref<1x128xi32, #tpu.memory_space<vmem>> -> memref<128xi32, #tpu.memory_space<vmem>>
        %dma_wait3A_190 = arith.constant 0 : i32
        %dma_wait3A_191 = arith.constant 0 : i32
        %dma_wait3A_192 = tpu.memref_slice %arg10[%dma_wait3A_190, %dma_wait3A_191] : memref<10000x128xf32, #tpu.memory_space<vmem_shared>> -> memref<10000x128xf32, #tpu.memory_space<vmem_shared>>
        tpu.wait_indirect_dma semaphore(%run_scoped3A : memref<!tpu.dma_semaphore, #tpu.memory_space<semaphore_mem>>) src(%arg9 : memref<128x128xf32, #tpu.memory_space<vmem>>) dst(%dma_wait3A_192 : memref<10000x128xf32, #tpu.memory_space<vmem_shared>>)
        tpu.yield
      }) : () -> ()
      %add3A_172 = arith.constant 1 : i32
      %add3A_173 = arith.addi %add3A_119, %add3A_172 : i32
      %add3A_174 = arith.constant 2 : i32
      %add3A_175 = arith.addi %add3A_173, %add3A_174 : i32
      %lt3A_176 = arith.constant 40 : i32
      %lt3A_177 = arith.cmpi slt, %add3A_175, %lt3A_176 : i32
      %convert_element_type3A_178 = arith.extui %lt3A_177 : i1 to i32
      %cond3A_179 = arith.constant 0 : i32
      %cond3A_180 = arith.cmpi ne, %convert_element_type3A_178, %cond3A_179 : i32
      scf.if %cond3A_180 {
        %add3A_181 = arith.constant 1 : i32
        %add3A_182 = arith.addi %add3A_119, %add3A_181 : i32
        %add3A_183 = arith.constant 2 : i32
        %add3A_184 = arith.addi %add3A_182, %add3A_183 : i32
        %dma_start3A_185 = arith.constant 0 : i32
        %dma_start3A_186 = arith.constant 0 : i32
        %dma_start3A_187 = tpu.memref_slice %arg9[%dma_start3A_185, %dma_start3A_186] : memref<128x128xf32, #tpu.memory_space<vmem>> -> memref<64x128xf32, #tpu.memory_space<vmem>>
        %dma_start3A_188 = arith.constant 0 : i32
        %dma_start3A_189 = tpu.memref_slice %arg6[%add3A_184, %dma_start3A_188] : memref<40x128xi32, #tpu.memory_space<vmem>> -> memref<1x64xi32, #tpu.memory_space<vmem>>
        %dma_start3A_190 = tpu.memref_squeeze %dma_start3A_189 : memref<1x64xi32, #tpu.memory_space<vmem>> -> memref<64xi32, #tpu.memory_space<vmem>>
        %dma_start3A_191 = arith.constant 0 : i32
        %dma_start3A_192 = arith.constant 0 : i32
        %dma_start3A_193 = tpu.memref_slice %arg2[%dma_start3A_191, %dma_start3A_192] : memref<10000x128xf32, #tpu.memory_space<hbm>> -> memref<10000x128xf32, #tpu.memory_space<hbm>>
        tpu.enqueue_indirect_dma source(%dma_start3A_193 : memref<10000x128xf32, #tpu.memory_space<hbm>>) target(%dma_start3A_187 : memref<64x128xf32, #tpu.memory_space<vmem>>) offsets(%dma_start3A_190 : memref<64xi32, #tpu.memory_space<vmem>>) semaphore(%arg13 : memref<!tpu.dma_semaphore, #tpu.memory_space<semaphore_mem>>)
        %dma_start3A_194 = arith.constant 64 : i32
        %dma_start3A_195 = arith.constant 0 : i32
        %dma_start3A_196 = tpu.memref_slice %arg9[%dma_start3A_194, %dma_start3A_195] : memref<128x128xf32, #tpu.memory_space<vmem>> -> memref<64x128xf32, #tpu.memory_space<vmem>>
        %dma_start3A_197 = arith.constant 64 : i32
        %dma_start3A_198 = tpu.memref_slice %arg6[%add3A_184, %dma_start3A_197] : memref<40x128xi32, #tpu.memory_space<vmem>> -> memref<1x64xi32, #tpu.memory_space<vmem>>
        %dma_start3A_199 = tpu.memref_squeeze %dma_start3A_198 : memref<1x64xi32, #tpu.memory_space<vmem>> -> memref<64xi32, #tpu.memory_space<vmem>>
        %dma_start3A_200 = arith.constant 0 : i32
        %dma_start3A_201 = arith.constant 0 : i32
        %dma_start3A_202 = tpu.memref_slice %arg2[%dma_start3A_200, %dma_start3A_201] : memref<10000x128xf32, #tpu.memory_space<hbm>> -> memref<10000x128xf32, #tpu.memory_space<hbm>>
        tpu.enqueue_indirect_dma source(%dma_start3A_202 : memref<10000x128xf32, #tpu.memory_space<hbm>>) target(%dma_start3A_196 : memref<64x128xf32, #tpu.memory_space<vmem>>) offsets(%dma_start3A_199 : memref<64xi32, #tpu.memory_space<vmem>>) semaphore(%arg14 : memref<!tpu.dma_semaphore, #tpu.memory_space<semaphore_mem>>)
      } else {
      }
    }
    %scan3A_58 = arith.constant 20 : i32
    %mul3A_59 = arith.constant 80 : i32
    %mul3A_60 = arith.muli %add3A, %mul3A_59 : i32
    %add3A_61 = arith.constant 40 : i32
    %add3A_62 = arith.addi %mul3A_60, %add3A_61 : i32
    "tpu.region"() ({
      %run_scoped3A = tpu.sem_alloc : memref<!tpu.dma_semaphore, #tpu.memory_space<semaphore_mem>>
      %dma_start3A_115 = arith.constant 0 : i32
      %dma_start3A_116 = tpu.memref_slice %arg3[%add3A_62, %dma_start3A_115] : memref<2560x128xi32, #tpu.memory_space<hbm>> -> memref<40x128xi32, #tpu.memory_space<hbm>>
      %dma_start3A_117 = arith.constant 0 : i32
      %dma_start3A_118 = tpu.memref_slice %arg3[%add3A_62, %dma_start3A_117] : memref<2560x128xi32, #tpu.memory_space<hbm>> -> memref<40x128xi32, #tpu.memory_space<hbm>>
      tpu.enqueue_dma source(%dma_start3A_118 : memref<40x128xi32, #tpu.memory_space<hbm>>) target(%arg6 : memref<40x128xi32, #tpu.memory_space<vmem>>) target_semaphore(%run_scoped3A : memref<!tpu.dma_semaphore, #tpu.memory_space<semaphore_mem>>)
      %dma_wait3A = arith.constant 0 : i32
      %dma_wait3A_119 = tpu.memref_slice %arg3[%add3A_62, %dma_wait3A] : memref<2560x128xi32, #tpu.memory_space<hbm>> -> memref<40x128xi32, #tpu.memory_space<hbm>>
      %dma_wait3A_120 = arith.constant 0 : i32
      %dma_wait3A_121 = tpu.memref_slice %arg3[%add3A_62, %dma_wait3A_120] : memref<2560x128xi32, #tpu.memory_space<hbm>> -> memref<40x128xi32, #tpu.memory_space<hbm>>
      tpu.wait_dma2 semaphore(%run_scoped3A : memref<!tpu.dma_semaphore, #tpu.memory_space<semaphore_mem>>) src(%dma_wait3A_121 : memref<40x128xi32, #tpu.memory_space<hbm>>) dst(%arg6 : memref<40x128xi32, #tpu.memory_space<vmem>>)
      tpu.yield
    }) : () -> ()
    "tpu.region"() ({
      %run_scoped3A = tpu.sem_alloc : memref<!tpu.dma_semaphore, #tpu.memory_space<semaphore_mem>>
      %dma_start3A_115 = arith.constant 0 : i32
      %dma_start3A_116 = tpu.memref_slice %arg4[%add3A_62, %dma_start3A_115] : memref<2560x128xi32, #tpu.memory_space<hbm>> -> memref<40x128xi32, #tpu.memory_space<hbm>>
      %dma_start3A_117 = arith.constant 0 : i32
      %dma_start3A_118 = tpu.memref_slice %arg4[%add3A_62, %dma_start3A_117] : memref<2560x128xi32, #tpu.memory_space<hbm>> -> memref<40x128xi32, #tpu.memory_space<hbm>>
      tpu.enqueue_dma source(%dma_start3A_118 : memref<40x128xi32, #tpu.memory_space<hbm>>) target(%arg7 : memref<40x128xi32, #tpu.memory_space<vmem>>) target_semaphore(%run_scoped3A : memref<!tpu.dma_semaphore, #tpu.memory_space<semaphore_mem>>)
      %dma_wait3A = arith.constant 0 : i32
      %dma_wait3A_119 = tpu.memref_slice %arg4[%add3A_62, %dma_wait3A] : memref<2560x128xi32, #tpu.memory_space<hbm>> -> memref<40x128xi32, #tpu.memory_space<hbm>>
      %dma_wait3A_120 = arith.constant 0 : i32
      %dma_wait3A_121 = tpu.memref_slice %arg4[%add3A_62, %dma_wait3A_120] : memref<2560x128xi32, #tpu.memory_space<hbm>> -> memref<40x128xi32, #tpu.memory_space<hbm>>
      tpu.wait_dma2 semaphore(%run_scoped3A : memref<!tpu.dma_semaphore, #tpu.memory_space<semaphore_mem>>) src(%dma_wait3A_121 : memref<40x128xi32, #tpu.memory_space<hbm>>) dst(%arg7 : memref<40x128xi32, #tpu.memory_space<vmem>>)
      tpu.yield
    }) : () -> ()
    %dma_start3A_63 = arith.constant 0 : i32
    %dma_start3A_64 = arith.constant 0 : i32
    %dma_start3A_65 = arith.constant 0 : i32
    %dma_start3A_66 = tpu.memref_slice %arg8[%dma_start3A_64, %dma_start3A_65] : memref<128x128xf32, #tpu.memory_space<vmem>> -> memref<64x128xf32, #tpu.memory_space<vmem>>
    %dma_start3A_67 = arith.constant 0 : i32
    %dma_start3A_68 = tpu.memref_slice %arg6[%dma_start3A_63, %dma_start3A_67] : memref<40x128xi32, #tpu.memory_space<vmem>> -> memref<1x64xi32, #tpu.memory_space<vmem>>
    %dma_start3A_69 = tpu.memref_squeeze %dma_start3A_68 : memref<1x64xi32, #tpu.memory_space<vmem>> -> memref<64xi32, #tpu.memory_space<vmem>>
    %dma_start3A_70 = arith.constant 0 : i32
    %dma_start3A_71 = arith.constant 0 : i32
    %dma_start3A_72 = tpu.memref_slice %arg2[%dma_start3A_70, %dma_start3A_71] : memref<10000x128xf32, #tpu.memory_space<hbm>> -> memref<10000x128xf32, #tpu.memory_space<hbm>>
    tpu.enqueue_indirect_dma source(%dma_start3A_72 : memref<10000x128xf32, #tpu.memory_space<hbm>>) target(%dma_start3A_66 : memref<64x128xf32, #tpu.memory_space<vmem>>) offsets(%dma_start3A_69 : memref<64xi32, #tpu.memory_space<vmem>>) semaphore(%arg11 : memref<!tpu.dma_semaphore, #tpu.memory_space<semaphore_mem>>)
    %dma_start3A_73 = arith.constant 0 : i32
    %dma_start3A_74 = arith.constant 64 : i32
    %dma_start3A_75 = arith.constant 0 : i32
    %dma_start3A_76 = tpu.memref_slice %arg8[%dma_start3A_74, %dma_start3A_75] : memref<128x128xf32, #tpu.memory_space<vmem>> -> memref<64x128xf32, #tpu.memory_space<vmem>>
    %dma_start3A_77 = arith.constant 64 : i32
    %dma_start3A_78 = tpu.memref_slice %arg6[%dma_start3A_73, %dma_start3A_77] : memref<40x128xi32, #tpu.memory_space<vmem>> -> memref<1x64xi32, #tpu.memory_space<vmem>>
    %dma_start3A_79 = tpu.memref_squeeze %dma_start3A_78 : memref<1x64xi32, #tpu.memory_space<vmem>> -> memref<64xi32, #tpu.memory_space<vmem>>
    %dma_start3A_80 = arith.constant 0 : i32
    %dma_start3A_81 = arith.constant 0 : i32
    %dma_start3A_82 = tpu.memref_slice %arg2[%dma_start3A_80, %dma_start3A_81] : memref<10000x128xf32, #tpu.memory_space<hbm>> -> memref<10000x128xf32, #tpu.memory_space<hbm>>
    tpu.enqueue_indirect_dma source(%dma_start3A_82 : memref<10000x128xf32, #tpu.memory_space<hbm>>) target(%dma_start3A_76 : memref<64x128xf32, #tpu.memory_space<vmem>>) offsets(%dma_start3A_79 : memref<64xi32, #tpu.memory_space<vmem>>) semaphore(%arg12 : memref<!tpu.dma_semaphore, #tpu.memory_space<semaphore_mem>>)
    %dma_start3A_83 = arith.constant 1 : i32
    %dma_start3A_84 = arith.constant 0 : i32
    %dma_start3A_85 = arith.constant 0 : i32
    %dma_start3A_86 = tpu.memref_slice %arg9[%dma_start3A_84, %dma_start3A_85] : memref<128x128xf32, #tpu.memory_space<vmem>> -> memref<64x128xf32, #tpu.memory_space<vmem>>
    %dma_start3A_87 = arith.constant 0 : i32
    %dma_start3A_88 = tpu.memref_slice %arg6[%dma_start3A_83, %dma_start3A_87] : memref<40x128xi32, #tpu.memory_space<vmem>> -> memref<1x64xi32, #tpu.memory_space<vmem>>
    %dma_start3A_89 = tpu.memref_squeeze %dma_start3A_88 : memref<1x64xi32, #tpu.memory_space<vmem>> -> memref<64xi32, #tpu.memory_space<vmem>>
    %dma_start3A_90 = arith.constant 0 : i32
    %dma_start3A_91 = arith.constant 0 : i32
    %dma_start3A_92 = tpu.memref_slice %arg2[%dma_start3A_90, %dma_start3A_91] : memref<10000x128xf32, #tpu.memory_space<hbm>> -> memref<10000x128xf32, #tpu.memory_space<hbm>>
    tpu.enqueue_indirect_dma source(%dma_start3A_92 : memref<10000x128xf32, #tpu.memory_space<hbm>>) target(%dma_start3A_86 : memref<64x128xf32, #tpu.memory_space<vmem>>) offsets(%dma_start3A_89 : memref<64xi32, #tpu.memory_space<vmem>>) semaphore(%arg13 : memref<!tpu.dma_semaphore, #tpu.memory_space<semaphore_mem>>)
    %dma_start3A_93 = arith.constant 1 : i32
    %dma_start3A_94 = arith.constant 64 : i32
    %dma_start3A_95 = arith.constant 0 : i32
    %dma_start3A_96 = tpu.memref_slice %arg9[%dma_start3A_94, %dma_start3A_95] : memref<128x128xf32, #tpu.memory_space<vmem>> -> memref<64x128xf32, #tpu.memory_space<vmem>>
    %dma_start3A_97 = arith.constant 64 : i32
    %dma_start3A_98 = tpu.memref_slice %arg6[%dma_start3A_93, %dma_start3A_97] : memref<40x128xi32, #tpu.memory_space<vmem>> -> memref<1x64xi32, #tpu.memory_space<vmem>>
    %dma_start3A_99 = tpu.memref_squeeze %dma_start3A_98 : memref<1x64xi32, #tpu.memory_space<vmem>> -> memref<64xi32, #tpu.memory_space<vmem>>
    %dma_start3A_100 = arith.constant 0 : i32
    %dma_start3A_101 = arith.constant 0 : i32
    %dma_start3A_102 = tpu.memref_slice %arg2[%dma_start3A_100, %dma_start3A_101] : memref<10000x128xf32, #tpu.memory_space<hbm>> -> memref<10000x128xf32, #tpu.memory_space<hbm>>
    tpu.enqueue_indirect_dma source(%dma_start3A_102 : memref<10000x128xf32, #tpu.memory_space<hbm>>) target(%dma_start3A_96 : memref<64x128xf32, #tpu.memory_space<vmem>>) offsets(%dma_start3A_99 : memref<64xi32, #tpu.memory_space<vmem>>) semaphore(%arg14 : memref<!tpu.dma_semaphore, #tpu.memory_space<semaphore_mem>>)
    %scan3A_103 = arith.constant 0 : i32
    %scan3A_104 = arith.constant 20 : i32
    %scan3A_105 = arith.addi %scan3A_103, %scan3A_104 : i32
    %scan3A_106 = arith.constant 1 : i32
    scf.for %scan3A_115 = %scan3A_103 to %scan3A_105 step %scan3A_106  : i32 {
      %mul3A_116 = arith.constant 2 : i32
      %mul3A_117 = arith.muli %scan3A_115, %mul3A_116 : i32
      %add3A_118 = arith.constant 0 : i32
      %add3A_119 = arith.addi %add3A_118, %mul3A_117 : i32
      %add3A_120 = arith.constant 0 : i32
      %add3A_121 = arith.addi %add3A_119, %add3A_120 : i32
      %dma_wait3A = arith.constant 0 : i32
      %dma_wait3A_122 = arith.constant 0 : i32
      %dma_wait3A_123 = tpu.memref_slice %arg8[%dma_wait3A, %dma_wait3A_122] : memref<128x128xf32, #tpu.memory_space<vmem>> -> memref<64x128xf32, #tpu.memory_space<vmem>>
      %dma_wait3A_124 = arith.constant 0 : i32
      %dma_wait3A_125 = tpu.memref_slice %arg6[%add3A_121, %dma_wait3A_124] : memref<40x128xi32, #tpu.memory_space<vmem>> -> memref<1x64xi32, #tpu.memory_space<vmem>>
      %dma_wait3A_126 = tpu.memref_squeeze %dma_wait3A_125 : memref<1x64xi32, #tpu.memory_space<vmem>> -> memref<64xi32, #tpu.memory_space<vmem>>
      %dma_wait3A_127 = arith.constant 0 : i32
      %dma_wait3A_128 = arith.constant 0 : i32
      %dma_wait3A_129 = tpu.memref_slice %arg2[%dma_wait3A_127, %dma_wait3A_128] : memref<10000x128xf32, #tpu.memory_space<hbm>> -> memref<10000x128xf32, #tpu.memory_space<hbm>>
      tpu.wait_indirect_dma semaphore(%arg11 : memref<!tpu.dma_semaphore, #tpu.memory_space<semaphore_mem>>) src(%dma_wait3A_129 : memref<10000x128xf32, #tpu.memory_space<hbm>>) dst(%dma_wait3A_123 : memref<64x128xf32, #tpu.memory_space<vmem>>)
      %dma_wait3A_130 = arith.constant 64 : i32
      %dma_wait3A_131 = arith.constant 0 : i32
      %dma_wait3A_132 = tpu.memref_slice %arg8[%dma_wait3A_130, %dma_wait3A_131] : memref<128x128xf32, #tpu.memory_space<vmem>> -> memref<64x128xf32, #tpu.memory_space<vmem>>
      %dma_wait3A_133 = arith.constant 64 : i32
      %dma_wait3A_134 = tpu.memref_slice %arg6[%add3A_121, %dma_wait3A_133] : memref<40x128xi32, #tpu.memory_space<vmem>> -> memref<1x64xi32, #tpu.memory_space<vmem>>
      %dma_wait3A_135 = tpu.memref_squeeze %dma_wait3A_134 : memref<1x64xi32, #tpu.memory_space<vmem>> -> memref<64xi32, #tpu.memory_space<vmem>>
      %dma_wait3A_136 = arith.constant 0 : i32
      %dma_wait3A_137 = arith.constant 0 : i32
      %dma_wait3A_138 = tpu.memref_slice %arg2[%dma_wait3A_136, %dma_wait3A_137] : memref<10000x128xf32, #tpu.memory_space<hbm>> -> memref<10000x128xf32, #tpu.memory_space<hbm>>
      tpu.wait_indirect_dma semaphore(%arg12 : memref<!tpu.dma_semaphore, #tpu.memory_space<semaphore_mem>>) src(%dma_wait3A_138 : memref<10000x128xf32, #tpu.memory_space<hbm>>) dst(%dma_wait3A_132 : memref<64x128xf32, #tpu.memory_space<vmem>>)
      %add3A_139 = arith.constant 0 : i32
      %add3A_140 = arith.addi %add3A_119, %add3A_139 : i32
      "tpu.region"() ({
        %run_scoped3A = tpu.sem_alloc : memref<!tpu.dma_semaphore, #tpu.memory_space<semaphore_mem>>
        %dma_start3A_181 = arith.constant 0 : i32
        %dma_start3A_182 = tpu.memref_slice %arg7[%add3A_140, %dma_start3A_181] : memref<40x128xi32, #tpu.memory_space<vmem>> -> memref<1x128xi32, #tpu.memory_space<vmem>>
        %dma_start3A_183 = tpu.memref_squeeze %dma_start3A_182 : memref<1x128xi32, #tpu.memory_space<vmem>> -> memref<128xi32, #tpu.memory_space<vmem>>
        %dma_start3A_184 = arith.constant 0 : i32
        %dma_start3A_185 = arith.constant 0 : i32
        %dma_start3A_186 = tpu.memref_slice %arg10[%dma_start3A_184, %dma_start3A_185] : memref<10000x128xf32, #tpu.memory_space<vmem_shared>> -> memref<10000x128xf32, #tpu.memory_space<vmem_shared>>
        tpu.enqueue_indirect_dma source(%arg8 : memref<128x128xf32, #tpu.memory_space<vmem>>) target(%dma_start3A_186 : memref<10000x128xf32, #tpu.memory_space<vmem_shared>>) offsets(%dma_start3A_183 : memref<128xi32, #tpu.memory_space<vmem>>) semaphore(%run_scoped3A : memref<!tpu.dma_semaphore, #tpu.memory_space<semaphore_mem>>) {add = true}
        %dma_wait3A_187 = arith.constant 0 : i32
        %dma_wait3A_188 = tpu.memref_slice %arg7[%add3A_140, %dma_wait3A_187] : memref<40x128xi32, #tpu.memory_space<vmem>> -> memref<1x128xi32, #tpu.memory_space<vmem>>
        %dma_wait3A_189 = tpu.memref_squeeze %dma_wait3A_188 : memref<1x128xi32, #tpu.memory_space<vmem>> -> memref<128xi32, #tpu.memory_space<vmem>>
        %dma_wait3A_190 = arith.constant 0 : i32
        %dma_wait3A_191 = arith.constant 0 : i32
        %dma_wait3A_192 = tpu.memref_slice %arg10[%dma_wait3A_190, %dma_wait3A_191] : memref<10000x128xf32, #tpu.memory_space<vmem_shared>> -> memref<10000x128xf32, #tpu.memory_space<vmem_shared>>
        tpu.wait_indirect_dma semaphore(%run_scoped3A : memref<!tpu.dma_semaphore, #tpu.memory_space<semaphore_mem>>) src(%arg8 : memref<128x128xf32, #tpu.memory_space<vmem>>) dst(%dma_wait3A_192 : memref<10000x128xf32, #tpu.memory_space<vmem_shared>>)
        tpu.yield
      }) : () -> ()
      %add3A_141 = arith.constant 0 : i32
      %add3A_142 = arith.addi %add3A_119, %add3A_141 : i32
      %add3A_143 = arith.constant 2 : i32
      %add3A_144 = arith.addi %add3A_142, %add3A_143 : i32
      %lt3A_145 = arith.constant 40 : i32
      %lt3A_146 = arith.cmpi slt, %add3A_144, %lt3A_145 : i32
      %convert_element_type3A_147 = arith.extui %lt3A_146 : i1 to i32
      %cond3A_148 = arith.constant 0 : i32
      %cond3A_149 = arith.cmpi ne, %convert_element_type3A_147, %cond3A_148 : i32
      scf.if %cond3A_149 {
        %add3A_181 = arith.constant 0 : i32
        %add3A_182 = arith.addi %add3A_119, %add3A_181 : i32
        %add3A_183 = arith.constant 2 : i32
        %add3A_184 = arith.addi %add3A_182, %add3A_183 : i32
        %dma_start3A_185 = arith.constant 0 : i32
        %dma_start3A_186 = arith.constant 0 : i32
        %dma_start3A_187 = tpu.memref_slice %arg8[%dma_start3A_185, %dma_start3A_186] : memref<128x128xf32, #tpu.memory_space<vmem>> -> memref<64x128xf32, #tpu.memory_space<vmem>>
        %dma_start3A_188 = arith.constant 0 : i32
        %dma_start3A_189 = tpu.memref_slice %arg6[%add3A_184, %dma_start3A_188] : memref<40x128xi32, #tpu.memory_space<vmem>> -> memref<1x64xi32, #tpu.memory_space<vmem>>
        %dma_start3A_190 = tpu.memref_squeeze %dma_start3A_189 : memref<1x64xi32, #tpu.memory_space<vmem>> -> memref<64xi32, #tpu.memory_space<vmem>>
        %dma_start3A_191 = arith.constant 0 : i32
        %dma_start3A_192 = arith.constant 0 : i32
        %dma_start3A_193 = tpu.memref_slice %arg2[%dma_start3A_191, %dma_start3A_192] : memref<10000x128xf32, #tpu.memory_space<hbm>> -> memref<10000x128xf32, #tpu.memory_space<hbm>>
        tpu.enqueue_indirect_dma source(%dma_start3A_193 : memref<10000x128xf32, #tpu.memory_space<hbm>>) target(%dma_start3A_187 : memref<64x128xf32, #tpu.memory_space<vmem>>) offsets(%dma_start3A_190 : memref<64xi32, #tpu.memory_space<vmem>>) semaphore(%arg11 : memref<!tpu.dma_semaphore, #tpu.memory_space<semaphore_mem>>)
        %dma_start3A_194 = arith.constant 64 : i32
        %dma_start3A_195 = arith.constant 0 : i32
        %dma_start3A_196 = tpu.memref_slice %arg8[%dma_start3A_194, %dma_start3A_195] : memref<128x128xf32, #tpu.memory_space<vmem>> -> memref<64x128xf32, #tpu.memory_space<vmem>>
        %dma_start3A_197 = arith.constant 64 : i32
        %dma_start3A_198 = tpu.memref_slice %arg6[%add3A_184, %dma_start3A_197] : memref<40x128xi32, #tpu.memory_space<vmem>> -> memref<1x64xi32, #tpu.memory_space<vmem>>
        %dma_start3A_199 = tpu.memref_squeeze %dma_start3A_198 : memref<1x64xi32, #tpu.memory_space<vmem>> -> memref<64xi32, #tpu.memory_space<vmem>>
        %dma_start3A_200 = arith.constant 0 : i32
        %dma_start3A_201 = arith.constant 0 : i32
        %dma_start3A_202 = tpu.memref_slice %arg2[%dma_start3A_200, %dma_start3A_201] : memref<10000x128xf32, #tpu.memory_space<hbm>> -> memref<10000x128xf32, #tpu.memory_space<hbm>>
        tpu.enqueue_indirect_dma source(%dma_start3A_202 : memref<10000x128xf32, #tpu.memory_space<hbm>>) target(%dma_start3A_196 : memref<64x128xf32, #tpu.memory_space<vmem>>) offsets(%dma_start3A_199 : memref<64xi32, #tpu.memory_space<vmem>>) semaphore(%arg12 : memref<!tpu.dma_semaphore, #tpu.memory_space<semaphore_mem>>)
      } else {
      }
      %add3A_150 = arith.constant 1 : i32
      %add3A_151 = arith.addi %add3A_119, %add3A_150 : i32
      %dma_wait3A_152 = arith.constant 0 : i32
      %dma_wait3A_153 = arith.constant 0 : i32
      %dma_wait3A_154 = tpu.memref_slice %arg9[%dma_wait3A_152, %dma_wait3A_153] : memref<128x128xf32, #tpu.memory_space<vmem>> -> memref<64x128xf32, #tpu.memory_space<vmem>>
      %dma_wait3A_155 = arith.constant 0 : i32
      %dma_wait3A_156 = tpu.memref_slice %arg6[%add3A_151, %dma_wait3A_155] : memref<40x128xi32, #tpu.memory_space<vmem>> -> memref<1x64xi32, #tpu.memory_space<vmem>>
      %dma_wait3A_157 = tpu.memref_squeeze %dma_wait3A_156 : memref<1x64xi32, #tpu.memory_space<vmem>> -> memref<64xi32, #tpu.memory_space<vmem>>
      %dma_wait3A_158 = arith.constant 0 : i32
      %dma_wait3A_159 = arith.constant 0 : i32
      %dma_wait3A_160 = tpu.memref_slice %arg2[%dma_wait3A_158, %dma_wait3A_159] : memref<10000x128xf32, #tpu.memory_space<hbm>> -> memref<10000x128xf32, #tpu.memory_space<hbm>>
      tpu.wait_indirect_dma semaphore(%arg13 : memref<!tpu.dma_semaphore, #tpu.memory_space<semaphore_mem>>) src(%dma_wait3A_160 : memref<10000x128xf32, #tpu.memory_space<hbm>>) dst(%dma_wait3A_154 : memref<64x128xf32, #tpu.memory_space<vmem>>)
      %dma_wait3A_161 = arith.constant 64 : i32
      %dma_wait3A_162 = arith.constant 0 : i32
      %dma_wait3A_163 = tpu.memref_slice %arg9[%dma_wait3A_161, %dma_wait3A_162] : memref<128x128xf32, #tpu.memory_space<vmem>> -> memref<64x128xf32, #tpu.memory_space<vmem>>
      %dma_wait3A_164 = arith.constant 64 : i32
      %dma_wait3A_165 = tpu.memref_slice %arg6[%add3A_151, %dma_wait3A_164] : memref<40x128xi32, #tpu.memory_space<vmem>> -> memref<1x64xi32, #tpu.memory_space<vmem>>
      %dma_wait3A_166 = tpu.memref_squeeze %dma_wait3A_165 : memref<1x64xi32, #tpu.memory_space<vmem>> -> memref<64xi32, #tpu.memory_space<vmem>>
      %dma_wait3A_167 = arith.constant 0 : i32
      %dma_wait3A_168 = arith.constant 0 : i32
      %dma_wait3A_169 = tpu.memref_slice %arg2[%dma_wait3A_167, %dma_wait3A_168] : memref<10000x128xf32, #tpu.memory_space<hbm>> -> memref<10000x128xf32, #tpu.memory_space<hbm>>
      tpu.wait_indirect_dma semaphore(%arg14 : memref<!tpu.dma_semaphore, #tpu.memory_space<semaphore_mem>>) src(%dma_wait3A_169 : memref<10000x128xf32, #tpu.memory_space<hbm>>) dst(%dma_wait3A_163 : memref<64x128xf32, #tpu.memory_space<vmem>>)
      %add3A_170 = arith.constant 1 : i32
      %add3A_171 = arith.addi %add3A_119, %add3A_170 : i32
      "tpu.region"() ({
        %run_scoped3A = tpu.sem_alloc : memref<!tpu.dma_semaphore, #tpu.memory_space<semaphore_mem>>
        %dma_start3A_181 = arith.constant 0 : i32
        %dma_start3A_182 = tpu.memref_slice %arg7[%add3A_171, %dma_start3A_181] : memref<40x128xi32, #tpu.memory_space<vmem>> -> memref<1x128xi32, #tpu.memory_space<vmem>>
        %dma_start3A_183 = tpu.memref_squeeze %dma_start3A_182 : memref<1x128xi32, #tpu.memory_space<vmem>> -> memref<128xi32, #tpu.memory_space<vmem>>
        %dma_start3A_184 = arith.constant 0 : i32
        %dma_start3A_185 = arith.constant 0 : i32
        %dma_start3A_186 = tpu.memref_slice %arg10[%dma_start3A_184, %dma_start3A_185] : memref<10000x128xf32, #tpu.memory_space<vmem_shared>> -> memref<10000x128xf32, #tpu.memory_space<vmem_shared>>
        tpu.enqueue_indirect_dma source(%arg9 : memref<128x128xf32, #tpu.memory_space<vmem>>) target(%dma_start3A_186 : memref<10000x128xf32, #tpu.memory_space<vmem_shared>>) offsets(%dma_start3A_183 : memref<128xi32, #tpu.memory_space<vmem>>) semaphore(%run_scoped3A : memref<!tpu.dma_semaphore, #tpu.memory_space<semaphore_mem>>) {add = true}
        %dma_wait3A_187 = arith.constant 0 : i32
        %dma_wait3A_188 = tpu.memref_slice %arg7[%add3A_171, %dma_wait3A_187] : memref<40x128xi32, #tpu.memory_space<vmem>> -> memref<1x128xi32, #tpu.memory_space<vmem>>
        %dma_wait3A_189 = tpu.memref_squeeze %dma_wait3A_188 : memref<1x128xi32, #tpu.memory_space<vmem>> -> memref<128xi32, #tpu.memory_space<vmem>>
        %dma_wait3A_190 = arith.constant 0 : i32
        %dma_wait3A_191 = arith.constant 0 : i32
        %dma_wait3A_192 = tpu.memref_slice %arg10[%dma_wait3A_190, %dma_wait3A_191] : memref<10000x128xf32, #tpu.memory_space<vmem_shared>> -> memref<10000x128xf32, #tpu.memory_space<vmem_shared>>
        tpu.wait_indirect_dma semaphore(%run_scoped3A : memref<!tpu.dma_semaphore, #tpu.memory_space<semaphore_mem>>) src(%arg9 : memref<128x128xf32, #tpu.memory_space<vmem>>) dst(%dma_wait3A_192 : memref<10000x128xf32, #tpu.memory_space<vmem_shared>>)
        tpu.yield
      }) : () -> ()
      %add3A_172 = arith.constant 1 : i32
      %add3A_173 = arith.addi %add3A_119, %add3A_172 : i32
      %add3A_174 = arith.constant 2 : i32
      %add3A_175 = arith.addi %add3A_173, %add3A_174 : i32
      %lt3A_176 = arith.constant 40 : i32
      %lt3A_177 = arith.cmpi slt, %add3A_175, %lt3A_176 : i32
      %convert_element_type3A_178 = arith.extui %lt3A_177 : i1 to i32
      %cond3A_179 = arith.constant 0 : i32
      %cond3A_180 = arith.cmpi ne, %convert_element_type3A_178, %cond3A_179 : i32
      scf.if %cond3A_180 {
        %add3A_181 = arith.constant 1 : i32
        %add3A_182 = arith.addi %add3A_119, %add3A_181 : i32
        %add3A_183 = arith.constant 2 : i32
        %add3A_184 = arith.addi %add3A_182, %add3A_183 : i32
        %dma_start3A_185 = arith.constant 0 : i32
        %dma_start3A_186 = arith.constant 0 : i32
        %dma_start3A_187 = tpu.memref_slice %arg9[%dma_start3A_185, %dma_start3A_186] : memref<128x128xf32, #tpu.memory_space<vmem>> -> memref<64x128xf32, #tpu.memory_space<vmem>>
        %dma_start3A_188 = arith.constant 0 : i32
        %dma_start3A_189 = tpu.memref_slice %arg6[%add3A_184, %dma_start3A_188] : memref<40x128xi32, #tpu.memory_space<vmem>> -> memref<1x64xi32, #tpu.memory_space<vmem>>
        %dma_start3A_190 = tpu.memref_squeeze %dma_start3A_189 : memref<1x64xi32, #tpu.memory_space<vmem>> -> memref<64xi32, #tpu.memory_space<vmem>>
        %dma_start3A_191 = arith.constant 0 : i32
        %dma_start3A_192 = arith.constant 0 : i32
        %dma_start3A_193 = tpu.memref_slice %arg2[%dma_start3A_191, %dma_start3A_192] : memref<10000x128xf32, #tpu.memory_space<hbm>> -> memref<10000x128xf32, #tpu.memory_space<hbm>>
        tpu.enqueue_indirect_dma source(%dma_start3A_193 : memref<10000x128xf32, #tpu.memory_space<hbm>>) target(%dma_start3A_187 : memref<64x128xf32, #tpu.memory_space<vmem>>) offsets(%dma_start3A_190 : memref<64xi32, #tpu.memory_space<vmem>>) semaphore(%arg13 : memref<!tpu.dma_semaphore, #tpu.memory_space<semaphore_mem>>)
        %dma_start3A_194 = arith.constant 64 : i32
        %dma_start3A_195 = arith.constant 0 : i32
        %dma_start3A_196 = tpu.memref_slice %arg9[%dma_start3A_194, %dma_start3A_195] : memref<128x128xf32, #tpu.memory_space<vmem>> -> memref<64x128xf32, #tpu.memory_space<vmem>>
        %dma_start3A_197 = arith.constant 64 : i32
        %dma_start3A_198 = tpu.memref_slice %arg6[%add3A_184, %dma_start3A_197] : memref<40x128xi32, #tpu.memory_space<vmem>> -> memref<1x64xi32, #tpu.memory_space<vmem>>
        %dma_start3A_199 = tpu.memref_squeeze %dma_start3A_198 : memref<1x64xi32, #tpu.memory_space<vmem>> -> memref<64xi32, #tpu.memory_space<vmem>>
        %dma_start3A_200 = arith.constant 0 : i32
        %dma_start3A_201 = arith.constant 0 : i32
        %dma_start3A_202 = tpu.memref_slice %arg2[%dma_start3A_200, %dma_start3A_201] : memref<10000x128xf32, #tpu.memory_space<hbm>> -> memref<10000x128xf32, #tpu.memory_space<hbm>>
        tpu.enqueue_indirect_dma source(%dma_start3A_202 : memref<10000x128xf32, #tpu.memory_space<hbm>>) target(%dma_start3A_196 : memref<64x128xf32, #tpu.memory_space<vmem>>) offsets(%dma_start3A_199 : memref<64xi32, #tpu.memory_space<vmem>>) semaphore(%arg14 : memref<!tpu.dma_semaphore, #tpu.memory_space<semaphore_mem>>)
      } else {
      }
    }
    %scan3A_107 = arith.constant 20 : i32
    %barrier3A_108 = arith.constant 0 : index
    tpu.barrier barrier_id(%barrier3A_108)
    %lt3A = arith.constant 15 : i32
    %lt3A_109 = arith.cmpi slt, %arg1, %lt3A : i32
    %convert_element_type3A = arith.extui %lt3A_109 : i1 to i32
    %cond3A = arith.constant 0 : i32
    %cond3A_110 = arith.cmpi ne, %convert_element_type3A, %cond3A : i32
    scf.if %cond3A_110 {
      %mul3A_115 = arith.constant 632 : i32
      %mul3A_116 = arith.muli %arg1, %mul3A_115 : i32
      %mul3A_117 = arith.constant 10000 : i32
      %mul3A_118 = arith.muli %arg0, %mul3A_117 : i32
      %mul3A_119 = arith.constant 632 : i32
      %mul3A_120 = arith.muli %arg1, %mul3A_119 : i32
      %add3A_121 = arith.addi %mul3A_118, %mul3A_120 : i32
      "tpu.region"() ({
        %run_scoped3A = tpu.sem_alloc : memref<!tpu.dma_semaphore, #tpu.memory_space<semaphore_mem>>
        %dma_start3A_122 = arith.constant 0 : i32
        %dma_start3A_123 = tpu.memref_slice %arg5[%add3A_121, %dma_start3A_122] : memref<20000x128xf32, #tpu.memory_space<hbm>> -> memref<632x128xf32, #tpu.memory_space<hbm>>
        %dma_start3A_124 = arith.constant 0 : i32
        %dma_start3A_125 = tpu.memref_slice %arg10[%mul3A_116, %dma_start3A_124] : memref<10000x128xf32, #tpu.memory_space<vmem_shared>> -> memref<632x128xf32, #tpu.memory_space<vmem_shared>>
        tpu.enqueue_dma source(%dma_start3A_125 : memref<632x128xf32, #tpu.memory_space<vmem_shared>>) target(%dma_start3A_123 : memref<632x128xf32, #tpu.memory_space<hbm>>) target_semaphore(%run_scoped3A : memref<!tpu.dma_semaphore, #tpu.memory_space<semaphore_mem>>)
        %dma_wait3A = arith.constant 0 : i32
        %dma_wait3A_126 = tpu.memref_slice %arg5[%add3A_121, %dma_wait3A] : memref<20000x128xf32, #tpu.memory_space<hbm>> -> memref<632x128xf32, #tpu.memory_space<hbm>>
        %dma_wait3A_127 = arith.constant 0 : i32
        %dma_wait3A_128 = tpu.memref_slice %arg10[%mul3A_116, %dma_wait3A_127] : memref<10000x128xf32, #tpu.memory_space<vmem_shared>> -> memref<632x128xf32, #tpu.memory_space<vmem_shared>>
        tpu.wait_dma2 semaphore(%run_scoped3A : memref<!tpu.dma_semaphore, #tpu.memory_space<semaphore_mem>>) src(%dma_wait3A_128 : memref<632x128xf32, #tpu.memory_space<vmem_shared>>) dst(%dma_wait3A_126 : memref<632x128xf32, #tpu.memory_space<hbm>>)
        tpu.yield
      }) : () -> ()
    } else {
    }
    %eq3A = arith.constant 15 : i32
    %eq3A_111 = arith.cmpi eq, %arg1, %eq3A : i32
    %convert_element_type3A_112 = arith.extui %eq3A_111 : i1 to i32
    %cond3A_113 = arith.constant 0 : i32
    %cond3A_114 = arith.cmpi ne, %convert_element_type3A_112, %cond3A_113 : i32
    scf.if %cond3A_114 {
      %mul3A_115 = arith.constant 10000 : i32
      %mul3A_116 = arith.muli %arg0, %mul3A_115 : i32
      %add3A_117 = arith.constant 9480 : i32
      %add3A_118 = arith.addi %mul3A_116, %add3A_117 : i32
      "tpu.region"() ({
        %run_scoped3A = tpu.sem_alloc : memref<!tpu.dma_semaphore, #tpu.memory_space<semaphore_mem>>
        %dma_start3A_119 = arith.constant 0 : i32
        %dma_start3A_120 = tpu.memref_slice %arg5[%add3A_118, %dma_start3A_119] : memref<20000x128xf32, #tpu.memory_space<hbm>> -> memref<520x128xf32, #tpu.memory_space<hbm>>
        %dma_start3A_121 = arith.constant 9480 : i32
        %dma_start3A_122 = arith.constant 0 : i32
        %dma_start3A_123 = tpu.memref_slice %arg10[%dma_start3A_121, %dma_start3A_122] : memref<10000x128xf32, #tpu.memory_space<vmem_shared>> -> memref<520x128xf32, #tpu.memory_space<vmem_shared>>
        tpu.enqueue_dma source(%dma_start3A_123 : memref<520x128xf32, #tpu.memory_space<vmem_shared>>) target(%dma_start3A_120 : memref<520x128xf32, #tpu.memory_space<hbm>>) target_semaphore(%run_scoped3A : memref<!tpu.dma_semaphore, #tpu.memory_space<semaphore_mem>>)
        %dma_wait3A = arith.constant 0 : i32
        %dma_wait3A_124 = tpu.memref_slice %arg5[%add3A_118, %dma_wait3A] : memref<20000x128xf32, #tpu.memory_space<hbm>> -> memref<520x128xf32, #tpu.memory_space<hbm>>
        %dma_wait3A_125 = arith.constant 9480 : i32
        %dma_wait3A_126 = arith.constant 0 : i32
        %dma_wait3A_127 = tpu.memref_slice %arg10[%dma_wait3A_125, %dma_wait3A_126] : memref<10000x128xf32, #tpu.memory_space<vmem_shared>> -> memref<520x128xf32, #tpu.memory_space<vmem_shared>>
        tpu.wait_dma2 semaphore(%run_scoped3A : memref<!tpu.dma_semaphore, #tpu.memory_space<semaphore_mem>>) src(%dma_wait3A_127 : memref<520x128xf32, #tpu.memory_space<vmem_shared>>) dst(%dma_wait3A_124 : memref<520x128xf32, #tpu.memory_space<hbm>>)
        tpu.yield
      }) : () -> ()
    } else {
    }
    return
  }
}

module attributes {stable_mosaic.version = 14 : i64} {
  func.func @body(%arg0: i32, %arg1: memref<5000x128xf32, #tpu.memory_space<vmem>>, %arg2: memref<5000x128xf32, #tpu.memory_space<vmem>>) attributes {dimension_semantics = [#tpu.dimension_semantics<arbitrary>], iteration_bounds = array<i64: 2>, scalar_prefetch = 0 : i64, scratch_operands = 0 : i64, tpu.core_type = #tpu.core_type<tc>, window_params = [{transform_indices = @transform_0, window_bounds = array<i64: 5000, 128>}, {transform_indices = @transform_1, window_bounds = array<i64: 5000, 128>}]} {
    %get3A = arith.constant 0 : index
    %get3A_0 = arith.constant 0 : index
    %get3A_1 = vector.load %arg1[%get3A, %get3A_0] : memref<5000x128xf32, #tpu.memory_space<vmem>>, vector<5000x128xf32>
    %max3A = arith.constant 0.000000e+00 : f32
    %max3A_2 = vector.broadcast %max3A : f32 to vector<5000x128xf32>
    %max3A_3 = arith.maximumf %get3A_1, %max3A_2 : vector<5000x128xf32>
    %swap3A = arith.constant 0 : index
    %swap3A_4 = arith.constant 0 : index
    %swap3A_5 = vector.load %arg2[%swap3A, %swap3A_4] : memref<5000x128xf32, #tpu.memory_space<vmem>>, vector<5000x128xf32>
    tpu.vector_store %arg2[%swap3A, %swap3A_4], %max3A_3 {strides = array<i32>} : memref<5000x128xf32, #tpu.memory_space<vmem>>, vector<5000x128xf32>,
    return
  }
  func.func @transform_0(%arg0: i32) -> (i32, i32) {
    %c0_i32 = arith.constant 0 : i32
    %c0_i32_0 = arith.constant 0 : i32
    return %arg0, %c0_i32 : i32, i32
  }
  func.func @transform_1(%arg0: i32) -> (i32, i32) {
    %c0_i32 = arith.constant 0 : i32
    %c0_i32_0 = arith.constant 0 : i32
    return %arg0, %c0_i32 : i32, i32
  }
}

module attributes {stable_mosaic.version = 14 : i64} {
  func.func @_conv_body(%arg0: i32, %arg1: i32, %arg2: memref<5000x128xf32, #tpu.memory_space<vmem>>, %arg3: memref<5000x128xf32, #tpu.memory_space<vmem>>, %arg4: memref<5000x128xf32, #tpu.memory_space<vmem>>, %arg5: memref<1x1xf32, #tpu.memory_space<vmem>>, %arg6: memref<128x128xf32, #tpu.memory_space<vmem>>, %arg7: memref<1x128xf32, #tpu.memory_space<vmem>>, %arg8: memref<1x128xf32, #tpu.memory_space<vmem>>, %arg9: memref<1x128xf32, #tpu.memory_space<vmem>>, %arg10: memref<128x128xf32, #tpu.memory_space<vmem>>, %arg11: memref<1x128xf32, #tpu.memory_space<vmem>>, %arg12: memref<1x128xf32, #tpu.memory_space<vmem>>, %arg13: memref<1x128xf32, #tpu.memory_space<vmem>>, %arg14: memref<5000x128xf32, #tpu.memory_space<vmem>>, %arg15: memref<10000x128xf32, #tpu.memory_space<vmem>>, %arg16: memref<10000x128xf32, #tpu.memory_space<vmem>>, %arg17: memref<8x128xf32, #tpu.memory_space<vmem>>) attributes {dimension_semantics = [#tpu.dimension_semantics<arbitrary>, #tpu.dimension_semantics<arbitrary>], iteration_bounds = array<i64: 3, 2>, scalar_prefetch = 0 : i64, scratch_operands = 3 : i64, tpu.core_type = #tpu.core_type<tc>, window_params = [{transform_indices = @transform_0, window_bounds = array<i64: 5000, 128>}, {transform_indices = @transform_1, window_bounds = array<i64: 5000, 128>}, {transform_indices = @transform_2, window_bounds = array<i64: 5000, 128>}, {pipeline_mode = #tpu.pipeline_mode<synchronous>, transform_indices = @transform_3, window_bounds = array<i64: 1, 1>}, {pipeline_mode = #tpu.pipeline_mode<synchronous>, transform_indices = @transform_4, window_bounds = array<i64: 128, 128>}, {pipeline_mode = #tpu.pipeline_mode<synchronous>, transform_indices = @transform_5, window_bounds = array<i64: 1, 128>}, {pipeline_mode = #tpu.pipeline_mode<synchronous>, transform_indices = @transform_6, window_bounds = array<i64: 1, 128>}, {pipeline_mode = #tpu.pipeline_mode<synchronous>, transform_indices = @transform_7, window_bounds = array<i64: 1, 128>}, {pipeline_mode = #tpu.pipeline_mode<synchronous>, transform_indices = @transform_8, window_bounds = array<i64: 128, 128>}, {pipeline_mode = #tpu.pipeline_mode<synchronous>, transform_indices = @transform_9, window_bounds = array<i64: 1, 128>}, {pipeline_mode = #tpu.pipeline_mode<synchronous>, transform_indices = @transform_10, window_bounds = array<i64: 1, 128>}, {pipeline_mode = #tpu.pipeline_mode<synchronous>, transform_indices = @transform_11, window_bounds = array<i64: 1, 128>}, {transform_indices = @transform_12, window_bounds = array<i64: 5000, 128>}]} {
    %mul3A = arith.constant 5000 : i32
    %mul3A_0 = arith.muli %arg1, %mul3A : i32
    %eq3A = arith.constant 0 : i32
    %eq3A_1 = arith.cmpi eq, %arg0, %eq3A : i32
    %eq3A_2 = arith.constant 0 : i32
    %eq3A_3 = arith.cmpi eq, %arg1, %eq3A_2 : i32
    %and3A = arith.andi %eq3A_1, %eq3A_3 : i1
    %convert_element_type3A = arith.extui %and3A : i1 to i32
    %cond3A = arith.constant 0 : i32
    %cond3A_4 = arith.cmpi ne, %convert_element_type3A, %cond3A : i32
    scf.if %cond3A_4 {
      %broadcast_in_dim3A = arith.constant 0.000000e+00 : f32
      %broadcast_in_dim3A_20 = vector.broadcast %broadcast_in_dim3A : f32 to vector<8x128xf32>
      %swap3A = arith.constant 0 : index
      %swap3A_21 = arith.constant 0 : index
      %swap3A_22 = vector.load %arg17[%swap3A, %swap3A_21] : memref<8x128xf32, #tpu.memory_space<vmem>>, vector<8x128xf32>
      tpu.vector_store %arg17[%swap3A, %swap3A_21], %broadcast_in_dim3A_20 {strides = array<i32>} : memref<8x128xf32, #tpu.memory_space<vmem>>, vector<8x128xf32>,
    } else {
    }
    %eq3A_5 = arith.constant 0 : i32
    %eq3A_6 = arith.cmpi eq, %arg0, %eq3A_5 : i32
    %convert_element_type3A_7 = arith.extui %eq3A_6 : i1 to i32
    %cond3A_8 = arith.constant 0 : i32
    %cond3A_9 = arith.cmpi ne, %convert_element_type3A_7, %cond3A_8 : i32
    scf.if %cond3A_9 {
      %get3A = arith.constant 0 : index
      %get3A_20 = arith.constant 0 : index
      %get3A_21 = vector.load %arg2[%get3A, %get3A_20] : memref<5000x128xf32, #tpu.memory_space<vmem>>, vector<5000x128xf32>
      %get3A_22 = arith.constant 0 : index
      %get3A_23 = arith.constant 0 : index
      %get3A_24 = vector.load %arg3[%get3A_22, %get3A_23] : memref<5000x128xf32, #tpu.memory_space<vmem>>, vector<5000x128xf32>
      %get3A_25 = arith.constant 0 : index
      %get3A_26 = arith.constant 0 : index
      %get3A_27 = vector.load %arg4[%get3A_25, %get3A_26] : memref<5000x128xf32, #tpu.memory_space<vmem>>, vector<5000x128xf32>
      %add3A = arith.addf %get3A_24, %get3A_27 : vector<5000x128xf32>
      %mul3A_28 = arith.constant 5000 : i32
      %mul3A_29 = arith.muli %arg1, %mul3A_28 : i32
      %iota3A = tpu.iota {dimensions = array<i32: 0>} : vector<5000x1xi32>
      %add3A_30 = vector.broadcast %mul3A_29 : i32 to vector<5000x1xi32>
      %add3A_31 = arith.addi %add3A_30, %iota3A : vector<5000x1xi32>
      %lt3A = arith.constant 7680 : i32
      %lt3A_32 = vector.broadcast %lt3A : i32 to vector<5000x1xi32>
      %lt3A_33 = arith.cmpi slt, %add3A_31, %lt3A_32 : vector<5000x1xi32>
      %max3A = arith.constant 0.000000e+00 : f32
      %max3A_34 = vector.broadcast %max3A : f32 to vector<5000x128xf32>
      %max3A_35 = arith.maximumf %get3A_21, %max3A_34 : vector<5000x128xf32>
      %jit3A = arith.constant 0.000000e+00 : f32
      %broadcast_in_dim3A = vector.shape_cast %lt3A_33 : vector<5000x1xi1> to vector<5000x1xi1>
      %broadcast_in_dim3A_36 = vector.broadcast %broadcast_in_dim3A : vector<5000x1xi1> to vector<5000x128xi1>
      %broadcast_in_dim3A_37 = vector.broadcast %jit3A : f32 to vector<5000x128xf32>
      %select_n3A = arith.select %broadcast_in_dim3A_36, %max3A_35, %broadcast_in_dim3A_37 : vector<5000x128xi1>, vector<5000x128xf32>
      %sub3A = arith.subf %add3A, %select_n3A : vector<5000x128xf32>
      %get3A_38 = arith.constant 0 : index
      %get3A_39 = arith.constant 0 : index
      %get3A_40 = vector.load %arg5[%get3A_38, %get3A_39] : memref<1x1xf32, #tpu.memory_space<vmem>>, vector<1x1xf32>
      %get3A_41 = vector.extract %get3A_40[0, 0] : f32 from vector<1x1xf32>
      %add3A_42 = arith.constant 1.000000e+00 : f32
      %add3A_43 = arith.addf %add3A_42, %get3A_41 : f32
      %mul3A_44 = vector.broadcast %add3A_43 : f32 to vector<5000x128xf32>
      %mul3A_45 = arith.mulf %mul3A_44, %get3A_21 : vector<5000x128xf32>
      %add3A_46 = arith.addf %mul3A_45, %sub3A : vector<5000x128xf32>
      %get3A_47 = arith.constant 0 : index
      %get3A_48 = arith.constant 0 : index
      %get3A_49 = vector.load %arg6[%get3A_47, %get3A_48] : memref<128x128xf32, #tpu.memory_space<vmem>>, vector<128x128xf32>
      %dot_general3A = arith.constant dense<0.000000e+00> : vector<5000x128xf32>
      %dot_general3A_50 = tpu.matmul %add3A_46, %get3A_49, %dot_general3A {dimension_numbers = #tpu.dot_dimension_numbers<[1], [0], [0], [1], [0, 0, 1, 1], [], []>, transpose_lhs_hint = false} : vector<5000x128xf32>, vector<128x128xf32>, vector<5000x128xf32> -> vector<5000x128xf32>
      %get3A_51 = arith.constant 0 : index
      %get3A_52 = arith.constant 0 : index
      %get3A_53 = vector.load %arg7[%get3A_51, %get3A_52] : memref<1x128xf32, #tpu.memory_space<vmem>>, vector<1x128xf32>
      %add3A_54 = vector.broadcast %get3A_53 : vector<1x128xf32> to vector<5000x128xf32>
      %add3A_55 = arith.addf %dot_general3A_50, %add3A_54 : vector<5000x128xf32>
      %swap3A = arith.index_cast %mul3A_0 : i32 to index
      %swap3A_56 = arith.constant 0 : index
      %swap3A_57 = vector.load %arg15[%swap3A, %swap3A_56] : memref<10000x128xf32, #tpu.memory_space<vmem>>, vector<5000x128xf32>
      tpu.vector_store %arg15[%swap3A, %swap3A_56], %add3A_55 {strides = array<i32>} : memref<10000x128xf32, #tpu.memory_space<vmem>>, vector<5000x128xf32>,
      %get3A_58 = arith.constant 0 : index
      %get3A_59 = arith.constant 0 : index
      %get3A_60 = vector.load %arg17[%get3A_58, %get3A_59] : memref<8x128xf32, #tpu.memory_space<vmem>>, vector<1x128xf32>
      %reduce_sum3A = arith.constant dense<0.000000e+00> : vector<128xf32>
      %reduce_sum3A_61 = vector.multi_reduction <add>, %add3A_55, %reduce_sum3A [0] : vector<5000x128xf32> to vector<128xf32>
      %broadcast_in_dim3A_62 = vector.shape_cast %reduce_sum3A_61 : vector<128xf32> to vector<1x128xf32>
      %add3A_63 = arith.addf %get3A_60, %broadcast_in_dim3A_62 : vector<1x128xf32>
      %swap3A_64 = arith.constant 0 : index
      %swap3A_65 = arith.constant 0 : index
      %swap3A_66 = vector.load %arg17[%swap3A_64, %swap3A_65] : memref<8x128xf32, #tpu.memory_space<vmem>>, vector<1x128xf32>
      tpu.vector_store %arg17[%swap3A_64, %swap3A_65], %add3A_63 {strides = array<i32>} : memref<8x128xf32, #tpu.memory_space<vmem>>, vector<1x128xf32>,
      %get3A_67 = arith.constant 1 : index
      %get3A_68 = arith.constant 0 : index
      %get3A_69 = vector.load %arg17[%get3A_67, %get3A_68] : memref<8x128xf32, #tpu.memory_space<vmem>>, vector<1x128xf32>
      %mul3A_70 = arith.mulf %add3A_55, %add3A_55 : vector<5000x128xf32>
      %reduce_sum3A_71 = arith.constant dense<0.000000e+00> : vector<128xf32>
      %reduce_sum3A_72 = vector.multi_reduction <add>, %mul3A_70, %reduce_sum3A_71 [0] : vector<5000x128xf32> to vector<128xf32>
      %broadcast_in_dim3A_73 = vector.shape_cast %reduce_sum3A_72 : vector<128xf32> to vector<1x128xf32>
      %add3A_74 = arith.addf %get3A_69, %broadcast_in_dim3A_73 : vector<1x128xf32>
      %swap3A_75 = arith.constant 1 : index
      %swap3A_76 = arith.constant 0 : index
      %swap3A_77 = vector.load %arg17[%swap3A_75, %swap3A_76] : memref<8x128xf32, #tpu.memory_space<vmem>>, vector<1x128xf32>
      tpu.vector_store %arg17[%swap3A_75, %swap3A_76], %add3A_74 {strides = array<i32>} : memref<8x128xf32, #tpu.memory_space<vmem>>, vector<1x128xf32>,
    } else {
    }
    %eq3A_10 = arith.constant 1 : i32
    %eq3A_11 = arith.cmpi eq, %arg0, %eq3A_10 : i32
    %convert_element_type3A_12 = arith.extui %eq3A_11 : i1 to i32
    %cond3A_13 = arith.constant 0 : i32
    %cond3A_14 = arith.cmpi ne, %convert_element_type3A_12, %cond3A_13 : i32
    scf.if %cond3A_14 {
      %get3A = arith.index_cast %mul3A_0 : i32 to index
      %get3A_20 = arith.constant 0 : index
      %get3A_21 = vector.load %arg15[%get3A, %get3A_20] : memref<10000x128xf32, #tpu.memory_space<vmem>>, vector<5000x128xf32>
      %get3A_22 = arith.constant 0 : index
      %get3A_23 = arith.constant 0 : index
      %get3A_24 = vector.load %arg8[%get3A_22, %get3A_23] : memref<1x128xf32, #tpu.memory_space<vmem>>, vector<1x128xf32>
      %get3A_25 = arith.constant 0 : index
      %get3A_26 = arith.constant 0 : index
      %get3A_27 = vector.load %arg9[%get3A_25, %get3A_26] : memref<1x128xf32, #tpu.memory_space<vmem>>, vector<1x128xf32>
      %get3A_28 = arith.constant 0 : index
      %get3A_29 = arith.constant 0 : index
      %get3A_30 = vector.load %arg17[%get3A_28, %get3A_29] : memref<8x128xf32, #tpu.memory_space<vmem>>, vector<1x128xf32>
      %mul3A_31 = arith.constant 9.99999974E-5 : f32
      %mul3A_32 = vector.broadcast %mul3A_31 : f32 to vector<1x128xf32>
      %mul3A_33 = arith.mulf %get3A_30, %mul3A_32 : vector<1x128xf32>
      %get3A_34 = arith.constant 1 : index
      %get3A_35 = arith.constant 0 : index
      %get3A_36 = vector.load %arg17[%get3A_34, %get3A_35] : memref<8x128xf32, #tpu.memory_space<vmem>>, vector<1x128xf32>
      %mul3A_37 = arith.constant 9.99999974E-5 : f32
      %mul3A_38 = vector.broadcast %mul3A_37 : f32 to vector<1x128xf32>
      %mul3A_39 = arith.mulf %get3A_36, %mul3A_38 : vector<1x128xf32>
      %mul3A_40 = arith.mulf %mul3A_33, %mul3A_33 : vector<1x128xf32>
      %sub3A = arith.subf %mul3A_39, %mul3A_40 : vector<1x128xf32>
      %sub3A_41 = vector.broadcast %mul3A_33 : vector<1x128xf32> to vector<5000x128xf32>
      %sub3A_42 = arith.subf %get3A_21, %sub3A_41 : vector<5000x128xf32>
      %mul3A_43 = vector.broadcast %get3A_24 : vector<1x128xf32> to vector<5000x128xf32>
      %mul3A_44 = arith.mulf %mul3A_43, %sub3A_42 : vector<5000x128xf32>
      %add3A = arith.constant 9.99999974E-6 : f32
      %add3A_45 = vector.broadcast %add3A : f32 to vector<1x128xf32>
      %add3A_46 = arith.addf %sub3A, %add3A_45 : vector<1x128xf32>
      %sqrt3A = math.sqrt %add3A_46 : vector<1x128xf32>
      %div3A = vector.broadcast %sqrt3A : vector<1x128xf32> to vector<5000x128xf32>
      %div3A_47 = arith.divf %mul3A_44, %div3A : vector<5000x128xf32>
      %add3A_48 = vector.broadcast %get3A_27 : vector<1x128xf32> to vector<5000x128xf32>
      %add3A_49 = arith.addf %div3A_47, %add3A_48 : vector<5000x128xf32>
      %max3A = arith.constant 0.000000e+00 : f32
      %max3A_50 = vector.broadcast %max3A : f32 to vector<5000x128xf32>
      %max3A_51 = arith.maximumf %add3A_49, %max3A_50 : vector<5000x128xf32>
      %get3A_52 = arith.constant 0 : index
      %get3A_53 = arith.constant 0 : index
      %get3A_54 = vector.load %arg10[%get3A_52, %get3A_53] : memref<128x128xf32, #tpu.memory_space<vmem>>, vector<128x128xf32>
      %dot_general3A = arith.constant dense<0.000000e+00> : vector<5000x128xf32>
      %dot_general3A_55 = tpu.matmul %max3A_51, %get3A_54, %dot_general3A {dimension_numbers = #tpu.dot_dimension_numbers<[1], [0], [0], [1], [0, 0, 1, 1], [], []>, transpose_lhs_hint = false} : vector<5000x128xf32>, vector<128x128xf32>, vector<5000x128xf32> -> vector<5000x128xf32>
      %get3A_56 = arith.constant 0 : index
      %get3A_57 = arith.constant 0 : index
      %get3A_58 = vector.load %arg11[%get3A_56, %get3A_57] : memref<1x128xf32, #tpu.memory_space<vmem>>, vector<1x128xf32>
      %add3A_59 = vector.broadcast %get3A_58 : vector<1x128xf32> to vector<5000x128xf32>
      %add3A_60 = arith.addf %dot_general3A_55, %add3A_59 : vector<5000x128xf32>
      %swap3A = arith.index_cast %mul3A_0 : i32 to index
      %swap3A_61 = arith.constant 0 : index
      %swap3A_62 = vector.load %arg16[%swap3A, %swap3A_61] : memref<10000x128xf32, #tpu.memory_space<vmem>>, vector<5000x128xf32>
      tpu.vector_store %arg16[%swap3A, %swap3A_61], %add3A_60 {strides = array<i32>} : memref<10000x128xf32, #tpu.memory_space<vmem>>, vector<5000x128xf32>,
      %get3A_63 = arith.constant 2 : index
      %get3A_64 = arith.constant 0 : index
      %get3A_65 = vector.load %arg17[%get3A_63, %get3A_64] : memref<8x128xf32, #tpu.memory_space<vmem>>, vector<1x128xf32>
      %reduce_sum3A = arith.constant dense<0.000000e+00> : vector<128xf32>
      %reduce_sum3A_66 = vector.multi_reduction <add>, %add3A_60, %reduce_sum3A [0] : vector<5000x128xf32> to vector<128xf32>
      %broadcast_in_dim3A = vector.shape_cast %reduce_sum3A_66 : vector<128xf32> to vector<1x128xf32>
      %add3A_67 = arith.addf %get3A_65, %broadcast_in_dim3A : vector<1x128xf32>
      %swap3A_68 = arith.constant 2 : index
      %swap3A_69 = arith.constant 0 : index
      %swap3A_70 = vector.load %arg17[%swap3A_68, %swap3A_69] : memref<8x128xf32, #tpu.memory_space<vmem>>, vector<1x128xf32>
      tpu.vector_store %arg17[%swap3A_68, %swap3A_69], %add3A_67 {strides = array<i32>} : memref<8x128xf32, #tpu.memory_space<vmem>>, vector<1x128xf32>,
      %get3A_71 = arith.constant 3 : index
      %get3A_72 = arith.constant 0 : index
      %get3A_73 = vector.load %arg17[%get3A_71, %get3A_72] : memref<8x128xf32, #tpu.memory_space<vmem>>, vector<1x128xf32>
      %mul3A_74 = arith.mulf %add3A_60, %add3A_60 : vector<5000x128xf32>
      %reduce_sum3A_75 = arith.constant dense<0.000000e+00> : vector<128xf32>
      %reduce_sum3A_76 = vector.multi_reduction <add>, %mul3A_74, %reduce_sum3A_75 [0] : vector<5000x128xf32> to vector<128xf32>
      %broadcast_in_dim3A_77 = vector.shape_cast %reduce_sum3A_76 : vector<128xf32> to vector<1x128xf32>
      %add3A_78 = arith.addf %get3A_73, %broadcast_in_dim3A_77 : vector<1x128xf32>
      %swap3A_79 = arith.constant 3 : index
      %swap3A_80 = arith.constant 0 : index
      %swap3A_81 = vector.load %arg17[%swap3A_79, %swap3A_80] : memref<8x128xf32, #tpu.memory_space<vmem>>, vector<1x128xf32>
      tpu.vector_store %arg17[%swap3A_79, %swap3A_80], %add3A_78 {strides = array<i32>} : memref<8x128xf32, #tpu.memory_space<vmem>>, vector<1x128xf32>,
    } else {
    }
    %eq3A_15 = arith.constant 2 : i32
    %eq3A_16 = arith.cmpi eq, %arg0, %eq3A_15 : i32
    %convert_element_type3A_17 = arith.extui %eq3A_16 : i1 to i32
    %cond3A_18 = arith.constant 0 : i32
    %cond3A_19 = arith.cmpi ne, %convert_element_type3A_17, %cond3A_18 : i32
    scf.if %cond3A_19 {
      %get3A = arith.index_cast %mul3A_0 : i32 to index
      %get3A_20 = arith.constant 0 : index
      %get3A_21 = vector.load %arg16[%get3A, %get3A_20] : memref<10000x128xf32, #tpu.memory_space<vmem>>, vector<5000x128xf32>
      %get3A_22 = arith.constant 0 : index
      %get3A_23 = arith.constant 0 : index
      %get3A_24 = vector.load %arg12[%get3A_22, %get3A_23] : memref<1x128xf32, #tpu.memory_space<vmem>>, vector<1x128xf32>
      %get3A_25 = arith.constant 0 : index
      %get3A_26 = arith.constant 0 : index
      %get3A_27 = vector.load %arg13[%get3A_25, %get3A_26] : memref<1x128xf32, #tpu.memory_space<vmem>>, vector<1x128xf32>
      %get3A_28 = arith.constant 2 : index
      %get3A_29 = arith.constant 0 : index
      %get3A_30 = vector.load %arg17[%get3A_28, %get3A_29] : memref<8x128xf32, #tpu.memory_space<vmem>>, vector<1x128xf32>
      %mul3A_31 = arith.constant 9.99999974E-5 : f32
      %mul3A_32 = vector.broadcast %mul3A_31 : f32 to vector<1x128xf32>
      %mul3A_33 = arith.mulf %get3A_30, %mul3A_32 : vector<1x128xf32>
      %get3A_34 = arith.constant 3 : index
      %get3A_35 = arith.constant 0 : index
      %get3A_36 = vector.load %arg17[%get3A_34, %get3A_35] : memref<8x128xf32, #tpu.memory_space<vmem>>, vector<1x128xf32>
      %mul3A_37 = arith.constant 9.99999974E-5 : f32
      %mul3A_38 = vector.broadcast %mul3A_37 : f32 to vector<1x128xf32>
      %mul3A_39 = arith.mulf %get3A_36, %mul3A_38 : vector<1x128xf32>
      %mul3A_40 = arith.mulf %mul3A_33, %mul3A_33 : vector<1x128xf32>
      %sub3A = arith.subf %mul3A_39, %mul3A_40 : vector<1x128xf32>
      %sub3A_41 = vector.broadcast %mul3A_33 : vector<1x128xf32> to vector<5000x128xf32>
      %sub3A_42 = arith.subf %get3A_21, %sub3A_41 : vector<5000x128xf32>
      %mul3A_43 = vector.broadcast %get3A_24 : vector<1x128xf32> to vector<5000x128xf32>
      %mul3A_44 = arith.mulf %mul3A_43, %sub3A_42 : vector<5000x128xf32>
      %add3A = arith.constant 9.99999974E-6 : f32
      %add3A_45 = vector.broadcast %add3A : f32 to vector<1x128xf32>
      %add3A_46 = arith.addf %sub3A, %add3A_45 : vector<1x128xf32>
      %sqrt3A = math.sqrt %add3A_46 : vector<1x128xf32>
      %div3A = vector.broadcast %sqrt3A : vector<1x128xf32> to vector<5000x128xf32>
      %div3A_47 = arith.divf %mul3A_44, %div3A : vector<5000x128xf32>
      %add3A_48 = vector.broadcast %get3A_27 : vector<1x128xf32> to vector<5000x128xf32>
      %add3A_49 = arith.addf %div3A_47, %add3A_48 : vector<5000x128xf32>
      %max3A = arith.constant 0.000000e+00 : f32
      %max3A_50 = vector.broadcast %max3A : f32 to vector<5000x128xf32>
      %max3A_51 = arith.maximumf %add3A_49, %max3A_50 : vector<5000x128xf32>
      %swap3A = arith.constant 0 : index
      %swap3A_52 = arith.constant 0 : index
      %swap3A_53 = vector.load %arg14[%swap3A, %swap3A_52] : memref<5000x128xf32, #tpu.memory_space<vmem>>, vector<5000x128xf32>
      tpu.vector_store %arg14[%swap3A, %swap3A_52], %max3A_51 {strides = array<i32>} : memref<5000x128xf32, #tpu.memory_space<vmem>>, vector<5000x128xf32>,
    } else {
    }
    return
  }
  func.func @transform_0(%arg0: i32, %arg1: i32) -> (i32, i32) {
    %eq3A = arith.constant 0 : i32
    %eq3A_0 = arith.cmpi eq, %arg0, %eq3A : i32
    %jit3A = arith.constant 0 : i32
    %select_n3A = arith.select %eq3A_0, %arg1, %jit3A : i32
    %add3A = arith.constant 0 : i32
    %add3A_1 = arith.addi %select_n3A, %add3A : i32
    %c0_i32 = arith.constant 0 : i32
    %c0_i32_2 = arith.constant 0 : i32
    return %add3A_1, %c0_i32 : i32, i32
  }
  func.func @transform_1(%arg0: i32, %arg1: i32) -> (i32, i32) {
    %eq3A = arith.constant 0 : i32
    %eq3A_0 = arith.cmpi eq, %arg0, %eq3A : i32
    %jit3A = arith.constant 0 : i32
    %select_n3A = arith.select %eq3A_0, %arg1, %jit3A : i32
    %add3A = arith.constant 0 : i32
    %add3A_1 = arith.addi %select_n3A, %add3A : i32
    %c0_i32 = arith.constant 0 : i32
    %c0_i32_2 = arith.constant 0 : i32
    return %add3A_1, %c0_i32 : i32, i32
  }
  func.func @transform_2(%arg0: i32, %arg1: i32) -> (i32, i32) {
    %eq3A = arith.constant 0 : i32
    %eq3A_0 = arith.cmpi eq, %arg0, %eq3A : i32
    %jit3A = arith.constant 0 : i32
    %select_n3A = arith.select %eq3A_0, %arg1, %jit3A : i32
    %add3A = arith.constant 2 : i32
    %add3A_1 = arith.addi %select_n3A, %add3A : i32
    %c0_i32 = arith.constant 0 : i32
    %c0_i32_2 = arith.constant 0 : i32
    return %add3A_1, %c0_i32 : i32, i32
  }
  func.func @transform_3(%arg0: i32, %arg1: i32) -> (i32, i32) {
    %c0_i32 = arith.constant 0 : i32
    %c0_i32_0 = arith.constant 0 : i32
    %c0_i32_1 = arith.constant 0 : i32
    return %c0_i32, %c0_i32_0 : i32, i32
  }
  func.func @transform_4(%arg0: i32, %arg1: i32) -> (i32, i32) {
    %c0_i32 = arith.constant 0 : i32
    %c0_i32_0 = arith.constant 0 : i32
    %c0_i32_1 = arith.constant 0 : i32
    return %c0_i32, %c0_i32_0 : i32, i32
  }
  func.func @transform_5(%arg0: i32, %arg1: i32) -> (i32, i32) {
    %c0_i32 = arith.constant 0 : i32
    %c0_i32_0 = arith.constant 0 : i32
    %c0_i32_1 = arith.constant 0 : i32
    return %c0_i32, %c0_i32_0 : i32, i32
  }
  func.func @transform_6(%arg0: i32, %arg1: i32) -> (i32, i32) {
    %c0_i32 = arith.constant 0 : i32
    %c0_i32_0 = arith.constant 0 : i32
    %c0_i32_1 = arith.constant 0 : i32
    return %c0_i32, %c0_i32_0 : i32, i32
  }
  func.func @transform_7(%arg0: i32, %arg1: i32) -> (i32, i32) {
    %c0_i32 = arith.constant 0 : i32
    %c0_i32_0 = arith.constant 0 : i32
    %c0_i32_1 = arith.constant 0 : i32
    return %c0_i32, %c0_i32_0 : i32, i32
  }
  func.func @transform_8(%arg0: i32, %arg1: i32) -> (i32, i32) {
    %c0_i32 = arith.constant 0 : i32
    %c0_i32_0 = arith.constant 0 : i32
    %c0_i32_1 = arith.constant 0 : i32
    return %c0_i32, %c0_i32_0 : i32, i32
  }
  func.func @transform_9(%arg0: i32, %arg1: i32) -> (i32, i32) {
    %c0_i32 = arith.constant 0 : i32
    %c0_i32_0 = arith.constant 0 : i32
    %c0_i32_1 = arith.constant 0 : i32
    return %c0_i32, %c0_i32_0 : i32, i32
  }
  func.func @transform_10(%arg0: i32, %arg1: i32) -> (i32, i32) {
    %c0_i32 = arith.constant 0 : i32
    %c0_i32_0 = arith.constant 0 : i32
    %c0_i32_1 = arith.constant 0 : i32
    return %c0_i32, %c0_i32_0 : i32, i32
  }
  func.func @transform_11(%arg0: i32, %arg1: i32) -> (i32, i32) {
    %c0_i32 = arith.constant 0 : i32
    %c0_i32_0 = arith.constant 0 : i32
    %c0_i32_1 = arith.constant 0 : i32
    return %c0_i32, %c0_i32_0 : i32, i32
  }
  func.func @transform_12(%arg0: i32, %arg1: i32) -> (i32, i32) {
    %eq3A = arith.constant 2 : i32
    %eq3A_0 = arith.cmpi eq, %arg0, %eq3A : i32
    %jit3A = arith.constant 0 : i32
    %select_n3A = arith.select %eq3A_0, %arg1, %jit3A : i32
    %c0_i32 = arith.constant 0 : i32
    %c0_i32_1 = arith.constant 0 : i32
    return %select_n3A, %c0_i32 : i32, i32
  }
}

module attributes {stable_mosaic.version = 14 : i64} {
  func.func @_conv_body(%arg0: i32, %arg1: i32, %arg2: memref<5000x128xf32, #tpu.memory_space<vmem>>, %arg3: memref<5000x128xf32, #tpu.memory_space<vmem>>, %arg4: memref<5000x128xf32, #tpu.memory_space<vmem>>, %arg5: memref<1x1xf32, #tpu.memory_space<vmem>>, %arg6: memref<128x128xf32, #tpu.memory_space<vmem>>, %arg7: memref<1x128xf32, #tpu.memory_space<vmem>>, %arg8: memref<1x128xf32, #tpu.memory_space<vmem>>, %arg9: memref<1x128xf32, #tpu.memory_space<vmem>>, %arg10: memref<128x128xf32, #tpu.memory_space<vmem>>, %arg11: memref<1x128xf32, #tpu.memory_space<vmem>>, %arg12: memref<1x128xf32, #tpu.memory_space<vmem>>, %arg13: memref<1x128xf32, #tpu.memory_space<vmem>>, %arg14: memref<1x128xf32, #tpu.memory_space<vmem>>, %arg15: memref<1x128xf32, #tpu.memory_space<vmem>>, %arg16: memref<5000x128xf32, #tpu.memory_space<vmem>>, %arg17: memref<10000x128xf32, #tpu.memory_space<vmem>>, %arg18: memref<10000x128xf32, #tpu.memory_space<vmem>>, %arg19: memref<10000x128xf32, #tpu.memory_space<vmem>>, %arg20: memref<8x128xf32, #tpu.memory_space<vmem>>) attributes {dimension_semantics = [#tpu.dimension_semantics<arbitrary>, #tpu.dimension_semantics<arbitrary>], iteration_bounds = array<i64: 4, 2>, scalar_prefetch = 0 : i64, scratch_operands = 4 : i64, tpu.core_type = #tpu.core_type<tc>, window_params = [{transform_indices = @transform_0, window_bounds = array<i64: 5000, 128>}, {transform_indices = @transform_1, window_bounds = array<i64: 5000, 128>}, {transform_indices = @transform_2, window_bounds = array<i64: 5000, 128>}, {pipeline_mode = #tpu.pipeline_mode<synchronous>, transform_indices = @transform_3, window_bounds = array<i64: 1, 1>}, {pipeline_mode = #tpu.pipeline_mode<synchronous>, transform_indices = @transform_4, window_bounds = array<i64: 128, 128>}, {pipeline_mode = #tpu.pipeline_mode<synchronous>, transform_indices = @transform_5, window_bounds = array<i64: 1, 128>}, {pipeline_mode = #tpu.pipeline_mode<synchronous>, transform_indices = @transform_6, window_bounds = array<i64: 1, 128>}, {pipeline_mode = #tpu.pipeline_mode<synchronous>, transform_indices = @transform_7, window_bounds = array<i64: 1, 128>}, {pipeline_mode = #tpu.pipeline_mode<synchronous>, transform_indices = @transform_8, window_bounds = array<i64: 128, 128>}, {pipeline_mode = #tpu.pipeline_mode<synchronous>, transform_indices = @transform_9, window_bounds = array<i64: 1, 128>}, {pipeline_mode = #tpu.pipeline_mode<synchronous>, transform_indices = @transform_10, window_bounds = array<i64: 1, 128>}, {pipeline_mode = #tpu.pipeline_mode<synchronous>, transform_indices = @transform_11, window_bounds = array<i64: 1, 128>}, {pipeline_mode = #tpu.pipeline_mode<synchronous>, transform_indices = @transform_12, window_bounds = array<i64: 1, 128>}, {pipeline_mode = #tpu.pipeline_mode<synchronous>, transform_indices = @transform_13, window_bounds = array<i64: 1, 128>}, {transform_indices = @transform_14, window_bounds = array<i64: 5000, 128>}]} {
    %mul3A = arith.constant 5000 : i32
    %mul3A_0 = arith.muli %arg1, %mul3A : i32
    %eq3A = arith.constant 0 : i32
    %eq3A_1 = arith.cmpi eq, %arg0, %eq3A : i32
    %eq3A_2 = arith.constant 0 : i32
    %eq3A_3 = arith.cmpi eq, %arg1, %eq3A_2 : i32
    %and3A = arith.andi %eq3A_1, %eq3A_3 : i1
    %convert_element_type3A = arith.extui %and3A : i1 to i32
    %cond3A = arith.constant 0 : i32
    %cond3A_4 = arith.cmpi ne, %convert_element_type3A, %cond3A : i32
    scf.if %cond3A_4 {
      %broadcast_in_dim3A = arith.constant 0.000000e+00 : f32
      %broadcast_in_dim3A_25 = vector.broadcast %broadcast_in_dim3A : f32 to vector<8x128xf32>
      %swap3A = arith.constant 0 : index
      %swap3A_26 = arith.constant 0 : index
      %swap3A_27 = vector.load %arg20[%swap3A, %swap3A_26] : memref<8x128xf32, #tpu.memory_space<vmem>>, vector<8x128xf32>
      tpu.vector_store %arg20[%swap3A, %swap3A_26], %broadcast_in_dim3A_25 {strides = array<i32>} : memref<8x128xf32, #tpu.memory_space<vmem>>, vector<8x128xf32>,
    } else {
    }
    %eq3A_5 = arith.constant 0 : i32
    %eq3A_6 = arith.cmpi eq, %arg0, %eq3A_5 : i32
    %convert_element_type3A_7 = arith.extui %eq3A_6 : i1 to i32
    %cond3A_8 = arith.constant 0 : i32
    %cond3A_9 = arith.cmpi ne, %convert_element_type3A_7, %cond3A_8 : i32
    scf.if %cond3A_9 {
      %get3A = arith.constant 0 : index
      %get3A_25 = arith.constant 0 : index
      %get3A_26 = vector.load %arg2[%get3A, %get3A_25] : memref<5000x128xf32, #tpu.memory_space<vmem>>, vector<5000x128xf32>
      %get3A_27 = arith.constant 0 : index
      %get3A_28 = arith.constant 0 : index
      %get3A_29 = vector.load %arg3[%get3A_27, %get3A_28] : memref<5000x128xf32, #tpu.memory_space<vmem>>, vector<5000x128xf32>
      %get3A_30 = arith.constant 0 : index
      %get3A_31 = arith.constant 0 : index
      %get3A_32 = vector.load %arg4[%get3A_30, %get3A_31] : memref<5000x128xf32, #tpu.memory_space<vmem>>, vector<5000x128xf32>
      %add3A = arith.addf %get3A_29, %get3A_32 : vector<5000x128xf32>
      %mul3A_33 = arith.constant 5000 : i32
      %mul3A_34 = arith.muli %arg1, %mul3A_33 : i32
      %iota3A = tpu.iota {dimensions = array<i32: 0>} : vector<5000x1xi32>
      %add3A_35 = vector.broadcast %mul3A_34 : i32 to vector<5000x1xi32>
      %add3A_36 = arith.addi %add3A_35, %iota3A : vector<5000x1xi32>
      %lt3A = arith.constant 7680 : i32
      %lt3A_37 = vector.broadcast %lt3A : i32 to vector<5000x1xi32>
      %lt3A_38 = arith.cmpi slt, %add3A_36, %lt3A_37 : vector<5000x1xi32>
      %max3A = arith.constant 0.000000e+00 : f32
      %max3A_39 = vector.broadcast %max3A : f32 to vector<5000x128xf32>
      %max3A_40 = arith.maximumf %get3A_26, %max3A_39 : vector<5000x128xf32>
      %jit3A = arith.constant 0.000000e+00 : f32
      %broadcast_in_dim3A = vector.shape_cast %lt3A_38 : vector<5000x1xi1> to vector<5000x1xi1>
      %broadcast_in_dim3A_41 = vector.broadcast %broadcast_in_dim3A : vector<5000x1xi1> to vector<5000x128xi1>
      %broadcast_in_dim3A_42 = vector.broadcast %jit3A : f32 to vector<5000x128xf32>
      %select_n3A = arith.select %broadcast_in_dim3A_41, %max3A_40, %broadcast_in_dim3A_42 : vector<5000x128xi1>, vector<5000x128xf32>
      %sub3A = arith.subf %add3A, %select_n3A : vector<5000x128xf32>
      %get3A_43 = arith.constant 0 : index
      %get3A_44 = arith.constant 0 : index
      %get3A_45 = vector.load %arg5[%get3A_43, %get3A_44] : memref<1x1xf32, #tpu.memory_space<vmem>>, vector<1x1xf32>
      %get3A_46 = vector.extract %get3A_45[0, 0] : f32 from vector<1x1xf32>
      %add3A_47 = arith.constant 1.000000e+00 : f32
      %add3A_48 = arith.addf %add3A_47, %get3A_46 : f32
      %mul3A_49 = vector.broadcast %add3A_48 : f32 to vector<5000x128xf32>
      %mul3A_50 = arith.mulf %mul3A_49, %get3A_26 : vector<5000x128xf32>
      %add3A_51 = arith.addf %mul3A_50, %sub3A : vector<5000x128xf32>
      %get3A_52 = arith.constant 0 : index
      %get3A_53 = arith.constant 0 : index
      %get3A_54 = vector.load %arg6[%get3A_52, %get3A_53] : memref<128x128xf32, #tpu.memory_space<vmem>>, vector<128x128xf32>
      %dot_general3A = arith.constant dense<0.000000e+00> : vector<5000x128xf32>
      %dot_general3A_55 = tpu.matmul %add3A_51, %get3A_54, %dot_general3A {dimension_numbers = #tpu.dot_dimension_numbers<[1], [0], [0], [1], [0, 0, 1, 1], [], []>, transpose_lhs_hint = false} : vector<5000x128xf32>, vector<128x128xf32>, vector<5000x128xf32> -> vector<5000x128xf32>
      %get3A_56 = arith.constant 0 : index
      %get3A_57 = arith.constant 0 : index
      %get3A_58 = vector.load %arg7[%get3A_56, %get3A_57] : memref<1x128xf32, #tpu.memory_space<vmem>>, vector<1x128xf32>
      %add3A_59 = vector.broadcast %get3A_58 : vector<1x128xf32> to vector<5000x128xf32>
      %add3A_60 = arith.addf %dot_general3A_55, %add3A_59 : vector<5000x128xf32>
      %swap3A = arith.index_cast %mul3A_0 : i32 to index
      %swap3A_61 = arith.constant 0 : index
      %swap3A_62 = vector.load %arg17[%swap3A, %swap3A_61] : memref<10000x128xf32, #tpu.memory_space<vmem>>, vector<5000x128xf32>
      tpu.vector_store %arg17[%swap3A, %swap3A_61], %add3A_60 {strides = array<i32>} : memref<10000x128xf32, #tpu.memory_space<vmem>>, vector<5000x128xf32>,
      %get3A_63 = arith.constant 0 : index
      %get3A_64 = arith.constant 0 : index
      %get3A_65 = vector.load %arg20[%get3A_63, %get3A_64] : memref<8x128xf32, #tpu.memory_space<vmem>>, vector<1x128xf32>
      %reduce_sum3A = arith.constant dense<0.000000e+00> : vector<128xf32>
      %reduce_sum3A_66 = vector.multi_reduction <add>, %add3A_60, %reduce_sum3A [0] : vector<5000x128xf32> to vector<128xf32>
      %broadcast_in_dim3A_67 = vector.shape_cast %reduce_sum3A_66 : vector<128xf32> to vector<1x128xf32>
      %add3A_68 = arith.addf %get3A_65, %broadcast_in_dim3A_67 : vector<1x128xf32>
      %swap3A_69 = arith.constant 0 : index
      %swap3A_70 = arith.constant 0 : index
      %swap3A_71 = vector.load %arg20[%swap3A_69, %swap3A_70] : memref<8x128xf32, #tpu.memory_space<vmem>>, vector<1x128xf32>
      tpu.vector_store %arg20[%swap3A_69, %swap3A_70], %add3A_68 {strides = array<i32>} : memref<8x128xf32, #tpu.memory_space<vmem>>, vector<1x128xf32>,
      %get3A_72 = arith.constant 1 : index
      %get3A_73 = arith.constant 0 : index
      %get3A_74 = vector.load %arg20[%get3A_72, %get3A_73] : memref<8x128xf32, #tpu.memory_space<vmem>>, vector<1x128xf32>
      %mul3A_75 = arith.mulf %add3A_60, %add3A_60 : vector<5000x128xf32>
      %reduce_sum3A_76 = arith.constant dense<0.000000e+00> : vector<128xf32>
      %reduce_sum3A_77 = vector.multi_reduction <add>, %mul3A_75, %reduce_sum3A_76 [0] : vector<5000x128xf32> to vector<128xf32>
      %broadcast_in_dim3A_78 = vector.shape_cast %reduce_sum3A_77 : vector<128xf32> to vector<1x128xf32>
      %add3A_79 = arith.addf %get3A_74, %broadcast_in_dim3A_78 : vector<1x128xf32>
      %swap3A_80 = arith.constant 1 : index
      %swap3A_81 = arith.constant 0 : index
      %swap3A_82 = vector.load %arg20[%swap3A_80, %swap3A_81] : memref<8x128xf32, #tpu.memory_space<vmem>>, vector<1x128xf32>
      tpu.vector_store %arg20[%swap3A_80, %swap3A_81], %add3A_79 {strides = array<i32>} : memref<8x128xf32, #tpu.memory_space<vmem>>, vector<1x128xf32>,
    } else {
    }
    %eq3A_10 = arith.constant 1 : i32
    %eq3A_11 = arith.cmpi eq, %arg0, %eq3A_10 : i32
    %convert_element_type3A_12 = arith.extui %eq3A_11 : i1 to i32
    %cond3A_13 = arith.constant 0 : i32
    %cond3A_14 = arith.cmpi ne, %convert_element_type3A_12, %cond3A_13 : i32
    scf.if %cond3A_14 {
      %get3A = arith.index_cast %mul3A_0 : i32 to index
      %get3A_25 = arith.constant 0 : index
      %get3A_26 = vector.load %arg17[%get3A, %get3A_25] : memref<10000x128xf32, #tpu.memory_space<vmem>>, vector<5000x128xf32>
      %get3A_27 = arith.constant 0 : index
      %get3A_28 = arith.constant 0 : index
      %get3A_29 = vector.load %arg8[%get3A_27, %get3A_28] : memref<1x128xf32, #tpu.memory_space<vmem>>, vector<1x128xf32>
      %get3A_30 = arith.constant 0 : index
      %get3A_31 = arith.constant 0 : index
      %get3A_32 = vector.load %arg9[%get3A_30, %get3A_31] : memref<1x128xf32, #tpu.memory_space<vmem>>, vector<1x128xf32>
      %get3A_33 = arith.constant 0 : index
      %get3A_34 = arith.constant 0 : index
      %get3A_35 = vector.load %arg20[%get3A_33, %get3A_34] : memref<8x128xf32, #tpu.memory_space<vmem>>, vector<1x128xf32>
      %mul3A_36 = arith.constant 9.99999974E-5 : f32
      %mul3A_37 = vector.broadcast %mul3A_36 : f32 to vector<1x128xf32>
      %mul3A_38 = arith.mulf %get3A_35, %mul3A_37 : vector<1x128xf32>
      %get3A_39 = arith.constant 1 : index
      %get3A_40 = arith.constant 0 : index
      %get3A_41 = vector.load %arg20[%get3A_39, %get3A_40] : memref<8x128xf32, #tpu.memory_space<vmem>>, vector<1x128xf32>
      %mul3A_42 = arith.constant 9.99999974E-5 : f32
      %mul3A_43 = vector.broadcast %mul3A_42 : f32 to vector<1x128xf32>
      %mul3A_44 = arith.mulf %get3A_41, %mul3A_43 : vector<1x128xf32>
      %mul3A_45 = arith.mulf %mul3A_38, %mul3A_38 : vector<1x128xf32>
      %sub3A = arith.subf %mul3A_44, %mul3A_45 : vector<1x128xf32>
      %sub3A_46 = vector.broadcast %mul3A_38 : vector<1x128xf32> to vector<5000x128xf32>
      %sub3A_47 = arith.subf %get3A_26, %sub3A_46 : vector<5000x128xf32>
      %mul3A_48 = vector.broadcast %get3A_29 : vector<1x128xf32> to vector<5000x128xf32>
      %mul3A_49 = arith.mulf %mul3A_48, %sub3A_47 : vector<5000x128xf32>
      %add3A = arith.constant 9.99999974E-6 : f32
      %add3A_50 = vector.broadcast %add3A : f32 to vector<1x128xf32>
      %add3A_51 = arith.addf %sub3A, %add3A_50 : vector<1x128xf32>
      %sqrt3A = math.sqrt %add3A_51 : vector<1x128xf32>
      %div3A = vector.broadcast %sqrt3A : vector<1x128xf32> to vector<5000x128xf32>
      %div3A_52 = arith.divf %mul3A_49, %div3A : vector<5000x128xf32>
      %add3A_53 = vector.broadcast %get3A_32 : vector<1x128xf32> to vector<5000x128xf32>
      %add3A_54 = arith.addf %div3A_52, %add3A_53 : vector<5000x128xf32>
      %max3A = arith.constant 0.000000e+00 : f32
      %max3A_55 = vector.broadcast %max3A : f32 to vector<5000x128xf32>
      %max3A_56 = arith.maximumf %add3A_54, %max3A_55 : vector<5000x128xf32>
      %get3A_57 = arith.constant 0 : index
      %get3A_58 = arith.constant 0 : index
      %get3A_59 = vector.load %arg10[%get3A_57, %get3A_58] : memref<128x128xf32, #tpu.memory_space<vmem>>, vector<128x128xf32>
      %dot_general3A = arith.constant dense<0.000000e+00> : vector<5000x128xf32>
      %dot_general3A_60 = tpu.matmul %max3A_56, %get3A_59, %dot_general3A {dimension_numbers = #tpu.dot_dimension_numbers<[1], [0], [0], [1], [0, 0, 1, 1], [], []>, transpose_lhs_hint = false} : vector<5000x128xf32>, vector<128x128xf32>, vector<5000x128xf32> -> vector<5000x128xf32>
      %get3A_61 = arith.constant 0 : index
      %get3A_62 = arith.constant 0 : index
      %get3A_63 = vector.load %arg11[%get3A_61, %get3A_62] : memref<1x128xf32, #tpu.memory_space<vmem>>, vector<1x128xf32>
      %add3A_64 = vector.broadcast %get3A_63 : vector<1x128xf32> to vector<5000x128xf32>
      %add3A_65 = arith.addf %dot_general3A_60, %add3A_64 : vector<5000x128xf32>
      %swap3A = arith.index_cast %mul3A_0 : i32 to index
      %swap3A_66 = arith.constant 0 : index
      %swap3A_67 = vector.load %arg18[%swap3A, %swap3A_66] : memref<10000x128xf32, #tpu.memory_space<vmem>>, vector<5000x128xf32>
      tpu.vector_store %arg18[%swap3A, %swap3A_66], %add3A_65 {strides = array<i32>} : memref<10000x128xf32, #tpu.memory_space<vmem>>, vector<5000x128xf32>,
      %get3A_68 = arith.constant 2 : index
      %get3A_69 = arith.constant 0 : index
      %get3A_70 = vector.load %arg20[%get3A_68, %get3A_69] : memref<8x128xf32, #tpu.memory_space<vmem>>, vector<1x128xf32>
      %reduce_sum3A = arith.constant dense<0.000000e+00> : vector<128xf32>
      %reduce_sum3A_71 = vector.multi_reduction <add>, %add3A_65, %reduce_sum3A [0] : vector<5000x128xf32> to vector<128xf32>
      %broadcast_in_dim3A = vector.shape_cast %reduce_sum3A_71 : vector<128xf32> to vector<1x128xf32>
      %add3A_72 = arith.addf %get3A_70, %broadcast_in_dim3A : vector<1x128xf32>
      %swap3A_73 = arith.constant 2 : index
      %swap3A_74 = arith.constant 0 : index
      %swap3A_75 = vector.load %arg20[%swap3A_73, %swap3A_74] : memref<8x128xf32, #tpu.memory_space<vmem>>, vector<1x128xf32>
      tpu.vector_store %arg20[%swap3A_73, %swap3A_74], %add3A_72 {strides = array<i32>} : memref<8x128xf32, #tpu.memory_space<vmem>>, vector<1x128xf32>,
      %get3A_76 = arith.constant 3 : index
      %get3A_77 = arith.constant 0 : index
      %get3A_78 = vector.load %arg20[%get3A_76, %get3A_77] : memref<8x128xf32, #tpu.memory_space<vmem>>, vector<1x128xf32>
      %mul3A_79 = arith.mulf %add3A_65, %add3A_65 : vector<5000x128xf32>
      %reduce_sum3A_80 = arith.constant dense<0.000000e+00> : vector<128xf32>
      %reduce_sum3A_81 = vector.multi_reduction <add>, %mul3A_79, %reduce_sum3A_80 [0] : vector<5000x128xf32> to vector<128xf32>
      %broadcast_in_dim3A_82 = vector.shape_cast %reduce_sum3A_81 : vector<128xf32> to vector<1x128xf32>
      %add3A_83 = arith.addf %get3A_78, %broadcast_in_dim3A_82 : vector<1x128xf32>
      %swap3A_84 = arith.constant 3 : index
      %swap3A_85 = arith.constant 0 : index
      %swap3A_86 = vector.load %arg20[%swap3A_84, %swap3A_85] : memref<8x128xf32, #tpu.memory_space<vmem>>, vector<1x128xf32>
      tpu.vector_store %arg20[%swap3A_84, %swap3A_85], %add3A_83 {strides = array<i32>} : memref<8x128xf32, #tpu.memory_space<vmem>>, vector<1x128xf32>,
    } else {
    }
    %eq3A_15 = arith.constant 2 : i32
    %eq3A_16 = arith.cmpi eq, %arg0, %eq3A_15 : i32
    %convert_element_type3A_17 = arith.extui %eq3A_16 : i1 to i32
    %cond3A_18 = arith.constant 0 : i32
    %cond3A_19 = arith.cmpi ne, %convert_element_type3A_17, %cond3A_18 : i32
    scf.if %cond3A_19 {
      %get3A = arith.index_cast %mul3A_0 : i32 to index
      %get3A_25 = arith.constant 0 : index
      %get3A_26 = vector.load %arg18[%get3A, %get3A_25] : memref<10000x128xf32, #tpu.memory_space<vmem>>, vector<5000x128xf32>
      %get3A_27 = arith.constant 0 : index
      %get3A_28 = arith.constant 0 : index
      %get3A_29 = vector.load %arg12[%get3A_27, %get3A_28] : memref<1x128xf32, #tpu.memory_space<vmem>>, vector<1x128xf32>
      %get3A_30 = arith.constant 0 : index
      %get3A_31 = arith.constant 0 : index
      %get3A_32 = vector.load %arg13[%get3A_30, %get3A_31] : memref<1x128xf32, #tpu.memory_space<vmem>>, vector<1x128xf32>
      %get3A_33 = arith.constant 2 : index
      %get3A_34 = arith.constant 0 : index
      %get3A_35 = vector.load %arg20[%get3A_33, %get3A_34] : memref<8x128xf32, #tpu.memory_space<vmem>>, vector<1x128xf32>
      %mul3A_36 = arith.constant 9.99999974E-5 : f32
      %mul3A_37 = vector.broadcast %mul3A_36 : f32 to vector<1x128xf32>
      %mul3A_38 = arith.mulf %get3A_35, %mul3A_37 : vector<1x128xf32>
      %get3A_39 = arith.constant 3 : index
      %get3A_40 = arith.constant 0 : index
      %get3A_41 = vector.load %arg20[%get3A_39, %get3A_40] : memref<8x128xf32, #tpu.memory_space<vmem>>, vector<1x128xf32>
      %mul3A_42 = arith.constant 9.99999974E-5 : f32
      %mul3A_43 = vector.broadcast %mul3A_42 : f32 to vector<1x128xf32>
      %mul3A_44 = arith.mulf %get3A_41, %mul3A_43 : vector<1x128xf32>
      %mul3A_45 = arith.mulf %mul3A_38, %mul3A_38 : vector<1x128xf32>
      %sub3A = arith.subf %mul3A_44, %mul3A_45 : vector<1x128xf32>
      %sub3A_46 = vector.broadcast %mul3A_38 : vector<1x128xf32> to vector<5000x128xf32>
      %sub3A_47 = arith.subf %get3A_26, %sub3A_46 : vector<5000x128xf32>
      %mul3A_48 = vector.broadcast %get3A_29 : vector<1x128xf32> to vector<5000x128xf32>
      %mul3A_49 = arith.mulf %mul3A_48, %sub3A_47 : vector<5000x128xf32>
      %add3A = arith.constant 9.99999974E-6 : f32
      %add3A_50 = vector.broadcast %add3A : f32 to vector<1x128xf32>
      %add3A_51 = arith.addf %sub3A, %add3A_50 : vector<1x128xf32>
      %sqrt3A = math.sqrt %add3A_51 : vector<1x128xf32>
      %div3A = vector.broadcast %sqrt3A : vector<1x128xf32> to vector<5000x128xf32>
      %div3A_52 = arith.divf %mul3A_49, %div3A : vector<5000x128xf32>
      %add3A_53 = vector.broadcast %get3A_32 : vector<1x128xf32> to vector<5000x128xf32>
      %add3A_54 = arith.addf %div3A_52, %add3A_53 : vector<5000x128xf32>
      %max3A = arith.constant 0.000000e+00 : f32
      %max3A_55 = vector.broadcast %max3A : f32 to vector<5000x128xf32>
      %max3A_56 = arith.maximumf %add3A_54, %max3A_55 : vector<5000x128xf32>
      %swap3A = arith.index_cast %mul3A_0 : i32 to index
      %swap3A_57 = arith.constant 0 : index
      %swap3A_58 = vector.load %arg19[%swap3A, %swap3A_57] : memref<10000x128xf32, #tpu.memory_space<vmem>>, vector<5000x128xf32>
      tpu.vector_store %arg19[%swap3A, %swap3A_57], %max3A_56 {strides = array<i32>} : memref<10000x128xf32, #tpu.memory_space<vmem>>, vector<5000x128xf32>,
      %get3A_59 = arith.constant 4 : index
      %get3A_60 = arith.constant 0 : index
      %get3A_61 = vector.load %arg20[%get3A_59, %get3A_60] : memref<8x128xf32, #tpu.memory_space<vmem>>, vector<1x128xf32>
      %reduce_sum3A = arith.constant dense<0.000000e+00> : vector<128xf32>
      %reduce_sum3A_62 = vector.multi_reduction <add>, %max3A_56, %reduce_sum3A [0] : vector<5000x128xf32> to vector<128xf32>
      %broadcast_in_dim3A = vector.shape_cast %reduce_sum3A_62 : vector<128xf32> to vector<1x128xf32>
      %add3A_63 = arith.addf %get3A_61, %broadcast_in_dim3A : vector<1x128xf32>
      %swap3A_64 = arith.constant 4 : index
      %swap3A_65 = arith.constant 0 : index
      %swap3A_66 = vector.load %arg20[%swap3A_64, %swap3A_65] : memref<8x128xf32, #tpu.memory_space<vmem>>, vector<1x128xf32>
      tpu.vector_store %arg20[%swap3A_64, %swap3A_65], %add3A_63 {strides = array<i32>} : memref<8x128xf32, #tpu.memory_space<vmem>>, vector<1x128xf32>,
      %get3A_67 = arith.constant 5 : index
      %get3A_68 = arith.constant 0 : index
      %get3A_69 = vector.load %arg20[%get3A_67, %get3A_68] : memref<8x128xf32, #tpu.memory_space<vmem>>, vector<1x128xf32>
      %mul3A_70 = arith.mulf %max3A_56, %max3A_56 : vector<5000x128xf32>
      %reduce_sum3A_71 = arith.constant dense<0.000000e+00> : vector<128xf32>
      %reduce_sum3A_72 = vector.multi_reduction <add>, %mul3A_70, %reduce_sum3A_71 [0] : vector<5000x128xf32> to vector<128xf32>
      %broadcast_in_dim3A_73 = vector.shape_cast %reduce_sum3A_72 : vector<128xf32> to vector<1x128xf32>
      %add3A_74 = arith.addf %get3A_69, %broadcast_in_dim3A_73 : vector<1x128xf32>
      %swap3A_75 = arith.constant 5 : index
      %swap3A_76 = arith.constant 0 : index
      %swap3A_77 = vector.load %arg20[%swap3A_75, %swap3A_76] : memref<8x128xf32, #tpu.memory_space<vmem>>, vector<1x128xf32>
      tpu.vector_store %arg20[%swap3A_75, %swap3A_76], %add3A_74 {strides = array<i32>} : memref<8x128xf32, #tpu.memory_space<vmem>>, vector<1x128xf32>,
    } else {
    }
    %eq3A_20 = arith.constant 3 : i32
    %eq3A_21 = arith.cmpi eq, %arg0, %eq3A_20 : i32
    %convert_element_type3A_22 = arith.extui %eq3A_21 : i1 to i32
    %cond3A_23 = arith.constant 0 : i32
    %cond3A_24 = arith.cmpi ne, %convert_element_type3A_22, %cond3A_23 : i32
    scf.if %cond3A_24 {
      %get3A = arith.index_cast %mul3A_0 : i32 to index
      %get3A_25 = arith.constant 0 : index
      %get3A_26 = vector.load %arg19[%get3A, %get3A_25] : memref<10000x128xf32, #tpu.memory_space<vmem>>, vector<5000x128xf32>
      %get3A_27 = arith.constant 0 : index
      %get3A_28 = arith.constant 0 : index
      %get3A_29 = vector.load %arg14[%get3A_27, %get3A_28] : memref<1x128xf32, #tpu.memory_space<vmem>>, vector<1x128xf32>
      %get3A_30 = arith.constant 0 : index
      %get3A_31 = arith.constant 0 : index
      %get3A_32 = vector.load %arg15[%get3A_30, %get3A_31] : memref<1x128xf32, #tpu.memory_space<vmem>>, vector<1x128xf32>
      %get3A_33 = arith.constant 4 : index
      %get3A_34 = arith.constant 0 : index
      %get3A_35 = vector.load %arg20[%get3A_33, %get3A_34] : memref<8x128xf32, #tpu.memory_space<vmem>>, vector<1x128xf32>
      %mul3A_36 = arith.constant 9.99999974E-5 : f32
      %mul3A_37 = vector.broadcast %mul3A_36 : f32 to vector<1x128xf32>
      %mul3A_38 = arith.mulf %get3A_35, %mul3A_37 : vector<1x128xf32>
      %get3A_39 = arith.constant 5 : index
      %get3A_40 = arith.constant 0 : index
      %get3A_41 = vector.load %arg20[%get3A_39, %get3A_40] : memref<8x128xf32, #tpu.memory_space<vmem>>, vector<1x128xf32>
      %mul3A_42 = arith.constant 9.99999974E-5 : f32
      %mul3A_43 = vector.broadcast %mul3A_42 : f32 to vector<1x128xf32>
      %mul3A_44 = arith.mulf %get3A_41, %mul3A_43 : vector<1x128xf32>
      %mul3A_45 = arith.mulf %mul3A_38, %mul3A_38 : vector<1x128xf32>
      %sub3A = arith.subf %mul3A_44, %mul3A_45 : vector<1x128xf32>
      %sub3A_46 = vector.broadcast %mul3A_38 : vector<1x128xf32> to vector<5000x128xf32>
      %sub3A_47 = arith.subf %get3A_26, %sub3A_46 : vector<5000x128xf32>
      %mul3A_48 = vector.broadcast %get3A_29 : vector<1x128xf32> to vector<5000x128xf32>
      %mul3A_49 = arith.mulf %mul3A_48, %sub3A_47 : vector<5000x128xf32>
      %add3A = arith.constant 9.99999974E-6 : f32
      %add3A_50 = vector.broadcast %add3A : f32 to vector<1x128xf32>
      %add3A_51 = arith.addf %sub3A, %add3A_50 : vector<1x128xf32>
      %sqrt3A = math.sqrt %add3A_51 : vector<1x128xf32>
      %div3A = vector.broadcast %sqrt3A : vector<1x128xf32> to vector<5000x128xf32>
      %div3A_52 = arith.divf %mul3A_49, %div3A : vector<5000x128xf32>
      %add3A_53 = vector.broadcast %get3A_32 : vector<1x128xf32> to vector<5000x128xf32>
      %add3A_54 = arith.addf %div3A_52, %add3A_53 : vector<5000x128xf32>
      %max3A = arith.constant 0.000000e+00 : f32
      %max3A_55 = vector.broadcast %max3A : f32 to vector<5000x128xf32>
      %max3A_56 = arith.maximumf %add3A_54, %max3A_55 : vector<5000x128xf32>
      %swap3A = arith.constant 0 : index
      %swap3A_57 = arith.constant 0 : index
      %swap3A_58 = vector.load %arg16[%swap3A, %swap3A_57] : memref<5000x128xf32, #tpu.memory_space<vmem>>, vector<5000x128xf32>
      tpu.vector_store %arg16[%swap3A, %swap3A_57], %max3A_56 {strides = array<i32>} : memref<5000x128xf32, #tpu.memory_space<vmem>>, vector<5000x128xf32>,
    } else {
    }
    return
  }
  func.func @transform_0(%arg0: i32, %arg1: i32) -> (i32, i32) {
    %eq3A = arith.constant 0 : i32
    %eq3A_0 = arith.cmpi eq, %arg0, %eq3A : i32
    %jit3A = arith.constant 0 : i32
    %select_n3A = arith.select %eq3A_0, %arg1, %jit3A : i32
    %add3A = arith.constant 0 : i32
    %add3A_1 = arith.addi %select_n3A, %add3A : i32
    %c0_i32 = arith.constant 0 : i32
    %c0_i32_2 = arith.constant 0 : i32
    return %add3A_1, %c0_i32 : i32, i32
  }
  func.func @transform_1(%arg0: i32, %arg1: i32) -> (i32, i32) {
    %eq3A = arith.constant 0 : i32
    %eq3A_0 = arith.cmpi eq, %arg0, %eq3A : i32
    %jit3A = arith.constant 0 : i32
    %select_n3A = arith.select %eq3A_0, %arg1, %jit3A : i32
    %add3A = arith.constant 0 : i32
    %add3A_1 = arith.addi %select_n3A, %add3A : i32
    %c0_i32 = arith.constant 0 : i32
    %c0_i32_2 = arith.constant 0 : i32
    return %add3A_1, %c0_i32 : i32, i32
  }
  func.func @transform_2(%arg0: i32, %arg1: i32) -> (i32, i32) {
    %eq3A = arith.constant 0 : i32
    %eq3A_0 = arith.cmpi eq, %arg0, %eq3A : i32
    %jit3A = arith.constant 0 : i32
    %select_n3A = arith.select %eq3A_0, %arg1, %jit3A : i32
    %add3A = arith.constant 2 : i32
    %add3A_1 = arith.addi %select_n3A, %add3A : i32
    %c0_i32 = arith.constant 0 : i32
    %c0_i32_2 = arith.constant 0 : i32
    return %add3A_1, %c0_i32 : i32, i32
  }
  func.func @transform_3(%arg0: i32, %arg1: i32) -> (i32, i32) {
    %c0_i32 = arith.constant 0 : i32
    %c0_i32_0 = arith.constant 0 : i32
    %c0_i32_1 = arith.constant 0 : i32
    return %c0_i32, %c0_i32_0 : i32, i32
  }
  func.func @transform_4(%arg0: i32, %arg1: i32) -> (i32, i32) {
    %c0_i32 = arith.constant 0 : i32
    %c0_i32_0 = arith.constant 0 : i32
    %c0_i32_1 = arith.constant 0 : i32
    return %c0_i32, %c0_i32_0 : i32, i32
  }
  func.func @transform_5(%arg0: i32, %arg1: i32) -> (i32, i32) {
    %c0_i32 = arith.constant 0 : i32
    %c0_i32_0 = arith.constant 0 : i32
    %c0_i32_1 = arith.constant 0 : i32
    return %c0_i32, %c0_i32_0 : i32, i32
  }
  func.func @transform_6(%arg0: i32, %arg1: i32) -> (i32, i32) {
    %c0_i32 = arith.constant 0 : i32
    %c0_i32_0 = arith.constant 0 : i32
    %c0_i32_1 = arith.constant 0 : i32
    return %c0_i32, %c0_i32_0 : i32, i32
  }
  func.func @transform_7(%arg0: i32, %arg1: i32) -> (i32, i32) {
    %c0_i32 = arith.constant 0 : i32
    %c0_i32_0 = arith.constant 0 : i32
    %c0_i32_1 = arith.constant 0 : i32
    return %c0_i32, %c0_i32_0 : i32, i32
  }
  func.func @transform_8(%arg0: i32, %arg1: i32) -> (i32, i32) {
    %c0_i32 = arith.constant 0 : i32
    %c0_i32_0 = arith.constant 0 : i32
    %c0_i32_1 = arith.constant 0 : i32
    return %c0_i32, %c0_i32_0 : i32, i32
  }
  func.func @transform_9(%arg0: i32, %arg1: i32) -> (i32, i32) {
    %c0_i32 = arith.constant 0 : i32
    %c0_i32_0 = arith.constant 0 : i32
    %c0_i32_1 = arith.constant 0 : i32
    return %c0_i32, %c0_i32_0 : i32, i32
  }
  func.func @transform_10(%arg0: i32, %arg1: i32) -> (i32, i32) {
    %c0_i32 = arith.constant 0 : i32
    %c0_i32_0 = arith.constant 0 : i32
    %c0_i32_1 = arith.constant 0 : i32
    return %c0_i32, %c0_i32_0 : i32, i32
  }
  func.func @transform_11(%arg0: i32, %arg1: i32) -> (i32, i32) {
    %c0_i32 = arith.constant 0 : i32
    %c0_i32_0 = arith.constant 0 : i32
    %c0_i32_1 = arith.constant 0 : i32
    return %c0_i32, %c0_i32_0 : i32, i32
  }
  func.func @transform_12(%arg0: i32, %arg1: i32) -> (i32, i32) {
    %c0_i32 = arith.constant 0 : i32
    %c0_i32_0 = arith.constant 0 : i32
    %c0_i32_1 = arith.constant 0 : i32
    return %c0_i32, %c0_i32_0 : i32, i32
  }
  func.func @transform_13(%arg0: i32, %arg1: i32) -> (i32, i32) {
    %c0_i32 = arith.constant 0 : i32
    %c0_i32_0 = arith.constant 0 : i32
    %c0_i32_1 = arith.constant 0 : i32
    return %c0_i32, %c0_i32_0 : i32, i32
  }
  func.func @transform_14(%arg0: i32, %arg1: i32) -> (i32, i32) {
    %eq3A = arith.constant 3 : i32
    %eq3A_0 = arith.cmpi eq, %arg0, %eq3A : i32
    %jit3A = arith.constant 0 : i32
    %select_n3A = arith.select %eq3A_0, %arg1, %jit3A : i32
    %c0_i32 = arith.constant 0 : i32
    %c0_i32_1 = arith.constant 0 : i32
    return %select_n3A, %c0_i32 : i32, i32
  }
}

module attributes {stable_mosaic.version = 14 : i64} {
  func.func @_fused_body(%arg0: i32, %arg1: i32, %arg2: memref<5000x128xf32, #tpu.memory_space<vmem>>, %arg3: memref<5000x128xf32, #tpu.memory_space<vmem>>, %arg4: memref<5000x128xf32, #tpu.memory_space<vmem>>, %arg5: memref<1x1xf32, #tpu.memory_space<vmem>>, %arg6: memref<128x128xf32, #tpu.memory_space<vmem>>, %arg7: memref<1x128xf32, #tpu.memory_space<vmem>>, %arg8: memref<1x128xf32, #tpu.memory_space<vmem>>, %arg9: memref<1x128xf32, #tpu.memory_space<vmem>>, %arg10: memref<128x128xf32, #tpu.memory_space<vmem>>, %arg11: memref<1x128xf32, #tpu.memory_space<vmem>>, %arg12: memref<1x128xf32, #tpu.memory_space<vmem>>, %arg13: memref<1x128xf32, #tpu.memory_space<vmem>>, %arg14: memref<1x128xf32, #tpu.memory_space<vmem>>, %arg15: memref<1x128xf32, #tpu.memory_space<vmem>>, %arg16: memref<5000x128xf32, #tpu.memory_space<vmem>>, %arg17: memref<128x128xf32, #tpu.memory_space<vmem>>, %arg18: memref<128x128xf32, #tpu.memory_space<vmem>>, %arg19: memref<128x128xf32, #tpu.memory_space<vmem>>, %arg20: memref<1x128xf32, #tpu.memory_space<vmem>>, %arg21: memref<1x1x5000xi32, #tpu.memory_space<vmem>>, %arg22: memref<5000x128xf32, #tpu.memory_space<vmem>>, %arg23: memref<64x128xf32, #tpu.memory_space<vmem>>, %arg24: memref<10000x128xf32, #tpu.memory_space<vmem>>, %arg25: memref<10000x128xf32, #tpu.memory_space<vmem>>, %arg26: memref<10000x128xf32, #tpu.memory_space<vmem>>, %arg27: memref<8x128xf32, #tpu.memory_space<vmem>>, %arg28: memref<64x128xf32, #tpu.memory_space<vmem>>, %arg29: memref<64x1xf32, #tpu.memory_space<vmem>>) attributes {dimension_semantics = [#tpu.dimension_semantics<arbitrary>, #tpu.dimension_semantics<arbitrary>], iteration_bounds = array<i64: 5, 2>, scalar_prefetch = 0 : i64, scratch_operands = 6 : i64, tpu.core_type = #tpu.core_type<tc>, window_params = [{transform_indices = @transform_0, window_bounds = array<i64: 5000, 128>}, {transform_indices = @transform_1, window_bounds = array<i64: 5000, 128>}, {transform_indices = @transform_2, window_bounds = array<i64: 5000, 128>}, {pipeline_mode = #tpu.pipeline_mode<synchronous>, transform_indices = @transform_3, window_bounds = array<i64: 1, 1>}, {pipeline_mode = #tpu.pipeline_mode<synchronous>, transform_indices = @transform_4, window_bounds = array<i64: 128, 128>}, {pipeline_mode = #tpu.pipeline_mode<synchronous>, transform_indices = @transform_5, window_bounds = array<i64: 1, 128>}, {pipeline_mode = #tpu.pipeline_mode<synchronous>, transform_indices = @transform_6, window_bounds = array<i64: 1, 128>}, {pipeline_mode = #tpu.pipeline_mode<synchronous>, transform_indices = @transform_7, window_bounds = array<i64: 1, 128>}, {pipeline_mode = #tpu.pipeline_mode<synchronous>, transform_indices = @transform_8, window_bounds = array<i64: 128, 128>}, {pipeline_mode = #tpu.pipeline_mode<synchronous>, transform_indices = @transform_9, window_bounds = array<i64: 1, 128>}, {pipeline_mode = #tpu.pipeline_mode<synchronous>, transform_indices = @transform_10, window_bounds = array<i64: 1, 128>}, {pipeline_mode = #tpu.pipeline_mode<synchronous>, transform_indices = @transform_11, window_bounds = array<i64: 1, 128>}, {pipeline_mode = #tpu.pipeline_mode<synchronous>, transform_indices = @transform_12, window_bounds = array<i64: 1, 128>}, {pipeline_mode = #tpu.pipeline_mode<synchronous>, transform_indices = @transform_13, window_bounds = array<i64: 1, 128>}, {transform_indices = @transform_14, window_bounds = array<i64: 5000, 128>}, {pipeline_mode = #tpu.pipeline_mode<synchronous>, transform_indices = @transform_15, window_bounds = array<i64: 128, 128>}, {pipeline_mode = #tpu.pipeline_mode<synchronous>, transform_indices = @transform_16, window_bounds = array<i64: 128, 128>}, {pipeline_mode = #tpu.pipeline_mode<synchronous>, transform_indices = @transform_17, window_bounds = array<i64: 128, 128>}, {pipeline_mode = #tpu.pipeline_mode<synchronous>, transform_indices = @transform_18, window_bounds = array<i64: 1, 128>}, {transform_indices = @transform_19, window_bounds = array<i64: 1, 1, 5000>}, {transform_indices = @transform_20, window_bounds = array<i64: 5000, 128>}, {pipeline_mode = #tpu.pipeline_mode<synchronous>, transform_indices = @transform_21, window_bounds = array<i64: 64, 128>}]} {
    %mul3A = arith.constant 5000 : i32
    %mul3A_0 = arith.muli %arg1, %mul3A : i32
    %eq3A = arith.constant 0 : i32
    %eq3A_1 = arith.cmpi eq, %arg0, %eq3A : i32
    %eq3A_2 = arith.constant 0 : i32
    %eq3A_3 = arith.cmpi eq, %arg1, %eq3A_2 : i32
    %and3A = arith.andi %eq3A_1, %eq3A_3 : i1
    %convert_element_type3A = arith.extui %and3A : i1 to i32
    %cond3A = arith.constant 0 : i32
    %cond3A_4 = arith.cmpi ne, %convert_element_type3A, %cond3A : i32
    scf.if %cond3A_4 {
      %broadcast_in_dim3A = arith.constant 0.000000e+00 : f32
      %broadcast_in_dim3A_30 = vector.broadcast %broadcast_in_dim3A : f32 to vector<8x128xf32>
      %swap3A = arith.constant 0 : index
      %swap3A_31 = arith.constant 0 : index
      %swap3A_32 = vector.load %arg27[%swap3A, %swap3A_31] : memref<8x128xf32, #tpu.memory_space<vmem>>, vector<8x128xf32>
      tpu.vector_store %arg27[%swap3A, %swap3A_31], %broadcast_in_dim3A_30 {strides = array<i32>} : memref<8x128xf32, #tpu.memory_space<vmem>>, vector<8x128xf32>,
      %broadcast_in_dim3A_33 = arith.constant 0.000000e+00 : f32
      %broadcast_in_dim3A_34 = vector.broadcast %broadcast_in_dim3A_33 : f32 to vector<64x128xf32>
      %swap3A_35 = arith.constant 0 : index
      %swap3A_36 = arith.constant 0 : index
      %swap3A_37 = vector.load %arg28[%swap3A_35, %swap3A_36] : memref<64x128xf32, #tpu.memory_space<vmem>>, vector<64x128xf32>
      tpu.vector_store %arg28[%swap3A_35, %swap3A_36], %broadcast_in_dim3A_34 {strides = array<i32>} : memref<64x128xf32, #tpu.memory_space<vmem>>, vector<64x128xf32>,
      %broadcast_in_dim3A_38 = arith.constant 0.000000e+00 : f32
      %broadcast_in_dim3A_39 = vector.broadcast %broadcast_in_dim3A_38 : f32 to vector<64x1xf32>
      %swap3A_40 = arith.constant 0 : index
      %swap3A_41 = arith.constant 0 : index
      %swap3A_42 = vector.load %arg29[%swap3A_40, %swap3A_41] : memref<64x1xf32, #tpu.memory_space<vmem>>, vector<64x1xf32>
      tpu.vector_store %arg29[%swap3A_40, %swap3A_41], %broadcast_in_dim3A_39 {strides = array<i32>} : memref<64x1xf32, #tpu.memory_space<vmem>>, vector<64x1xf32>,
    } else {
    }
    %eq3A_5 = arith.constant 0 : i32
    %eq3A_6 = arith.cmpi eq, %arg0, %eq3A_5 : i32
    %convert_element_type3A_7 = arith.extui %eq3A_6 : i1 to i32
    %cond3A_8 = arith.constant 0 : i32
    %cond3A_9 = arith.cmpi ne, %convert_element_type3A_7, %cond3A_8 : i32
    scf.if %cond3A_9 {
      %get3A = arith.constant 0 : index
      %get3A_30 = arith.constant 0 : index
      %get3A_31 = vector.load %arg2[%get3A, %get3A_30] : memref<5000x128xf32, #tpu.memory_space<vmem>>, vector<5000x128xf32>
      %get3A_32 = arith.constant 0 : index
      %get3A_33 = arith.constant 0 : index
      %get3A_34 = vector.load %arg3[%get3A_32, %get3A_33] : memref<5000x128xf32, #tpu.memory_space<vmem>>, vector<5000x128xf32>
      %get3A_35 = arith.constant 0 : index
      %get3A_36 = arith.constant 0 : index
      %get3A_37 = vector.load %arg4[%get3A_35, %get3A_36] : memref<5000x128xf32, #tpu.memory_space<vmem>>, vector<5000x128xf32>
      %add3A = arith.addf %get3A_34, %get3A_37 : vector<5000x128xf32>
      %mul3A_38 = arith.constant 5000 : i32
      %mul3A_39 = arith.muli %arg1, %mul3A_38 : i32
      %iota3A = tpu.iota {dimensions = array<i32: 0>} : vector<5000x1xi32>
      %add3A_40 = vector.broadcast %mul3A_39 : i32 to vector<5000x1xi32>
      %add3A_41 = arith.addi %add3A_40, %iota3A : vector<5000x1xi32>
      %lt3A = arith.constant 7680 : i32
      %lt3A_42 = vector.broadcast %lt3A : i32 to vector<5000x1xi32>
      %lt3A_43 = arith.cmpi slt, %add3A_41, %lt3A_42 : vector<5000x1xi32>
      %max3A = arith.constant 0.000000e+00 : f32
      %max3A_44 = vector.broadcast %max3A : f32 to vector<5000x128xf32>
      %max3A_45 = arith.maximumf %get3A_31, %max3A_44 : vector<5000x128xf32>
      %jit3A = arith.constant 0.000000e+00 : f32
      %broadcast_in_dim3A = vector.shape_cast %lt3A_43 : vector<5000x1xi1> to vector<5000x1xi1>
      %broadcast_in_dim3A_46 = vector.broadcast %broadcast_in_dim3A : vector<5000x1xi1> to vector<5000x128xi1>
      %broadcast_in_dim3A_47 = vector.broadcast %jit3A : f32 to vector<5000x128xf32>
      %select_n3A = arith.select %broadcast_in_dim3A_46, %max3A_45, %broadcast_in_dim3A_47 : vector<5000x128xi1>, vector<5000x128xf32>
      %sub3A = arith.subf %add3A, %select_n3A : vector<5000x128xf32>
      %get3A_48 = arith.constant 0 : index
      %get3A_49 = arith.constant 0 : index
      %get3A_50 = vector.load %arg5[%get3A_48, %get3A_49] : memref<1x1xf32, #tpu.memory_space<vmem>>, vector<1x1xf32>
      %get3A_51 = vector.extract %get3A_50[0, 0] : f32 from vector<1x1xf32>
      %add3A_52 = arith.constant 1.000000e+00 : f32
      %add3A_53 = arith.addf %add3A_52, %get3A_51 : f32
      %mul3A_54 = vector.broadcast %add3A_53 : f32 to vector<5000x128xf32>
      %mul3A_55 = arith.mulf %mul3A_54, %get3A_31 : vector<5000x128xf32>
      %add3A_56 = arith.addf %mul3A_55, %sub3A : vector<5000x128xf32>
      %get3A_57 = arith.constant 0 : index
      %get3A_58 = arith.constant 0 : index
      %get3A_59 = vector.load %arg6[%get3A_57, %get3A_58] : memref<128x128xf32, #tpu.memory_space<vmem>>, vector<128x128xf32>
      %dot_general3A = arith.constant dense<0.000000e+00> : vector<5000x128xf32>
      %dot_general3A_60 = tpu.matmul %add3A_56, %get3A_59, %dot_general3A {dimension_numbers = #tpu.dot_dimension_numbers<[1], [0], [0], [1], [0, 0, 1, 1], [], []>, transpose_lhs_hint = false} : vector<5000x128xf32>, vector<128x128xf32>, vector<5000x128xf32> -> vector<5000x128xf32>
      %get3A_61 = arith.constant 0 : index
      %get3A_62 = arith.constant 0 : index
      %get3A_63 = vector.load %arg7[%get3A_61, %get3A_62] : memref<1x128xf32, #tpu.memory_space<vmem>>, vector<1x128xf32>
      %add3A_64 = vector.broadcast %get3A_63 : vector<1x128xf32> to vector<5000x128xf32>
      %add3A_65 = arith.addf %dot_general3A_60, %add3A_64 : vector<5000x128xf32>
      %swap3A = arith.index_cast %mul3A_0 : i32 to index
      %swap3A_66 = arith.constant 0 : index
      %swap3A_67 = vector.load %arg24[%swap3A, %swap3A_66] : memref<10000x128xf32, #tpu.memory_space<vmem>>, vector<5000x128xf32>
      tpu.vector_store %arg24[%swap3A, %swap3A_66], %add3A_65 {strides = array<i32>} : memref<10000x128xf32, #tpu.memory_space<vmem>>, vector<5000x128xf32>,
      %get3A_68 = arith.constant 0 : index
      %get3A_69 = arith.constant 0 : index
      %get3A_70 = vector.load %arg27[%get3A_68, %get3A_69] : memref<8x128xf32, #tpu.memory_space<vmem>>, vector<1x128xf32>
      %reduce_sum3A = arith.constant dense<0.000000e+00> : vector<128xf32>
      %reduce_sum3A_71 = vector.multi_reduction <add>, %add3A_65, %reduce_sum3A [0] : vector<5000x128xf32> to vector<128xf32>
      %broadcast_in_dim3A_72 = vector.shape_cast %reduce_sum3A_71 : vector<128xf32> to vector<1x128xf32>
      %add3A_73 = arith.addf %get3A_70, %broadcast_in_dim3A_72 : vector<1x128xf32>
      %swap3A_74 = arith.constant 0 : index
      %swap3A_75 = arith.constant 0 : index
      %swap3A_76 = vector.load %arg27[%swap3A_74, %swap3A_75] : memref<8x128xf32, #tpu.memory_space<vmem>>, vector<1x128xf32>
      tpu.vector_store %arg27[%swap3A_74, %swap3A_75], %add3A_73 {strides = array<i32>} : memref<8x128xf32, #tpu.memory_space<vmem>>, vector<1x128xf32>,
      %get3A_77 = arith.constant 1 : index
      %get3A_78 = arith.constant 0 : index
      %get3A_79 = vector.load %arg27[%get3A_77, %get3A_78] : memref<8x128xf32, #tpu.memory_space<vmem>>, vector<1x128xf32>
      %mul3A_80 = arith.mulf %add3A_65, %add3A_65 : vector<5000x128xf32>
      %reduce_sum3A_81 = arith.constant dense<0.000000e+00> : vector<128xf32>
      %reduce_sum3A_82 = vector.multi_reduction <add>, %mul3A_80, %reduce_sum3A_81 [0] : vector<5000x128xf32> to vector<128xf32>
      %broadcast_in_dim3A_83 = vector.shape_cast %reduce_sum3A_82 : vector<128xf32> to vector<1x128xf32>
      %add3A_84 = arith.addf %get3A_79, %broadcast_in_dim3A_83 : vector<1x128xf32>
      %swap3A_85 = arith.constant 1 : index
      %swap3A_86 = arith.constant 0 : index
      %swap3A_87 = vector.load %arg27[%swap3A_85, %swap3A_86] : memref<8x128xf32, #tpu.memory_space<vmem>>, vector<1x128xf32>
      tpu.vector_store %arg27[%swap3A_85, %swap3A_86], %add3A_84 {strides = array<i32>} : memref<8x128xf32, #tpu.memory_space<vmem>>, vector<1x128xf32>,
    } else {
    }
    %eq3A_10 = arith.constant 1 : i32
    %eq3A_11 = arith.cmpi eq, %arg0, %eq3A_10 : i32
    %convert_element_type3A_12 = arith.extui %eq3A_11 : i1 to i32
    %cond3A_13 = arith.constant 0 : i32
    %cond3A_14 = arith.cmpi ne, %convert_element_type3A_12, %cond3A_13 : i32
    scf.if %cond3A_14 {
      %get3A = arith.index_cast %mul3A_0 : i32 to index
      %get3A_30 = arith.constant 0 : index
      %get3A_31 = vector.load %arg24[%get3A, %get3A_30] : memref<10000x128xf32, #tpu.memory_space<vmem>>, vector<5000x128xf32>
      %get3A_32 = arith.constant 0 : index
      %get3A_33 = arith.constant 0 : index
      %get3A_34 = vector.load %arg8[%get3A_32, %get3A_33] : memref<1x128xf32, #tpu.memory_space<vmem>>, vector<1x128xf32>
      %get3A_35 = arith.constant 0 : index
      %get3A_36 = arith.constant 0 : index
      %get3A_37 = vector.load %arg9[%get3A_35, %get3A_36] : memref<1x128xf32, #tpu.memory_space<vmem>>, vector<1x128xf32>
      %get3A_38 = arith.constant 0 : index
      %get3A_39 = arith.constant 0 : index
      %get3A_40 = vector.load %arg27[%get3A_38, %get3A_39] : memref<8x128xf32, #tpu.memory_space<vmem>>, vector<1x128xf32>
      %mul3A_41 = arith.constant 9.99999974E-5 : f32
      %mul3A_42 = vector.broadcast %mul3A_41 : f32 to vector<1x128xf32>
      %mul3A_43 = arith.mulf %get3A_40, %mul3A_42 : vector<1x128xf32>
      %get3A_44 = arith.constant 1 : index
      %get3A_45 = arith.constant 0 : index
      %get3A_46 = vector.load %arg27[%get3A_44, %get3A_45] : memref<8x128xf32, #tpu.memory_space<vmem>>, vector<1x128xf32>
      %mul3A_47 = arith.constant 9.99999974E-5 : f32
      %mul3A_48 = vector.broadcast %mul3A_47 : f32 to vector<1x128xf32>
      %mul3A_49 = arith.mulf %get3A_46, %mul3A_48 : vector<1x128xf32>
      %mul3A_50 = arith.mulf %mul3A_43, %mul3A_43 : vector<1x128xf32>
      %sub3A = arith.subf %mul3A_49, %mul3A_50 : vector<1x128xf32>
      %sub3A_51 = vector.broadcast %mul3A_43 : vector<1x128xf32> to vector<5000x128xf32>
      %sub3A_52 = arith.subf %get3A_31, %sub3A_51 : vector<5000x128xf32>
      %mul3A_53 = vector.broadcast %get3A_34 : vector<1x128xf32> to vector<5000x128xf32>
      %mul3A_54 = arith.mulf %mul3A_53, %sub3A_52 : vector<5000x128xf32>
      %add3A = arith.constant 9.99999974E-6 : f32
      %add3A_55 = vector.broadcast %add3A : f32 to vector<1x128xf32>
      %add3A_56 = arith.addf %sub3A, %add3A_55 : vector<1x128xf32>
      %sqrt3A = math.sqrt %add3A_56 : vector<1x128xf32>
      %div3A = vector.broadcast %sqrt3A : vector<1x128xf32> to vector<5000x128xf32>
      %div3A_57 = arith.divf %mul3A_54, %div3A : vector<5000x128xf32>
      %add3A_58 = vector.broadcast %get3A_37 : vector<1x128xf32> to vector<5000x128xf32>
      %add3A_59 = arith.addf %div3A_57, %add3A_58 : vector<5000x128xf32>
      %max3A = arith.constant 0.000000e+00 : f32
      %max3A_60 = vector.broadcast %max3A : f32 to vector<5000x128xf32>
      %max3A_61 = arith.maximumf %add3A_59, %max3A_60 : vector<5000x128xf32>
      %get3A_62 = arith.constant 0 : index
      %get3A_63 = arith.constant 0 : index
      %get3A_64 = vector.load %arg10[%get3A_62, %get3A_63] : memref<128x128xf32, #tpu.memory_space<vmem>>, vector<128x128xf32>
      %dot_general3A = arith.constant dense<0.000000e+00> : vector<5000x128xf32>
      %dot_general3A_65 = tpu.matmul %max3A_61, %get3A_64, %dot_general3A {dimension_numbers = #tpu.dot_dimension_numbers<[1], [0], [0], [1], [0, 0, 1, 1], [], []>, transpose_lhs_hint = false} : vector<5000x128xf32>, vector<128x128xf32>, vector<5000x128xf32> -> vector<5000x128xf32>
      %get3A_66 = arith.constant 0 : index
      %get3A_67 = arith.constant 0 : index
      %get3A_68 = vector.load %arg11[%get3A_66, %get3A_67] : memref<1x128xf32, #tpu.memory_space<vmem>>, vector<1x128xf32>
      %add3A_69 = vector.broadcast %get3A_68 : vector<1x128xf32> to vector<5000x128xf32>
      %add3A_70 = arith.addf %dot_general3A_65, %add3A_69 : vector<5000x128xf32>
      %swap3A = arith.index_cast %mul3A_0 : i32 to index
      %swap3A_71 = arith.constant 0 : index
      %swap3A_72 = vector.load %arg25[%swap3A, %swap3A_71] : memref<10000x128xf32, #tpu.memory_space<vmem>>, vector<5000x128xf32>
      tpu.vector_store %arg25[%swap3A, %swap3A_71], %add3A_70 {strides = array<i32>} : memref<10000x128xf32, #tpu.memory_space<vmem>>, vector<5000x128xf32>,
      %get3A_73 = arith.constant 2 : index
      %get3A_74 = arith.constant 0 : index
      %get3A_75 = vector.load %arg27[%get3A_73, %get3A_74] : memref<8x128xf32, #tpu.memory_space<vmem>>, vector<1x128xf32>
      %reduce_sum3A = arith.constant dense<0.000000e+00> : vector<128xf32>
      %reduce_sum3A_76 = vector.multi_reduction <add>, %add3A_70, %reduce_sum3A [0] : vector<5000x128xf32> to vector<128xf32>
      %broadcast_in_dim3A = vector.shape_cast %reduce_sum3A_76 : vector<128xf32> to vector<1x128xf32>
      %add3A_77 = arith.addf %get3A_75, %broadcast_in_dim3A : vector<1x128xf32>
      %swap3A_78 = arith.constant 2 : index
      %swap3A_79 = arith.constant 0 : index
      %swap3A_80 = vector.load %arg27[%swap3A_78, %swap3A_79] : memref<8x128xf32, #tpu.memory_space<vmem>>, vector<1x128xf32>
      tpu.vector_store %arg27[%swap3A_78, %swap3A_79], %add3A_77 {strides = array<i32>} : memref<8x128xf32, #tpu.memory_space<vmem>>, vector<1x128xf32>,
      %get3A_81 = arith.constant 3 : index
      %get3A_82 = arith.constant 0 : index
      %get3A_83 = vector.load %arg27[%get3A_81, %get3A_82] : memref<8x128xf32, #tpu.memory_space<vmem>>, vector<1x128xf32>
      %mul3A_84 = arith.mulf %add3A_70, %add3A_70 : vector<5000x128xf32>
      %reduce_sum3A_85 = arith.constant dense<0.000000e+00> : vector<128xf32>
      %reduce_sum3A_86 = vector.multi_reduction <add>, %mul3A_84, %reduce_sum3A_85 [0] : vector<5000x128xf32> to vector<128xf32>
      %broadcast_in_dim3A_87 = vector.shape_cast %reduce_sum3A_86 : vector<128xf32> to vector<1x128xf32>
      %add3A_88 = arith.addf %get3A_83, %broadcast_in_dim3A_87 : vector<1x128xf32>
      %swap3A_89 = arith.constant 3 : index
      %swap3A_90 = arith.constant 0 : index
      %swap3A_91 = vector.load %arg27[%swap3A_89, %swap3A_90] : memref<8x128xf32, #tpu.memory_space<vmem>>, vector<1x128xf32>
      tpu.vector_store %arg27[%swap3A_89, %swap3A_90], %add3A_88 {strides = array<i32>} : memref<8x128xf32, #tpu.memory_space<vmem>>, vector<1x128xf32>,
    } else {
    }
    %eq3A_15 = arith.constant 2 : i32
    %eq3A_16 = arith.cmpi eq, %arg0, %eq3A_15 : i32
    %convert_element_type3A_17 = arith.extui %eq3A_16 : i1 to i32
    %cond3A_18 = arith.constant 0 : i32
    %cond3A_19 = arith.cmpi ne, %convert_element_type3A_17, %cond3A_18 : i32
    scf.if %cond3A_19 {
      %get3A = arith.index_cast %mul3A_0 : i32 to index
      %get3A_30 = arith.constant 0 : index
      %get3A_31 = vector.load %arg25[%get3A, %get3A_30] : memref<10000x128xf32, #tpu.memory_space<vmem>>, vector<5000x128xf32>
      %get3A_32 = arith.constant 0 : index
      %get3A_33 = arith.constant 0 : index
      %get3A_34 = vector.load %arg12[%get3A_32, %get3A_33] : memref<1x128xf32, #tpu.memory_space<vmem>>, vector<1x128xf32>
      %get3A_35 = arith.constant 0 : index
      %get3A_36 = arith.constant 0 : index
      %get3A_37 = vector.load %arg13[%get3A_35, %get3A_36] : memref<1x128xf32, #tpu.memory_space<vmem>>, vector<1x128xf32>
      %get3A_38 = arith.constant 2 : index
      %get3A_39 = arith.constant 0 : index
      %get3A_40 = vector.load %arg27[%get3A_38, %get3A_39] : memref<8x128xf32, #tpu.memory_space<vmem>>, vector<1x128xf32>
      %mul3A_41 = arith.constant 9.99999974E-5 : f32
      %mul3A_42 = vector.broadcast %mul3A_41 : f32 to vector<1x128xf32>
      %mul3A_43 = arith.mulf %get3A_40, %mul3A_42 : vector<1x128xf32>
      %get3A_44 = arith.constant 3 : index
      %get3A_45 = arith.constant 0 : index
      %get3A_46 = vector.load %arg27[%get3A_44, %get3A_45] : memref<8x128xf32, #tpu.memory_space<vmem>>, vector<1x128xf32>
      %mul3A_47 = arith.constant 9.99999974E-5 : f32
      %mul3A_48 = vector.broadcast %mul3A_47 : f32 to vector<1x128xf32>
      %mul3A_49 = arith.mulf %get3A_46, %mul3A_48 : vector<1x128xf32>
      %mul3A_50 = arith.mulf %mul3A_43, %mul3A_43 : vector<1x128xf32>
      %sub3A = arith.subf %mul3A_49, %mul3A_50 : vector<1x128xf32>
      %sub3A_51 = vector.broadcast %mul3A_43 : vector<1x128xf32> to vector<5000x128xf32>
      %sub3A_52 = arith.subf %get3A_31, %sub3A_51 : vector<5000x128xf32>
      %mul3A_53 = vector.broadcast %get3A_34 : vector<1x128xf32> to vector<5000x128xf32>
      %mul3A_54 = arith.mulf %mul3A_53, %sub3A_52 : vector<5000x128xf32>
      %add3A = arith.constant 9.99999974E-6 : f32
      %add3A_55 = vector.broadcast %add3A : f32 to vector<1x128xf32>
      %add3A_56 = arith.addf %sub3A, %add3A_55 : vector<1x128xf32>
      %sqrt3A = math.sqrt %add3A_56 : vector<1x128xf32>
      %div3A = vector.broadcast %sqrt3A : vector<1x128xf32> to vector<5000x128xf32>
      %div3A_57 = arith.divf %mul3A_54, %div3A : vector<5000x128xf32>
      %add3A_58 = vector.broadcast %get3A_37 : vector<1x128xf32> to vector<5000x128xf32>
      %add3A_59 = arith.addf %div3A_57, %add3A_58 : vector<5000x128xf32>
      %max3A = arith.constant 0.000000e+00 : f32
      %max3A_60 = vector.broadcast %max3A : f32 to vector<5000x128xf32>
      %max3A_61 = arith.maximumf %add3A_59, %max3A_60 : vector<5000x128xf32>
      %swap3A = arith.index_cast %mul3A_0 : i32 to index
      %swap3A_62 = arith.constant 0 : index
      %swap3A_63 = vector.load %arg26[%swap3A, %swap3A_62] : memref<10000x128xf32, #tpu.memory_space<vmem>>, vector<5000x128xf32>
      tpu.vector_store %arg26[%swap3A, %swap3A_62], %max3A_61 {strides = array<i32>} : memref<10000x128xf32, #tpu.memory_space<vmem>>, vector<5000x128xf32>,
      %get3A_64 = arith.constant 4 : index
      %get3A_65 = arith.constant 0 : index
      %get3A_66 = vector.load %arg27[%get3A_64, %get3A_65] : memref<8x128xf32, #tpu.memory_space<vmem>>, vector<1x128xf32>
      %reduce_sum3A = arith.constant dense<0.000000e+00> : vector<128xf32>
      %reduce_sum3A_67 = vector.multi_reduction <add>, %max3A_61, %reduce_sum3A [0] : vector<5000x128xf32> to vector<128xf32>
      %broadcast_in_dim3A = vector.shape_cast %reduce_sum3A_67 : vector<128xf32> to vector<1x128xf32>
      %add3A_68 = arith.addf %get3A_66, %broadcast_in_dim3A : vector<1x128xf32>
      %swap3A_69 = arith.constant 4 : index
      %swap3A_70 = arith.constant 0 : index
      %swap3A_71 = vector.load %arg27[%swap3A_69, %swap3A_70] : memref<8x128xf32, #tpu.memory_space<vmem>>, vector<1x128xf32>
      tpu.vector_store %arg27[%swap3A_69, %swap3A_70], %add3A_68 {strides = array<i32>} : memref<8x128xf32, #tpu.memory_space<vmem>>, vector<1x128xf32>,
      %get3A_72 = arith.constant 5 : index
      %get3A_73 = arith.constant 0 : index
      %get3A_74 = vector.load %arg27[%get3A_72, %get3A_73] : memref<8x128xf32, #tpu.memory_space<vmem>>, vector<1x128xf32>
      %mul3A_75 = arith.mulf %max3A_61, %max3A_61 : vector<5000x128xf32>
      %reduce_sum3A_76 = arith.constant dense<0.000000e+00> : vector<128xf32>
      %reduce_sum3A_77 = vector.multi_reduction <add>, %mul3A_75, %reduce_sum3A_76 [0] : vector<5000x128xf32> to vector<128xf32>
      %broadcast_in_dim3A_78 = vector.shape_cast %reduce_sum3A_77 : vector<128xf32> to vector<1x128xf32>
      %add3A_79 = arith.addf %get3A_74, %broadcast_in_dim3A_78 : vector<1x128xf32>
      %swap3A_80 = arith.constant 5 : index
      %swap3A_81 = arith.constant 0 : index
      %swap3A_82 = vector.load %arg27[%swap3A_80, %swap3A_81] : memref<8x128xf32, #tpu.memory_space<vmem>>, vector<1x128xf32>
      tpu.vector_store %arg27[%swap3A_80, %swap3A_81], %add3A_79 {strides = array<i32>} : memref<8x128xf32, #tpu.memory_space<vmem>>, vector<1x128xf32>,
    } else {
    }
    %eq3A_20 = arith.constant 3 : i32
    %eq3A_21 = arith.cmpi eq, %arg0, %eq3A_20 : i32
    %convert_element_type3A_22 = arith.extui %eq3A_21 : i1 to i32
    %cond3A_23 = arith.constant 0 : i32
    %cond3A_24 = arith.cmpi ne, %convert_element_type3A_22, %cond3A_23 : i32
    scf.if %cond3A_24 {
      %get3A = arith.index_cast %mul3A_0 : i32 to index
      %get3A_30 = arith.constant 0 : index
      %get3A_31 = vector.load %arg26[%get3A, %get3A_30] : memref<10000x128xf32, #tpu.memory_space<vmem>>, vector<5000x128xf32>
      %get3A_32 = arith.constant 0 : index
      %get3A_33 = arith.constant 0 : index
      %get3A_34 = vector.load %arg14[%get3A_32, %get3A_33] : memref<1x128xf32, #tpu.memory_space<vmem>>, vector<1x128xf32>
      %get3A_35 = arith.constant 0 : index
      %get3A_36 = arith.constant 0 : index
      %get3A_37 = vector.load %arg15[%get3A_35, %get3A_36] : memref<1x128xf32, #tpu.memory_space<vmem>>, vector<1x128xf32>
      %get3A_38 = arith.constant 4 : index
      %get3A_39 = arith.constant 0 : index
      %get3A_40 = vector.load %arg27[%get3A_38, %get3A_39] : memref<8x128xf32, #tpu.memory_space<vmem>>, vector<1x128xf32>
      %mul3A_41 = arith.constant 9.99999974E-5 : f32
      %mul3A_42 = vector.broadcast %mul3A_41 : f32 to vector<1x128xf32>
      %mul3A_43 = arith.mulf %get3A_40, %mul3A_42 : vector<1x128xf32>
      %get3A_44 = arith.constant 5 : index
      %get3A_45 = arith.constant 0 : index
      %get3A_46 = vector.load %arg27[%get3A_44, %get3A_45] : memref<8x128xf32, #tpu.memory_space<vmem>>, vector<1x128xf32>
      %mul3A_47 = arith.constant 9.99999974E-5 : f32
      %mul3A_48 = vector.broadcast %mul3A_47 : f32 to vector<1x128xf32>
      %mul3A_49 = arith.mulf %get3A_46, %mul3A_48 : vector<1x128xf32>
      %mul3A_50 = arith.mulf %mul3A_43, %mul3A_43 : vector<1x128xf32>
      %sub3A = arith.subf %mul3A_49, %mul3A_50 : vector<1x128xf32>
      %sub3A_51 = vector.broadcast %mul3A_43 : vector<1x128xf32> to vector<5000x128xf32>
      %sub3A_52 = arith.subf %get3A_31, %sub3A_51 : vector<5000x128xf32>
      %mul3A_53 = vector.broadcast %get3A_34 : vector<1x128xf32> to vector<5000x128xf32>
      %mul3A_54 = arith.mulf %mul3A_53, %sub3A_52 : vector<5000x128xf32>
      %add3A = arith.constant 9.99999974E-6 : f32
      %add3A_55 = vector.broadcast %add3A : f32 to vector<1x128xf32>
      %add3A_56 = arith.addf %sub3A, %add3A_55 : vector<1x128xf32>
      %sqrt3A = math.sqrt %add3A_56 : vector<1x128xf32>
      %div3A = vector.broadcast %sqrt3A : vector<1x128xf32> to vector<5000x128xf32>
      %div3A_57 = arith.divf %mul3A_54, %div3A : vector<5000x128xf32>
      %add3A_58 = vector.broadcast %get3A_37 : vector<1x128xf32> to vector<5000x128xf32>
      %add3A_59 = arith.addf %div3A_57, %add3A_58 : vector<5000x128xf32>
      %max3A = arith.constant 0.000000e+00 : f32
      %max3A_60 = vector.broadcast %max3A : f32 to vector<5000x128xf32>
      %max3A_61 = arith.maximumf %add3A_59, %max3A_60 : vector<5000x128xf32>
      %swap3A = arith.index_cast %mul3A_0 : i32 to index
      %swap3A_62 = arith.constant 0 : index
      %swap3A_63 = vector.load %arg24[%swap3A, %swap3A_62] : memref<10000x128xf32, #tpu.memory_space<vmem>>, vector<5000x128xf32>
      tpu.vector_store %arg24[%swap3A, %swap3A_62], %max3A_61 {strides = array<i32>} : memref<10000x128xf32, #tpu.memory_space<vmem>>, vector<5000x128xf32>,
    } else {
    }
    %eq3A_25 = arith.constant 4 : i32
    %eq3A_26 = arith.cmpi eq, %arg0, %eq3A_25 : i32
    %convert_element_type3A_27 = arith.extui %eq3A_26 : i1 to i32
    %cond3A_28 = arith.constant 0 : i32
    %cond3A_29 = arith.cmpi ne, %convert_element_type3A_27, %cond3A_28 : i32
    scf.if %cond3A_29 {
      %get3A = arith.constant 0 : index
      %get3A_30 = arith.constant 0 : index
      %get3A_31 = vector.load %arg16[%get3A, %get3A_30] : memref<5000x128xf32, #tpu.memory_space<vmem>>, vector<5000x128xf32>
      %get3A_32 = arith.constant 0 : index
      %get3A_33 = arith.constant 0 : index
      %get3A_34 = vector.load %arg17[%get3A_32, %get3A_33] : memref<128x128xf32, #tpu.memory_space<vmem>>, vector<128x128xf32>
      %dot_general3A = arith.constant dense<0.000000e+00> : vector<5000x128xf32>
      %dot_general3A_35 = tpu.matmul %get3A_31, %get3A_34, %dot_general3A {dimension_numbers = #tpu.dot_dimension_numbers<[1], [0], [0], [1], [0, 0, 1, 1], [], []>, transpose_lhs_hint = false} : vector<5000x128xf32>, vector<128x128xf32>, vector<5000x128xf32> -> vector<5000x128xf32>
      %get3A_36 = arith.constant 0 : index
      %get3A_37 = arith.constant 0 : index
      %get3A_38 = vector.load %arg2[%get3A_36, %get3A_37] : memref<5000x128xf32, #tpu.memory_space<vmem>>, vector<5000x128xf32>
      %get3A_39 = arith.constant 0 : index
      %get3A_40 = arith.constant 0 : index
      %get3A_41 = vector.load %arg18[%get3A_39, %get3A_40] : memref<128x128xf32, #tpu.memory_space<vmem>>, vector<128x128xf32>
      %dot_general3A_42 = arith.constant dense<0.000000e+00> : vector<5000x128xf32>
      %dot_general3A_43 = tpu.matmul %get3A_38, %get3A_41, %dot_general3A_42 {dimension_numbers = #tpu.dot_dimension_numbers<[1], [0], [0], [1], [0, 0, 1, 1], [], []>, transpose_lhs_hint = false} : vector<5000x128xf32>, vector<128x128xf32>, vector<5000x128xf32> -> vector<5000x128xf32>
      %add3A = arith.addf %dot_general3A_35, %dot_general3A_43 : vector<5000x128xf32>
      %get3A_44 = arith.index_cast %mul3A_0 : i32 to index
      %get3A_45 = arith.constant 0 : index
      %get3A_46 = vector.load %arg24[%get3A_44, %get3A_45] : memref<10000x128xf32, #tpu.memory_space<vmem>>, vector<5000x128xf32>
      %get3A_47 = arith.constant 0 : index
      %get3A_48 = arith.constant 0 : index
      %get3A_49 = vector.load %arg19[%get3A_47, %get3A_48] : memref<128x128xf32, #tpu.memory_space<vmem>>, vector<128x128xf32>
      %dot_general3A_50 = arith.constant dense<0.000000e+00> : vector<5000x128xf32>
      %dot_general3A_51 = tpu.matmul %get3A_46, %get3A_49, %dot_general3A_50 {dimension_numbers = #tpu.dot_dimension_numbers<[1], [0], [0], [1], [0, 0, 1, 1], [], []>, transpose_lhs_hint = false} : vector<5000x128xf32>, vector<128x128xf32>, vector<5000x128xf32> -> vector<5000x128xf32>
      %add3A_52 = arith.addf %add3A, %dot_general3A_51 : vector<5000x128xf32>
      %get3A_53 = arith.constant 0 : index
      %get3A_54 = arith.constant 0 : index
      %get3A_55 = vector.load %arg20[%get3A_53, %get3A_54] : memref<1x128xf32, #tpu.memory_space<vmem>>, vector<1x128xf32>
      %add3A_56 = vector.broadcast %get3A_55 : vector<1x128xf32> to vector<5000x128xf32>
      %add3A_57 = arith.addf %add3A_52, %add3A_56 : vector<5000x128xf32>
      %max3A = arith.constant 0.000000e+00 : f32
      %max3A_58 = vector.broadcast %max3A : f32 to vector<5000x128xf32>
      %max3A_59 = arith.maximumf %add3A_57, %max3A_58 : vector<5000x128xf32>
      %swap3A = arith.constant 0 : index
      %swap3A_60 = arith.constant 0 : index
      %swap3A_61 = vector.load %arg22[%swap3A, %swap3A_60] : memref<5000x128xf32, #tpu.memory_space<vmem>>, vector<5000x128xf32>
      tpu.vector_store %arg22[%swap3A, %swap3A_60], %max3A_59 {strides = array<i32>} : memref<5000x128xf32, #tpu.memory_space<vmem>>, vector<5000x128xf32>,
      %iota3A = tpu.iota {dimensions = array<i32: 0>} : vector<64x1xi32>
      %get3A_62 = arith.constant 0 : index
      %get3A_63 = arith.constant 0 : index
      %get3A_64 = arith.constant 0 : index
      %get3A_65 = vector.load %arg21[%get3A_62, %get3A_63, %get3A_64] : memref<1x1x5000xi32, #tpu.memory_space<vmem>>, vector<1x1x5000xi32>
      %get3A_66 = vector.shape_cast %get3A_65 : vector<1x1x5000xi32> to vector<1x5000xi32>
      %eq3A_67 = vector.broadcast %iota3A : vector<64x1xi32> to vector<64x5000xi32>
      %eq3A_68 = vector.broadcast %get3A_66 : vector<1x5000xi32> to vector<64x5000xi32>
      %eq3A_69 = arith.cmpi eq, %eq3A_67, %eq3A_68 : vector<64x5000xi32>
      %convert_element_type3A_70 = arith.extui %eq3A_69 : vector<64x5000xi1> to vector<64x5000xi32>
      %convert_element_type3A_71 = arith.sitofp %convert_element_type3A_70 : vector<64x5000xi32> to vector<64x5000xf32>
      %get3A_72 = arith.constant 0 : index
      %get3A_73 = arith.constant 0 : index
      %get3A_74 = vector.load %arg28[%get3A_72, %get3A_73] : memref<64x128xf32, #tpu.memory_space<vmem>>, vector<64x128xf32>
      %dot_general3A_75 = arith.constant dense<0.000000e+00> : vector<64x128xf32>
      %dot_general3A_76 = tpu.matmul %convert_element_type3A_71, %max3A_59, %dot_general3A_75 {dimension_numbers = #tpu.dot_dimension_numbers<[1], [0], [0], [1], [0, 0, 1, 1], [], []>, transpose_lhs_hint = false} : vector<64x5000xf32>, vector<5000x128xf32>, vector<64x128xf32> -> vector<64x128xf32>
      %add3A_77 = arith.addf %get3A_74, %dot_general3A_76 : vector<64x128xf32>
      %swap3A_78 = arith.constant 0 : index
      %swap3A_79 = arith.constant 0 : index
      %swap3A_80 = vector.load %arg28[%swap3A_78, %swap3A_79] : memref<64x128xf32, #tpu.memory_space<vmem>>, vector<64x128xf32>
      tpu.vector_store %arg28[%swap3A_78, %swap3A_79], %add3A_77 {strides = array<i32>} : memref<64x128xf32, #tpu.memory_space<vmem>>, vector<64x128xf32>,
      %get3A_81 = arith.constant 0 : index
      %get3A_82 = arith.constant 0 : index
      %get3A_83 = vector.load %arg29[%get3A_81, %get3A_82] : memref<64x1xf32, #tpu.memory_space<vmem>>, vector<64x1xf32>
      %reduce_sum3A = arith.constant dense<0.000000e+00> : vector<64xf32>
      %reduce_sum3A_84 = vector.multi_reduction <add>, %convert_element_type3A_71, %reduce_sum3A [1] : vector<64x5000xf32> to vector<64xf32>
      %broadcast_in_dim3A = vector.shape_cast %reduce_sum3A_84 : vector<64xf32> to vector<64x1xf32>
      %add3A_85 = arith.addf %get3A_83, %broadcast_in_dim3A : vector<64x1xf32>
      %swap3A_86 = arith.constant 0 : index
      %swap3A_87 = arith.constant 0 : index
      %swap3A_88 = vector.load %arg29[%swap3A_86, %swap3A_87] : memref<64x1xf32, #tpu.memory_space<vmem>>, vector<64x1xf32>
      tpu.vector_store %arg29[%swap3A_86, %swap3A_87], %add3A_85 {strides = array<i32>} : memref<64x1xf32, #tpu.memory_space<vmem>>, vector<64x1xf32>,
      %eq3A_89 = arith.constant 1 : i32
      %eq3A_90 = arith.cmpi eq, %arg1, %eq3A_89 : i32
      %convert_element_type3A_91 = arith.extui %eq3A_90 : i1 to i32
      %cond3A_92 = arith.constant 0 : i32
      %cond3A_93 = arith.cmpi ne, %convert_element_type3A_91, %cond3A_92 : i32
      scf.if %cond3A_93 {
        %get3A_94 = arith.constant 0 : index
        %get3A_95 = arith.constant 0 : index
        %get3A_96 = vector.load %arg28[%get3A_94, %get3A_95] : memref<64x128xf32, #tpu.memory_space<vmem>>, vector<64x128xf32>
        %get3A_97 = arith.constant 0 : index
        %get3A_98 = arith.constant 0 : index
        %get3A_99 = vector.load %arg29[%get3A_97, %get3A_98] : memref<64x1xf32, #tpu.memory_space<vmem>>, vector<64x1xf32>
        %max3A_100 = arith.constant 1.000000e+00 : f32
        %max3A_101 = vector.broadcast %max3A_100 : f32 to vector<64x1xf32>
        %max3A_102 = arith.maximumf %get3A_99, %max3A_101 : vector<64x1xf32>
        %div3A = vector.broadcast %max3A_102 : vector<64x1xf32> to vector<64x128xf32>
        %div3A_103 = arith.divf %get3A_96, %div3A : vector<64x128xf32>
        %swap3A_104 = arith.constant 0 : index
        %swap3A_105 = arith.constant 0 : index
        %swap3A_106 = vector.load %arg23[%swap3A_104, %swap3A_105] : memref<64x128xf32, #tpu.memory_space<vmem>>, vector<64x128xf32>
        tpu.vector_store %arg23[%swap3A_104, %swap3A_105], %div3A_103 {strides = array<i32>} : memref<64x128xf32, #tpu.memory_space<vmem>>, vector<64x128xf32>,
      } else {
      }
    } else {
    }
    return
  }
  func.func @transform_0(%arg0: i32, %arg1: i32) -> (i32, i32) {
    %eq3A = arith.constant 0 : i32
    %eq3A_0 = arith.cmpi eq, %arg0, %eq3A : i32
    %eq3A_1 = arith.constant 4 : i32
    %eq3A_2 = arith.cmpi eq, %arg0, %eq3A_1 : i32
    %or3A = arith.ori %eq3A_0, %eq3A_2 : i1
    %jit3A = arith.constant 0 : i32
    %select_n3A = arith.select %or3A, %arg1, %jit3A : i32
    %c0_i32 = arith.constant 0 : i32
    %c0_i32_3 = arith.constant 0 : i32
    return %select_n3A, %c0_i32 : i32, i32
  }
  func.func @transform_1(%arg0: i32, %arg1: i32) -> (i32, i32) {
    %eq3A = arith.constant 0 : i32
    %eq3A_0 = arith.cmpi eq, %arg0, %eq3A : i32
    %jit3A = arith.constant 0 : i32
    %select_n3A = arith.select %eq3A_0, %arg1, %jit3A : i32
    %add3A = arith.constant 0 : i32
    %add3A_1 = arith.addi %select_n3A, %add3A : i32
    %c0_i32 = arith.constant 0 : i32
    %c0_i32_2 = arith.constant 0 : i32
    return %add3A_1, %c0_i32 : i32, i32
  }
  func.func @transform_2(%arg0: i32, %arg1: i32) -> (i32, i32) {
    %eq3A = arith.constant 0 : i32
    %eq3A_0 = arith.cmpi eq, %arg0, %eq3A : i32
    %jit3A = arith.constant 0 : i32
    %select_n3A = arith.select %eq3A_0, %arg1, %jit3A : i32
    %add3A = arith.constant 2 : i32
    %add3A_1 = arith.addi %select_n3A, %add3A : i32
    %c0_i32 = arith.constant 0 : i32
    %c0_i32_2 = arith.constant 0 : i32
    return %add3A_1, %c0_i32 : i32, i32
  }
  func.func @transform_3(%arg0: i32, %arg1: i32) -> (i32, i32) {
    %c0_i32 = arith.constant 0 : i32
    %c0_i32_0 = arith.constant 0 : i32
    %c0_i32_1 = arith.constant 0 : i32
    return %c0_i32, %c0_i32_0 : i32, i32
  }
  func.func @transform_4(%arg0: i32, %arg1: i32) -> (i32, i32) {
    %c0_i32 = arith.constant 0 : i32
    %c0_i32_0 = arith.constant 0 : i32
    %c0_i32_1 = arith.constant 0 : i32
    return %c0_i32, %c0_i32_0 : i32, i32
  }
  func.func @transform_5(%arg0: i32, %arg1: i32) -> (i32, i32) {
    %c0_i32 = arith.constant 0 : i32
    %c0_i32_0 = arith.constant 0 : i32
    %c0_i32_1 = arith.constant 0 : i32
    return %c0_i32, %c0_i32_0 : i32, i32
  }
  func.func @transform_6(%arg0: i32, %arg1: i32) -> (i32, i32) {
    %c0_i32 = arith.constant 0 : i32
    %c0_i32_0 = arith.constant 0 : i32
    %c0_i32_1 = arith.constant 0 : i32
    return %c0_i32, %c0_i32_0 : i32, i32
  }
  func.func @transform_7(%arg0: i32, %arg1: i32) -> (i32, i32) {
    %c0_i32 = arith.constant 0 : i32
    %c0_i32_0 = arith.constant 0 : i32
    %c0_i32_1 = arith.constant 0 : i32
    return %c0_i32, %c0_i32_0 : i32, i32
  }
  func.func @transform_8(%arg0: i32, %arg1: i32) -> (i32, i32) {
    %c0_i32 = arith.constant 0 : i32
    %c0_i32_0 = arith.constant 0 : i32
    %c0_i32_1 = arith.constant 0 : i32
    return %c0_i32, %c0_i32_0 : i32, i32
  }
  func.func @transform_9(%arg0: i32, %arg1: i32) -> (i32, i32) {
    %c0_i32 = arith.constant 0 : i32
    %c0_i32_0 = arith.constant 0 : i32
    %c0_i32_1 = arith.constant 0 : i32
    return %c0_i32, %c0_i32_0 : i32, i32
  }
  func.func @transform_10(%arg0: i32, %arg1: i32) -> (i32, i32) {
    %c0_i32 = arith.constant 0 : i32
    %c0_i32_0 = arith.constant 0 : i32
    %c0_i32_1 = arith.constant 0 : i32
    return %c0_i32, %c0_i32_0 : i32, i32
  }
  func.func @transform_11(%arg0: i32, %arg1: i32) -> (i32, i32) {
    %c0_i32 = arith.constant 0 : i32
    %c0_i32_0 = arith.constant 0 : i32
    %c0_i32_1 = arith.constant 0 : i32
    return %c0_i32, %c0_i32_0 : i32, i32
  }
  func.func @transform_12(%arg0: i32, %arg1: i32) -> (i32, i32) {
    %c0_i32 = arith.constant 0 : i32
    %c0_i32_0 = arith.constant 0 : i32
    %c0_i32_1 = arith.constant 0 : i32
    return %c0_i32, %c0_i32_0 : i32, i32
  }
  func.func @transform_13(%arg0: i32, %arg1: i32) -> (i32, i32) {
    %c0_i32 = arith.constant 0 : i32
    %c0_i32_0 = arith.constant 0 : i32
    %c0_i32_1 = arith.constant 0 : i32
    return %c0_i32, %c0_i32_0 : i32, i32
  }
  func.func @transform_14(%arg0: i32, %arg1: i32) -> (i32, i32) {
    %eq3A = arith.constant 4 : i32
    %eq3A_0 = arith.cmpi eq, %arg0, %eq3A : i32
    %jit3A = arith.constant 0 : i32
    %select_n3A = arith.select %eq3A_0, %arg1, %jit3A : i32
    %c0_i32 = arith.constant 0 : i32
    %c0_i32_1 = arith.constant 0 : i32
    return %select_n3A, %c0_i32 : i32, i32
  }
  func.func @transform_15(%arg0: i32, %arg1: i32) -> (i32, i32) {
    %c0_i32 = arith.constant 0 : i32
    %c0_i32_0 = arith.constant 0 : i32
    %c0_i32_1 = arith.constant 0 : i32
    return %c0_i32, %c0_i32_0 : i32, i32
  }
  func.func @transform_16(%arg0: i32, %arg1: i32) -> (i32, i32) {
    %c0_i32 = arith.constant 0 : i32
    %c0_i32_0 = arith.constant 0 : i32
    %c0_i32_1 = arith.constant 0 : i32
    return %c0_i32, %c0_i32_0 : i32, i32
  }
  func.func @transform_17(%arg0: i32, %arg1: i32) -> (i32, i32) {
    %c0_i32 = arith.constant 0 : i32
    %c0_i32_0 = arith.constant 0 : i32
    %c0_i32_1 = arith.constant 0 : i32
    return %c0_i32, %c0_i32_0 : i32, i32
  }
  func.func @transform_18(%arg0: i32, %arg1: i32) -> (i32, i32) {
    %c0_i32 = arith.constant 0 : i32
    %c0_i32_0 = arith.constant 0 : i32
    %c0_i32_1 = arith.constant 0 : i32
    return %c0_i32, %c0_i32_0 : i32, i32
  }
  func.func @transform_19(%arg0: i32, %arg1: i32) -> (i32, i32, i32) {
    %eq3A = arith.constant 4 : i32
    %eq3A_0 = arith.cmpi eq, %arg0, %eq3A : i32
    %jit3A = arith.constant 0 : i32
    %select_n3A = arith.select %eq3A_0, %arg1, %jit3A : i32
    %c0_i32 = arith.constant 0 : i32
    %c0_i32_1 = arith.constant 0 : i32
    %c0_i32_2 = arith.constant 0 : i32
    return %select_n3A, %c0_i32, %c0_i32_1 : i32, i32, i32
  }
  func.func @transform_20(%arg0: i32, %arg1: i32) -> (i32, i32) {
    %eq3A = arith.constant 4 : i32
    %eq3A_0 = arith.cmpi eq, %arg0, %eq3A : i32
    %jit3A = arith.constant 0 : i32
    %select_n3A = arith.select %eq3A_0, %arg1, %jit3A : i32
    %c0_i32 = arith.constant 0 : i32
    %c0_i32_1 = arith.constant 0 : i32
    return %select_n3A, %c0_i32 : i32, i32
  }
  func.func @transform_21(%arg0: i32, %arg1: i32) -> (i32, i32) {
    %c0_i32 = arith.constant 0 : i32
    %c0_i32_0 = arith.constant 0 : i32
    %c0_i32_1 = arith.constant 0 : i32
    return %c0_i32, %c0_i32_0 : i32, i32
  }
}

</mosaic_0001>

<sc_bundles>
// kernel: kernel.12.cloned.1.call-start
scs
__scs_entry_jumppad:
0x0: {  	(pc) =	sbr.rel $0x88, $3  }
0x1: {  	(tag) =	ssettag $0x0;
	lr =	simm.s32 $0x1  }
0x2: {  	[smem:$0x3F7D] =	sst lr;
	_ =	strace $0xD0000000  }
0x3: {  	_ = 	snop  }
0x4: {  	_ = 	snop  }
0x5: {  	_ = 	snop  }
0x6: {  	_ = 	snop  }
0x7: {  	_ = 	snop  }
__scs_overlays_trampoline_lowered:
0x8: {  	[smem:$0x3F8C] =	sst s0  }
0x9: {  	[smem:$0x3F8D] =	sst s1  }
0xa: {  	[smem:$0x3F8E] =	sst s2  }
0xb: {  	[smem:$0x3F8F] =	sst s3  }
0xc: {  	[smem:$0x3F90] =	sst s4  }
0xd: {  	[smem:$0x3F91] =	sst s5  }
0xe: {  	[smem:$0x3F92] =	sst s6  }
0xf: {  	[smem:$0x3F93] =	sst s7  }
0x10: {  	[smem:$0x3F94] =	sst s8  }
0x11: {  	[smem:$0x3F95] =	sst s9;
	s0 =	simm.s32 @!p0 $0x0  }
0x12: {  	s1 =	sld [smem:$0x3F7B];
	s0 =	simm.s32 @p0 $0x1  }
0x13: {  	[smem:$0x3F96] =	sst s0;
	s0 =	simm.s32 @!p1 $0x0  }
0x14: {  	s2 =	sld [smem:$0x3F7A];
	s0 =	simm.s32 @p1 $0x1  }
0x15: {  	[smem:$0x3F97] =	sst s0;
	s0 =	simm.s32 @!p2 $0x0  }
0x16: {  	s3 =	sld [smem:$0x3FDB];
	s0 =	simm.s32 @p2 $0x1  }
0x17: {  	s4 =	simm.s32 $0x1BF5;
	[smem:$0x3F99] =	sst s0  }
0x18: {  	s0 =	sld [smem:$0x3F7C];
	_ =	swait.ge [sflag:s4], $0x0  }
0x19: {  	s7 =	sld [smem:$0x3F7D]  }
0x1a: {  	s8 =	sadd.s32 $0xFFFFE003, lr  }
0x1b: {  	s9 =	sadd.s32 $0xFFFFFEF7, lr;
	s5 =	simm.s32 $0xFFFFFFFF;
	p2 =	slt.u32 s8, $0xFFFFF086  }
0x1c: {  	p1 =	slt.u32 s9, $0xF7A;
	s5 =	simm.s32 @!p2 $0x0  }
0x1d: {  	s5 =	simm.s32 @p1 $0x1;
	p0 =	seq.s32 s7, s2  }
0x1e: {  	s7 =	smul.u32 @!p0 $0xF7A, s2;
	p2 =	seq.s32 @!p0 s5, $0x0  }
0x1f: {  	s9 =	smul.u32 $0xF7A, s1;
	s8 =	simm.s32 @!p0 $0x1BF5;
	p2 =	por !p2, p0  }
0x20: {  	[sflag:s8] =	ssyncset.s32 @!p0 $0xFFFFF086;
	s6 =	sadd.s32 @!p0 s3, s7;
	s7 =	simm.s32 @!p0 $0x108  }
0x21: {  	s3 =	sadd.s32 s3, s9;
	s6 =	sadd.s32 @!p0 $0x88, s6;
	s7 =	simm.s32 @p2 $0x1082  }
0x22: {  	[simem:s7], [sflag:s8] =	dma.local @!p0 [hbm:s6], $0xF7A  }
0x23: {  	s9 =	sor.u32 $0xD0000000, s2;
	s6 =	simm.s32 $0x108;
	_ =	swait.ge @!p0 [sflag:s8], $0x0  }
0x24: {  	s3 =	sadd.s32 $0x88, s3;
	s6 =	simm.s32 @!p1 $0x1082;
	[sflag:s4] =	ssyncset.s32 $0xFFFFF086  }
0x25: {  	[simem:s6], [sflag:s4] =	dma.local [hbm:s3], $0xF7A  }
0x26: {  	[smem:$0x3F7D] =	sst s1;
	(tag) =	ssettag s2;
	_ =	strace s9  }
0x27: {  	s1 =	sld [smem:$0x3F8D]  }
0x28: {  	s2 =	sld [smem:$0x3F8E]  }
0x29: {  	s4 =	sld [smem:$0x3F90]  }
0x2a: {  	p0 =	seq.s32 s5, $0x0;
	s5 =	sld [smem:$0x3F91]  }
0x2b: {  	s6 =	sld [smem:$0x3F92]  }
0x2c: {  	s7 =	sld [smem:$0x3F93]  }
0x2d: {  	s3 =	simm.s32 $0x108;
	s8 =	sld [smem:$0x3F94]  }
0x2e: {  	s3 =	simm.s32 @!p0 $0x1082;
	s9 =	sld [smem:$0x3F95]  }
0x2f: {  	lr =	sadd.s32 s0, s3;
	s0 =	sld [smem:$0x3F8C]  }
0x30: {  	s3 =	sld [smem:$0x3F8F]  }
0x31: {  	[smem:$0x3F98] =	sst s10  }
0x32: {  	s10 =	sld [smem:$0x3F96];
	_ =	sdelay $0x3  }
0x33: {  	p0 =	seq.s32 s10, $0x1;
	s10 =	sld [smem:$0x3F98];
	_ =	sdelay $0x3  }
0x34: {  	[smem:$0x3F98] =	sst s10  }
0x35: {  	s10 =	sld [smem:$0x3F97];
	_ =	sdelay $0x3  }
0x36: {  	p1 =	seq.s32 s10, $0x1;
	s10 =	sld [smem:$0x3F98];
	_ =	sdelay $0x3  }
0x37: {  	[smem:$0x3F98] =	sst s10  }
0x38: {  	s10 =	sld [smem:$0x3F99]  }
0x39: {  	_ = 	snop;
	(pc) =	sbr.ind lr, $3  }
0x3a: {  	_ = 	snop  }
0x3b: {  	_ = 	snop  }
0x3c: {  	p2 =	seq.s32 s10, $0x1;
	s10 =	sld [smem:$0x3F98]  }
0x3d: {  	_ =	shalt  }
0x3e: {  	_ =	shalt  }
0x3f: {  	_ =	shalt  }
0x40: {  	_ =	shalt  }
0x41: {  	_ =	shalt  }
0x42: {  	_ =	shalt  }
0x43: {  	_ =	shalt  }
0x44: {  	_ =	shalt  }
0x45: {  	_ =	shalt  }
0x46: {  	_ =	shalt  }
0x47: {  	_ =	shalt  }
0x48: {  	_ =	shalt  }
0x49: {  	_ =	shalt  }
0x4a: {  	_ =	shalt  }
0x4b: {  	_ =	shalt  }
0x4c: {  	_ =	shalt  }
0x4d: {  	_ =	shalt  }
0x4e: {  	_ =	shalt  }
0x4f: {  	_ =	shalt  }
0x50: {  	_ =	shalt  }
0x51: {  	_ =	shalt  }
0x52: {  	_ =	shalt  }
0x53: {  	_ =	shalt  }
0x54: {  	_ =	shalt  }
0x55: {  	_ =	shalt  }
0x56: {  	_ =	shalt  }
0x57: {  	_ =	shalt  }
0x58: {  	_ =	shalt  }
0x59: {  	_ =	shalt  }
0x5a: {  	_ =	shalt  }
0x5b: {  	_ =	shalt  }
0x5c: {  	_ =	shalt  }
0x5d: {  	_ =	shalt  }
0x5e: {  	_ =	shalt  }
0x5f: {  	_ =	shalt  }
0x60: {  	_ =	shalt  }
0x61: {  	_ =	shalt  }
0x62: {  	_ =	shalt  }
0x63: {  	_ =	shalt  }
0x64: {  	_ =	shalt  }
0x65: {  	_ =	shalt  }
0x66: {  	_ =	shalt  }
0x67: {  	_ =	shalt  }
0x68: {  	_ =	shalt  }
0x69: {  	_ =	shalt  }
0x6a: {  	_ =	shalt  }
0x6b: {  	_ =	shalt  }
0x6c: {  	_ =	shalt  }
0x6d: {  	_ =	shalt  }
0x6e: {  	_ =	shalt  }
0x6f: {  	_ =	shalt  }
0x70: {  	_ =	shalt  }
0x71: {  	_ =	shalt  }
0x72: {  	_ =	shalt  }
0x73: {  	_ =	shalt  }
0x74: {  	_ =	shalt  }
0x75: {  	_ =	shalt  }
0x76: {  	_ =	shalt  }
0x77: {  	_ =	shalt  }
0x78: {  	_ =	shalt  }
0x79: {  	_ =	shalt  }
0x7a: {  	_ =	shalt  }
0x7b: {  	_ =	shalt  }
0x7c: {  	_ =	shalt  }
0x7d: {  	_ =	shalt  }
0x7e: {  	_ =	shalt  }
0x7f: {  	_ =	shalt  }
0x80: {  	_ =	shalt  }
0x81: {  	_ =	shalt  }
0x82: {  	_ =	shalt  }
0x83: {  	_ =	shalt  }
0x84: {  	_ =	shalt  }
0x85: {  	_ =	shalt  }
0x86: {  	_ =	shalt  }
0x87: {  	_ =	shalt  }
.Lfunc_end0:
.L_simem_size_0:
called_computation.1_lowered:
.L_overlay_start_0:
0x88: {  	s2 =	sld [smem:$0x3FD9]  }
0x89: {  	s3 =	sld [smem:$0x3FFE];
	_ =	sdelay $0x1  }
0x8a: {  	s1 =	srdreg.scid  }
0x8b: {  	s0 =	sand.u32 $0x1, s1  }
0x8c: {  	s14 =	sshll.u32 s0, $0xA;
	s2 =	sadd.s32 s3, s2  }
0x8d: {  	s2 =	sadd.s32 s2, s14  }
0x8e: {  	[smem:$0x3FA4] =	sst s2  }
0x8f: {  	_ = 	snop  }
0x90: {  	s2 =	sld [smem:$0x3FD0];
	_ =	sdelay $0x2  }
0x91: {  	s15 =	simm.s32 $0xA;
	s4 =	simm.s32 $0x10  }
0x92: {  	[smem:s4], [sflag:s15] =	dma.local [hbm:s2], $0x1  }
0x93: {  	_ =	swait.eq [sflag:s15], $0x1  }
0x94: {  	[sflag:s15] =	ssyncset.done $0x0  }
0x95: {  	[sflag:s15] =	ssyncadd.s32 $0xFFFFFFFF  }
0x96: {  	s16 =	sld [smem:$0x10];
	(tm) =	ssettm $0x1  }
0x97: {  	s17 =	sld [smem:$0x3FFB];
	_ =	sdelay $0x3  }
0x98: {  	_ =	strace s17  }
0x99: {  	s3 =	sld [smem:$0x3FFC];
	_ =	sdelay $0x3  }
0x9a: {  	_ =	strace s3  }
0x9b: {  	s3 =	sld [smem:$0x3FFD];
	_ =	sdelay $0x3  }
0x9c: {  	_ =	strace s3  }
0x9d: {  	_ =	strace $0x8FFFFFFF  }
0x9e: {  	s18 =	sld [smem:$0x3FDB];
	_ =	sdelay $0x1  }
0x9f: {  	s19 =	simm.s32 $_scs_section_size  }
0xa0: {  	s5 =	simm.s32 $_size__tile_overlayer_lowered;
	s6 =	simm.s32 $_tile_overlayer_lowered  }
0xa1: {  	s22 =	simm.s32 $0x1BFF;
	s21 =	sshll.u32 s6, $0x1;
	s3 =	sadd.s32 s19, s18  }
0xa2: {  	s7 =	simm.s32 $0x0;
	s20 =	sshll.u32 s5, $0x1;
	s5 =	sadd.s32 s21, s3  }
0xa3: {  	[timem:s7], [sflag:s22] =	dma.local [hbm:s5], s20  }
0xa4: {  	_ =	swait.ge [sflag:s22], s20  }
0xa5: {  	s4 =	ssub.s32 $0x0, s20;
	[sflag:s22] =	ssyncset.done $0x0  }
0xa6: {  	[sflag:s22] =	ssyncadd.s32 s4;
	_ =	sdelay $0x1  }
0xa7: {  	s23 =	simm.s32 $0x1B8B  }
0xa8: {  	_ =	swait.ge [sflag:s23], $0x1  }
0xa9: {  	[sflag:s23] =	ssyncset.done $0x0  }
0xaa: {  	s25 =	simm.s32 $0x1B8E;
	s24 =	sld [smem:$0x3FFE];
	[sflag:s23] =	ssyncadd.s32 $0xFFFFFFFF  }
0xab: {  	s26 =	simm.s32 $execute0_lowered;
	[smem:$0x3FD2] =	sst s25  }
0xac: {  	s5 =	sshll.u32 s26, $0x1;
	_ =	strace $0x80000049;
	[dreg:$0x1] =	wrdreg $0xFFFFFFFF  }
0xad: {  	s28 =	simm.s32 $_size_execute0_lowered;
	s3 =	sadd.s32 s3, s5;
	[dreg:$0x0] =	wrdreg $0x0  }
0xae: {  	s5 =	sshll.u32 s28, $0x1;
	[dreg:$0x2] =	wrdreg s3  }
0xaf: {  	[dreg:$0x3] =	wrdreg s5  }
0xb0: {  	[dreg:$0x4] =	wrdreg $0xC0  }
0xb1: {  	_ =	task [dreg:s7], $0x5FFFF  }
0xb2: {  	[dreg:$0x1] =	wrdreg $0xFFFFFFFF  }
0xb3: {  	[dreg:$0x0] =	wrdreg $0x60  }
0xb4: {  	[dreg:$0x2] =	wrdreg s16  }
0xb5: {  	[dreg:$0x3] =	wrdreg s24  }
0xb6: {  	[dreg:$0x4] =	wrdreg $0xA8000  }
0xb7: {  	[dreg:$0x5] =	wrdreg $0x9  }
0xb8: {  	_ =	task.clear_ibuf [dreg:s7], $0x6FFFF;
	_ =	strace $0x90000049  }
0xb9: {  	s29 =	simm.s32 $0x9;
	_ =	strace $0x8000004B  }
0xba: {  	_ =	swait.ge [sflag:s29], $0x1  }
0xbb: {  	[sflag:s29] =	ssyncadd.s32 $0xFFFFFFFF  }
0xbc: {  	_ =	strace $0x9000004B  }
0xbd: {  	_ =	sfence  }
0xbe: {  	s30 =	sld [smem:$0x0];
	_ =	sdelay $0x2  }
0xbf: {  	s31 =	sshll.u32 s1, $0xD;
	s1 =	sshrl.u32 s1, $0x2  }
0xc0: {  	s3 =	sand.u32 $0x4000, s31;
	s1 =	sadd.s32 s1, s30  }
0xc1: {  	s0 =	sor.u32 s3, s0;
	s1 =	sshll.u32 s1, $0x11  }
0xc2: {  	s0 =	sor.u32 s1, s0  }
0xc3: {  	s0 =	sadd.s32 $0x8F2B, s0  }
0xc4: {  	[sflag:s0] =	ssyncadd.remote.s32 $0x1  }
0xc5: {  	_ =	sfence.sel $0xFFFF  }
0xc6: {  	[dreg:$0x0] =	wrdreg $0xFFFFFFFF;
	(pc) =	sbr.abs _section_cstart, $3  }
0xc7: {  	[dreg:$0x1] =	wrdreg $0xFFFFFFFF  }
0xc8: {  	_ =	task.clear_ibuf [dreg:s7], $0x2FFFF;
	_ =	strace $0x9FFFFFFF  }
0xc9: {  	(tm) =	ssettm $0x7FFFFFFF  }
tec
execute0_lowered:
.L_overlay_start_1:
0x0: {  	(tag) =	ssettag $0x1  }
0x1: {  	s1 =	rddreg [dreg:$0x0]  }
0x2: {  	s0 =	rddreg [dreg:$0x1]  }
0x3: {  	s2 =	rddreg [dreg:$0x2];
	s3 =	srdreg.scid  }
0x4: {  	s4 =	simm.s32 $0x0;
	s22 =	stileid.u32;
	s17 =	simm.s32 $0x2800  }
0x5: {  	s18 =	simm.s32 $0x5;
	s28 =	simm.s32 $0x8800;
	s29 =	simm.s32 $0x1  }
0x6: {  	s30 =	simm.s32 $0x2;
	s31 =	simm.s32 $0x3;
	s3 =	sand.u32 $0x1, s3  }
0x7: {  	[smem:$0x7FF] =	sst s4;
	s7 =	sadd.s32 $0xF800, s0;
	s11 =	smul.u32 $0x4F000, s22  }
0x8: {  	s9 =	sadd.s32 $0x5800, s0;
	s0 =	sadd.s32 $0x19800, s0;
	s13 =	smul.u32 $0x2780, s22  }
0x9: {  	s24 =	smul.u32 $0x4E200, s22;
	p0 =	seq.s32 s22, $0xF;
	s5 =	sshll.u32 s3, $0x4  }
0xa: {  	_ =	strace $0x8000004A;
	s8 =	ssub.s32 $0x2, s3;
	s19 =	smul.u32 $0x27100, s3  }
0xb: {  	s3 =	smul.u32 $0x138800, s3;
	s5 =	sor.u32 s22, s5;
	s10 =	sshrl.u32 s8, $0x1  }
0xc: {  	s23 =	sshrl.u32 s11, $0x2;
	s26 =	sshrl.u32 s24, $0x2;
	s6 =	smul.u32 $0x500, s5  }
0xd: {  	s22 =	simm.s32 $0x80;
	s5 =	smul.u32 $0x2800, s5;
	s12 =	ssub.s32 s8, s10  }
0xe: {  	s25 =	sadd.s32 s13, s19;
	s3 =	sshrl.u32 s3, $0x3;
	s10 =	sadd.s32 s26, s2  }
0xf: {  	s19 =	simm.s32 $0x1400;
	s26 =	simm.s32 $0xC0;
	s12 =	smax.u32 s12, $0x1  }
0x10: {  	s13 =	sadd.s32 $0x3E80, s10;
	s14 =	sadd.s32 $0x7D00, s10;
	s15 =	sadd.s32 $0xBB80, s10  }
0x11: {  	s16 =	sadd.s32 $0xFA00, s10;
	s20 =	sadd.s32 s7, s6;
	s5 =	sshrl.u32 s5, $0x3  }
0x12: {  	s6 =	sadd.s32 s9, s6;
	[dreg:$0x4] =	wrdreg s20;
	s5 =	sadd.s32 $0x280, s5  }
0x13: {  	[dreg:$0x5] =	wrdreg s6;
	s20 =	simm.s32 $0x40;
	s21 =	sadd.s32 s7, s5  }
0x14: {  	s5 =	sadd.s32 s9, s5;
	s9 =	sadd.s32 s0, s25;
	s7 =	sadd.s32 $0x128400, s2  }
0x15: {  	s0 =	sadd.s32 s0, s3;
	s3 =	simm.s32 $0x2700;
	[dreg:$0x6] =	wrdreg s21  }
0x16: {  	[dreg:$0x7] =	wrdreg s5;
	s5 =	sadd.s32 s23, s2;
	s11 =	sadd.s32 $0x25080, s0  }
0x17: {  	s21 =	simm.s32 $0x4800;
	s23 =	simm.s32 $0x6800;
	s24 =	sshrl.u32 @p0 s7, $0x3  }
0x18: {  	v0 =	vimm.f32 $0.0e+00;
	s0 =	simm.s32 $0x4;
	s25 =	sshrl.u32 @!p0 s5, $0x3;
	s5 =	simm.s32 $0x2780  }
.LBB2_1:
0x19: {  	s6 =	simm.s32 $0x0;
	s7 =	simm.s32 $0x200  }
.LBB2_2:
0x1a: {  	p1 =	sne.s32 s7, $0xF800;
	[tilespmem:s6+$0x2870] =	vst v0  }
0x1b: {  	[tilespmem:s6+$0x2800] =	vst v0  }
0x1c: {  	[tilespmem:s6+$0x2810] =	vst v0  }
.Ltmp0:
0x1d: {  	[tilespmem:s6+$0x2820] =	vst v0;
	(pc) =	sbr.rel @p1 .LBB2_2-.Ltmp0, $4  }
0x1e: {  	[tilespmem:s6+$0x2830] =	vst v0  }
0x1f: {  	[tilespmem:s6+$0x2840] =	vst v0  }
0x20: {  	[tilespmem:s6+$0x2850] =	vst v0  }
0x21: {  	[tilespmem:s6+$0x2860] =	vst v0;
	s6 =	sshra.s32 s7, $0x2;
	s7 =	sadd.s32 $0x200, s7  }
0x22: {  	[tilespmem:s6+$0x2870] =	vst v0  }
0x23: {  	[tilespmem:s6+$0x2800] =	vst v0  }
0x24: {  	[tilespmem:s6+$0x2810] =	vst v0  }
0x25: {  	[tilespmem:s6+$0x2820] =	vst v0  }
0x26: {  	[tilespmem:s6+$0x2830] =	vst v0  }
0x27: {  	[tilespmem:s6+$0x2840] =	vst v0  }
0x28: {  	[tilespmem:s6+$0x2850] =	vst v0  }
0x29: {  	[tilespmem:s6+$0x2860] =	vst v0  }
0x2a: {  	[spmem:s10] =	stream.linear.scatter [tilespmem:s17], [sflag:$0x5], $0x3E80, $0x38;
	[tilespmem:$0x1E080] =	vst v63  }
0x2b: {  	_ =	swait.ge [sflag:s18], $0x3E80  }
0x2c: {  	[sflag:s18] =	ssyncset.done $0x0  }
0x2d: {  	[sflag:s18] =	ssyncadd.s32 $0xFFFFC180  }
0x2e: {  	[spmem:s13] =	stream.linear.scatter [tilespmem:s17], [sflag:$0x5], $0x3E80, $0x38;
	[tilespmem:$0x1E080] =	vst v63  }
0x2f: {  	_ =	swait.ge [sflag:s18], $0x3E80  }
0x30: {  	[sflag:s18] =	ssyncset.done $0x0  }
0x31: {  	[sflag:s18] =	ssyncadd.s32 $0xFFFFC180  }
0x32: {  	[spmem:s14] =	stream.linear.scatter [tilespmem:s17], [sflag:$0x5], $0x3E80, $0x38;
	[tilespmem:$0x1E080] =	vst v63  }
0x33: {  	_ =	swait.ge [sflag:s18], $0x3E80  }
0x34: {  	[sflag:s18] =	ssyncset.done $0x0  }
0x35: {  	[sflag:s18] =	ssyncadd.s32 $0xFFFFC180  }
0x36: {  	[spmem:s15] =	stream.linear.scatter [tilespmem:s17], [sflag:$0x5], $0x3E80, $0x38;
	[tilespmem:$0x1E080] =	vst v63  }
0x37: {  	_ =	swait.ge [sflag:s18], $0x3E80  }
0x38: {  	[sflag:s18] =	ssyncset.done $0x0  }
0x39: {  	[sflag:s18] =	ssyncadd.s32 $0xFFFFC180  }
0x3a: {  	[spmem:s16] =	stream.linear.scatter [tilespmem:s17], [sflag:$0x5], $0x3E80, $0x38;
	[tilespmem:$0x1E080] =	vst v63  }
0x3b: {  	_ =	swait.ge [sflag:s18], $0x3E80  }
0x3c: {  	[sflag:s18] =	ssyncset.done $0x0  }
0x3d: {  	[sflag:s18] =	ssyncadd.s32 $0xFFFFC180  }
0x3e: {  	[bflag:$0x0] =	sbarrier.arrive $0xFFFF  }
0x3f: {  	s6 =	simm.s32 $0x0;
	s7 =	rddreg [dreg:$0x4]  }
0x40: {  	[tilespmem:s6], [sflag:$0x5] =	stream.linear.gather [hbm4b:s7+s6], $0x1400, $0x38;
	[tilespmem:$0x1E080] =	vst v63  }
0x41: {  	_ =	swait.ge [sflag:s18], $0x1400  }
0x42: {  	[sflag:s18] =	ssyncset.done $0x0  }
0x43: {  	s8 =	rddreg [dreg:$0x5];
	[sflag:s18] =	ssyncadd.s32 $0xFFFFEC00  }
0x44: {  	[tilespmem:s19], [sflag:$0x5] =	stream.linear.gather [hbm4b:s8+s6], $0x1400, $0x38;
	[tilespmem:$0x1E080] =	vst v63  }
0x45: {  	_ =	swait.ge [sflag:s18], $0x1400  }
0x46: {  	[sflag:s18] =	ssyncset.done $0x0  }
0x47: {  	[sflag:s18] =	ssyncadd.s32 $0xFFFFEC00  }
0x48: {  	[tilespmem:s17], [sflag:$0x1] =	stream.indirect.gather [hbm4b:s1+s20], $0x80, s6, s20, $0xb8;
	[tilespmem:$0x1E080] =	vst v63  }
0x49: {  	_ = 	snop  }
0x4a: {  	[tilespmem:s21], [sflag:$0x2] =	stream.indirect.gather [hbm4b:s1+s20], $0x80, s20, s20, $0xb8;
	[tilespmem:$0x1E080] =	vst v63  }
0x4b: {  	_ = 	snop  }
0x4c: {  	[tilespmem:s23], [sflag:$0x3] =	stream.indirect.gather [hbm4b:s1+s20], $0x80, s22, s20, $0xb8;
	[tilespmem:$0x1E080] =	vst v63  }
0x4d: {  	_ = 	snop  }
0x4e: {  	[tilespmem:s28], [sflag:$0x4] =	stream.indirect.gather [hbm4b:s1+s20], $0x80, s26, s20, $0xb8;
	[tilespmem:$0x1E080] =	vst v63  }
0x4f: {  	_ =	swait.ge [sflag:s29], $0x2000  }
0x50: {  	[sflag:s29] =	ssyncset.done $0x0  }
0x51: {  	[sflag:s29] =	ssyncadd.s32 $0xFFFFE000  }
0x52: {  	_ =	swait.ge [sflag:s30], $0x2000  }
0x53: {  	[sflag:s30] =	ssyncset.done $0x0  }
0x54: {  	s8 =	simm.s32 $0x1400;
	[sflag:s30] =	ssyncadd.s32 $0xFFFFE000  }
0x55: {  	[spmem:s2] =	stream.indirect.scatter.add.f32 [tilespmem:s17], [sflag:$0x5], $0x80, s8, s22, $0xb8;
	[tilespmem:$0x1E080] =	vst v63  }
0x56: {  	_ =	swait.ge [sflag:s18], $0x4000  }
0x57: {  	[sflag:s18] =	ssyncset.done $0x0  }
0x58: {  	s7 =	simm.s32 $0x100;
	[sflag:s18] =	ssyncadd.s32 $0xFFFFC000  }
0x59: {  	[tilespmem:s17], [sflag:$0x1] =	stream.indirect.gather [hbm4b:s1+s20], $0x80, s7, s20, $0xb8;
	[tilespmem:$0x1E080] =	vst v63  }
0x5a: {  	s8 =	simm.s32 $0x140  }
0x5b: {  	[tilespmem:s21], [sflag:$0x2] =	stream.indirect.gather [hbm4b:s1+s20], $0x80, s8, s20, $0xb8;
	[tilespmem:$0x1E080] =	vst v63  }
0x5c: {  	_ =	swait.ge [sflag:s31], $0x2000  }
0x5d: {  	[sflag:s31] =	ssyncset.done $0x0  }
0x5e: {  	[sflag:s31] =	ssyncadd.s32 $0xFFFFE000  }
0x5f: {  	_ =	swait.ge [sflag:s0], $0x2000  }
0x60: {  	[sflag:s0] =	ssyncset.done $0x0  }
0x61: {  	s7 =	simm.s32 $0x1480;
	[sflag:s0] =	ssyncadd.s32 $0xFFFFE000  }
0x62: {  	[spmem:s2] =	stream.indirect.scatter.add.f32 [tilespmem:s23], [sflag:$0x5], $0x80, s7, s22, $0xb8;
	[tilespmem:$0x1E080] =	vst v63  }
0x63: {  	_ =	swait.ge [sflag:s18], $0x4000  }
0x64: {  	s6 =	simm.s32 $0x400;
	[sflag:s18] =	ssyncset.done $0x0  }
0x65: {  	s8 =	simm.s32 $0x180;
	s7 =	simm.s32 $0x1C0;
	[sflag:s18] =	ssyncadd.s32 $0xFFFFC000  }
0x66: {  	[tilespmem:s23], [sflag:$0x3] =	stream.indirect.gather [hbm4b:s1+s20], $0x80, s8, s20, $0xb8;
	[tilespmem:$0x1E080] =	vst v63  }
.LBB2_4:
0x67: {  	[tilespmem:s28], [sflag:$0x4] =	stream.indirect.gather [hbm4b:s1+s20], $0x80, s7, s20, $0xb8;
	[tilespmem:$0x1E080] =	vst v63  }
0x68: {  	s7 =	smov.u32 s6  }
0x69: {  	p1 =	sne.s32 s6, $0x4800;
	s6 =	sadd.s32 $0x400, s6;
	_ =	swait.ge [sflag:s29], $0x2000  }
0x6a: {  	[sflag:s29] =	ssyncset.done $0x0  }
0x6b: {  	[sflag:s29] =	ssyncadd.s32 $0xFFFFE000  }
0x6c: {  	_ =	swait.ge [sflag:s30], $0x2000  }
0x6d: {  	s7 =	sshra.s32 s7, $0x2;
	[sflag:s30] =	ssyncset.done $0x0  }
0x6e: {  	s8 =	sadd.s32 $0x1400, s7;
	[sflag:s30] =	ssyncadd.s32 $0xFFFFE000  }
0x6f: {  	[spmem:s2] =	stream.indirect.scatter.add.f32 [tilespmem:s17], [sflag:$0x5], $0x80, s8, s22, $0xb8;
	[tilespmem:$0x1E080] =	vst v63  }
0x70: {  	_ =	swait.ge [sflag:s18], $0x4000  }
0x71: {  	[sflag:s18] =	ssyncset.done $0x0  }
0x72: {  	s8 =	sadd.s32 $0x100, s7;
	[sflag:s18] =	ssyncadd.s32 $0xFFFFC000  }
0x73: {  	[tilespmem:s17], [sflag:$0x1] =	stream.indirect.gather [hbm4b:s1+s20], $0x80, s8, s20, $0xb8;
	[tilespmem:$0x1E080] =	vst v63  }
0x74: {  	s8 =	sadd.s32 $0x140, s7  }
0x75: {  	[tilespmem:s21], [sflag:$0x2] =	stream.indirect.gather [hbm4b:s1+s20], $0x80, s8, s20, $0xb8;
	[tilespmem:$0x1E080] =	vst v63  }
0x76: {  	_ =	swait.ge [sflag:s31], $0x2000  }
0x77: {  	[sflag:s31] =	ssyncset.done $0x0  }
0x78: {  	[sflag:s31] =	ssyncadd.s32 $0xFFFFE000  }
0x79: {  	_ =	swait.ge [sflag:s0], $0x2000  }
0x7a: {  	[sflag:s0] =	ssyncset.done $0x0  }
0x7b: {  	s8 =	sadd.s32 $0x1480, s7;
	[sflag:s0] =	ssyncadd.s32 $0xFFFFE000  }
0x7c: {  	[spmem:s2] =	stream.indirect.scatter.add.f32 [tilespmem:s23], [sflag:$0x5], $0x80, s8, s22, $0xb8;
	[tilespmem:$0x1E080] =	vst v63  }
.Ltmp1:
0x7d: {  	_ =	swait.ge [sflag:s18], $0x4000;
	(pc) =	sbr.rel @p1 .LBB2_4-.Ltmp1, $4  }
0x7e: {  	[sflag:s18] =	ssyncset.done $0x0  }
0x7f: {  	s8 =	sadd.s32 $0x180, s7;
	[sflag:s18] =	ssyncadd.s32 $0xFFFFC000  }
0x80: {  	[tilespmem:s23], [sflag:$0x3] =	stream.indirect.gather [hbm4b:s1+s20], $0x80, s8, s20, $0xb8;
	[tilespmem:$0x1E080] =	vst v63  }
0x81: {  	s7 =	sadd.s32 $0x1C0, s7  }
0x82: {  	[tilespmem:s28], [sflag:$0x4] =	stream.indirect.gather [hbm4b:s1+s20], $0x80, s7, s20, $0xb8;
	[tilespmem:$0x1E080] =	vst v63  }
0x83: {  	_ =	swait.ge [sflag:s29], $0x2000  }
0x84: {  	[sflag:s29] =	ssyncset.done $0x0  }
0x85: {  	[sflag:s29] =	ssyncadd.s32 $0xFFFFE000  }
0x86: {  	_ =	swait.ge [sflag:s30], $0x2000  }
0x87: {  	[sflag:s30] =	ssyncset.done $0x0  }
0x88: {  	[sflag:s30] =	ssyncadd.s32 $0xFFFFE000  }
0x89: {  	[spmem:s2] =	stream.indirect.scatter.add.f32 [tilespmem:s17], [sflag:$0x5], $0x80, s3, s22, $0xb8;
	[tilespmem:$0x1E080] =	vst v63  }
0x8a: {  	_ =	swait.ge [sflag:s18], $0x4000  }
0x8b: {  	[sflag:s18] =	ssyncset.done $0x0  }
0x8c: {  	[sflag:s18] =	ssyncadd.s32 $0xFFFFC000  }
0x8d: {  	_ =	swait.ge [sflag:s31], $0x2000  }
0x8e: {  	[sflag:s31] =	ssyncset.done $0x0  }
0x8f: {  	[sflag:s31] =	ssyncadd.s32 $0xFFFFE000  }
0x90: {  	_ =	swait.ge [sflag:s0], $0x2000  }
0x91: {  	[sflag:s0] =	ssyncset.done $0x0  }
0x92: {  	[sflag:s0] =	ssyncadd.s32 $0xFFFFE000  }
0x93: {  	[spmem:s2] =	stream.indirect.scatter.add.f32 [tilespmem:s23], [sflag:$0x5], $0x80, s5, s22, $0xb8;
	[tilespmem:$0x1E080] =	vst v63  }
0x94: {  	_ =	swait.ge [sflag:s18], $0x4000  }
0x95: {  	[sflag:s18] =	ssyncset.done $0x0  }
0x96: {  	s6 =	simm.s32 $0x0;
	s8 =	rddreg [dreg:$0x6];
	[sflag:s18] =	ssyncadd.s32 $0xFFFFC000  }
0x97: {  	[tilespmem:s6], [sflag:$0x5] =	stream.linear.gather [hbm4b:s8+s6], $0x1400, $0x38;
	[tilespmem:$0x1E080] =	vst v63  }
0x98: {  	_ =	swait.ge [sflag:s18], $0x1400  }
0x99: {  	[sflag:s18] =	ssyncset.done $0x0  }
0x9a: {  	s8 =	rddreg [dreg:$0x7];
	[sflag:s18] =	ssyncadd.s32 $0xFFFFEC00  }
0x9b: {  	[tilespmem:s19], [sflag:$0x5] =	stream.linear.gather [hbm4b:s8+s6], $0x1400, $0x38;
	[tilespmem:$0x1E080] =	vst v63  }
0x9c: {  	_ =	swait.ge [sflag:s18], $0x1400  }
0x9d: {  	[sflag:s18] =	ssyncset.done $0x0  }
0x9e: {  	[sflag:s18] =	ssyncadd.s32 $0xFFFFEC00  }
0x9f: {  	[tilespmem:s17], [sflag:$0x1] =	stream.indirect.gather [hbm4b:s1+s20], $0x80, s6, s20, $0xb8;
	[tilespmem:$0x1E080] =	vst v63  }
0xa0: {  	_ = 	snop  }
0xa1: {  	[tilespmem:s21], [sflag:$0x2] =	stream.indirect.gather [hbm4b:s1+s20], $0x80, s20, s20, $0xb8;
	[tilespmem:$0x1E080] =	vst v63  }
0xa2: {  	_ = 	snop  }
0xa3: {  	[tilespmem:s23], [sflag:$0x3] =	stream.indirect.gather [hbm4b:s1+s20], $0x80, s22, s20, $0xb8;
	[tilespmem:$0x1E080] =	vst v63  }
0xa4: {  	_ = 	snop  }
0xa5: {  	[tilespmem:s28], [sflag:$0x4] =	stream.indirect.gather [hbm4b:s1+s20], $0x80, s26, s20, $0xb8;
	[tilespmem:$0x1E080] =	vst v63  }
0xa6: {  	_ =	swait.ge [sflag:s29], $0x2000  }
0xa7: {  	[sflag:s29] =	ssyncset.done $0x0  }
0xa8: {  	[sflag:s29] =	ssyncadd.s32 $0xFFFFE000  }
0xa9: {  	_ =	swait.ge [sflag:s30], $0x2000  }
0xaa: {  	[sflag:s30] =	ssyncset.done $0x0  }
0xab: {  	s8 =	simm.s32 $0x1400;
	[sflag:s30] =	ssyncadd.s32 $0xFFFFE000  }
0xac: {  	[spmem:s2] =	stream.indirect.scatter.add.f32 [tilespmem:s17], [sflag:$0x5], $0x80, s8, s22, $0xb8;
	[tilespmem:$0x1E080] =	vst v63  }
0xad: {  	_ =	swait.ge [sflag:s18], $0x4000  }
0xae: {  	[sflag:s18] =	ssyncset.done $0x0  }
0xaf: {  	s7 =	simm.s32 $0x100;
	[sflag:s18] =	ssyncadd.s32 $0xFFFFC000  }
0xb0: {  	[tilespmem:s17], [sflag:$0x1] =	stream.indirect.gather [hbm4b:s1+s20], $0x80, s7, s20, $0xb8;
	[tilespmem:$0x1E080] =	vst v63  }
0xb1: {  	s8 =	simm.s32 $0x140  }
0xb2: {  	[tilespmem:s21], [sflag:$0x2] =	stream.indirect.gather [hbm4b:s1+s20], $0x80, s8, s20, $0xb8;
	[tilespmem:$0x1E080] =	vst v63  }
0xb3: {  	_ =	swait.ge [sflag:s31], $0x2000  }
0xb4: {  	[sflag:s31] =	ssyncset.done $0x0  }
0xb5: {  	[sflag:s31] =	ssyncadd.s32 $0xFFFFE000  }
0xb6: {  	_ =	swait.ge [sflag:s0], $0x2000  }
0xb7: {  	[sflag:s0] =	ssyncset.done $0x0  }
0xb8: {  	s7 =	simm.s32 $0x1480;
	[sflag:s0] =	ssyncadd.s32 $0xFFFFE000  }
0xb9: {  	[spmem:s2] =	stream.indirect.scatter.add.f32 [tilespmem:s23], [sflag:$0x5], $0x80, s7, s22, $0xb8;
	[tilespmem:$0x1E080] =	vst v63  }
0xba: {  	_ =	swait.ge [sflag:s18], $0x4000  }
0xbb: {  	s6 =	simm.s32 $0x400;
	[sflag:s18] =	ssyncset.done $0x0  }
0xbc: {  	s8 =	simm.s32 $0x180;
	s7 =	simm.s32 $0x1C0;
	[sflag:s18] =	ssyncadd.s32 $0xFFFFC000  }
0xbd: {  	[tilespmem:s23], [sflag:$0x3] =	stream.indirect.gather [hbm4b:s1+s20], $0x80, s8, s20, $0xb8;
	[tilespmem:$0x1E080] =	vst v63  }
.LBB2_6:
0xbe: {  	[tilespmem:s28], [sflag:$0x4] =	stream.indirect.gather [hbm4b:s1+s20], $0x80, s7, s20, $0xb8;
	[tilespmem:$0x1E080] =	vst v63  }
0xbf: {  	s7 =	smov.u32 s6  }
0xc0: {  	p1 =	sne.s32 s6, $0x4800;
	s6 =	sadd.s32 $0x400, s6;
	_ =	swait.ge [sflag:s29], $0x2000  }
0xc1: {  	[sflag:s29] =	ssyncset.done $0x0  }
0xc2: {  	[sflag:s29] =	ssyncadd.s32 $0xFFFFE000  }
0xc3: {  	_ =	swait.ge [sflag:s30], $0x2000  }
0xc4: {  	s7 =	sshra.s32 s7, $0x2;
	[sflag:s30] =	ssyncset.done $0x0  }
0xc5: {  	s8 =	sadd.s32 $0x1400, s7;
	[sflag:s30] =	ssyncadd.s32 $0xFFFFE000  }
0xc6: {  	[spmem:s2] =	stream.indirect.scatter.add.f32 [tilespmem:s17], [sflag:$0x5], $0x80, s8, s22, $0xb8;
	[tilespmem:$0x1E080] =	vst v63  }
0xc7: {  	_ =	swait.ge [sflag:s18], $0x4000  }
0xc8: {  	[sflag:s18] =	ssyncset.done $0x0  }
0xc9: {  	s8 =	sadd.s32 $0x100, s7;
	[sflag:s18] =	ssyncadd.s32 $0xFFFFC000  }
0xca: {  	[tilespmem:s17], [sflag:$0x1] =	stream.indirect.gather [hbm4b:s1+s20], $0x80, s8, s20, $0xb8;
	[tilespmem:$0x1E080] =	vst v63  }
0xcb: {  	s8 =	sadd.s32 $0x140, s7  }
0xcc: {  	[tilespmem:s21], [sflag:$0x2] =	stream.indirect.gather [hbm4b:s1+s20], $0x80, s8, s20, $0xb8;
	[tilespmem:$0x1E080] =	vst v63  }
0xcd: {  	_ =	swait.ge [sflag:s31], $0x2000  }
0xce: {  	[sflag:s31] =	ssyncset.done $0x0  }
0xcf: {  	[sflag:s31] =	ssyncadd.s32 $0xFFFFE000  }
0xd0: {  	_ =	swait.ge [sflag:s0], $0x2000  }
0xd1: {  	[sflag:s0] =	ssyncset.done $0x0  }
0xd2: {  	s8 =	sadd.s32 $0x1480, s7;
	[sflag:s0] =	ssyncadd.s32 $0xFFFFE000  }
0xd3: {  	[spmem:s2] =	stream.indirect.scatter.add.f32 [tilespmem:s23], [sflag:$0x5], $0x80, s8, s22, $0xb8;
	[tilespmem:$0x1E080] =	vst v63  }
.Ltmp2:
0xd4: {  	_ =	swait.ge [sflag:s18], $0x4000;
	(pc) =	sbr.rel @p1 .LBB2_6-.Ltmp2, $4  }
0xd5: {  	[sflag:s18] =	ssyncset.done $0x0  }
0xd6: {  	s8 =	sadd.s32 $0x180, s7;
	[sflag:s18] =	ssyncadd.s32 $0xFFFFC000  }
0xd7: {  	[tilespmem:s23], [sflag:$0x3] =	stream.indirect.gather [hbm4b:s1+s20], $0x80, s8, s20, $0xb8;
	[tilespmem:$0x1E080] =	vst v63  }
0xd8: {  	s7 =	sadd.s32 $0x1C0, s7  }
0xd9: {  	[tilespmem:s28], [sflag:$0x4] =	stream.indirect.gather [hbm4b:s1+s20], $0x80, s7, s20, $0xb8;
	[tilespmem:$0x1E080] =	vst v63  }
0xda: {  	_ =	swait.ge [sflag:s29], $0x2000  }
0xdb: {  	[sflag:s29] =	ssyncset.done $0x0  }
0xdc: {  	[sflag:s29] =	ssyncadd.s32 $0xFFFFE000  }
0xdd: {  	_ =	swait.ge [sflag:s30], $0x2000  }
0xde: {  	[sflag:s30] =	ssyncset.done $0x0  }
0xdf: {  	[sflag:s30] =	ssyncadd.s32 $0xFFFFE000  }
0xe0: {  	[spmem:s2] =	stream.indirect.scatter.add.f32 [tilespmem:s17], [sflag:$0x5], $0x80, s3, s22, $0xb8;
	[tilespmem:$0x1E080] =	vst v63  }
0xe1: {  	_ =	swait.ge [sflag:s18], $0x4000  }
0xe2: {  	[sflag:s18] =	ssyncset.done $0x0  }
0xe3: {  	[sflag:s18] =	ssyncadd.s32 $0xFFFFC000  }
0xe4: {  	_ =	swait.ge [sflag:s31], $0x2000  }
0xe5: {  	[sflag:s31] =	ssyncset.done $0x0  }
0xe6: {  	[sflag:s31] =	ssyncadd.s32 $0xFFFFE000  }
0xe7: {  	_ =	swait.ge [sflag:s0], $0x2000  }
0xe8: {  	[sflag:s0] =	ssyncset.done $0x0  }
0xe9: {  	[sflag:s0] =	ssyncadd.s32 $0xFFFFE000  }
0xea: {  	[spmem:s2] =	stream.indirect.scatter.add.f32 [tilespmem:s23], [sflag:$0x5], $0x80, s5, s22, $0xb8;
	[tilespmem:$0x1E080] =	vst v63  }
0xeb: {  	_ =	swait.ge [sflag:s18], $0x4000  }
0xec: {  	[sflag:s18] =	ssyncset.done $0x0  }
0xed: {  	[sflag:s18] =	ssyncadd.s32 $0xFFFFC000  }
0xee: {  	s6 =	simm.s32 @p0 $0x1FC5;
	[bflag:$0x0] =	sbarrier.arrive $0xFFFF  }
0xef: {  	[hbm:s11], [sflag:s6] =	dma.local @p0 [spmem:s24], $0x2080  }
0xf0: {  	s6 =	simm.s32 @p0 $0x5  }
0xf1: {  	s7 =	stileid.u32;
	_ =	swait.ge @p0 [sflag:s6], $0x2080  }
0xf2: {  	s4 =	sadd.s32 $0x1, s4;
	s7 =	sshll.u32 @!p0 s7, $0x6;
	[sflag:s6] =	ssyncset.done @p0 $0x0  }
0xf3: {  	p1 =	sne.s32 s4, s12;
	[sflag:s6] =	ssyncadd.s32 @p0 $0xFFFFDF80;
	s6 =	sor.u32 @!p0 $0x1C05, s7  }
0xf4: {  	[hbm:s9], [sflag:s6] =	dma.local @!p0 [spmem:s25], $0x2780  }
.Ltmp3:
0xf5: {  	_ = 	snop;
	(pc) =	sbr.rel @p1 .LBB2_1-.Ltmp3, $4  }
0xf6: {  	s6 =	simm.s32 @!p0 $0x5  }
0xf7: {  	_ =	swait.ge @!p0 [sflag:s6], $0x2780  }
0xf8: {  	[sflag:s6] =	ssyncset.done @!p0 $0x0  }
0xf9: {  	[sflag:s6] =	ssyncadd.s32 @!p0 $0xFFFFD880  }
0xfa: {  	_ =	sfence.sel $0x180000  }
0xfb: {  	[bflag:$0x0] =	sbarrier.arrive $0xFFFF  }
0xfc: {  	_ =	strace $0x9000004A  }
0xfd: {  	s0 =	stileid.u32;
	[bflag:$0x2] =	sbarrier.arrive $0xFFFF  }
0xfe: {  	p0 =	sne.s32 s0, $0x0;
	s0 =	rddreg [dreg:$0x3]  }
0xff: {  	s0 =	sadd.s32 @!p0 $0x100000, s0  }
0x100: {  	[sflag:s0] =	ssyncadd.tile.s32 @!p0 $0x1;
	_ =	shalt  }
.Lfunc_end2:
_tile_overlayer_lowered:
.L_overlay_start_2:
0x101: {  	(tag) =	ssettag $0x2  }
0x102: {  	s0 =	rddreg [dreg:$0x0];
	s2 =	stileid.u32  }
0x103: {  	s1 =	rddreg [dreg:$0x1];
	p0 =	sne.s32 s2, $0x0  }
0x104: {  	s3 =	rddreg [dreg:$0x2];
	[bflag:$0x3] =	sbarrier.arrive $0xFFFF;
	s2 =	simm.s32 @!p0 $0x1C05  }
0x105: {  	[timem:s3], [sflag:s2] =	dma.local @!p0 [hbm:s0], s1  }
0x106: {  	s0 =	simm.s32 @!p0 $0x5  }
0x107: {  	_ =	swait.ge @!p0 [sflag:s0], s1  }
0x108: {  	s1 =	ssub.s32 @!p0 $0x0, s1;
	[sflag:s0] =	ssyncset.done @!p0 $0x0  }
0x109: {  	[sflag:s0] =	ssyncadd.s32 @!p0 s1  }
0x10a: {  	[bflag:$0x3] =	sbarrier.arrive $0xFFFF  }
0x10b: {  	_ =	shalt  }

// kernel: kernel.15.cloned.1.call-start
scs
__scs_entry_jumppad:
0x0: {  	(pc) =	sbr.rel $0x88, $3  }
0x1: {  	(tag) =	ssettag $0x0;
	lr =	simm.s32 $0x1  }
0x2: {  	[smem:$0x3F7D] =	sst lr;
	_ =	strace $0xD0000000  }
0x3: {  	_ = 	snop  }
0x4: {  	_ = 	snop  }
0x5: {  	_ = 	snop  }
0x6: {  	_ = 	snop  }
0x7: {  	_ = 	snop  }
__scs_overlays_trampoline_lowered:
0x8: {  	[smem:$0x3F8C] =	sst s0  }
0x9: {  	[smem:$0x3F8D] =	sst s1  }
0xa: {  	[smem:$0x3F8E] =	sst s2  }
0xb: {  	[smem:$0x3F8F] =	sst s3  }
0xc: {  	[smem:$0x3F90] =	sst s4  }
0xd: {  	[smem:$0x3F91] =	sst s5  }
0xe: {  	[smem:$0x3F92] =	sst s6  }
0xf: {  	[smem:$0x3F93] =	sst s7  }
0x10: {  	[smem:$0x3F94] =	sst s8  }
0x11: {  	[smem:$0x3F95] =	sst s9;
	s0 =	simm.s32 @!p0 $0x0  }
0x12: {  	s1 =	sld [smem:$0x3F7B];
	s0 =	simm.s32 @p0 $0x1  }
0x13: {  	[smem:$0x3F96] =	sst s0;
	s0 =	simm.s32 @!p1 $0x0  }
0x14: {  	s2 =	sld [smem:$0x3F7A];
	s0 =	simm.s32 @p1 $0x1  }
0x15: {  	[smem:$0x3F97] =	sst s0;
	s0 =	simm.s32 @!p2 $0x0  }
0x16: {  	s3 =	sld [smem:$0x3FDB];
	s0 =	simm.s32 @p2 $0x1  }
0x17: {  	s4 =	simm.s32 $0x1BF5;
	[smem:$0x3F99] =	sst s0  }
0x18: {  	s0 =	sld [smem:$0x3F7C];
	_ =	swait.ge [sflag:s4], $0x0  }
0x19: {  	s7 =	sld [smem:$0x3F7D]  }
0x1a: {  	s8 =	sadd.s32 $0xFFFFE003, lr  }
0x1b: {  	s9 =	sadd.s32 $0xFFFFFEF7, lr;
	s5 =	simm.s32 $0xFFFFFFFF;
	p2 =	slt.u32 s8, $0xFFFFF086  }
0x1c: {  	p1 =	slt.u32 s9, $0xF7A;
	s5 =	simm.s32 @!p2 $0x0  }
0x1d: {  	s5 =	simm.s32 @p1 $0x1;
	p0 =	seq.s32 s7, s2  }
0x1e: {  	s7 =	smul.u32 @!p0 $0xF7A, s2;
	p2 =	seq.s32 @!p0 s5, $0x0  }
0x1f: {  	s9 =	smul.u32 $0xF7A, s1;
	s8 =	simm.s32 @!p0 $0x1BF5;
	p2 =	por !p2, p0  }
0x20: {  	[sflag:s8] =	ssyncset.s32 @!p0 $0xFFFFF086;
	s6 =	sadd.s32 @!p0 s3, s7;
	s7 =	simm.s32 @!p0 $0x108  }
0x21: {  	s3 =	sadd.s32 s3, s9;
	s6 =	sadd.s32 @!p0 $0x88, s6;
	s7 =	simm.s32 @p2 $0x1082  }
0x22: {  	[simem:s7], [sflag:s8] =	dma.local @!p0 [hbm:s6], $0xF7A  }
0x23: {  	s9 =	sor.u32 $0xD0000000, s2;
	s6 =	simm.s32 $0x108;
	_ =	swait.ge @!p0 [sflag:s8], $0x0  }
0x24: {  	s3 =	sadd.s32 $0x88, s3;
	s6 =	simm.s32 @!p1 $0x1082;
	[sflag:s4] =	ssyncset.s32 $0xFFFFF086  }
0x25: {  	[simem:s6], [sflag:s4] =	dma.local [hbm:s3], $0xF7A  }
0x26: {  	[smem:$0x3F7D] =	sst s1;
	(tag) =	ssettag s2;
	_ =	strace s9  }
0x27: {  	s1 =	sld [smem:$0x3F8D]  }
0x28: {  	s2 =	sld [smem:$0x3F8E]  }
0x29: {  	s4 =	sld [smem:$0x3F90]  }
0x2a: {  	p0 =	seq.s32 s5, $0x0;
	s5 =	sld [smem:$0x3F91]  }
0x2b: {  	s6 =	sld [smem:$0x3F92]  }
0x2c: {  	s7 =	sld [smem:$0x3F93]  }
0x2d: {  	s3 =	simm.s32 $0x108;
	s8 =	sld [smem:$0x3F94]  }
0x2e: {  	s3 =	simm.s32 @!p0 $0x1082;
	s9 =	sld [smem:$0x3F95]  }
0x2f: {  	lr =	sadd.s32 s0, s3;
	s0 =	sld [smem:$0x3F8C]  }
0x30: {  	s3 =	sld [smem:$0x3F8F]  }
0x31: {  	[smem:$0x3F98] =	sst s10  }
0x32: {  	s10 =	sld [smem:$0x3F96];
	_ =	sdelay $0x3  }
0x33: {  	p0 =	seq.s32 s10, $0x1;
	s10 =	sld [smem:$0x3F98];
	_ =	sdelay $0x3  }
0x34: {  	[smem:$0x3F98] =	sst s10  }
0x35: {  	s10 =	sld [smem:$0x3F97];
	_ =	sdelay $0x3  }
0x36: {  	p1 =	seq.s32 s10, $0x1;
	s10 =	sld [smem:$0x3F98];
	_ =	sdelay $0x3  }
0x37: {  	[smem:$0x3F98] =	sst s10  }
0x38: {  	s10 =	sld [smem:$0x3F99]  }
0x39: {  	_ = 	snop;
	(pc) =	sbr.ind lr, $3  }
0x3a: {  	_ = 	snop  }
0x3b: {  	_ = 	snop  }
0x3c: {  	p2 =	seq.s32 s10, $0x1;
	s10 =	sld [smem:$0x3F98]  }
0x3d: {  	_ =	shalt  }
0x3e: {  	_ =	shalt  }
0x3f: {  	_ =	shalt  }
0x40: {  	_ =	shalt  }
0x41: {  	_ =	shalt  }
0x42: {  	_ =	shalt  }
0x43: {  	_ =	shalt  }
0x44: {  	_ =	shalt  }
0x45: {  	_ =	shalt  }
0x46: {  	_ =	shalt  }
0x47: {  	_ =	shalt  }
0x48: {  	_ =	shalt  }
0x49: {  	_ =	shalt  }
0x4a: {  	_ =	shalt  }
0x4b: {  	_ =	shalt  }
0x4c: {  	_ =	shalt  }
0x4d: {  	_ =	shalt  }
0x4e: {  	_ =	shalt  }
0x4f: {  	_ =	shalt  }
0x50: {  	_ =	shalt  }
0x51: {  	_ =	shalt  }
0x52: {  	_ =	shalt  }
0x53: {  	_ =	shalt  }
0x54: {  	_ =	shalt  }
0x55: {  	_ =	shalt  }
0x56: {  	_ =	shalt  }
0x57: {  	_ =	shalt  }
0x58: {  	_ =	shalt  }
0x59: {  	_ =	shalt  }
0x5a: {  	_ =	shalt  }
0x5b: {  	_ =	shalt  }
0x5c: {  	_ =	shalt  }
0x5d: {  	_ =	shalt  }
0x5e: {  	_ =	shalt  }
0x5f: {  	_ =	shalt  }
0x60: {  	_ =	shalt  }
0x61: {  	_ =	shalt  }
0x62: {  	_ =	shalt  }
0x63: {  	_ =	shalt  }
0x64: {  	_ =	shalt  }
0x65: {  	_ =	shalt  }
0x66: {  	_ =	shalt  }
0x67: {  	_ =	shalt  }
0x68: {  	_ =	shalt  }
0x69: {  	_ =	shalt  }
0x6a: {  	_ =	shalt  }
0x6b: {  	_ =	shalt  }
0x6c: {  	_ =	shalt  }
0x6d: {  	_ =	shalt  }
0x6e: {  	_ =	shalt  }
0x6f: {  	_ =	shalt  }
0x70: {  	_ =	shalt  }
0x71: {  	_ =	shalt  }
0x72: {  	_ =	shalt  }
0x73: {  	_ =	shalt  }
0x74: {  	_ =	shalt  }
0x75: {  	_ =	shalt  }
0x76: {  	_ =	shalt  }
0x77: {  	_ =	shalt  }
0x78: {  	_ =	shalt  }
0x79: {  	_ =	shalt  }
0x7a: {  	_ =	shalt  }
0x7b: {  	_ =	shalt  }
0x7c: {  	_ =	shalt  }
0x7d: {  	_ =	shalt  }
0x7e: {  	_ =	shalt  }
0x7f: {  	_ =	shalt  }
0x80: {  	_ =	shalt  }
0x81: {  	_ =	shalt  }
0x82: {  	_ =	shalt  }
0x83: {  	_ =	shalt  }
0x84: {  	_ =	shalt  }
0x85: {  	_ =	shalt  }
0x86: {  	_ =	shalt  }
0x87: {  	_ =	shalt  }
.Lfunc_end0:
.L_simem_size_0:
called_computation.2_lowered:
.L_overlay_start_0:
0x88: {  	s2 =	sld [smem:$0x3FD9]  }
0x89: {  	s3 =	sld [smem:$0x3FFE];
	_ =	sdelay $0x1  }
0x8a: {  	s1 =	srdreg.scid  }
0x8b: {  	s0 =	sand.u32 $0x1, s1  }
0x8c: {  	s14 =	sshll.u32 s0, $0xA;
	s2 =	sadd.s32 s3, s2  }
0x8d: {  	s2 =	sadd.s32 s2, s14  }
0x8e: {  	[smem:$0x3FA4] =	sst s2  }
0x8f: {  	_ = 	snop  }
0x90: {  	s2 =	sld [smem:$0x3FD0];
	_ =	sdelay $0x2  }
0x91: {  	s15 =	simm.s32 $0xA;
	s4 =	simm.s32 $0x10  }
0x92: {  	[smem:s4], [sflag:s15] =	dma.local [hbm:s2], $0x1  }
0x93: {  	_ =	swait.eq [sflag:s15], $0x1  }
0x94: {  	[sflag:s15] =	ssyncset.done $0x0  }
0x95: {  	[sflag:s15] =	ssyncadd.s32 $0xFFFFFFFF  }
0x96: {  	s16 =	sld [smem:$0x10];
	(tm) =	ssettm $0x1  }
0x97: {  	s17 =	sld [smem:$0x3FFB];
	_ =	sdelay $0x3  }
0x98: {  	_ =	strace s17  }
0x99: {  	s3 =	sld [smem:$0x3FFC];
	_ =	sdelay $0x3  }
0x9a: {  	_ =	strace s3  }
0x9b: {  	s3 =	sld [smem:$0x3FFD];
	_ =	sdelay $0x3  }
0x9c: {  	_ =	strace s3  }
0x9d: {  	_ =	strace $0x8FFFFFFF  }
0x9e: {  	s18 =	sld [smem:$0x3FDB];
	_ =	sdelay $0x1  }
0x9f: {  	s19 =	simm.s32 $_scs_section_size  }
0xa0: {  	s5 =	simm.s32 $_size__tile_overlayer_lowered;
	s6 =	simm.s32 $_tile_overlayer_lowered  }
0xa1: {  	s22 =	simm.s32 $0x1BFF;
	s21 =	sshll.u32 s6, $0x1;
	s3 =	sadd.s32 s19, s18  }
0xa2: {  	s7 =	simm.s32 $0x0;
	s20 =	sshll.u32 s5, $0x1;
	s5 =	sadd.s32 s21, s3  }
0xa3: {  	[timem:s7], [sflag:s22] =	dma.local [hbm:s5], s20  }
0xa4: {  	_ =	swait.ge [sflag:s22], s20  }
0xa5: {  	s4 =	ssub.s32 $0x0, s20;
	[sflag:s22] =	ssyncset.done $0x0  }
0xa6: {  	[sflag:s22] =	ssyncadd.s32 s4;
	_ =	sdelay $0x1  }
0xa7: {  	s23 =	simm.s32 $0x1B8B  }
0xa8: {  	_ =	swait.ge [sflag:s23], $0x1  }
0xa9: {  	[sflag:s23] =	ssyncset.done $0x0  }
0xaa: {  	s25 =	simm.s32 $0x1B8E;
	s24 =	sld [smem:$0x3FFE];
	[sflag:s23] =	ssyncadd.s32 $0xFFFFFFFF  }
0xab: {  	s26 =	simm.s32 $execute0_lowered;
	[smem:$0x3FD2] =	sst s25  }
0xac: {  	s5 =	sshll.u32 s26, $0x1;
	_ =	strace $0x8000004C;
	[dreg:$0x1] =	wrdreg $0xFFFFFFFF  }
0xad: {  	s28 =	simm.s32 $_size_execute0_lowered;
	s3 =	sadd.s32 s3, s5;
	[dreg:$0x0] =	wrdreg $0x0  }
0xae: {  	s5 =	sshll.u32 s28, $0x1;
	[dreg:$0x2] =	wrdreg s3  }
0xaf: {  	[dreg:$0x3] =	wrdreg s5  }
0xb0: {  	[dreg:$0x4] =	wrdreg $0xC0  }
0xb1: {  	_ =	task [dreg:s7], $0x5FFFF  }
0xb2: {  	[dreg:$0x1] =	wrdreg $0xFFFFFFFF  }
0xb3: {  	[dreg:$0x0] =	wrdreg $0x60  }
0xb4: {  	[dreg:$0x2] =	wrdreg s16  }
0xb5: {  	[dreg:$0x3] =	wrdreg s24  }
0xb6: {  	[dreg:$0x4] =	wrdreg $0xA8000  }
0xb7: {  	[dreg:$0x5] =	wrdreg $0x9  }
0xb8: {  	_ =	task.clear_ibuf [dreg:s7], $0x6FFFF;
	_ =	strace $0x9000004C  }
0xb9: {  	s29 =	simm.s32 $0x9;
	_ =	strace $0x8000004E  }
0xba: {  	_ =	swait.ge [sflag:s29], $0x1  }
0xbb: {  	[sflag:s29] =	ssyncadd.s32 $0xFFFFFFFF  }
0xbc: {  	_ =	strace $0x9000004E  }
0xbd: {  	_ =	sfence  }
0xbe: {  	s30 =	sld [smem:$0x0];
	_ =	sdelay $0x2  }
0xbf: {  	s31 =	sshll.u32 s1, $0xD;
	s1 =	sshrl.u32 s1, $0x2  }
0xc0: {  	s3 =	sand.u32 $0x4000, s31;
	s1 =	sadd.s32 s1, s30  }
0xc1: {  	s0 =	sor.u32 s3, s0;
	s1 =	sshll.u32 s1, $0x11  }
0xc2: {  	s0 =	sor.u32 s1, s0  }
0xc3: {  	s0 =	sadd.s32 $0x8F2B, s0  }
0xc4: {  	[sflag:s0] =	ssyncadd.remote.s32 $0x1  }
0xc5: {  	_ =	sfence.sel $0xFFFF  }
0xc6: {  	[dreg:$0x0] =	wrdreg $0xFFFFFFFF;
	(pc) =	sbr.abs _section_cstart, $3  }
0xc7: {  	[dreg:$0x1] =	wrdreg $0xFFFFFFFF  }
0xc8: {  	_ =	task.clear_ibuf [dreg:s7], $0x2FFFF;
	_ =	strace $0x9FFFFFFF  }
0xc9: {  	(tm) =	ssettm $0x7FFFFFFF  }
tec
execute0_lowered:
.L_overlay_start_1:
0x0: {  	(tag) =	ssettag $0x1  }
0x1: {  	s1 =	rddreg [dreg:$0x0]  }
0x2: {  	s0 =	rddreg [dreg:$0x1]  }
0x3: {  	s2 =	rddreg [dreg:$0x2];
	s3 =	srdreg.scid  }
0x4: {  	s4 =	simm.s32 $0x0;
	s22 =	stileid.u32;
	s17 =	simm.s32 $0x2800  }
0x5: {  	s18 =	simm.s32 $0x5;
	s28 =	simm.s32 $0x8800;
	s29 =	simm.s32 $0x1  }
0x6: {  	s30 =	simm.s32 $0x2;
	s31 =	simm.s32 $0x3;
	s3 =	sand.u32 $0x1, s3  }
0x7: {  	[smem:$0x7FF] =	sst s4;
	s7 =	sadd.s32 $0xF800, s0;
	s11 =	smul.u32 $0x4F000, s22  }
0x8: {  	s9 =	sadd.s32 $0x5800, s0;
	s0 =	sadd.s32 $0x19800, s0;
	s13 =	smul.u32 $0x2780, s22  }
0x9: {  	s24 =	smul.u32 $0x4E200, s22;
	p0 =	seq.s32 s22, $0xF;
	s5 =	sshll.u32 s3, $0x4  }
0xa: {  	_ =	strace $0x8000004D;
	s8 =	ssub.s32 $0x2, s3;
	s19 =	smul.u32 $0x27100, s3  }
0xb: {  	s3 =	smul.u32 $0x138800, s3;
	s5 =	sor.u32 s22, s5;
	s10 =	sshrl.u32 s8, $0x1  }
0xc: {  	s23 =	sshrl.u32 s11, $0x2;
	s26 =	sshrl.u32 s24, $0x2;
	s6 =	smul.u32 $0x500, s5  }
0xd: {  	s22 =	simm.s32 $0x80;
	s5 =	smul.u32 $0x2800, s5;
	s12 =	ssub.s32 s8, s10  }
0xe: {  	s25 =	sadd.s32 s13, s19;
	s3 =	sshrl.u32 s3, $0x3;
	s10 =	sadd.s32 s26, s2  }
0xf: {  	s19 =	simm.s32 $0x1400;
	s26 =	simm.s32 $0xC0;
	s12 =	smax.u32 s12, $0x1  }
0x10: {  	s13 =	sadd.s32 $0x3E80, s10;
	s14 =	sadd.s32 $0x7D00, s10;
	s15 =	sadd.s32 $0xBB80, s10  }
0x11: {  	s16 =	sadd.s32 $0xFA00, s10;
	s20 =	sadd.s32 s7, s6;
	s5 =	sshrl.u32 s5, $0x3  }
0x12: {  	s6 =	sadd.s32 s9, s6;
	[dreg:$0x4] =	wrdreg s20;
	s5 =	sadd.s32 $0x280, s5  }
0x13: {  	[dreg:$0x5] =	wrdreg s6;
	s20 =	simm.s32 $0x40;
	s21 =	sadd.s32 s7, s5  }
0x14: {  	s5 =	sadd.s32 s9, s5;
	s9 =	sadd.s32 s0, s25;
	s7 =	sadd.s32 $0x128400, s2  }
0x15: {  	s0 =	sadd.s32 s0, s3;
	s3 =	simm.s32 $0x2700;
	[dreg:$0x6] =	wrdreg s21  }
0x16: {  	[dreg:$0x7] =	wrdreg s5;
	s5 =	sadd.s32 s23, s2;
	s11 =	sadd.s32 $0x25080, s0  }
0x17: {  	s21 =	simm.s32 $0x4800;
	s23 =	simm.s32 $0x6800;
	s24 =	sshrl.u32 @p0 s7, $0x3  }
0x18: {  	v0 =	vimm.f32 $0.0e+00;
	s0 =	simm.s32 $0x4;
	s25 =	sshrl.u32 @!p0 s5, $0x3;
	s5 =	simm.s32 $0x2780  }
.LBB2_1:
0x19: {  	s6 =	simm.s32 $0x0;
	s7 =	simm.s32 $0x200  }
.LBB2_2:
0x1a: {  	p1 =	sne.s32 s7, $0xF800;
	[tilespmem:s6+$0x2870] =	vst v0  }
0x1b: {  	[tilespmem:s6+$0x2800] =	vst v0  }
0x1c: {  	[tilespmem:s6+$0x2810] =	vst v0  }
.Ltmp0:
0x1d: {  	[tilespmem:s6+$0x2820] =	vst v0;
	(pc) =	sbr.rel @p1 .LBB2_2-.Ltmp0, $4  }
0x1e: {  	[tilespmem:s6+$0x2830] =	vst v0  }
0x1f: {  	[tilespmem:s6+$0x2840] =	vst v0  }
0x20: {  	[tilespmem:s6+$0x2850] =	vst v0  }
0x21: {  	[tilespmem:s6+$0x2860] =	vst v0;
	s6 =	sshra.s32 s7, $0x2;
	s7 =	sadd.s32 $0x200, s7  }
0x22: {  	[tilespmem:s6+$0x2870] =	vst v0  }
0x23: {  	[tilespmem:s6+$0x2800] =	vst v0  }
0x24: {  	[tilespmem:s6+$0x2810] =	vst v0  }
0x25: {  	[tilespmem:s6+$0x2820] =	vst v0  }
0x26: {  	[tilespmem:s6+$0x2830] =	vst v0  }
0x27: {  	[tilespmem:s6+$0x2840] =	vst v0  }
0x28: {  	[tilespmem:s6+$0x2850] =	vst v0  }
0x29: {  	[tilespmem:s6+$0x2860] =	vst v0  }
0x2a: {  	[spmem:s10] =	stream.linear.scatter [tilespmem:s17], [sflag:$0x5], $0x3E80, $0x38;
	[tilespmem:$0x1E080] =	vst v63  }
0x2b: {  	_ =	swait.ge [sflag:s18], $0x3E80  }
0x2c: {  	[sflag:s18] =	ssyncset.done $0x0  }
0x2d: {  	[sflag:s18] =	ssyncadd.s32 $0xFFFFC180  }
0x2e: {  	[spmem:s13] =	stream.linear.scatter [tilespmem:s17], [sflag:$0x5], $0x3E80, $0x38;
	[tilespmem:$0x1E080] =	vst v63  }
0x2f: {  	_ =	swait.ge [sflag:s18], $0x3E80  }
0x30: {  	[sflag:s18] =	ssyncset.done $0x0  }
0x31: {  	[sflag:s18] =	ssyncadd.s32 $0xFFFFC180  }
0x32: {  	[spmem:s14] =	stream.linear.scatter [tilespmem:s17], [sflag:$0x5], $0x3E80, $0x38;
	[tilespmem:$0x1E080] =	vst v63  }
0x33: {  	_ =	swait.ge [sflag:s18], $0x3E80  }
0x34: {  	[sflag:s18] =	ssyncset.done $0x0  }
0x35: {  	[sflag:s18] =	ssyncadd.s32 $0xFFFFC180  }
0x36: {  	[spmem:s15] =	stream.linear.scatter [tilespmem:s17], [sflag:$0x5], $0x3E80, $0x38;
	[tilespmem:$0x1E080] =	vst v63  }
0x37: {  	_ =	swait.ge [sflag:s18], $0x3E80  }
0x38: {  	[sflag:s18] =	ssyncset.done $0x0  }
0x39: {  	[sflag:s18] =	ssyncadd.s32 $0xFFFFC180  }
0x3a: {  	[spmem:s16] =	stream.linear.scatter [tilespmem:s17], [sflag:$0x5], $0x3E80, $0x38;
	[tilespmem:$0x1E080] =	vst v63  }
0x3b: {  	_ =	swait.ge [sflag:s18], $0x3E80  }
0x3c: {  	[sflag:s18] =	ssyncset.done $0x0  }
0x3d: {  	[sflag:s18] =	ssyncadd.s32 $0xFFFFC180  }
0x3e: {  	[bflag:$0x0] =	sbarrier.arrive $0xFFFF  }
0x3f: {  	s6 =	simm.s32 $0x0;
	s7 =	rddreg [dreg:$0x4]  }
0x40: {  	[tilespmem:s6], [sflag:$0x5] =	stream.linear.gather [hbm4b:s7+s6], $0x1400, $0x38;
	[tilespmem:$0x1E080] =	vst v63  }
0x41: {  	_ =	swait.ge [sflag:s18], $0x1400  }
0x42: {  	[sflag:s18] =	ssyncset.done $0x0  }
0x43: {  	s8 =	rddreg [dreg:$0x5];
	[sflag:s18] =	ssyncadd.s32 $0xFFFFEC00  }
0x44: {  	[tilespmem:s19], [sflag:$0x5] =	stream.linear.gather [hbm4b:s8+s6], $0x1400, $0x38;
	[tilespmem:$0x1E080] =	vst v63  }
0x45: {  	_ =	swait.ge [sflag:s18], $0x1400  }
0x46: {  	[sflag:s18] =	ssyncset.done $0x0  }
0x47: {  	[sflag:s18] =	ssyncadd.s32 $0xFFFFEC00  }
0x48: {  	[tilespmem:s17], [sflag:$0x1] =	stream.indirect.gather [hbm4b:s1+s20], $0x80, s6, s20, $0xb8;
	[tilespmem:$0x1E080] =	vst v63  }
0x49: {  	_ = 	snop  }
0x4a: {  	[tilespmem:s21], [sflag:$0x2] =	stream.indirect.gather [hbm4b:s1+s20], $0x80, s20, s20, $0xb8;
	[tilespmem:$0x1E080] =	vst v63  }
0x4b: {  	_ = 	snop  }
0x4c: {  	[tilespmem:s23], [sflag:$0x3] =	stream.indirect.gather [hbm4b:s1+s20], $0x80, s22, s20, $0xb8;
	[tilespmem:$0x1E080] =	vst v63  }
0x4d: {  	_ = 	snop  }
0x4e: {  	[tilespmem:s28], [sflag:$0x4] =	stream.indirect.gather [hbm4b:s1+s20], $0x80, s26, s20, $0xb8;
	[tilespmem:$0x1E080] =	vst v63  }
0x4f: {  	_ =	swait.ge [sflag:s29], $0x2000  }
0x50: {  	[sflag:s29] =	ssyncset.done $0x0  }
0x51: {  	[sflag:s29] =	ssyncadd.s32 $0xFFFFE000  }
0x52: {  	_ =	swait.ge [sflag:s30], $0x2000  }
0x53: {  	[sflag:s30] =	ssyncset.done $0x0  }
0x54: {  	s8 =	simm.s32 $0x1400;
	[sflag:s30] =	ssyncadd.s32 $0xFFFFE000  }
0x55: {  	[spmem:s2] =	stream.indirect.scatter.add.f32 [tilespmem:s17], [sflag:$0x5], $0x80, s8, s22, $0xb8;
	[tilespmem:$0x1E080] =	vst v63  }
0x56: {  	_ =	swait.ge [sflag:s18], $0x4000  }
0x57: {  	[sflag:s18] =	ssyncset.done $0x0  }
0x58: {  	s7 =	simm.s32 $0x100;
	[sflag:s18] =	ssyncadd.s32 $0xFFFFC000  }
0x59: {  	[tilespmem:s17], [sflag:$0x1] =	stream.indirect.gather [hbm4b:s1+s20], $0x80, s7, s20, $0xb8;
	[tilespmem:$0x1E080] =	vst v63  }
0x5a: {  	s8 =	simm.s32 $0x140  }
0x5b: {  	[tilespmem:s21], [sflag:$0x2] =	stream.indirect.gather [hbm4b:s1+s20], $0x80, s8, s20, $0xb8;
	[tilespmem:$0x1E080] =	vst v63  }
0x5c: {  	_ =	swait.ge [sflag:s31], $0x2000  }
0x5d: {  	[sflag:s31] =	ssyncset.done $0x0  }
0x5e: {  	[sflag:s31] =	ssyncadd.s32 $0xFFFFE000  }
0x5f: {  	_ =	swait.ge [sflag:s0], $0x2000  }
0x60: {  	[sflag:s0] =	ssyncset.done $0x0  }
0x61: {  	s7 =	simm.s32 $0x1480;
	[sflag:s0] =	ssyncadd.s32 $0xFFFFE000  }
0x62: {  	[spmem:s2] =	stream.indirect.scatter.add.f32 [tilespmem:s23], [sflag:$0x5], $0x80, s7, s22, $0xb8;
	[tilespmem:$0x1E080] =	vst v63  }
0x63: {  	_ =	swait.ge [sflag:s18], $0x4000  }
0x64: {  	s6 =	simm.s32 $0x400;
	[sflag:s18] =	ssyncset.done $0x0  }
0x65: {  	s8 =	simm.s32 $0x180;
	s7 =	simm.s32 $0x1C0;
	[sflag:s18] =	ssyncadd.s32 $0xFFFFC000  }
0x66: {  	[tilespmem:s23], [sflag:$0x3] =	stream.indirect.gather [hbm4b:s1+s20], $0x80, s8, s20, $0xb8;
	[tilespmem:$0x1E080] =	vst v63  }
.LBB2_4:
0x67: {  	[tilespmem:s28], [sflag:$0x4] =	stream.indirect.gather [hbm4b:s1+s20], $0x80, s7, s20, $0xb8;
	[tilespmem:$0x1E080] =	vst v63  }
0x68: {  	s7 =	smov.u32 s6  }
0x69: {  	p1 =	sne.s32 s6, $0x4800;
	s6 =	sadd.s32 $0x400, s6;
	_ =	swait.ge [sflag:s29], $0x2000  }
0x6a: {  	[sflag:s29] =	ssyncset.done $0x0  }
0x6b: {  	[sflag:s29] =	ssyncadd.s32 $0xFFFFE000  }
0x6c: {  	_ =	swait.ge [sflag:s30], $0x2000  }
0x6d: {  	s7 =	sshra.s32 s7, $0x2;
	[sflag:s30] =	ssyncset.done $0x0  }
0x6e: {  	s8 =	sadd.s32 $0x1400, s7;
	[sflag:s30] =	ssyncadd.s32 $0xFFFFE000  }
0x6f: {  	[spmem:s2] =	stream.indirect.scatter.add.f32 [tilespmem:s17], [sflag:$0x5], $0x80, s8, s22, $0xb8;
	[tilespmem:$0x1E080] =	vst v63  }
0x70: {  	_ =	swait.ge [sflag:s18], $0x4000  }
0x71: {  	[sflag:s18] =	ssyncset.done $0x0  }
0x72: {  	s8 =	sadd.s32 $0x100, s7;
	[sflag:s18] =	ssyncadd.s32 $0xFFFFC000  }
0x73: {  	[tilespmem:s17], [sflag:$0x1] =	stream.indirect.gather [hbm4b:s1+s20], $0x80, s8, s20, $0xb8;
	[tilespmem:$0x1E080] =	vst v63  }
0x74: {  	s8 =	sadd.s32 $0x140, s7  }
0x75: {  	[tilespmem:s21], [sflag:$0x2] =	stream.indirect.gather [hbm4b:s1+s20], $0x80, s8, s20, $0xb8;
	[tilespmem:$0x1E080] =	vst v63  }
0x76: {  	_ =	swait.ge [sflag:s31], $0x2000  }
0x77: {  	[sflag:s31] =	ssyncset.done $0x0  }
0x78: {  	[sflag:s31] =	ssyncadd.s32 $0xFFFFE000  }
0x79: {  	_ =	swait.ge [sflag:s0], $0x2000  }
0x7a: {  	[sflag:s0] =	ssyncset.done $0x0  }
0x7b: {  	s8 =	sadd.s32 $0x1480, s7;
	[sflag:s0] =	ssyncadd.s32 $0xFFFFE000  }
0x7c: {  	[spmem:s2] =	stream.indirect.scatter.add.f32 [tilespmem:s23], [sflag:$0x5], $0x80, s8, s22, $0xb8;
	[tilespmem:$0x1E080] =	vst v63  }
.Ltmp1:
0x7d: {  	_ =	swait.ge [sflag:s18], $0x4000;
	(pc) =	sbr.rel @p1 .LBB2_4-.Ltmp1, $4  }
0x7e: {  	[sflag:s18] =	ssyncset.done $0x0  }
0x7f: {  	s8 =	sadd.s32 $0x180, s7;
	[sflag:s18] =	ssyncadd.s32 $0xFFFFC000  }
0x80: {  	[tilespmem:s23], [sflag:$0x3] =	stream.indirect.gather [hbm4b:s1+s20], $0x80, s8, s20, $0xb8;
	[tilespmem:$0x1E080] =	vst v63  }
0x81: {  	s7 =	sadd.s32 $0x1C0, s7  }
0x82: {  	[tilespmem:s28], [sflag:$0x4] =	stream.indirect.gather [hbm4b:s1+s20], $0x80, s7, s20, $0xb8;
	[tilespmem:$0x1E080] =	vst v63  }
0x83: {  	_ =	swait.ge [sflag:s29], $0x2000  }
0x84: {  	[sflag:s29] =	ssyncset.done $0x0  }
0x85: {  	[sflag:s29] =	ssyncadd.s32 $0xFFFFE000  }
0x86: {  	_ =	swait.ge [sflag:s30], $0x2000  }
0x87: {  	[sflag:s30] =	ssyncset.done $0x0  }
0x88: {  	[sflag:s30] =	ssyncadd.s32 $0xFFFFE000  }
0x89: {  	[spmem:s2] =	stream.indirect.scatter.add.f32 [tilespmem:s17], [sflag:$0x5], $0x80, s3, s22, $0xb8;
	[tilespmem:$0x1E080] =	vst v63  }
0x8a: {  	_ =	swait.ge [sflag:s18], $0x4000  }
0x8b: {  	[sflag:s18] =	ssyncset.done $0x0  }
0x8c: {  	[sflag:s18] =	ssyncadd.s32 $0xFFFFC000  }
0x8d: {  	_ =	swait.ge [sflag:s31], $0x2000  }
0x8e: {  	[sflag:s31] =	ssyncset.done $0x0  }
0x8f: {  	[sflag:s31] =	ssyncadd.s32 $0xFFFFE000  }
0x90: {  	_ =	swait.ge [sflag:s0], $0x2000  }
0x91: {  	[sflag:s0] =	ssyncset.done $0x0  }
0x92: {  	[sflag:s0] =	ssyncadd.s32 $0xFFFFE000  }
0x93: {  	[spmem:s2] =	stream.indirect.scatter.add.f32 [tilespmem:s23], [sflag:$0x5], $0x80, s5, s22, $0xb8;
	[tilespmem:$0x1E080] =	vst v63  }
0x94: {  	_ =	swait.ge [sflag:s18], $0x4000  }
0x95: {  	[sflag:s18] =	ssyncset.done $0x0  }
0x96: {  	s6 =	simm.s32 $0x0;
	s8 =	rddreg [dreg:$0x6];
	[sflag:s18] =	ssyncadd.s32 $0xFFFFC000  }
0x97: {  	[tilespmem:s6], [sflag:$0x5] =	stream.linear.gather [hbm4b:s8+s6], $0x1400, $0x38;
	[tilespmem:$0x1E080] =	vst v63  }
0x98: {  	_ =	swait.ge [sflag:s18], $0x1400  }
0x99: {  	[sflag:s18] =	ssyncset.done $0x0  }
0x9a: {  	s8 =	rddreg [dreg:$0x7];
	[sflag:s18] =	ssyncadd.s32 $0xFFFFEC00  }
0x9b: {  	[tilespmem:s19], [sflag:$0x5] =	stream.linear.gather [hbm4b:s8+s6], $0x1400, $0x38;
	[tilespmem:$0x1E080] =	vst v63  }
0x9c: {  	_ =	swait.ge [sflag:s18], $0x1400  }
0x9d: {  	[sflag:s18] =	ssyncset.done $0x0  }
0x9e: {  	[sflag:s18] =	ssyncadd.s32 $0xFFFFEC00  }
0x9f: {  	[tilespmem:s17], [sflag:$0x1] =	stream.indirect.gather [hbm4b:s1+s20], $0x80, s6, s20, $0xb8;
	[tilespmem:$0x1E080] =	vst v63  }
0xa0: {  	_ = 	snop  }
0xa1: {  	[tilespmem:s21], [sflag:$0x2] =	stream.indirect.gather [hbm4b:s1+s20], $0x80, s20, s20, $0xb8;
	[tilespmem:$0x1E080] =	vst v63  }
0xa2: {  	_ = 	snop  }
0xa3: {  	[tilespmem:s23], [sflag:$0x3] =	stream.indirect.gather [hbm4b:s1+s20], $0x80, s22, s20, $0xb8;
	[tilespmem:$0x1E080] =	vst v63  }
0xa4: {  	_ = 	snop  }
0xa5: {  	[tilespmem:s28], [sflag:$0x4] =	stream.indirect.gather [hbm4b:s1+s20], $0x80, s26, s20, $0xb8;
	[tilespmem:$0x1E080] =	vst v63  }
0xa6: {  	_ =	swait.ge [sflag:s29], $0x2000  }
0xa7: {  	[sflag:s29] =	ssyncset.done $0x0  }
0xa8: {  	[sflag:s29] =	ssyncadd.s32 $0xFFFFE000  }
0xa9: {  	_ =	swait.ge [sflag:s30], $0x2000  }
0xaa: {  	[sflag:s30] =	ssyncset.done $0x0  }
0xab: {  	s8 =	simm.s32 $0x1400;
	[sflag:s30] =	ssyncadd.s32 $0xFFFFE000  }
0xac: {  	[spmem:s2] =	stream.indirect.scatter.add.f32 [tilespmem:s17], [sflag:$0x5], $0x80, s8, s22, $0xb8;
	[tilespmem:$0x1E080] =	vst v63  }
0xad: {  	_ =	swait.ge [sflag:s18], $0x4000  }
0xae: {  	[sflag:s18] =	ssyncset.done $0x0  }
0xaf: {  	s7 =	simm.s32 $0x100;
	[sflag:s18] =	ssyncadd.s32 $0xFFFFC000  }
0xb0: {  	[tilespmem:s17], [sflag:$0x1] =	stream.indirect.gather [hbm4b:s1+s20], $0x80, s7, s20, $0xb8;
	[tilespmem:$0x1E080] =	vst v63  }
0xb1: {  	s8 =	simm.s32 $0x140  }
0xb2: {  	[tilespmem:s21], [sflag:$0x2] =	stream.indirect.gather [hbm4b:s1+s20], $0x80, s8, s20, $0xb8;
	[tilespmem:$0x1E080] =	vst v63  }
0xb3: {  	_ =	swait.ge [sflag:s31], $0x2000  }
0xb4: {  	[sflag:s31] =	ssyncset.done $0x0  }
0xb5: {  	[sflag:s31] =	ssyncadd.s32 $0xFFFFE000  }
0xb6: {  	_ =	swait.ge [sflag:s0], $0x2000  }
0xb7: {  	[sflag:s0] =	ssyncset.done $0x0  }
0xb8: {  	s7 =	simm.s32 $0x1480;
	[sflag:s0] =	ssyncadd.s32 $0xFFFFE000  }
0xb9: {  	[spmem:s2] =	stream.indirect.scatter.add.f32 [tilespmem:s23], [sflag:$0x5], $0x80, s7, s22, $0xb8;
	[tilespmem:$0x1E080] =	vst v63  }
0xba: {  	_ =	swait.ge [sflag:s18], $0x4000  }
0xbb: {  	s6 =	simm.s32 $0x400;
	[sflag:s18] =	ssyncset.done $0x0  }
0xbc: {  	s8 =	simm.s32 $0x180;
	s7 =	simm.s32 $0x1C0;
	[sflag:s18] =	ssyncadd.s32 $0xFFFFC000  }
0xbd: {  	[tilespmem:s23], [sflag:$0x3] =	stream.indirect.gather [hbm4b:s1+s20], $0x80, s8, s20, $0xb8;
	[tilespmem:$0x1E080] =	vst v63  }
.LBB2_6:
0xbe: {  	[tilespmem:s28], [sflag:$0x4] =	stream.indirect.gather [hbm4b:s1+s20], $0x80, s7, s20, $0xb8;
	[tilespmem:$0x1E080] =	vst v63  }
0xbf: {  	s7 =	smov.u32 s6  }
0xc0: {  	p1 =	sne.s32 s6, $0x4800;
	s6 =	sadd.s32 $0x400, s6;
	_ =	swait.ge [sflag:s29], $0x2000  }
0xc1: {  	[sflag:s29] =	ssyncset.done $0x0  }
0xc2: {  	[sflag:s29] =	ssyncadd.s32 $0xFFFFE000  }
0xc3: {  	_ =	swait.ge [sflag:s30], $0x2000  }
0xc4: {  	s7 =	sshra.s32 s7, $0x2;
	[sflag:s30] =	ssyncset.done $0x0  }
0xc5: {  	s8 =	sadd.s32 $0x1400, s7;
	[sflag:s30] =	ssyncadd.s32 $0xFFFFE000  }
0xc6: {  	[spmem:s2] =	stream.indirect.scatter.add.f32 [tilespmem:s17], [sflag:$0x5], $0x80, s8, s22, $0xb8;
	[tilespmem:$0x1E080] =	vst v63  }
0xc7: {  	_ =	swait.ge [sflag:s18], $0x4000  }
0xc8: {  	[sflag:s18] =	ssyncset.done $0x0  }
0xc9: {  	s8 =	sadd.s32 $0x100, s7;
	[sflag:s18] =	ssyncadd.s32 $0xFFFFC000  }
0xca: {  	[tilespmem:s17], [sflag:$0x1] =	stream.indirect.gather [hbm4b:s1+s20], $0x80, s8, s20, $0xb8;
	[tilespmem:$0x1E080] =	vst v63  }
0xcb: {  	s8 =	sadd.s32 $0x140, s7  }
0xcc: {  	[tilespmem:s21], [sflag:$0x2] =	stream.indirect.gather [hbm4b:s1+s20], $0x80, s8, s20, $0xb8;
	[tilespmem:$0x1E080] =	vst v63  }
0xcd: {  	_ =	swait.ge [sflag:s31], $0x2000  }
0xce: {  	[sflag:s31] =	ssyncset.done $0x0  }
0xcf: {  	[sflag:s31] =	ssyncadd.s32 $0xFFFFE000  }
0xd0: {  	_ =	swait.ge [sflag:s0], $0x2000  }
0xd1: {  	[sflag:s0] =	ssyncset.done $0x0  }
0xd2: {  	s8 =	sadd.s32 $0x1480, s7;
	[sflag:s0] =	ssyncadd.s32 $0xFFFFE000  }
0xd3: {  	[spmem:s2] =	stream.indirect.scatter.add.f32 [tilespmem:s23], [sflag:$0x5], $0x80, s8, s22, $0xb8;
	[tilespmem:$0x1E080] =	vst v63  }
.Ltmp2:
0xd4: {  	_ =	swait.ge [sflag:s18], $0x4000;
	(pc) =	sbr.rel @p1 .LBB2_6-.Ltmp2, $4  }
0xd5: {  	[sflag:s18] =	ssyncset.done $0x0  }
0xd6: {  	s8 =	sadd.s32 $0x180, s7;
	[sflag:s18] =	ssyncadd.s32 $0xFFFFC000  }
0xd7: {  	[tilespmem:s23], [sflag:$0x3] =	stream.indirect.gather [hbm4b:s1+s20], $0x80, s8, s20, $0xb8;
	[tilespmem:$0x1E080] =	vst v63  }
0xd8: {  	s7 =	sadd.s32 $0x1C0, s7  }
0xd9: {  	[tilespmem:s28], [sflag:$0x4] =	stream.indirect.gather [hbm4b:s1+s20], $0x80, s7, s20, $0xb8;
	[tilespmem:$0x1E080] =	vst v63  }
0xda: {  	_ =	swait.ge [sflag:s29], $0x2000  }
0xdb: {  	[sflag:s29] =	ssyncset.done $0x0  }
0xdc: {  	[sflag:s29] =	ssyncadd.s32 $0xFFFFE000  }
0xdd: {  	_ =	swait.ge [sflag:s30], $0x2000  }
0xde: {  	[sflag:s30] =	ssyncset.done $0x0  }
0xdf: {  	[sflag:s30] =	ssyncadd.s32 $0xFFFFE000  }
0xe0: {  	[spmem:s2] =	stream.indirect.scatter.add.f32 [tilespmem:s17], [sflag:$0x5], $0x80, s3, s22, $0xb8;
	[tilespmem:$0x1E080] =	vst v63  }
0xe1: {  	_ =	swait.ge [sflag:s18], $0x4000  }
0xe2: {  	[sflag:s18] =	ssyncset.done $0x0  }
0xe3: {  	[sflag:s18] =	ssyncadd.s32 $0xFFFFC000  }
0xe4: {  	_ =	swait.ge [sflag:s31], $0x2000  }
0xe5: {  	[sflag:s31] =	ssyncset.done $0x0  }
0xe6: {  	[sflag:s31] =	ssyncadd.s32 $0xFFFFE000  }
0xe7: {  	_ =	swait.ge [sflag:s0], $0x2000  }
0xe8: {  	[sflag:s0] =	ssyncset.done $0x0  }
0xe9: {  	[sflag:s0] =	ssyncadd.s32 $0xFFFFE000  }
0xea: {  	[spmem:s2] =	stream.indirect.scatter.add.f32 [tilespmem:s23], [sflag:$0x5], $0x80, s5, s22, $0xb8;
	[tilespmem:$0x1E080] =	vst v63  }
0xeb: {  	_ =	swait.ge [sflag:s18], $0x4000  }
0xec: {  	[sflag:s18] =	ssyncset.done $0x0  }
0xed: {  	[sflag:s18] =	ssyncadd.s32 $0xFFFFC000  }
0xee: {  	s6 =	simm.s32 @p0 $0x1FC5;
	[bflag:$0x0] =	sbarrier.arrive $0xFFFF  }
0xef: {  	[hbm:s11], [sflag:s6] =	dma.local @p0 [spmem:s24], $0x2080  }
0xf0: {  	s6 =	simm.s32 @p0 $0x5  }
0xf1: {  	s7 =	stileid.u32;
	_ =	swait.ge @p0 [sflag:s6], $0x2080  }
0xf2: {  	s4 =	sadd.s32 $0x1, s4;
	s7 =	sshll.u32 @!p0 s7, $0x6;
	[sflag:s6] =	ssyncset.done @p0 $0x0  }
0xf3: {  	p1 =	sne.s32 s4, s12;
	[sflag:s6] =	ssyncadd.s32 @p0 $0xFFFFDF80;
	s6 =	sor.u32 @!p0 $0x1C05, s7  }
0xf4: {  	[hbm:s9], [sflag:s6] =	dma.local @!p0 [spmem:s25], $0x2780  }
.Ltmp3:
0xf5: {  	_ = 	snop;
	(pc) =	sbr.rel @p1 .LBB2_1-.Ltmp3, $4  }
0xf6: {  	s6 =	simm.s32 @!p0 $0x5  }
0xf7: {  	_ =	swait.ge @!p0 [sflag:s6], $0x2780  }
0xf8: {  	[sflag:s6] =	ssyncset.done @!p0 $0x0  }
0xf9: {  	[sflag:s6] =	ssyncadd.s32 @!p0 $0xFFFFD880  }
0xfa: {  	_ =	sfence.sel $0x180000  }
0xfb: {  	[bflag:$0x0] =	sbarrier.arrive $0xFFFF  }
0xfc: {  	_ =	strace $0x9000004D  }
0xfd: {  	s0 =	stileid.u32;
	[bflag:$0x2] =	sbarrier.arrive $0xFFFF  }
0xfe: {  	p0 =	sne.s32 s0, $0x0;
	s0 =	rddreg [dreg:$0x3]  }
0xff: {  	s0 =	sadd.s32 @!p0 $0x100000, s0  }
0x100: {  	[sflag:s0] =	ssyncadd.tile.s32 @!p0 $0x1;
	_ =	shalt  }
.Lfunc_end2:
_tile_overlayer_lowered:
.L_overlay_start_2:
0x101: {  	(tag) =	ssettag $0x2  }
0x102: {  	s0 =	rddreg [dreg:$0x0];
	s2 =	stileid.u32  }
0x103: {  	s1 =	rddreg [dreg:$0x1];
	p0 =	sne.s32 s2, $0x0  }
0x104: {  	s3 =	rddreg [dreg:$0x2];
	[bflag:$0x3] =	sbarrier.arrive $0xFFFF;
	s2 =	simm.s32 @!p0 $0x1C05  }
0x105: {  	[timem:s3], [sflag:s2] =	dma.local @!p0 [hbm:s0], s1  }
0x106: {  	s0 =	simm.s32 @!p0 $0x5  }
0x107: {  	_ =	swait.ge @!p0 [sflag:s0], s1  }
0x108: {  	s1 =	ssub.s32 @!p0 $0x0, s1;
	[sflag:s0] =	ssyncset.done @!p0 $0x0  }
0x109: {  	[sflag:s0] =	ssyncadd.s32 @!p0 s1  }
0x10a: {  	[bflag:$0x3] =	sbarrier.arrive $0xFFFF  }
0x10b: {  	_ =	shalt  }

// kernel: kernel.9.cloned.1.call-start
scs
__scs_entry_jumppad:
0x0: {  	(pc) =	sbr.rel $0x88, $3  }
0x1: {  	(tag) =	ssettag $0x0;
	lr =	simm.s32 $0x1  }
0x2: {  	[smem:$0x3F7D] =	sst lr;
	_ =	strace $0xD0000000  }
0x3: {  	_ = 	snop  }
0x4: {  	_ = 	snop  }
0x5: {  	_ = 	snop  }
0x6: {  	_ = 	snop  }
0x7: {  	_ = 	snop  }
__scs_overlays_trampoline_lowered:
0x8: {  	[smem:$0x3F8C] =	sst s0  }
0x9: {  	[smem:$0x3F8D] =	sst s1  }
0xa: {  	[smem:$0x3F8E] =	sst s2  }
0xb: {  	[smem:$0x3F8F] =	sst s3  }
0xc: {  	[smem:$0x3F90] =	sst s4  }
0xd: {  	[smem:$0x3F91] =	sst s5  }
0xe: {  	[smem:$0x3F92] =	sst s6  }
0xf: {  	[smem:$0x3F93] =	sst s7  }
0x10: {  	[smem:$0x3F94] =	sst s8  }
0x11: {  	[smem:$0x3F95] =	sst s9;
	s0 =	simm.s32 @!p0 $0x0  }
0x12: {  	s1 =	sld [smem:$0x3F7B];
	s0 =	simm.s32 @p0 $0x1  }
0x13: {  	[smem:$0x3F96] =	sst s0;
	s0 =	simm.s32 @!p1 $0x0  }
0x14: {  	s2 =	sld [smem:$0x3F7A];
	s0 =	simm.s32 @p1 $0x1  }
0x15: {  	[smem:$0x3F97] =	sst s0;
	s0 =	simm.s32 @!p2 $0x0  }
0x16: {  	s3 =	sld [smem:$0x3FDB];
	s0 =	simm.s32 @p2 $0x1  }
0x17: {  	s4 =	simm.s32 $0x1BF5;
	[smem:$0x3F99] =	sst s0  }
0x18: {  	s0 =	sld [smem:$0x3F7C];
	_ =	swait.ge [sflag:s4], $0x0  }
0x19: {  	s7 =	sld [smem:$0x3F7D]  }
0x1a: {  	s8 =	sadd.s32 $0xFFFFE003, lr  }
0x1b: {  	s9 =	sadd.s32 $0xFFFFFEF7, lr;
	s5 =	simm.s32 $0xFFFFFFFF;
	p2 =	slt.u32 s8, $0xFFFFF086  }
0x1c: {  	p1 =	slt.u32 s9, $0xF7A;
	s5 =	simm.s32 @!p2 $0x0  }
0x1d: {  	s5 =	simm.s32 @p1 $0x1;
	p0 =	seq.s32 s7, s2  }
0x1e: {  	s7 =	smul.u32 @!p0 $0xF7A, s2;
	p2 =	seq.s32 @!p0 s5, $0x0  }
0x1f: {  	s9 =	smul.u32 $0xF7A, s1;
	s8 =	simm.s32 @!p0 $0x1BF5;
	p2 =	por !p2, p0  }
0x20: {  	[sflag:s8] =	ssyncset.s32 @!p0 $0xFFFFF086;
	s6 =	sadd.s32 @!p0 s3, s7;
	s7 =	simm.s32 @!p0 $0x108  }
0x21: {  	s3 =	sadd.s32 s3, s9;
	s6 =	sadd.s32 @!p0 $0x88, s6;
	s7 =	simm.s32 @p2 $0x1082  }
0x22: {  	[simem:s7], [sflag:s8] =	dma.local @!p0 [hbm:s6], $0xF7A  }
0x23: {  	s9 =	sor.u32 $0xD0000000, s2;
	s6 =	simm.s32 $0x108;
	_ =	swait.ge @!p0 [sflag:s8], $0x0  }
0x24: {  	s3 =	sadd.s32 $0x88, s3;
	s6 =	simm.s32 @!p1 $0x1082;
	[sflag:s4] =	ssyncset.s32 $0xFFFFF086  }
0x25: {  	[simem:s6], [sflag:s4] =	dma.local [hbm:s3], $0xF7A  }
0x26: {  	[smem:$0x3F7D] =	sst s1;
	(tag) =	ssettag s2;
	_ =	strace s9  }
0x27: {  	s1 =	sld [smem:$0x3F8D]  }
0x28: {  	s2 =	sld [smem:$0x3F8E]  }
0x29: {  	s4 =	sld [smem:$0x3F90]  }
0x2a: {  	p0 =	seq.s32 s5, $0x0;
	s5 =	sld [smem:$0x3F91]  }
0x2b: {  	s6 =	sld [smem:$0x3F92]  }
0x2c: {  	s7 =	sld [smem:$0x3F93]  }
0x2d: {  	s3 =	simm.s32 $0x108;
	s8 =	sld [smem:$0x3F94]  }
0x2e: {  	s3 =	simm.s32 @!p0 $0x1082;
	s9 =	sld [smem:$0x3F95]  }
0x2f: {  	lr =	sadd.s32 s0, s3;
	s0 =	sld [smem:$0x3F8C]  }
0x30: {  	s3 =	sld [smem:$0x3F8F]  }
0x31: {  	[smem:$0x3F98] =	sst s10  }
0x32: {  	s10 =	sld [smem:$0x3F96];
	_ =	sdelay $0x3  }
0x33: {  	p0 =	seq.s32 s10, $0x1;
	s10 =	sld [smem:$0x3F98];
	_ =	sdelay $0x3  }
0x34: {  	[smem:$0x3F98] =	sst s10  }
0x35: {  	s10 =	sld [smem:$0x3F97];
	_ =	sdelay $0x3  }
0x36: {  	p1 =	seq.s32 s10, $0x1;
	s10 =	sld [smem:$0x3F98];
	_ =	sdelay $0x3  }
0x37: {  	[smem:$0x3F98] =	sst s10  }
0x38: {  	s10 =	sld [smem:$0x3F99]  }
0x39: {  	_ = 	snop;
	(pc) =	sbr.ind lr, $3  }
0x3a: {  	_ = 	snop  }
0x3b: {  	_ = 	snop  }
0x3c: {  	p2 =	seq.s32 s10, $0x1;
	s10 =	sld [smem:$0x3F98]  }
0x3d: {  	_ =	shalt  }
0x3e: {  	_ =	shalt  }
0x3f: {  	_ =	shalt  }
0x40: {  	_ =	shalt  }
0x41: {  	_ =	shalt  }
0x42: {  	_ =	shalt  }
0x43: {  	_ =	shalt  }
0x44: {  	_ =	shalt  }
0x45: {  	_ =	shalt  }
0x46: {  	_ =	shalt  }
0x47: {  	_ =	shalt  }
0x48: {  	_ =	shalt  }
0x49: {  	_ =	shalt  }
0x4a: {  	_ =	shalt  }
0x4b: {  	_ =	shalt  }
0x4c: {  	_ =	shalt  }
0x4d: {  	_ =	shalt  }
0x4e: {  	_ =	shalt  }
0x4f: {  	_ =	shalt  }
0x50: {  	_ =	shalt  }
0x51: {  	_ =	shalt  }
0x52: {  	_ =	shalt  }
0x53: {  	_ =	shalt  }
0x54: {  	_ =	shalt  }
0x55: {  	_ =	shalt  }
0x56: {  	_ =	shalt  }
0x57: {  	_ =	shalt  }
0x58: {  	_ =	shalt  }
0x59: {  	_ =	shalt  }
0x5a: {  	_ =	shalt  }
0x5b: {  	_ =	shalt  }
0x5c: {  	_ =	shalt  }
0x5d: {  	_ =	shalt  }
0x5e: {  	_ =	shalt  }
0x5f: {  	_ =	shalt  }
0x60: {  	_ =	shalt  }
0x61: {  	_ =	shalt  }
0x62: {  	_ =	shalt  }
0x63: {  	_ =	shalt  }
0x64: {  	_ =	shalt  }
0x65: {  	_ =	shalt  }
0x66: {  	_ =	shalt  }
0x67: {  	_ =	shalt  }
0x68: {  	_ =	shalt  }
0x69: {  	_ =	shalt  }
0x6a: {  	_ =	shalt  }
0x6b: {  	_ =	shalt  }
0x6c: {  	_ =	shalt  }
0x6d: {  	_ =	shalt  }
0x6e: {  	_ =	shalt  }
0x6f: {  	_ =	shalt  }
0x70: {  	_ =	shalt  }
0x71: {  	_ =	shalt  }
0x72: {  	_ =	shalt  }
0x73: {  	_ =	shalt  }
0x74: {  	_ =	shalt  }
0x75: {  	_ =	shalt  }
0x76: {  	_ =	shalt  }
0x77: {  	_ =	shalt  }
0x78: {  	_ =	shalt  }
0x79: {  	_ =	shalt  }
0x7a: {  	_ =	shalt  }
0x7b: {  	_ =	shalt  }
0x7c: {  	_ =	shalt  }
0x7d: {  	_ =	shalt  }
0x7e: {  	_ =	shalt  }
0x7f: {  	_ =	shalt  }
0x80: {  	_ =	shalt  }
0x81: {  	_ =	shalt  }
0x82: {  	_ =	shalt  }
0x83: {  	_ =	shalt  }
0x84: {  	_ =	shalt  }
0x85: {  	_ =	shalt  }
0x86: {  	_ =	shalt  }
0x87: {  	_ =	shalt  }
.Lfunc_end0:
.L_simem_size_0:
called_computation_lowered:
.L_overlay_start_0:
0x88: {  	s2 =	sld [smem:$0x3FD9]  }
0x89: {  	s3 =	sld [smem:$0x3FFE];
	_ =	sdelay $0x1  }
0x8a: {  	s1 =	srdreg.scid  }
0x8b: {  	s0 =	sand.u32 $0x1, s1  }
0x8c: {  	s14 =	sshll.u32 s0, $0xA;
	s2 =	sadd.s32 s3, s2  }
0x8d: {  	s2 =	sadd.s32 s2, s14  }
0x8e: {  	[smem:$0x3FA4] =	sst s2  }
0x8f: {  	_ = 	snop  }
0x90: {  	s2 =	sld [smem:$0x3FD0];
	_ =	sdelay $0x2  }
0x91: {  	s15 =	simm.s32 $0xA;
	s4 =	simm.s32 $0x10  }
0x92: {  	[smem:s4], [sflag:s15] =	dma.local [hbm:s2], $0x1  }
0x93: {  	_ =	swait.eq [sflag:s15], $0x1  }
0x94: {  	[sflag:s15] =	ssyncset.done $0x0  }
0x95: {  	[sflag:s15] =	ssyncadd.s32 $0xFFFFFFFF  }
0x96: {  	s16 =	sld [smem:$0x10];
	(tm) =	ssettm $0x1  }
0x97: {  	s17 =	sld [smem:$0x3FFB];
	_ =	sdelay $0x3  }
0x98: {  	_ =	strace s17  }
0x99: {  	s3 =	sld [smem:$0x3FFC];
	_ =	sdelay $0x3  }
0x9a: {  	_ =	strace s3  }
0x9b: {  	s3 =	sld [smem:$0x3FFD];
	_ =	sdelay $0x3  }
0x9c: {  	_ =	strace s3  }
0x9d: {  	_ =	strace $0x8FFFFFFF  }
0x9e: {  	s18 =	sld [smem:$0x3FDB];
	_ =	sdelay $0x1  }
0x9f: {  	s19 =	simm.s32 $_scs_section_size  }
0xa0: {  	s5 =	simm.s32 $_size__tile_overlayer_lowered;
	s6 =	simm.s32 $_tile_overlayer_lowered  }
0xa1: {  	s22 =	simm.s32 $0x1BFF;
	s21 =	sshll.u32 s6, $0x1;
	s3 =	sadd.s32 s19, s18  }
0xa2: {  	s7 =	simm.s32 $0x0;
	s20 =	sshll.u32 s5, $0x1;
	s5 =	sadd.s32 s21, s3  }
0xa3: {  	[timem:s7], [sflag:s22] =	dma.local [hbm:s5], s20  }
0xa4: {  	_ =	swait.ge [sflag:s22], s20  }
0xa5: {  	s4 =	ssub.s32 $0x0, s20;
	[sflag:s22] =	ssyncset.done $0x0  }
0xa6: {  	[sflag:s22] =	ssyncadd.s32 s4;
	_ =	sdelay $0x1  }
0xa7: {  	s23 =	simm.s32 $0x1B8B  }
0xa8: {  	_ =	swait.ge [sflag:s23], $0x1  }
0xa9: {  	[sflag:s23] =	ssyncset.done $0x0  }
0xaa: {  	s25 =	simm.s32 $0x1B8E;
	s24 =	sld [smem:$0x3FFE];
	[sflag:s23] =	ssyncadd.s32 $0xFFFFFFFF  }
0xab: {  	s26 =	simm.s32 $execute0_lowered;
	[smem:$0x3FD2] =	sst s25  }
0xac: {  	s5 =	sshll.u32 s26, $0x1;
	_ =	strace $0x80000046;
	[dreg:$0x1] =	wrdreg $0xFFFFFFFF  }
0xad: {  	s28 =	simm.s32 $_size_execute0_lowered;
	s3 =	sadd.s32 s3, s5;
	[dreg:$0x0] =	wrdreg $0x0  }
0xae: {  	s5 =	sshll.u32 s28, $0x1;
	[dreg:$0x2] =	wrdreg s3  }
0xaf: {  	[dreg:$0x3] =	wrdreg s5  }
0xb0: {  	[dreg:$0x4] =	wrdreg $0xC0  }
0xb1: {  	_ =	task [dreg:s7], $0x5FFFF  }
0xb2: {  	[dreg:$0x1] =	wrdreg $0xFFFFFFFF  }
0xb3: {  	[dreg:$0x0] =	wrdreg $0x60  }
0xb4: {  	[dreg:$0x2] =	wrdreg s16  }
0xb5: {  	[dreg:$0x3] =	wrdreg s24  }
0xb6: {  	[dreg:$0x4] =	wrdreg $0xA8000  }
0xb7: {  	[dreg:$0x5] =	wrdreg $0x9  }
0xb8: {  	_ =	task.clear_ibuf [dreg:s7], $0x6FFFF;
	_ =	strace $0x90000046  }
0xb9: {  	s29 =	simm.s32 $0x9;
	_ =	strace $0x80000048  }
0xba: {  	_ =	swait.ge [sflag:s29], $0x1  }
0xbb: {  	[sflag:s29] =	ssyncadd.s32 $0xFFFFFFFF  }
0xbc: {  	_ =	strace $0x90000048  }
0xbd: {  	_ =	sfence  }
0xbe: {  	s30 =	sld [smem:$0x0];
	_ =	sdelay $0x2  }
0xbf: {  	s31 =	sshll.u32 s1, $0xD;
	s1 =	sshrl.u32 s1, $0x2  }
0xc0: {  	s3 =	sand.u32 $0x4000, s31;
	s1 =	sadd.s32 s1, s30  }
0xc1: {  	s0 =	sor.u32 s3, s0;
	s1 =	sshll.u32 s1, $0x11  }
0xc2: {  	s0 =	sor.u32 s1, s0  }
0xc3: {  	s0 =	sadd.s32 $0x8F2B, s0  }
0xc4: {  	[sflag:s0] =	ssyncadd.remote.s32 $0x1  }
0xc5: {  	_ =	sfence.sel $0xFFFF  }
0xc6: {  	[dreg:$0x0] =	wrdreg $0xFFFFFFFF;
	(pc) =	sbr.abs _section_cstart, $3  }
0xc7: {  	[dreg:$0x1] =	wrdreg $0xFFFFFFFF  }
0xc8: {  	_ =	task.clear_ibuf [dreg:s7], $0x2FFFF;
	_ =	strace $0x9FFFFFFF  }
0xc9: {  	(tm) =	ssettm $0x7FFFFFFF  }
tec
execute0_lowered:
.L_overlay_start_1:
0x0: {  	(tag) =	ssettag $0x1  }
0x1: {  	s1 =	rddreg [dreg:$0x0]  }
0x2: {  	s0 =	rddreg [dreg:$0x1]  }
0x3: {  	s2 =	rddreg [dreg:$0x2];
	s3 =	srdreg.scid  }
0x4: {  	s4 =	simm.s32 $0x0;
	s22 =	stileid.u32;
	s17 =	simm.s32 $0x2800  }
0x5: {  	s18 =	simm.s32 $0x5;
	s28 =	simm.s32 $0x8800;
	s29 =	simm.s32 $0x1  }
0x6: {  	s30 =	simm.s32 $0x2;
	s31 =	simm.s32 $0x3;
	s3 =	sand.u32 $0x1, s3  }
0x7: {  	[smem:$0x7FF] =	sst s4;
	s7 =	sadd.s32 $0xF800, s0;
	s11 =	smul.u32 $0x4F000, s22  }
0x8: {  	s9 =	sadd.s32 $0x5800, s0;
	s0 =	sadd.s32 $0x19800, s0;
	s13 =	smul.u32 $0x2780, s22  }
0x9: {  	s24 =	smul.u32 $0x4E200, s22;
	p0 =	seq.s32 s22, $0xF;
	s5 =	sshll.u32 s3, $0x4  }
0xa: {  	_ =	strace $0x80000047;
	s8 =	ssub.s32 $0x2, s3;
	s19 =	smul.u32 $0x27100, s3  }
0xb: {  	s3 =	smul.u32 $0x138800, s3;
	s5 =	sor.u32 s22, s5;
	s10 =	sshrl.u32 s8, $0x1  }
0xc: {  	s23 =	sshrl.u32 s11, $0x2;
	s26 =	sshrl.u32 s24, $0x2;
	s6 =	smul.u32 $0x500, s5  }
0xd: {  	s22 =	simm.s32 $0x80;
	s5 =	smul.u32 $0x2800, s5;
	s12 =	ssub.s32 s8, s10  }
0xe: {  	s25 =	sadd.s32 s13, s19;
	s3 =	sshrl.u32 s3, $0x3;
	s10 =	sadd.s32 s26, s2  }
0xf: {  	s19 =	simm.s32 $0x1400;
	s26 =	simm.s32 $0xC0;
	s12 =	smax.u32 s12, $0x1  }
0x10: {  	s13 =	sadd.s32 $0x3E80, s10;
	s14 =	sadd.s32 $0x7D00, s10;
	s15 =	sadd.s32 $0xBB80, s10  }
0x11: {  	s16 =	sadd.s32 $0xFA00, s10;
	s20 =	sadd.s32 s7, s6;
	s5 =	sshrl.u32 s5, $0x3  }
0x12: {  	s6 =	sadd.s32 s9, s6;
	[dreg:$0x4] =	wrdreg s20;
	s5 =	sadd.s32 $0x280, s5  }
0x13: {  	[dreg:$0x5] =	wrdreg s6;
	s20 =	simm.s32 $0x40;
	s21 =	sadd.s32 s7, s5  }
0x14: {  	s5 =	sadd.s32 s9, s5;
	s9 =	sadd.s32 s0, s25;
	s7 =	sadd.s32 $0x128400, s2  }
0x15: {  	s0 =	sadd.s32 s0, s3;
	s3 =	simm.s32 $0x2700;
	[dreg:$0x6] =	wrdreg s21  }
0x16: {  	[dreg:$0x7] =	wrdreg s5;
	s5 =	sadd.s32 s23, s2;
	s11 =	sadd.s32 $0x25080, s0  }
0x17: {  	s21 =	simm.s32 $0x4800;
	s23 =	simm.s32 $0x6800;
	s24 =	sshrl.u32 @p0 s7, $0x3  }
0x18: {  	v0 =	vimm.f32 $0.0e+00;
	s0 =	simm.s32 $0x4;
	s25 =	sshrl.u32 @!p0 s5, $0x3;
	s5 =	simm.s32 $0x2780  }
.LBB2_1:
0x19: {  	s6 =	simm.s32 $0x0;
	s7 =	simm.s32 $0x200  }
.LBB2_2:
0x1a: {  	p1 =	sne.s32 s7, $0xF800;
	[tilespmem:s6+$0x2870] =	vst v0  }
0x1b: {  	[tilespmem:s6+$0x2800] =	vst v0  }
0x1c: {  	[tilespmem:s6+$0x2810] =	vst v0  }
.Ltmp0:
0x1d: {  	[tilespmem:s6+$0x2820] =	vst v0;
	(pc) =	sbr.rel @p1 .LBB2_2-.Ltmp0, $4  }
0x1e: {  	[tilespmem:s6+$0x2830] =	vst v0  }
0x1f: {  	[tilespmem:s6+$0x2840] =	vst v0  }
0x20: {  	[tilespmem:s6+$0x2850] =	vst v0  }
0x21: {  	[tilespmem:s6+$0x2860] =	vst v0;
	s6 =	sshra.s32 s7, $0x2;
	s7 =	sadd.s32 $0x200, s7  }
0x22: {  	[tilespmem:s6+$0x2870] =	vst v0  }
0x23: {  	[tilespmem:s6+$0x2800] =	vst v0  }
0x24: {  	[tilespmem:s6+$0x2810] =	vst v0  }
0x25: {  	[tilespmem:s6+$0x2820] =	vst v0  }
0x26: {  	[tilespmem:s6+$0x2830] =	vst v0  }
0x27: {  	[tilespmem:s6+$0x2840] =	vst v0  }
0x28: {  	[tilespmem:s6+$0x2850] =	vst v0  }
0x29: {  	[tilespmem:s6+$0x2860] =	vst v0  }
0x2a: {  	[spmem:s10] =	stream.linear.scatter [tilespmem:s17], [sflag:$0x5], $0x3E80, $0x38;
	[tilespmem:$0x1E080] =	vst v63  }
0x2b: {  	_ =	swait.ge [sflag:s18], $0x3E80  }
0x2c: {  	[sflag:s18] =	ssyncset.done $0x0  }
0x2d: {  	[sflag:s18] =	ssyncadd.s32 $0xFFFFC180  }
0x2e: {  	[spmem:s13] =	stream.linear.scatter [tilespmem:s17], [sflag:$0x5], $0x3E80, $0x38;
	[tilespmem:$0x1E080] =	vst v63  }
0x2f: {  	_ =	swait.ge [sflag:s18], $0x3E80  }
0x30: {  	[sflag:s18] =	ssyncset.done $0x0  }
0x31: {  	[sflag:s18] =	ssyncadd.s32 $0xFFFFC180  }
0x32: {  	[spmem:s14] =	stream.linear.scatter [tilespmem:s17], [sflag:$0x5], $0x3E80, $0x38;
	[tilespmem:$0x1E080] =	vst v63  }
0x33: {  	_ =	swait.ge [sflag:s18], $0x3E80  }
0x34: {  	[sflag:s18] =	ssyncset.done $0x0  }
0x35: {  	[sflag:s18] =	ssyncadd.s32 $0xFFFFC180  }
0x36: {  	[spmem:s15] =	stream.linear.scatter [tilespmem:s17], [sflag:$0x5], $0x3E80, $0x38;
	[tilespmem:$0x1E080] =	vst v63  }
0x37: {  	_ =	swait.ge [sflag:s18], $0x3E80  }
0x38: {  	[sflag:s18] =	ssyncset.done $0x0  }
0x39: {  	[sflag:s18] =	ssyncadd.s32 $0xFFFFC180  }
0x3a: {  	[spmem:s16] =	stream.linear.scatter [tilespmem:s17], [sflag:$0x5], $0x3E80, $0x38;
	[tilespmem:$0x1E080] =	vst v63  }
0x3b: {  	_ =	swait.ge [sflag:s18], $0x3E80  }
0x3c: {  	[sflag:s18] =	ssyncset.done $0x0  }
0x3d: {  	[sflag:s18] =	ssyncadd.s32 $0xFFFFC180  }
0x3e: {  	[bflag:$0x0] =	sbarrier.arrive $0xFFFF  }
0x3f: {  	s6 =	simm.s32 $0x0;
	s7 =	rddreg [dreg:$0x4]  }
0x40: {  	[tilespmem:s6], [sflag:$0x5] =	stream.linear.gather [hbm4b:s7+s6], $0x1400, $0x38;
	[tilespmem:$0x1E080] =	vst v63  }
0x41: {  	_ =	swait.ge [sflag:s18], $0x1400  }
0x42: {  	[sflag:s18] =	ssyncset.done $0x0  }
0x43: {  	s8 =	rddreg [dreg:$0x5];
	[sflag:s18] =	ssyncadd.s32 $0xFFFFEC00  }
0x44: {  	[tilespmem:s19], [sflag:$0x5] =	stream.linear.gather [hbm4b:s8+s6], $0x1400, $0x38;
	[tilespmem:$0x1E080] =	vst v63  }
0x45: {  	_ =	swait.ge [sflag:s18], $0x1400  }
0x46: {  	[sflag:s18] =	ssyncset.done $0x0  }
0x47: {  	[sflag:s18] =	ssyncadd.s32 $0xFFFFEC00  }
0x48: {  	[tilespmem:s17], [sflag:$0x1] =	stream.indirect.gather [hbm4b:s1+s20], $0x80, s6, s20, $0xb8;
	[tilespmem:$0x1E080] =	vst v63  }
0x49: {  	_ = 	snop  }
0x4a: {  	[tilespmem:s21], [sflag:$0x2] =	stream.indirect.gather [hbm4b:s1+s20], $0x80, s20, s20, $0xb8;
	[tilespmem:$0x1E080] =	vst v63  }
0x4b: {  	_ = 	snop  }
0x4c: {  	[tilespmem:s23], [sflag:$0x3] =	stream.indirect.gather [hbm4b:s1+s20], $0x80, s22, s20, $0xb8;
	[tilespmem:$0x1E080] =	vst v63  }
0x4d: {  	_ = 	snop  }
0x4e: {  	[tilespmem:s28], [sflag:$0x4] =	stream.indirect.gather [hbm4b:s1+s20], $0x80, s26, s20, $0xb8;
	[tilespmem:$0x1E080] =	vst v63  }
0x4f: {  	_ =	swait.ge [sflag:s29], $0x2000  }
0x50: {  	[sflag:s29] =	ssyncset.done $0x0  }
0x51: {  	[sflag:s29] =	ssyncadd.s32 $0xFFFFE000  }
0x52: {  	_ =	swait.ge [sflag:s30], $0x2000  }
0x53: {  	[sflag:s30] =	ssyncset.done $0x0  }
0x54: {  	s8 =	simm.s32 $0x1400;
	[sflag:s30] =	ssyncadd.s32 $0xFFFFE000  }
0x55: {  	[spmem:s2] =	stream.indirect.scatter.add.f32 [tilespmem:s17], [sflag:$0x5], $0x80, s8, s22, $0xb8;
	[tilespmem:$0x1E080] =	vst v63  }
0x56: {  	_ =	swait.ge [sflag:s18], $0x4000  }
0x57: {  	[sflag:s18] =	ssyncset.done $0x0  }
0x58: {  	s7 =	simm.s32 $0x100;
	[sflag:s18] =	ssyncadd.s32 $0xFFFFC000  }
0x59: {  	[tilespmem:s17], [sflag:$0x1] =	stream.indirect.gather [hbm4b:s1+s20], $0x80, s7, s20, $0xb8;
	[tilespmem:$0x1E080] =	vst v63  }
0x5a: {  	s8 =	simm.s32 $0x140  }
0x5b: {  	[tilespmem:s21], [sflag:$0x2] =	stream.indirect.gather [hbm4b:s1+s20], $0x80, s8, s20, $0xb8;
	[tilespmem:$0x1E080] =	vst v63  }
0x5c: {  	_ =	swait.ge [sflag:s31], $0x2000  }
0x5d: {  	[sflag:s31] =	ssyncset.done $0x0  }
0x5e: {  	[sflag:s31] =	ssyncadd.s32 $0xFFFFE000  }
0x5f: {  	_ =	swait.ge [sflag:s0], $0x2000  }
0x60: {  	[sflag:s0] =	ssyncset.done $0x0  }
0x61: {  	s7 =	simm.s32 $0x1480;
	[sflag:s0] =	ssyncadd.s32 $0xFFFFE000  }
0x62: {  	[spmem:s2] =	stream.indirect.scatter.add.f32 [tilespmem:s23], [sflag:$0x5], $0x80, s7, s22, $0xb8;
	[tilespmem:$0x1E080] =	vst v63  }
0x63: {  	_ =	swait.ge [sflag:s18], $0x4000  }
0x64: {  	s6 =	simm.s32 $0x400;
	[sflag:s18] =	ssyncset.done $0x0  }
0x65: {  	s8 =	simm.s32 $0x180;
	s7 =	simm.s32 $0x1C0;
	[sflag:s18] =	ssyncadd.s32 $0xFFFFC000  }
0x66: {  	[tilespmem:s23], [sflag:$0x3] =	stream.indirect.gather [hbm4b:s1+s20], $0x80, s8, s20, $0xb8;
	[tilespmem:$0x1E080] =	vst v63  }
.LBB2_4:
0x67: {  	[tilespmem:s28], [sflag:$0x4] =	stream.indirect.gather [hbm4b:s1+s20], $0x80, s7, s20, $0xb8;
	[tilespmem:$0x1E080] =	vst v63  }
0x68: {  	s7 =	smov.u32 s6  }
0x69: {  	p1 =	sne.s32 s6, $0x4800;
	s6 =	sadd.s32 $0x400, s6;
	_ =	swait.ge [sflag:s29], $0x2000  }
0x6a: {  	[sflag:s29] =	ssyncset.done $0x0  }
0x6b: {  	[sflag:s29] =	ssyncadd.s32 $0xFFFFE000  }
0x6c: {  	_ =	swait.ge [sflag:s30], $0x2000  }
0x6d: {  	s7 =	sshra.s32 s7, $0x2;
	[sflag:s30] =	ssyncset.done $0x0  }
0x6e: {  	s8 =	sadd.s32 $0x1400, s7;
	[sflag:s30] =	ssyncadd.s32 $0xFFFFE000  }
0x6f: {  	[spmem:s2] =	stream.indirect.scatter.add.f32 [tilespmem:s17], [sflag:$0x5], $0x80, s8, s22, $0xb8;
	[tilespmem:$0x1E080] =	vst v63  }
0x70: {  	_ =	swait.ge [sflag:s18], $0x4000  }
0x71: {  	[sflag:s18] =	ssyncset.done $0x0  }
0x72: {  	s8 =	sadd.s32 $0x100, s7;
	[sflag:s18] =	ssyncadd.s32 $0xFFFFC000  }
0x73: {  	[tilespmem:s17], [sflag:$0x1] =	stream.indirect.gather [hbm4b:s1+s20], $0x80, s8, s20, $0xb8;
	[tilespmem:$0x1E080] =	vst v63  }
0x74: {  	s8 =	sadd.s32 $0x140, s7  }
0x75: {  	[tilespmem:s21], [sflag:$0x2] =	stream.indirect.gather [hbm4b:s1+s20], $0x80, s8, s20, $0xb8;
	[tilespmem:$0x1E080] =	vst v63  }
0x76: {  	_ =	swait.ge [sflag:s31], $0x2000  }
0x77: {  	[sflag:s31] =	ssyncset.done $0x0  }
0x78: {  	[sflag:s31] =	ssyncadd.s32 $0xFFFFE000  }
0x79: {  	_ =	swait.ge [sflag:s0], $0x2000  }
0x7a: {  	[sflag:s0] =	ssyncset.done $0x0  }
0x7b: {  	s8 =	sadd.s32 $0x1480, s7;
	[sflag:s0] =	ssyncadd.s32 $0xFFFFE000  }
0x7c: {  	[spmem:s2] =	stream.indirect.scatter.add.f32 [tilespmem:s23], [sflag:$0x5], $0x80, s8, s22, $0xb8;
	[tilespmem:$0x1E080] =	vst v63  }
.Ltmp1:
0x7d: {  	_ =	swait.ge [sflag:s18], $0x4000;
	(pc) =	sbr.rel @p1 .LBB2_4-.Ltmp1, $4  }
0x7e: {  	[sflag:s18] =	ssyncset.done $0x0  }
0x7f: {  	s8 =	sadd.s32 $0x180, s7;
	[sflag:s18] =	ssyncadd.s32 $0xFFFFC000  }
0x80: {  	[tilespmem:s23], [sflag:$0x3] =	stream.indirect.gather [hbm4b:s1+s20], $0x80, s8, s20, $0xb8;
	[tilespmem:$0x1E080] =	vst v63  }
0x81: {  	s7 =	sadd.s32 $0x1C0, s7  }
0x82: {  	[tilespmem:s28], [sflag:$0x4] =	stream.indirect.gather [hbm4b:s1+s20], $0x80, s7, s20, $0xb8;
	[tilespmem:$0x1E080] =	vst v63  }
0x83: {  	_ =	swait.ge [sflag:s29], $0x2000  }
0x84: {  	[sflag:s29] =	ssyncset.done $0x0  }
0x85: {  	[sflag:s29] =	ssyncadd.s32 $0xFFFFE000  }
0x86: {  	_ =	swait.ge [sflag:s30], $0x2000  }
0x87: {  	[sflag:s30] =	ssyncset.done $0x0  }
0x88: {  	[sflag:s30] =	ssyncadd.s32 $0xFFFFE000  }
0x89: {  	[spmem:s2] =	stream.indirect.scatter.add.f32 [tilespmem:s17], [sflag:$0x5], $0x80, s3, s22, $0xb8;
	[tilespmem:$0x1E080] =	vst v63  }
0x8a: {  	_ =	swait.ge [sflag:s18], $0x4000  }
0x8b: {  	[sflag:s18] =	ssyncset.done $0x0  }
0x8c: {  	[sflag:s18] =	ssyncadd.s32 $0xFFFFC000  }
0x8d: {  	_ =	swait.ge [sflag:s31], $0x2000  }
0x8e: {  	[sflag:s31] =	ssyncset.done $0x0  }
0x8f: {  	[sflag:s31] =	ssyncadd.s32 $0xFFFFE000  }
0x90: {  	_ =	swait.ge [sflag:s0], $0x2000  }
0x91: {  	[sflag:s0] =	ssyncset.done $0x0  }
0x92: {  	[sflag:s0] =	ssyncadd.s32 $0xFFFFE000  }
0x93: {  	[spmem:s2] =	stream.indirect.scatter.add.f32 [tilespmem:s23], [sflag:$0x5], $0x80, s5, s22, $0xb8;
	[tilespmem:$0x1E080] =	vst v63  }
0x94: {  	_ =	swait.ge [sflag:s18], $0x4000  }
0x95: {  	[sflag:s18] =	ssyncset.done $0x0  }
0x96: {  	s6 =	simm.s32 $0x0;
	s8 =	rddreg [dreg:$0x6];
	[sflag:s18] =	ssyncadd.s32 $0xFFFFC000  }
0x97: {  	[tilespmem:s6], [sflag:$0x5] =	stream.linear.gather [hbm4b:s8+s6], $0x1400, $0x38;
	[tilespmem:$0x1E080] =	vst v63  }
0x98: {  	_ =	swait.ge [sflag:s18], $0x1400  }
0x99: {  	[sflag:s18] =	ssyncset.done $0x0  }
0x9a: {  	s8 =	rddreg [dreg:$0x7];
	[sflag:s18] =	ssyncadd.s32 $0xFFFFEC00  }
0x9b: {  	[tilespmem:s19], [sflag:$0x5] =	stream.linear.gather [hbm4b:s8+s6], $0x1400, $0x38;
	[tilespmem:$0x1E080] =	vst v63  }
0x9c: {  	_ =	swait.ge [sflag:s18], $0x1400  }
0x9d: {  	[sflag:s18] =	ssyncset.done $0x0  }
0x9e: {  	[sflag:s18] =	ssyncadd.s32 $0xFFFFEC00  }
0x9f: {  	[tilespmem:s17], [sflag:$0x1] =	stream.indirect.gather [hbm4b:s1+s20], $0x80, s6, s20, $0xb8;
	[tilespmem:$0x1E080] =	vst v63  }
0xa0: {  	_ = 	snop  }
0xa1: {  	[tilespmem:s21], [sflag:$0x2] =	stream.indirect.gather [hbm4b:s1+s20], $0x80, s20, s20, $0xb8;
	[tilespmem:$0x1E080] =	vst v63  }
0xa2: {  	_ = 	snop  }
0xa3: {  	[tilespmem:s23], [sflag:$0x3] =	stream.indirect.gather [hbm4b:s1+s20], $0x80, s22, s20, $0xb8;
	[tilespmem:$0x1E080] =	vst v63  }
0xa4: {  	_ = 	snop  }
0xa5: {  	[tilespmem:s28], [sflag:$0x4] =	stream.indirect.gather [hbm4b:s1+s20], $0x80, s26, s20, $0xb8;
	[tilespmem:$0x1E080] =	vst v63  }
0xa6: {  	_ =	swait.ge [sflag:s29], $0x2000  }
0xa7: {  	[sflag:s29] =	ssyncset.done $0x0  }
0xa8: {  	[sflag:s29] =	ssyncadd.s32 $0xFFFFE000  }
0xa9: {  	_ =	swait.ge [sflag:s30], $0x2000  }
0xaa: {  	[sflag:s30] =	ssyncset.done $0x0  }
0xab: {  	s8 =	simm.s32 $0x1400;
	[sflag:s30] =	ssyncadd.s32 $0xFFFFE000  }
0xac: {  	[spmem:s2] =	stream.indirect.scatter.add.f32 [tilespmem:s17], [sflag:$0x5], $0x80, s8, s22, $0xb8;
	[tilespmem:$0x1E080] =	vst v63  }
0xad: {  	_ =	swait.ge [sflag:s18], $0x4000  }
0xae: {  	[sflag:s18] =	ssyncset.done $0x0  }
0xaf: {  	s7 =	simm.s32 $0x100;
	[sflag:s18] =	ssyncadd.s32 $0xFFFFC000  }
0xb0: {  	[tilespmem:s17], [sflag:$0x1] =	stream.indirect.gather [hbm4b:s1+s20], $0x80, s7, s20, $0xb8;
	[tilespmem:$0x1E080] =	vst v63  }
0xb1: {  	s8 =	simm.s32 $0x140  }
0xb2: {  	[tilespmem:s21], [sflag:$0x2] =	stream.indirect.gather [hbm4b:s1+s20], $0x80, s8, s20, $0xb8;
	[tilespmem:$0x1E080] =	vst v63  }
0xb3: {  	_ =	swait.ge [sflag:s31], $0x2000  }
0xb4: {  	[sflag:s31] =	ssyncset.done $0x0  }
0xb5: {  	[sflag:s31] =	ssyncadd.s32 $0xFFFFE000  }
0xb6: {  	_ =	swait.ge [sflag:s0], $0x2000  }
0xb7: {  	[sflag:s0] =	ssyncset.done $0x0  }
0xb8: {  	s7 =	simm.s32 $0x1480;
	[sflag:s0] =	ssyncadd.s32 $0xFFFFE000  }
0xb9: {  	[spmem:s2] =	stream.indirect.scatter.add.f32 [tilespmem:s23], [sflag:$0x5], $0x80, s7, s22, $0xb8;
	[tilespmem:$0x1E080] =	vst v63  }
0xba: {  	_ =	swait.ge [sflag:s18], $0x4000  }
0xbb: {  	s6 =	simm.s32 $0x400;
	[sflag:s18] =	ssyncset.done $0x0  }
0xbc: {  	s8 =	simm.s32 $0x180;
	s7 =	simm.s32 $0x1C0;
	[sflag:s18] =	ssyncadd.s32 $0xFFFFC000  }
0xbd: {  	[tilespmem:s23], [sflag:$0x3] =	stream.indirect.gather [hbm4b:s1+s20], $0x80, s8, s20, $0xb8;
	[tilespmem:$0x1E080] =	vst v63  }
.LBB2_6:
0xbe: {  	[tilespmem:s28], [sflag:$0x4] =	stream.indirect.gather [hbm4b:s1+s20], $0x80, s7, s20, $0xb8;
	[tilespmem:$0x1E080] =	vst v63  }
0xbf: {  	s7 =	smov.u32 s6  }
0xc0: {  	p1 =	sne.s32 s6, $0x4800;
	s6 =	sadd.s32 $0x400, s6;
	_ =	swait.ge [sflag:s29], $0x2000  }
0xc1: {  	[sflag:s29] =	ssyncset.done $0x0  }
0xc2: {  	[sflag:s29] =	ssyncadd.s32 $0xFFFFE000  }
0xc3: {  	_ =	swait.ge [sflag:s30], $0x2000  }
0xc4: {  	s7 =	sshra.s32 s7, $0x2;
	[sflag:s30] =	ssyncset.done $0x0  }
0xc5: {  	s8 =	sadd.s32 $0x1400, s7;
	[sflag:s30] =	ssyncadd.s32 $0xFFFFE000  }
0xc6: {  	[spmem:s2] =	stream.indirect.scatter.add.f32 [tilespmem:s17], [sflag:$0x5], $0x80, s8, s22, $0xb8;
	[tilespmem:$0x1E080] =	vst v63  }
0xc7: {  	_ =	swait.ge [sflag:s18], $0x4000  }
0xc8: {  	[sflag:s18] =	ssyncset.done $0x0  }
0xc9: {  	s8 =	sadd.s32 $0x100, s7;
	[sflag:s18] =	ssyncadd.s32 $0xFFFFC000  }
0xca: {  	[tilespmem:s17], [sflag:$0x1] =	stream.indirect.gather [hbm4b:s1+s20], $0x80, s8, s20, $0xb8;
	[tilespmem:$0x1E080] =	vst v63  }
0xcb: {  	s8 =	sadd.s32 $0x140, s7  }
0xcc: {  	[tilespmem:s21], [sflag:$0x2] =	stream.indirect.gather [hbm4b:s1+s20], $0x80, s8, s20, $0xb8;
	[tilespmem:$0x1E080] =	vst v63  }
0xcd: {  	_ =	swait.ge [sflag:s31], $0x2000  }
0xce: {  	[sflag:s31] =	ssyncset.done $0x0  }
0xcf: {  	[sflag:s31] =	ssyncadd.s32 $0xFFFFE000  }
0xd0: {  	_ =	swait.ge [sflag:s0], $0x2000  }
0xd1: {  	[sflag:s0] =	ssyncset.done $0x0  }
0xd2: {  	s8 =	sadd.s32 $0x1480, s7;
	[sflag:s0] =	ssyncadd.s32 $0xFFFFE000  }
0xd3: {  	[spmem:s2] =	stream.indirect.scatter.add.f32 [tilespmem:s23], [sflag:$0x5], $0x80, s8, s22, $0xb8;
	[tilespmem:$0x1E080] =	vst v63  }
.Ltmp2:
0xd4: {  	_ =	swait.ge [sflag:s18], $0x4000;
	(pc) =	sbr.rel @p1 .LBB2_6-.Ltmp2, $4  }
0xd5: {  	[sflag:s18] =	ssyncset.done $0x0  }
0xd6: {  	s8 =	sadd.s32 $0x180, s7;
	[sflag:s18] =	ssyncadd.s32 $0xFFFFC000  }
0xd7: {  	[tilespmem:s23], [sflag:$0x3] =	stream.indirect.gather [hbm4b:s1+s20], $0x80, s8, s20, $0xb8;
	[tilespmem:$0x1E080] =	vst v63  }
0xd8: {  	s7 =	sadd.s32 $0x1C0, s7  }
0xd9: {  	[tilespmem:s28], [sflag:$0x4] =	stream.indirect.gather [hbm4b:s1+s20], $0x80, s7, s20, $0xb8;
	[tilespmem:$0x1E080] =	vst v63  }
0xda: {  	_ =	swait.ge [sflag:s29], $0x2000  }
0xdb: {  	[sflag:s29] =	ssyncset.done $0x0  }
0xdc: {  	[sflag:s29] =	ssyncadd.s32 $0xFFFFE000  }
0xdd: {  	_ =	swait.ge [sflag:s30], $0x2000  }
0xde: {  	[sflag:s30] =	ssyncset.done $0x0  }
0xdf: {  	[sflag:s30] =	ssyncadd.s32 $0xFFFFE000  }
0xe0: {  	[spmem:s2] =	stream.indirect.scatter.add.f32 [tilespmem:s17], [sflag:$0x5], $0x80, s3, s22, $0xb8;
	[tilespmem:$0x1E080] =	vst v63  }
0xe1: {  	_ =	swait.ge [sflag:s18], $0x4000  }
0xe2: {  	[sflag:s18] =	ssyncset.done $0x0  }
0xe3: {  	[sflag:s18] =	ssyncadd.s32 $0xFFFFC000  }
0xe4: {  	_ =	swait.ge [sflag:s31], $0x2000  }
0xe5: {  	[sflag:s31] =	ssyncset.done $0x0  }
0xe6: {  	[sflag:s31] =	ssyncadd.s32 $0xFFFFE000  }
0xe7: {  	_ =	swait.ge [sflag:s0], $0x2000  }
0xe8: {  	[sflag:s0] =	ssyncset.done $0x0  }
0xe9: {  	[sflag:s0] =	ssyncadd.s32 $0xFFFFE000  }
0xea: {  	[spmem:s2] =	stream.indirect.scatter.add.f32 [tilespmem:s23], [sflag:$0x5], $0x80, s5, s22, $0xb8;
	[tilespmem:$0x1E080] =	vst v63  }
0xeb: {  	_ =	swait.ge [sflag:s18], $0x4000  }
0xec: {  	[sflag:s18] =	ssyncset.done $0x0  }
0xed: {  	[sflag:s18] =	ssyncadd.s32 $0xFFFFC000  }
0xee: {  	s6 =	simm.s32 @p0 $0x1FC5;
	[bflag:$0x0] =	sbarrier.arrive $0xFFFF  }
0xef: {  	[hbm:s11], [sflag:s6] =	dma.local @p0 [spmem:s24], $0x2080  }
0xf0: {  	s6 =	simm.s32 @p0 $0x5  }
0xf1: {  	s7 =	stileid.u32;
	_ =	swait.ge @p0 [sflag:s6], $0x2080  }
0xf2: {  	s4 =	sadd.s32 $0x1, s4;
	s7 =	sshll.u32 @!p0 s7, $0x6;
	[sflag:s6] =	ssyncset.done @p0 $0x0  }
0xf3: {  	p1 =	sne.s32 s4, s12;
	[sflag:s6] =	ssyncadd.s32 @p0 $0xFFFFDF80;
	s6 =	sor.u32 @!p0 $0x1C05, s7  }
0xf4: {  	[hbm:s9], [sflag:s6] =	dma.local @!p0 [spmem:s25], $0x2780  }
.Ltmp3:
0xf5: {  	_ = 	snop;
	(pc) =	sbr.rel @p1 .LBB2_1-.Ltmp3, $4  }
0xf6: {  	s6 =	simm.s32 @!p0 $0x5  }
0xf7: {  	_ =	swait.ge @!p0 [sflag:s6], $0x2780  }
0xf8: {  	[sflag:s6] =	ssyncset.done @!p0 $0x0  }
0xf9: {  	[sflag:s6] =	ssyncadd.s32 @!p0 $0xFFFFD880  }
0xfa: {  	_ =	sfence.sel $0x180000  }
0xfb: {  	[bflag:$0x0] =	sbarrier.arrive $0xFFFF  }
0xfc: {  	_ =	strace $0x90000047  }
0xfd: {  	s0 =	stileid.u32;
	[bflag:$0x2] =	sbarrier.arrive $0xFFFF  }
0xfe: {  	p0 =	sne.s32 s0, $0x0;
	s0 =	rddreg [dreg:$0x3]  }
0xff: {  	s0 =	sadd.s32 @!p0 $0x100000, s0  }
0x100: {  	[sflag:s0] =	ssyncadd.tile.s32 @!p0 $0x1;
	_ =	shalt  }
.Lfunc_end2:
_tile_overlayer_lowered:
.L_overlay_start_2:
0x101: {  	(tag) =	ssettag $0x2  }
0x102: {  	s0 =	rddreg [dreg:$0x0];
	s2 =	stileid.u32  }
0x103: {  	s1 =	rddreg [dreg:$0x1];
	p0 =	sne.s32 s2, $0x0  }
0x104: {  	s3 =	rddreg [dreg:$0x2];
	[bflag:$0x3] =	sbarrier.arrive $0xFFFF;
	s2 =	simm.s32 @!p0 $0x1C05  }
0x105: {  	[timem:s3], [sflag:s2] =	dma.local @!p0 [hbm:s0], s1  }
0x106: {  	s0 =	simm.s32 @!p0 $0x5  }
0x107: {  	_ =	swait.ge @!p0 [sflag:s0], s1  }
0x108: {  	s1 =	ssub.s32 @!p0 $0x0, s1;
	[sflag:s0] =	ssyncset.done @!p0 $0x0  }
0x109: {  	[sflag:s0] =	ssyncadd.s32 @!p0 s1  }
0x10a: {  	[bflag:$0x3] =	sbarrier.arrive $0xFFFF  }
0x10b: {  	_ =	shalt  }

</sc_bundles>
